<compile_context>
chip_gen: v7x
topology: tpu7x:2x2x1
jax: 0.10.2.dev20260603
libtpu: 0.0.44.dev20260713+nightly
codegen_flags: <defaults>
</compile_context>

<pallas_src>
import functools

import jax
import jax.numpy as jnp
from jax import lax
from jax.experimental import pallas as pl
from jax.experimental.pallas import tpu as pltpu
from jax.experimental.pallas import tpu_sc as plsc

TOPK = 2
SCALE = 1.0

TB_R = 256


def _pack_pair(v32):
    h2 = v32.shape[1] // 2
    vi = lax.bitcast_convert_type(v32, jnp.int32) + 32768
    return ((vi[:, :h2] >> 16) & 65535) | (vi[:, h2:] & (-65536))


def _unpack_pair(w):
    lo = lax.bitcast_convert_type(w << 16, jnp.float32)
    hi = lax.bitcast_convert_type(w & (-65536), jnp.float32)
    return lo, hi


def _router_body(x_ref, rw_ref, b_ref,
                 pr1_ref, pr2_ref, e1_ref, e2_ref, w1c_ref, w2c_ref,
                 xpk_ref, offs_ref, hist_ref, *, n_experts):
    i = pl.program_id(0)
    e = n_experts

    @pl.when(i == 0)
    def _():
        hist_ref[...] = jnp.zeros((1, e), jnp.float32)

    x = x_ref[...]
    logits = lax.dot_general(x, rw_ref[...], (((1,), (1,)), ((), ())),
                             preferred_element_type=jnp.float32) + b_ref[...]
    probs = jax.nn.sigmoid(logits)
    iota = lax.broadcasted_iota(jnp.int32, (TB_R, e), 1)
    m1 = jnp.max(probs, axis=1, keepdims=True)
    idx1 = jnp.min(jnp.where(probs >= m1, iota, e), axis=1, keepdims=True)
    sel1 = iota == idx1
    probs2 = jnp.where(sel1, -jnp.inf, probs)
    m2 = jnp.max(probs2, axis=1, keepdims=True)
    idx2 = jnp.min(jnp.where(probs2 >= m2, iota, e), axis=1, keepdims=True)
    sel2 = iota == idx2
    denom = m1 + m2 + 1e-9
    w1 = m1 / denom * SCALE
    w2 = m2 / denom * SCALE

    oh = jnp.where(sel1 | sel2, 1.0, 0.0)
    r_i = lax.broadcasted_iota(jnp.int32, (TB_R, TB_R), 0)
    c_i = lax.broadcasted_iota(jnp.int32, (TB_R, TB_R), 1)
    lstrict = jnp.where(c_i < r_i, 1.0, 0.0)
    excl = lax.dot_general(lstrict, oh, (((1,), (0,)), ((), ())),
                           preferred_element_type=jnp.float32,
                           precision=lax.Precision.HIGHEST)
    excl = excl + hist_ref[...]
    pr1 = jnp.sum(excl * jnp.where(sel1, 1.0, 0.0), axis=1, keepdims=True)
    pr2 = jnp.sum(excl * jnp.where(sel2, 1.0, 0.0), axis=1, keepdims=True)

    hist_new = hist_ref[...] + jnp.sum(oh, axis=0, keepdims=True)
    hist_ref[...] = hist_new

    re_i = lax.broadcasted_iota(jnp.int32, (e, e), 0)
    ce_i = lax.broadcasted_iota(jnp.int32, (e, e), 1)
    le = jnp.where(re_i < ce_i, 1.0, 0.0)
    offs = lax.dot_general(hist_new, le, (((1,), (0,)), ((), ())),
                           preferred_element_type=jnp.float32,
                           precision=lax.Precision.HIGHEST)
    offs_ref[...] = offs.reshape(1, 1, e)

    ident = jnp.where(r_i[:128, :128] == c_i[:128, :128], 1.0, 0.0)

    def t(col):
        top = lax.dot_general(col[0:128, :], ident, (((0,), (0,)), ((), ())),
                              preferred_element_type=jnp.float32,
                              precision=lax.Precision.HIGHEST)
        bot = lax.dot_general(col[128:256, :], ident, (((0,), (0,)), ((), ())),
                              preferred_element_type=jnp.float32,
                              precision=lax.Precision.HIGHEST)
        return jnp.concatenate([top, bot], axis=0).reshape(1, 2, 128)

    pr1_ref[...] = t(pr1)
    pr2_ref[...] = t(pr2)
    e1_ref[...] = t(idx1.astype(jnp.float32))
    e2_ref[...] = t(idx2.astype(jnp.float32))
    w1c_ref[...] = w1
    w2c_ref[...] = w2
    xpk_ref[...] = _pack_pair(x)


def _run_router(x, router_w, bias2d, t, h, e):
    nb = t // TB_R
    meta_shape = jax.ShapeDtypeStruct((t // 256, 2, 128), jnp.float32)
    body = functools.partial(_router_body, n_experts=e)
    cmeta = pl.BlockSpec((1, 2, 128), lambda i: (i, 0, 0))
    return pl.pallas_call(
        body,
        grid=(nb,),
        in_specs=[
            pl.BlockSpec((TB_R, h), lambda i: (i, 0)),
            pl.BlockSpec((e, h), lambda i: (0, 0)),
            pl.BlockSpec((1, e), lambda i: (0, 0)),
        ],
        out_specs=[cmeta, cmeta, cmeta, cmeta,
                   pl.BlockSpec((TB_R, 1), lambda i: (i, 0)),
                   pl.BlockSpec((TB_R, 1), lambda i: (i, 0)),
                   pl.BlockSpec((TB_R, h // 2), lambda i: (i, 0)),
                   pl.BlockSpec((1, 1, e), lambda i: (0, 0, 0))],
        out_shape=[meta_shape] * 4 + [
            jax.ShapeDtypeStruct((t, 1), jnp.float32)] * 2 + [
            jax.ShapeDtypeStruct((t, h // 2), jnp.int32),
            jax.ShapeDtypeStruct((1, 1, e), jnp.float32)],
        scratch_shapes=[pltpu.VMEM((1, e), jnp.float32)],
        compiler_params=pltpu.CompilerParams(
            dimension_semantics=("arbitrary",)),
    )(x, router_w, bias2d)


def _ffn_bf16(xb, gw, dw):
    hp = lax.dot_general(xb, gw, (((1,), (1,)), ((), ())),
                         preferred_element_type=jnp.float32)
    a = hp * jax.nn.sigmoid(hp)
    return lax.dot_general(a.astype(jnp.bfloat16), dw,
                           (((1,), (1,)), ((), ())),
                           preferred_element_type=jnp.float32)


def _shared_body(x_ref, sgw_ref, sdw_ref, o_ref):
    o_ref[...] = _ffn_bf16(x_ref[...].astype(jnp.bfloat16),
                           sgw_ref[...], sdw_ref[...])


def _run_shared(x, sgw_bf, sdw_bf, t, h, f):
    tb = 512
    return pl.pallas_call(
        _shared_body,
        grid=(t // tb,),
        in_specs=[
            pl.BlockSpec((tb, h), lambda i: (i, 0)),
            pl.BlockSpec((f, h), lambda i: (0, 0)),
            pl.BlockSpec((h, f), lambda i: (0, 0)),
        ],
        out_specs=pl.BlockSpec((tb, h), lambda i: (i, 0)),
        out_shape=jax.ShapeDtypeStruct((t, h), jnp.float32),
        compiler_params=pltpu.CompilerParams(
            dimension_semantics=("arbitrary",)),
    )(x, sgw_bf, sdw_bf)


def _load_meta_row(hbm, wid, dst):
    pltpu.sync_copy(hbm.at[wid // 2, wid % 2], dst)


def _pos_chunk(pr_v, e_v, offs_v, idx_v, j, nchunk):
    for c in range(nchunk // 16):
        sl = pl.ds(j * nchunk + c * 16, 16)
        eidx = e_v[sl].astype(jnp.int32)
        ofs = plsc.load_gather(offs_v, [eidx])
        idx_v[pl.ds(c * 16, 16)] = (pr_v[sl] + ofs + 0.5).astype(jnp.int32)


def _dispatch_body(x_hbm, pr1_hbm, pr2_hbm, e1_hbm, e2_hbm, offs_hbm,
                   xs_hbm,
                   offs_v, pr1_v, pr2_v, e1_v, e2_v, idx1_v, idx2_v,
                   rows_v, sem, *, tok_per_w, nchunk):
    wid = lax.axis_index("s") * 2 + lax.axis_index("c")
    base = wid * tok_per_w
    pltpu.sync_copy(offs_hbm, offs_v)
    _load_meta_row(pr1_hbm, wid, pr1_v)
    _load_meta_row(pr2_hbm, wid, pr2_v)
    _load_meta_row(e1_hbm, wid, e1_v)
    _load_meta_row(e2_hbm, wid, e2_v)
    for j in range(tok_per_w // nchunk):
        pltpu.sync_copy(x_hbm.at[pl.ds(base + j * nchunk, nchunk)], rows_v)
        _pos_chunk(pr1_v, e1_v, offs_v, idx1_v, j, nchunk)
        _pos_chunk(pr2_v, e2_v, offs_v, idx2_v, j, nchunk)
        c1 = pltpu.async_copy(rows_v, xs_hbm.at[idx1_v], sem)
        c2 = pltpu.async_copy(rows_v, xs_hbm.at[idx2_v], sem)
        c1.wait()
        c2.wait()


def _run_dispatch(xpk, pr1m, pr2m, e1m, e2m, offs16, t, h, e):
    nw = 32
    tok_per_w = t // nw
    nchunk = 128
    hp = h // 2
    mesh = plsc.VectorSubcoreMesh(core_axis_name="c", subcore_axis_name="s")
    body = functools.partial(_dispatch_body, tok_per_w=tok_per_w,
                             nchunk=nchunk)
    return pl.kernel(
        body,
        out_type=jax.ShapeDtypeStruct((TOPK * t, hp), jnp.int32),
        mesh=mesh,
        compiler_params=pltpu.CompilerParams(needs_layout_passes=False),
        scratch_types=[
            pltpu.VMEM((e,), jnp.float32),
            pltpu.VMEM((tok_per_w,), jnp.float32),
            pltpu.VMEM((tok_per_w,), jnp.float32),
            pltpu.VMEM((tok_per_w,), jnp.float32),
            pltpu.VMEM((tok_per_w,), jnp.float32),
            pltpu.VMEM((nchunk,), jnp.int32),
            pltpu.VMEM((nchunk,), jnp.int32),
            pltpu.VMEM((nchunk, hp), jnp.int32),
            pltpu.SemaphoreType.DMA,
        ],
    )(xpk, pr1m, pr2m, e1m, e2m, offs16)


def _group_body(offs_ref, xs_ref, gwl_ref, gwh_ref, dw_ref, o_ref, acc_ref,
                *, n_experts, bm):
    i = pl.program_id(0)
    lo, hi = _unpack_pair(xs_ref[...])
    xl = lo.astype(jnp.bfloat16)
    xh = hi.astype(jnp.bfloat16)
    row0 = i * bm
    row_g = row0 + lax.broadcasted_iota(jnp.int32, (bm, 1), 0)
    acc_ref[...] = jnp.zeros(acc_ref.shape, jnp.float32)
    for ex in range(n_experts):
        start = offs_ref[ex]
        end = offs_ref[ex + 1]
        cond = (start < row0 + bm) & (end > row0)

        @pl.when(cond)
        def _(ex=ex, start=start, end=end):
            hp = lax.dot_general(xl, gwl_ref[ex], (((1,), (1,)), ((), ())),
                                 preferred_element_type=jnp.float32)
            hp += lax.dot_general(xh, gwh_ref[ex], (((1,), (1,)), ((), ())),
                                  preferred_element_type=jnp.float32)
            a = hp * jax.nn.sigmoid(hp)
            pe = lax.dot_general(a.astype(jnp.bfloat16), dw_ref[ex],
                                 (((1,), (1,)), ((), ())),
                                 preferred_element_type=jnp.float32)
            mask = (row_g >= start) & (row_g < end)
            acc_ref[...] += jnp.where(mask, pe, 0.0)
    o_ref[...] = _pack_pair(acc_ref[...])


def _run_grouped(offs_i, xs, gwl, gwh, down_bf, t2, h, f, e):
    bm = 256
    body = functools.partial(_group_body, n_experts=e, bm=bm)
    grid_spec = pltpu.PrefetchScalarGridSpec(
        num_scalar_prefetch=1,
        grid=(t2 // bm,),
        in_specs=[
            pl.BlockSpec((bm, h // 2), lambda i, offs: (i, 0)),
            pl.BlockSpec((e, f, h // 2), lambda i, offs: (0, 0, 0)),
            pl.BlockSpec((e, f, h // 2), lambda i, offs: (0, 0, 0)),
            pl.BlockSpec((e, h, f), lambda i, offs: (0, 0, 0)),
        ],
        out_specs=pl.BlockSpec((bm, h // 2), lambda i, offs: (i, 0)),
        scratch_shapes=[pltpu.VMEM((bm, h), jnp.float32)],
    )
    return pl.pallas_call(
        body,
        grid_spec=grid_spec,
        out_shape=jax.ShapeDtypeStruct((t2, h // 2), jnp.int32),
        compiler_params=pltpu.CompilerParams(
            dimension_semantics=("arbitrary",)),
    )(offs_i, xs, gwl, gwh, down_bf)


def _gather_body(eout_hbm, pr1_hbm, pr2_hbm, e1_hbm, e2_hbm, offs_hbm,
                 g1_hbm, g2_hbm,
                 offs_v, pr1_v, pr2_v, e1_v, e2_v, idx1_v, idx2_v,
                 g1_v, g2_v, sem, *, tok_per_w, nchunk):
    wid = lax.axis_index("s") * 2 + lax.axis_index("c")
    base = wid * tok_per_w
    pltpu.sync_copy(offs_hbm, offs_v)
    _load_meta_row(pr1_hbm, wid, pr1_v)
    _load_meta_row(pr2_hbm, wid, pr2_v)
    _load_meta_row(e1_hbm, wid, e1_v)
    _load_meta_row(e2_hbm, wid, e2_v)
    for j in range(tok_per_w // nchunk):
        tb = base + j * nchunk
        _pos_chunk(pr1_v, e1_v, offs_v, idx1_v, j, nchunk)
        _pos_chunk(pr2_v, e2_v, offs_v, idx2_v, j, nchunk)
        c1 = pltpu.async_copy(eout_hbm.at[idx1_v], g1_v, sem)
        c2 = pltpu.async_copy(eout_hbm.at[idx2_v], g2_v, sem)
        c1.wait()
        c2.wait()
        pltpu.sync_copy(g1_v, g1_hbm.at[pl.ds(tb, nchunk)])
        pltpu.sync_copy(g2_v, g2_hbm.at[pl.ds(tb, nchunk)])


def _run_gather(eout, pr1m, pr2m, e1m, e2m, offs16, t, h, e):
    nw = 32
    tok_per_w = t // nw
    nchunk = 64
    hp = h // 2
    mesh = plsc.VectorSubcoreMesh(core_axis_name="c", subcore_axis_name="s")
    body = functools.partial(_gather_body, tok_per_w=tok_per_w,
                             nchunk=nchunk)
    return pl.kernel(
        body,
        out_type=[jax.ShapeDtypeStruct((t, hp), jnp.int32)] * 2,
        mesh=mesh,
        compiler_params=pltpu.CompilerParams(needs_layout_passes=False),
        scratch_types=[
            pltpu.VMEM((e,), jnp.float32),
            pltpu.VMEM((tok_per_w,), jnp.float32),
            pltpu.VMEM((tok_per_w,), jnp.float32),
            pltpu.VMEM((tok_per_w,), jnp.float32),
            pltpu.VMEM((tok_per_w,), jnp.float32),
            pltpu.VMEM((nchunk,), jnp.int32),
            pltpu.VMEM((nchunk,), jnp.int32),
            pltpu.VMEM((nchunk, hp), jnp.int32),
            pltpu.VMEM((nchunk, hp), jnp.int32),
            pltpu.SemaphoreType.DMA,
        ],
    )(eout, pr1m, pr2m, e1m, e2m, offs16)


def _final_body(sh_ref, g1_ref, g2_ref, w1_ref, w2_ref, o_ref):
    h2 = g1_ref.shape[1]
    lo1, hi1 = _unpack_pair(g1_ref[...])
    lo2, hi2 = _unpack_pair(g2_ref[...])
    sh = sh_ref[...]
    w1 = w1_ref[...]
    w2 = w2_ref[...]
    o_ref[:, :h2] = sh[:, :h2] + w1 * lo1 + w2 * lo2
    o_ref[:, h2:] = sh[:, h2:] + w1 * hi1 + w2 * hi2


def _run_final(shared, g1, g2, w1c, w2c, t, h):
    tb = 512
    col = pl.BlockSpec((tb, 1), lambda i: (i, 0))
    half = pl.BlockSpec((tb, h // 2), lambda i: (i, 0))
    full = pl.BlockSpec((tb, h), lambda i: (i, 0))
    return pl.pallas_call(
        _final_body,
        grid=(t // tb,),
        in_specs=[full, half, half, col, col],
        out_specs=full,
        out_shape=jax.ShapeDtypeStruct((t, h), jnp.float32),
        compiler_params=pltpu.CompilerParams(
            dimension_semantics=("arbitrary",)),
    )(shared, g1, g2, w1c, w2c)


def kernel(hidden_states, router_w, expert_bias, gate_w, down_w,
           shared_gate_w, shared_down_w):
    b, s, h = hidden_states.shape
    t = b * s
    e, f, _ = gate_w.shape
    t2 = TOPK * t

    x = hidden_states.reshape(t, h)
    bias2d = expert_bias.reshape(1, e)
    gwl = gate_w[:, :, :h // 2].astype(jnp.bfloat16)
    gwh = gate_w[:, :, h // 2:].astype(jnp.bfloat16)
    down_bf = down_w.astype(jnp.bfloat16)
    sgw_bf = shared_gate_w.astype(jnp.bfloat16)
    sdw_bf = shared_down_w.astype(jnp.bfloat16)

    pr1m, pr2m, e1m, e2m, w1c, w2c, xpk, offs = _run_router(
        x, router_w, bias2d, t, h, e)
    offs16 = offs.reshape(e)
    offs_i = jnp.concatenate(
        [offs16.astype(jnp.int32), jnp.array([t2], jnp.int32)])

    shared = _run_shared(x, sgw_bf, sdw_bf, t, h, f)
    xs = _run_dispatch(xpk, pr1m, pr2m, e1m, e2m, offs16, t, h, e)
    eout = _run_grouped(offs_i, xs, gwl, gwh, down_bf, t2, h, f, e)
    g1, g2 = _run_gather(eout, pr1m, pr2m, e1m, e2m, offs16, t, h, e)
    final = _run_final(shared, g1, g2, w1c, w2c, t, h)
    return final.reshape(b, s, h)

# --- scband reference (transcript-rebuilt; emitter-appended) ---
"""Pipeline reference for scband-glm4-mo-e-89172111000202 (READ-ONLY COPY).

The authoritative reference and input builder live on the scoring server;
editing this copy changes nothing except your own understanding.
"""

import jax, jax.numpy as jnp
import numpy as np

B, S, HIDDEN = 2, 2048, 1024
INTER = 512
E = 16
TOPK = 2
SCALE = 1.0

def setup_inputs(seed: int = 0) -> dict:
    key = jax.random.key(seed)
    ks = jax.random.split(key, 8)
    hidden_states = jax.random.normal(ks[0], (B, S, HIDDEN), dtype=jnp.float32)
    router_w = jax.random.normal(ks[1], (E, HIDDEN), dtype=jnp.float32) * 0.02
    expert_bias = jnp.zeros((E,), dtype=jnp.float32)
    gate_w = jax.random.normal(ks[2], (E, INTER, HIDDEN), dtype=jnp.float32) * 0.02
    down_w = jax.random.normal(ks[3], (E, HIDDEN, INTER), dtype=jnp.float32) * 0.02
    shared_gate_w = jax.random.normal(ks[4], (INTER, HIDDEN), dtype=jnp.float32) * 0.02
    shared_down_w = jax.random.normal(ks[5], (HIDDEN, INTER), dtype=jnp.float32) * 0.02
    return {
        'hidden_states': hidden_states,
        'router_w': router_w,
        'expert_bias': expert_bias,
        'gate_w': gate_w,
        'down_w': down_w,
        'shared_gate_w': shared_gate_w,
        'shared_down_w': shared_down_w,
    }

def reference(hidden_states, router_w, expert_bias, gate_w, down_w, shared_gate_w, shared_down_w):
    b, s, h = hidden_states.shape
    x = hidden_states.reshape(-1, h)
    # Router (linear, no bias) + learnable-but-frozen expert bias
    router_logits = x @ router_w.T + expert_bias[None, :]
    router_probs = jax.nn.sigmoid(router_logits)
    routing_weights, selected_experts = jax.lax.top_k(router_probs, TOPK)
    routing_weights = routing_weights / (routing_weights.sum(axis=-1, keepdims=True) + 1e-9)
    routing_weights = routing_weights * SCALE
    # Dense combine weights [T, E]: weight if expert selected for token, else 0.
    onehot = jax.nn.one_hot(selected_experts, E, dtype=x.dtype)  # [T, k, E]
    combine = jnp.einsum('tk,tke->te', routing_weights, onehot)  # [T, E]
    # Routed experts: SwiGLU-style FFN (gate_proj -> silu -> down_proj), per expert.
    hproj = jnp.einsum('th,efh->tef', x, gate_w)          # [T, E, INTER]
    act = jax.nn.silu(hproj)
    eout = jnp.einsum('tef,ehf->teh', act, down_w)        # [T, E, HIDDEN]
    routed = jnp.einsum('teh,te->th', eout, combine)      # [T, HIDDEN]
    # Shared expert on all tokens
    shared = jax.nn.silu(x @ shared_gate_w.T) @ shared_down_w.T
    final = (routed + shared).reshape(b, s, h)
    return final

if __name__ == "__main__":
    import jax
    _d = setup_inputs()
    print(jax.jit(kernel)(*tuple(_d.values())))

</pallas_src>

<mosaic_0001>
#map = affine_map<(d0, d1) -> (0, 0)>
#map1 = affine_map<(d0, d1) -> (0, 0, 0)>
#map2 = affine_map<(d0, d1) -> (0)>
module attributes {stable_mosaic.version = 14 : i64} {
  func.func @_gather_body(%arg0: i32, %arg1: i32, %arg2: memref<8192x512xi32, #tpu.memory_space<hbm>>, %arg3: memref<16x2x128xf32, #tpu.memory_space<hbm>>, %arg4: memref<16x2x128xf32, #tpu.memory_space<hbm>>, %arg5: memref<16x2x128xf32, #tpu.memory_space<hbm>>, %arg6: memref<16x2x128xf32, #tpu.memory_space<hbm>>, %arg7: memref<16xf32, #tpu.memory_space<hbm>>, %arg8: memref<4096x512xi32, #tpu.memory_space<hbm>>, %arg9: memref<4096x512xi32, #tpu.memory_space<hbm>>, %arg10: memref<16xf32, #tpu.memory_space<vmem>>, %arg11: memref<128xf32, #tpu.memory_space<vmem>>, %arg12: memref<128xf32, #tpu.memory_space<vmem>>, %arg13: memref<128xf32, #tpu.memory_space<vmem>>, %arg14: memref<128xf32, #tpu.memory_space<vmem>>, %arg15: memref<64xi32, #tpu.memory_space<vmem>>, %arg16: memref<64xi32, #tpu.memory_space<vmem>>, %arg17: memref<64x512xi32, #tpu.memory_space<vmem>>, %arg18: memref<64x512xi32, #tpu.memory_space<vmem>>, %arg19: memref<!tpu.dma_semaphore, #tpu.memory_space<semaphore_mem>>) attributes {dimension_semantics = [#tpu.dimension_semantics<core_parallel>, #tpu.dimension_semantics<subcore_parallel>], iteration_bounds = array<i64: 2, 16>, scalar_prefetch = 0 : i64, scratch_operands = 10 : i64, tpu.core_type = #tpu.core_type<sc_vector_subcore>, window_params = [{transform_indices = #map}, {transform_indices = #map1}, {transform_indices = #map1}, {transform_indices = #map1}, {transform_indices = #map1}, {transform_indices = #map2}, {transform_indices = #map}, {transform_indices = #map}]} {
    %mul3A = arith.constant 2 : i32
    %mul3A_0 = arith.muli %arg1, %mul3A : i32
    %add3A = arith.addi %mul3A_0, %arg0 : i32
    %mul3A_1 = arith.constant 128 : i32
    %mul3A_2 = arith.muli %add3A, %mul3A_1 : i32
    "tpu.region"() ({
      %run_scoped3A = tpu.sem_alloc : memref<!tpu.dma_semaphore, #tpu.memory_space<semaphore_mem>>
      tpu.enqueue_dma source(%arg7 : memref<16xf32, #tpu.memory_space<hbm>>) target(%arg10 : memref<16xf32, #tpu.memory_space<vmem>>) target_semaphore(%run_scoped3A : memref<!tpu.dma_semaphore, #tpu.memory_space<semaphore_mem>>)
      tpu.wait_dma2 semaphore(%run_scoped3A : memref<!tpu.dma_semaphore, #tpu.memory_space<semaphore_mem>>) src(%arg7 : memref<16xf32, #tpu.memory_space<hbm>>) dst(%arg10 : memref<16xf32, #tpu.memory_space<vmem>>)
      tpu.yield
    }) : () -> ()
    %jit3A = arith.constant 2 : i32
    %div3A = arith.divsi %add3A, %jit3A : i32
    %sign3A = arith.constant 0 : i32
    %sign3A_3 = arith.cmpi sgt, %add3A, %sign3A : i32
    %sign3A_4 = arith.extui %sign3A_3 : i1 to i32
    %sign3A_5 = arith.constant 0 : i32
    %sign3A_6 = arith.cmpi slt, %add3A, %sign3A_5 : i32
    %sign3A_7 = arith.extui %sign3A_6 : i1 to i32
    %sign3A_8 = arith.subi %sign3A_4, %sign3A_7 : i32
    %sign3A_9 = arith.constant 0 : i32
    %sign3A_10 = arith.cmpi sgt, %jit3A, %sign3A_9 : i32
    %sign3A_11 = arith.extui %sign3A_10 : i1 to i32
    %sign3A_12 = arith.constant 0 : i32
    %sign3A_13 = arith.cmpi slt, %jit3A, %sign3A_12 : i32
    %sign3A_14 = arith.extui %sign3A_13 : i1 to i32
    %sign3A_15 = arith.subi %sign3A_11, %sign3A_14 : i32
    %ne3A = arith.cmpi ne, %sign3A_8, %sign3A_15 : i32
    %rem3A = arith.remsi %add3A, %jit3A : i32
    %ne3A_16 = arith.constant 0 : i32
    %ne3A_17 = arith.cmpi ne, %rem3A, %ne3A_16 : i32
    %and3A = arith.andi %ne3A, %ne3A_17 : i1
    %sub3A = arith.constant 1 : i32
    %sub3A_18 = arith.subi %div3A, %sub3A : i32
    %select_n3A = arith.select %and3A, %sub3A_18, %div3A : i32
    %jit3A_19 = arith.constant 2 : i32
    %eq3A = arith.constant 0 : i32
    %eq3A_20 = arith.cmpi eq, %jit3A_19, %eq3A : i32
    %jit3A_21 = arith.constant 1 : i32
    %select_n3A_22 = arith.select %eq3A_20, %jit3A_21, %jit3A_19 : i32
    %rem3A_23 = arith.remsi %add3A, %select_n3A_22 : i32
    %ne3A_24 = arith.constant 0 : i32
    %ne3A_25 = arith.cmpi ne, %rem3A_23, %ne3A_24 : i32
    %lt3A = arith.constant 0 : i32
    %lt3A_26 = arith.cmpi slt, %rem3A_23, %lt3A : i32
    %lt3A_27 = arith.constant 0 : i32
    %lt3A_28 = arith.cmpi slt, %select_n3A_22, %lt3A_27 : i32
    %ne3A_29 = arith.xori %lt3A_26, %lt3A_28 : i1
    %and3A_30 = arith.andi %ne3A_29, %ne3A_25 : i1
    %add3A_31 = arith.addi %rem3A_23, %select_n3A_22 : i32
    %select_n3A_32 = arith.select %and3A_30, %add3A_31, %rem3A_23 : i32
    "tpu.region"() ({
      %run_scoped3A = tpu.sem_alloc : memref<!tpu.dma_semaphore, #tpu.memory_space<semaphore_mem>>
      %dma_start3A_383 = arith.constant 0 : i32
      %dma_start3A_384 = tpu.memref_slice %arg3[%select_n3A, %select_n3A_32, %dma_start3A_383] : memref<16x2x128xf32, #tpu.memory_space<hbm>> -> memref<1x1x128xf32, #tpu.memory_space<hbm>>
      %dma_start3A_385 = tpu.memref_squeeze %dma_start3A_384 : memref<1x1x128xf32, #tpu.memory_space<hbm>> -> memref<128xf32, #tpu.memory_space<hbm>>
      %dma_start3A_386 = arith.constant 0 : i32
      %dma_start3A_387 = tpu.memref_slice %arg3[%select_n3A, %select_n3A_32, %dma_start3A_386] : memref<16x2x128xf32, #tpu.memory_space<hbm>> -> memref<1x1x128xf32, #tpu.memory_space<hbm>>
      %dma_start3A_388 = tpu.memref_squeeze %dma_start3A_387 : memref<1x1x128xf32, #tpu.memory_space<hbm>> -> memref<128xf32, #tpu.memory_space<hbm>>
      tpu.enqueue_dma source(%dma_start3A_388 : memref<128xf32, #tpu.memory_space<hbm>>) target(%arg11 : memref<128xf32, #tpu.memory_space<vmem>>) target_semaphore(%run_scoped3A : memref<!tpu.dma_semaphore, #tpu.memory_space<semaphore_mem>>)
      %dma_wait3A_389 = arith.constant 0 : i32
      %dma_wait3A_390 = tpu.memref_slice %arg3[%select_n3A, %select_n3A_32, %dma_wait3A_389] : memref<16x2x128xf32, #tpu.memory_space<hbm>> -> memref<1x1x128xf32, #tpu.memory_space<hbm>>
      %dma_wait3A_391 = tpu.memref_squeeze %dma_wait3A_390 : memref<1x1x128xf32, #tpu.memory_space<hbm>> -> memref<128xf32, #tpu.memory_space<hbm>>
      %dma_wait3A_392 = arith.constant 0 : i32
      %dma_wait3A_393 = tpu.memref_slice %arg3[%select_n3A, %select_n3A_32, %dma_wait3A_392] : memref<16x2x128xf32, #tpu.memory_space<hbm>> -> memref<1x1x128xf32, #tpu.memory_space<hbm>>
      %dma_wait3A_394 = tpu.memref_squeeze %dma_wait3A_393 : memref<1x1x128xf32, #tpu.memory_space<hbm>> -> memref<128xf32, #tpu.memory_space<hbm>>
      tpu.wait_dma2 semaphore(%run_scoped3A : memref<!tpu.dma_semaphore, #tpu.memory_space<semaphore_mem>>) src(%dma_wait3A_394 : memref<128xf32, #tpu.memory_space<hbm>>) dst(%arg11 : memref<128xf32, #tpu.memory_space<vmem>>)
      tpu.yield
    }) : () -> ()
    %jit3A_33 = arith.constant 2 : i32
    %div3A_34 = arith.divsi %add3A, %jit3A_33 : i32
    %sign3A_35 = arith.constant 0 : i32
    %sign3A_36 = arith.cmpi sgt, %add3A, %sign3A_35 : i32
    %sign3A_37 = arith.extui %sign3A_36 : i1 to i32
    %sign3A_38 = arith.constant 0 : i32
    %sign3A_39 = arith.cmpi slt, %add3A, %sign3A_38 : i32
    %sign3A_40 = arith.extui %sign3A_39 : i1 to i32
    %sign3A_41 = arith.subi %sign3A_37, %sign3A_40 : i32
    %sign3A_42 = arith.constant 0 : i32
    %sign3A_43 = arith.cmpi sgt, %jit3A_33, %sign3A_42 : i32
    %sign3A_44 = arith.extui %sign3A_43 : i1 to i32
    %sign3A_45 = arith.constant 0 : i32
    %sign3A_46 = arith.cmpi slt, %jit3A_33, %sign3A_45 : i32
    %sign3A_47 = arith.extui %sign3A_46 : i1 to i32
    %sign3A_48 = arith.subi %sign3A_44, %sign3A_47 : i32
    %ne3A_49 = arith.cmpi ne, %sign3A_41, %sign3A_48 : i32
    %rem3A_50 = arith.remsi %add3A, %jit3A_33 : i32
    %ne3A_51 = arith.constant 0 : i32
    %ne3A_52 = arith.cmpi ne, %rem3A_50, %ne3A_51 : i32
    %and3A_53 = arith.andi %ne3A_49, %ne3A_52 : i1
    %sub3A_54 = arith.constant 1 : i32
    %sub3A_55 = arith.subi %div3A_34, %sub3A_54 : i32
    %select_n3A_56 = arith.select %and3A_53, %sub3A_55, %div3A_34 : i32
    %jit3A_57 = arith.constant 2 : i32
    %eq3A_58 = arith.constant 0 : i32
    %eq3A_59 = arith.cmpi eq, %jit3A_57, %eq3A_58 : i32
    %jit3A_60 = arith.constant 1 : i32
    %select_n3A_61 = arith.select %eq3A_59, %jit3A_60, %jit3A_57 : i32
    %rem3A_62 = arith.remsi %add3A, %select_n3A_61 : i32
    %ne3A_63 = arith.constant 0 : i32
    %ne3A_64 = arith.cmpi ne, %rem3A_62, %ne3A_63 : i32
    %lt3A_65 = arith.constant 0 : i32
    %lt3A_66 = arith.cmpi slt, %rem3A_62, %lt3A_65 : i32
    %lt3A_67 = arith.constant 0 : i32
    %lt3A_68 = arith.cmpi slt, %select_n3A_61, %lt3A_67 : i32
    %ne3A_69 = arith.xori %lt3A_66, %lt3A_68 : i1
    %and3A_70 = arith.andi %ne3A_69, %ne3A_64 : i1
    %add3A_71 = arith.addi %rem3A_62, %select_n3A_61 : i32
    %select_n3A_72 = arith.select %and3A_70, %add3A_71, %rem3A_62 : i32
    "tpu.region"() ({
      %run_scoped3A = tpu.sem_alloc : memref<!tpu.dma_semaphore, #tpu.memory_space<semaphore_mem>>
      %dma_start3A_383 = arith.constant 0 : i32
      %dma_start3A_384 = tpu.memref_slice %arg4[%select_n3A_56, %select_n3A_72, %dma_start3A_383] : memref<16x2x128xf32, #tpu.memory_space<hbm>> -> memref<1x1x128xf32, #tpu.memory_space<hbm>>
      %dma_start3A_385 = tpu.memref_squeeze %dma_start3A_384 : memref<1x1x128xf32, #tpu.memory_space<hbm>> -> memref<128xf32, #tpu.memory_space<hbm>>
      %dma_start3A_386 = arith.constant 0 : i32
      %dma_start3A_387 = tpu.memref_slice %arg4[%select_n3A_56, %select_n3A_72, %dma_start3A_386] : memref<16x2x128xf32, #tpu.memory_space<hbm>> -> memref<1x1x128xf32, #tpu.memory_space<hbm>>
      %dma_start3A_388 = tpu.memref_squeeze %dma_start3A_387 : memref<1x1x128xf32, #tpu.memory_space<hbm>> -> memref<128xf32, #tpu.memory_space<hbm>>
      tpu.enqueue_dma source(%dma_start3A_388 : memref<128xf32, #tpu.memory_space<hbm>>) target(%arg12 : memref<128xf32, #tpu.memory_space<vmem>>) target_semaphore(%run_scoped3A : memref<!tpu.dma_semaphore, #tpu.memory_space<semaphore_mem>>)
      %dma_wait3A_389 = arith.constant 0 : i32
      %dma_wait3A_390 = tpu.memref_slice %arg4[%select_n3A_56, %select_n3A_72, %dma_wait3A_389] : memref<16x2x128xf32, #tpu.memory_space<hbm>> -> memref<1x1x128xf32, #tpu.memory_space<hbm>>
      %dma_wait3A_391 = tpu.memref_squeeze %dma_wait3A_390 : memref<1x1x128xf32, #tpu.memory_space<hbm>> -> memref<128xf32, #tpu.memory_space<hbm>>
      %dma_wait3A_392 = arith.constant 0 : i32
      %dma_wait3A_393 = tpu.memref_slice %arg4[%select_n3A_56, %select_n3A_72, %dma_wait3A_392] : memref<16x2x128xf32, #tpu.memory_space<hbm>> -> memref<1x1x128xf32, #tpu.memory_space<hbm>>
      %dma_wait3A_394 = tpu.memref_squeeze %dma_wait3A_393 : memref<1x1x128xf32, #tpu.memory_space<hbm>> -> memref<128xf32, #tpu.memory_space<hbm>>
      tpu.wait_dma2 semaphore(%run_scoped3A : memref<!tpu.dma_semaphore, #tpu.memory_space<semaphore_mem>>) src(%dma_wait3A_394 : memref<128xf32, #tpu.memory_space<hbm>>) dst(%arg12 : memref<128xf32, #tpu.memory_space<vmem>>)
      tpu.yield
    }) : () -> ()
    %jit3A_73 = arith.constant 2 : i32
    %div3A_74 = arith.divsi %add3A, %jit3A_73 : i32
    %sign3A_75 = arith.constant 0 : i32
    %sign3A_76 = arith.cmpi sgt, %add3A, %sign3A_75 : i32
    %sign3A_77 = arith.extui %sign3A_76 : i1 to i32
    %sign3A_78 = arith.constant 0 : i32
    %sign3A_79 = arith.cmpi slt, %add3A, %sign3A_78 : i32
    %sign3A_80 = arith.extui %sign3A_79 : i1 to i32
    %sign3A_81 = arith.subi %sign3A_77, %sign3A_80 : i32
    %sign3A_82 = arith.constant 0 : i32
    %sign3A_83 = arith.cmpi sgt, %jit3A_73, %sign3A_82 : i32
    %sign3A_84 = arith.extui %sign3A_83 : i1 to i32
    %sign3A_85 = arith.constant 0 : i32
    %sign3A_86 = arith.cmpi slt, %jit3A_73, %sign3A_85 : i32
    %sign3A_87 = arith.extui %sign3A_86 : i1 to i32
    %sign3A_88 = arith.subi %sign3A_84, %sign3A_87 : i32
    %ne3A_89 = arith.cmpi ne, %sign3A_81, %sign3A_88 : i32
    %rem3A_90 = arith.remsi %add3A, %jit3A_73 : i32
    %ne3A_91 = arith.constant 0 : i32
    %ne3A_92 = arith.cmpi ne, %rem3A_90, %ne3A_91 : i32
    %and3A_93 = arith.andi %ne3A_89, %ne3A_92 : i1
    %sub3A_94 = arith.constant 1 : i32
    %sub3A_95 = arith.subi %div3A_74, %sub3A_94 : i32
    %select_n3A_96 = arith.select %and3A_93, %sub3A_95, %div3A_74 : i32
    %jit3A_97 = arith.constant 2 : i32
    %eq3A_98 = arith.constant 0 : i32
    %eq3A_99 = arith.cmpi eq, %jit3A_97, %eq3A_98 : i32
    %jit3A_100 = arith.constant 1 : i32
    %select_n3A_101 = arith.select %eq3A_99, %jit3A_100, %jit3A_97 : i32
    %rem3A_102 = arith.remsi %add3A, %select_n3A_101 : i32
    %ne3A_103 = arith.constant 0 : i32
    %ne3A_104 = arith.cmpi ne, %rem3A_102, %ne3A_103 : i32
    %lt3A_105 = arith.constant 0 : i32
    %lt3A_106 = arith.cmpi slt, %rem3A_102, %lt3A_105 : i32
    %lt3A_107 = arith.constant 0 : i32
    %lt3A_108 = arith.cmpi slt, %select_n3A_101, %lt3A_107 : i32
    %ne3A_109 = arith.xori %lt3A_106, %lt3A_108 : i1
    %and3A_110 = arith.andi %ne3A_109, %ne3A_104 : i1
    %add3A_111 = arith.addi %rem3A_102, %select_n3A_101 : i32
    %select_n3A_112 = arith.select %and3A_110, %add3A_111, %rem3A_102 : i32
    "tpu.region"() ({
      %run_scoped3A = tpu.sem_alloc : memref<!tpu.dma_semaphore, #tpu.memory_space<semaphore_mem>>
      %dma_start3A_383 = arith.constant 0 : i32
      %dma_start3A_384 = tpu.memref_slice %arg5[%select_n3A_96, %select_n3A_112, %dma_start3A_383] : memref<16x2x128xf32, #tpu.memory_space<hbm>> -> memref<1x1x128xf32, #tpu.memory_space<hbm>>
      %dma_start3A_385 = tpu.memref_squeeze %dma_start3A_384 : memref<1x1x128xf32, #tpu.memory_space<hbm>> -> memref<128xf32, #tpu.memory_space<hbm>>
      %dma_start3A_386 = arith.constant 0 : i32
      %dma_start3A_387 = tpu.memref_slice %arg5[%select_n3A_96, %select_n3A_112, %dma_start3A_386] : memref<16x2x128xf32, #tpu.memory_space<hbm>> -> memref<1x1x128xf32, #tpu.memory_space<hbm>>
      %dma_start3A_388 = tpu.memref_squeeze %dma_start3A_387 : memref<1x1x128xf32, #tpu.memory_space<hbm>> -> memref<128xf32, #tpu.memory_space<hbm>>
      tpu.enqueue_dma source(%dma_start3A_388 : memref<128xf32, #tpu.memory_space<hbm>>) target(%arg13 : memref<128xf32, #tpu.memory_space<vmem>>) target_semaphore(%run_scoped3A : memref<!tpu.dma_semaphore, #tpu.memory_space<semaphore_mem>>)
      %dma_wait3A_389 = arith.constant 0 : i32
      %dma_wait3A_390 = tpu.memref_slice %arg5[%select_n3A_96, %select_n3A_112, %dma_wait3A_389] : memref<16x2x128xf32, #tpu.memory_space<hbm>> -> memref<1x1x128xf32, #tpu.memory_space<hbm>>
      %dma_wait3A_391 = tpu.memref_squeeze %dma_wait3A_390 : memref<1x1x128xf32, #tpu.memory_space<hbm>> -> memref<128xf32, #tpu.memory_space<hbm>>
      %dma_wait3A_392 = arith.constant 0 : i32
      %dma_wait3A_393 = tpu.memref_slice %arg5[%select_n3A_96, %select_n3A_112, %dma_wait3A_392] : memref<16x2x128xf32, #tpu.memory_space<hbm>> -> memref<1x1x128xf32, #tpu.memory_space<hbm>>
      %dma_wait3A_394 = tpu.memref_squeeze %dma_wait3A_393 : memref<1x1x128xf32, #tpu.memory_space<hbm>> -> memref<128xf32, #tpu.memory_space<hbm>>
      tpu.wait_dma2 semaphore(%run_scoped3A : memref<!tpu.dma_semaphore, #tpu.memory_space<semaphore_mem>>) src(%dma_wait3A_394 : memref<128xf32, #tpu.memory_space<hbm>>) dst(%arg13 : memref<128xf32, #tpu.memory_space<vmem>>)
      tpu.yield
    }) : () -> ()
    %jit3A_113 = arith.constant 2 : i32
    %div3A_114 = arith.divsi %add3A, %jit3A_113 : i32
    %sign3A_115 = arith.constant 0 : i32
    %sign3A_116 = arith.cmpi sgt, %add3A, %sign3A_115 : i32
    %sign3A_117 = arith.extui %sign3A_116 : i1 to i32
    %sign3A_118 = arith.constant 0 : i32
    %sign3A_119 = arith.cmpi slt, %add3A, %sign3A_118 : i32
    %sign3A_120 = arith.extui %sign3A_119 : i1 to i32
    %sign3A_121 = arith.subi %sign3A_117, %sign3A_120 : i32
    %sign3A_122 = arith.constant 0 : i32
    %sign3A_123 = arith.cmpi sgt, %jit3A_113, %sign3A_122 : i32
    %sign3A_124 = arith.extui %sign3A_123 : i1 to i32
    %sign3A_125 = arith.constant 0 : i32
    %sign3A_126 = arith.cmpi slt, %jit3A_113, %sign3A_125 : i32
    %sign3A_127 = arith.extui %sign3A_126 : i1 to i32
    %sign3A_128 = arith.subi %sign3A_124, %sign3A_127 : i32
    %ne3A_129 = arith.cmpi ne, %sign3A_121, %sign3A_128 : i32
    %rem3A_130 = arith.remsi %add3A, %jit3A_113 : i32
    %ne3A_131 = arith.constant 0 : i32
    %ne3A_132 = arith.cmpi ne, %rem3A_130, %ne3A_131 : i32
    %and3A_133 = arith.andi %ne3A_129, %ne3A_132 : i1
    %sub3A_134 = arith.constant 1 : i32
    %sub3A_135 = arith.subi %div3A_114, %sub3A_134 : i32
    %select_n3A_136 = arith.select %and3A_133, %sub3A_135, %div3A_114 : i32
    %jit3A_137 = arith.constant 2 : i32
    %eq3A_138 = arith.constant 0 : i32
    %eq3A_139 = arith.cmpi eq, %jit3A_137, %eq3A_138 : i32
    %jit3A_140 = arith.constant 1 : i32
    %select_n3A_141 = arith.select %eq3A_139, %jit3A_140, %jit3A_137 : i32
    %rem3A_142 = arith.remsi %add3A, %select_n3A_141 : i32
    %ne3A_143 = arith.constant 0 : i32
    %ne3A_144 = arith.cmpi ne, %rem3A_142, %ne3A_143 : i32
    %lt3A_145 = arith.constant 0 : i32
    %lt3A_146 = arith.cmpi slt, %rem3A_142, %lt3A_145 : i32
    %lt3A_147 = arith.constant 0 : i32
    %lt3A_148 = arith.cmpi slt, %select_n3A_141, %lt3A_147 : i32
    %ne3A_149 = arith.xori %lt3A_146, %lt3A_148 : i1
    %and3A_150 = arith.andi %ne3A_149, %ne3A_144 : i1
    %add3A_151 = arith.addi %rem3A_142, %select_n3A_141 : i32
    %select_n3A_152 = arith.select %and3A_150, %add3A_151, %rem3A_142 : i32
    "tpu.region"() ({
      %run_scoped3A = tpu.sem_alloc : memref<!tpu.dma_semaphore, #tpu.memory_space<semaphore_mem>>
      %dma_start3A_383 = arith.constant 0 : i32
      %dma_start3A_384 = tpu.memref_slice %arg6[%select_n3A_136, %select_n3A_152, %dma_start3A_383] : memref<16x2x128xf32, #tpu.memory_space<hbm>> -> memref<1x1x128xf32, #tpu.memory_space<hbm>>
      %dma_start3A_385 = tpu.memref_squeeze %dma_start3A_384 : memref<1x1x128xf32, #tpu.memory_space<hbm>> -> memref<128xf32, #tpu.memory_space<hbm>>
      %dma_start3A_386 = arith.constant 0 : i32
      %dma_start3A_387 = tpu.memref_slice %arg6[%select_n3A_136, %select_n3A_152, %dma_start3A_386] : memref<16x2x128xf32, #tpu.memory_space<hbm>> -> memref<1x1x128xf32, #tpu.memory_space<hbm>>
      %dma_start3A_388 = tpu.memref_squeeze %dma_start3A_387 : memref<1x1x128xf32, #tpu.memory_space<hbm>> -> memref<128xf32, #tpu.memory_space<hbm>>
      tpu.enqueue_dma source(%dma_start3A_388 : memref<128xf32, #tpu.memory_space<hbm>>) target(%arg14 : memref<128xf32, #tpu.memory_space<vmem>>) target_semaphore(%run_scoped3A : memref<!tpu.dma_semaphore, #tpu.memory_space<semaphore_mem>>)
      %dma_wait3A_389 = arith.constant 0 : i32
      %dma_wait3A_390 = tpu.memref_slice %arg6[%select_n3A_136, %select_n3A_152, %dma_wait3A_389] : memref<16x2x128xf32, #tpu.memory_space<hbm>> -> memref<1x1x128xf32, #tpu.memory_space<hbm>>
      %dma_wait3A_391 = tpu.memref_squeeze %dma_wait3A_390 : memref<1x1x128xf32, #tpu.memory_space<hbm>> -> memref<128xf32, #tpu.memory_space<hbm>>
      %dma_wait3A_392 = arith.constant 0 : i32
      %dma_wait3A_393 = tpu.memref_slice %arg6[%select_n3A_136, %select_n3A_152, %dma_wait3A_392] : memref<16x2x128xf32, #tpu.memory_space<hbm>> -> memref<1x1x128xf32, #tpu.memory_space<hbm>>
      %dma_wait3A_394 = tpu.memref_squeeze %dma_wait3A_393 : memref<1x1x128xf32, #tpu.memory_space<hbm>> -> memref<128xf32, #tpu.memory_space<hbm>>
      tpu.wait_dma2 semaphore(%run_scoped3A : memref<!tpu.dma_semaphore, #tpu.memory_space<semaphore_mem>>) src(%dma_wait3A_394 : memref<128xf32, #tpu.memory_space<hbm>>) dst(%arg14 : memref<128xf32, #tpu.memory_space<vmem>>)
      tpu.yield
    }) : () -> ()
    %add3A_153 = arith.constant 0 : i32
    %add3A_154 = arith.addi %mul3A_2, %add3A_153 : i32
    %get3A = arith.constant 0 : index
    %get3A_155 = tpu.vector_load %arg13[%get3A] {strides = array<i32>} : memref<128xf32, #tpu.memory_space<vmem>>, vector<16xf32>,
    %convert_element_type3A = arith.fptosi %get3A_155 : vector<16xf32> to vector<16xi32>
    %gather3A = tpu.vector_load_idx %arg10[%convert_element_type3A] : memref<16xf32, #tpu.memory_space<vmem>>[vector<16xi32>], vector<16xf32>,
    %get3A_156 = arith.constant 0 : index
    %get3A_157 = tpu.vector_load %arg11[%get3A_156] {strides = array<i32>} : memref<128xf32, #tpu.memory_space<vmem>>, vector<16xf32>,
    %add3A_158 = arith.addf %get3A_157, %gather3A : vector<16xf32>
    %add3A_159 = arith.constant 5.000000e-01 : f32
    %add3A_160 = vector.broadcast %add3A_159 : f32 to vector<16xf32>
    %add3A_161 = arith.addf %add3A_158, %add3A_160 : vector<16xf32>
    %convert_element_type3A_162 = arith.fptosi %add3A_161 : vector<16xf32> to vector<16xi32>
    %swap3A = arith.constant 0 : index
    %swap3A_163 = tpu.vector_load %arg15[%swap3A] {strides = array<i32>} : memref<64xi32, #tpu.memory_space<vmem>>, vector<16xi32>,
    tpu.vector_store %arg15[%swap3A], %convert_element_type3A_162 {strides = array<i32>} : memref<64xi32, #tpu.memory_space<vmem>>, vector<16xi32>,
    %get3A_164 = arith.constant 16 : index
    %get3A_165 = tpu.vector_load %arg13[%get3A_164] {strides = array<i32>} : memref<128xf32, #tpu.memory_space<vmem>>, vector<16xf32>,
    %convert_element_type3A_166 = arith.fptosi %get3A_165 : vector<16xf32> to vector<16xi32>
    %gather3A_167 = tpu.vector_load_idx %arg10[%convert_element_type3A_166] : memref<16xf32, #tpu.memory_space<vmem>>[vector<16xi32>], vector<16xf32>,
    %get3A_168 = arith.constant 16 : index
    %get3A_169 = tpu.vector_load %arg11[%get3A_168] {strides = array<i32>} : memref<128xf32, #tpu.memory_space<vmem>>, vector<16xf32>,
    %add3A_170 = arith.addf %get3A_169, %gather3A_167 : vector<16xf32>
    %add3A_171 = arith.constant 5.000000e-01 : f32
    %add3A_172 = vector.broadcast %add3A_171 : f32 to vector<16xf32>
    %add3A_173 = arith.addf %add3A_170, %add3A_172 : vector<16xf32>
    %convert_element_type3A_174 = arith.fptosi %add3A_173 : vector<16xf32> to vector<16xi32>
    %swap3A_175 = arith.constant 16 : index
    %swap3A_176 = tpu.vector_load %arg15[%swap3A_175] {strides = array<i32>} : memref<64xi32, #tpu.memory_space<vmem>>, vector<16xi32>,
    tpu.vector_store %arg15[%swap3A_175], %convert_element_type3A_174 {strides = array<i32>} : memref<64xi32, #tpu.memory_space<vmem>>, vector<16xi32>,
    %get3A_177 = arith.constant 32 : index
    %get3A_178 = tpu.vector_load %arg13[%get3A_177] {strides = array<i32>} : memref<128xf32, #tpu.memory_space<vmem>>, vector<16xf32>,
    %convert_element_type3A_179 = arith.fptosi %get3A_178 : vector<16xf32> to vector<16xi32>
    %gather3A_180 = tpu.vector_load_idx %arg10[%convert_element_type3A_179] : memref<16xf32, #tpu.memory_space<vmem>>[vector<16xi32>], vector<16xf32>,
    %get3A_181 = arith.constant 32 : index
    %get3A_182 = tpu.vector_load %arg11[%get3A_181] {strides = array<i32>} : memref<128xf32, #tpu.memory_space<vmem>>, vector<16xf32>,
    %add3A_183 = arith.addf %get3A_182, %gather3A_180 : vector<16xf32>
    %add3A_184 = arith.constant 5.000000e-01 : f32
    %add3A_185 = vector.broadcast %add3A_184 : f32 to vector<16xf32>
    %add3A_186 = arith.addf %add3A_183, %add3A_185 : vector<16xf32>
    %convert_element_type3A_187 = arith.fptosi %add3A_186 : vector<16xf32> to vector<16xi32>
    %swap3A_188 = arith.constant 32 : index
    %swap3A_189 = tpu.vector_load %arg15[%swap3A_188] {strides = array<i32>} : memref<64xi32, #tpu.memory_space<vmem>>, vector<16xi32>,
    tpu.vector_store %arg15[%swap3A_188], %convert_element_type3A_187 {strides = array<i32>} : memref<64xi32, #tpu.memory_space<vmem>>, vector<16xi32>,
    %get3A_190 = arith.constant 48 : index
    %get3A_191 = tpu.vector_load %arg13[%get3A_190] {strides = array<i32>} : memref<128xf32, #tpu.memory_space<vmem>>, vector<16xf32>,
    %convert_element_type3A_192 = arith.fptosi %get3A_191 : vector<16xf32> to vector<16xi32>
    %gather3A_193 = tpu.vector_load_idx %arg10[%convert_element_type3A_192] : memref<16xf32, #tpu.memory_space<vmem>>[vector<16xi32>], vector<16xf32>,
    %get3A_194 = arith.constant 48 : index
    %get3A_195 = tpu.vector_load %arg11[%get3A_194] {strides = array<i32>} : memref<128xf32, #tpu.memory_space<vmem>>, vector<16xf32>,
    %add3A_196 = arith.addf %get3A_195, %gather3A_193 : vector<16xf32>
    %add3A_197 = arith.constant 5.000000e-01 : f32
    %add3A_198 = vector.broadcast %add3A_197 : f32 to vector<16xf32>
    %add3A_199 = arith.addf %add3A_196, %add3A_198 : vector<16xf32>
    %convert_element_type3A_200 = arith.fptosi %add3A_199 : vector<16xf32> to vector<16xi32>
    %swap3A_201 = arith.constant 48 : index
    %swap3A_202 = tpu.vector_load %arg15[%swap3A_201] {strides = array<i32>} : memref<64xi32, #tpu.memory_space<vmem>>, vector<16xi32>,
    tpu.vector_store %arg15[%swap3A_201], %convert_element_type3A_200 {strides = array<i32>} : memref<64xi32, #tpu.memory_space<vmem>>, vector<16xi32>,
    %get3A_203 = arith.constant 0 : index
    %get3A_204 = tpu.vector_load %arg14[%get3A_203] {strides = array<i32>} : memref<128xf32, #tpu.memory_space<vmem>>, vector<16xf32>,
    %convert_element_type3A_205 = arith.fptosi %get3A_204 : vector<16xf32> to vector<16xi32>
    %gather3A_206 = tpu.vector_load_idx %arg10[%convert_element_type3A_205] : memref<16xf32, #tpu.memory_space<vmem>>[vector<16xi32>], vector<16xf32>,
    %get3A_207 = arith.constant 0 : index
    %get3A_208 = tpu.vector_load %arg12[%get3A_207] {strides = array<i32>} : memref<128xf32, #tpu.memory_space<vmem>>, vector<16xf32>,
    %add3A_209 = arith.addf %get3A_208, %gather3A_206 : vector<16xf32>
    %add3A_210 = arith.constant 5.000000e-01 : f32
    %add3A_211 = vector.broadcast %add3A_210 : f32 to vector<16xf32>
    %add3A_212 = arith.addf %add3A_209, %add3A_211 : vector<16xf32>
    %convert_element_type3A_213 = arith.fptosi %add3A_212 : vector<16xf32> to vector<16xi32>
    %swap3A_214 = arith.constant 0 : index
    %swap3A_215 = tpu.vector_load %arg16[%swap3A_214] {strides = array<i32>} : memref<64xi32, #tpu.memory_space<vmem>>, vector<16xi32>,
    tpu.vector_store %arg16[%swap3A_214], %convert_element_type3A_213 {strides = array<i32>} : memref<64xi32, #tpu.memory_space<vmem>>, vector<16xi32>,
    %get3A_216 = arith.constant 16 : index
    %get3A_217 = tpu.vector_load %arg14[%get3A_216] {strides = array<i32>} : memref<128xf32, #tpu.memory_space<vmem>>, vector<16xf32>,
    %convert_element_type3A_218 = arith.fptosi %get3A_217 : vector<16xf32> to vector<16xi32>
    %gather3A_219 = tpu.vector_load_idx %arg10[%convert_element_type3A_218] : memref<16xf32, #tpu.memory_space<vmem>>[vector<16xi32>], vector<16xf32>,
    %get3A_220 = arith.constant 16 : index
    %get3A_221 = tpu.vector_load %arg12[%get3A_220] {strides = array<i32>} : memref<128xf32, #tpu.memory_space<vmem>>, vector<16xf32>,
    %add3A_222 = arith.addf %get3A_221, %gather3A_219 : vector<16xf32>
    %add3A_223 = arith.constant 5.000000e-01 : f32
    %add3A_224 = vector.broadcast %add3A_223 : f32 to vector<16xf32>
    %add3A_225 = arith.addf %add3A_222, %add3A_224 : vector<16xf32>
    %convert_element_type3A_226 = arith.fptosi %add3A_225 : vector<16xf32> to vector<16xi32>
    %swap3A_227 = arith.constant 16 : index
    %swap3A_228 = tpu.vector_load %arg16[%swap3A_227] {strides = array<i32>} : memref<64xi32, #tpu.memory_space<vmem>>, vector<16xi32>,
    tpu.vector_store %arg16[%swap3A_227], %convert_element_type3A_226 {strides = array<i32>} : memref<64xi32, #tpu.memory_space<vmem>>, vector<16xi32>,
    %get3A_229 = arith.constant 32 : index
    %get3A_230 = tpu.vector_load %arg14[%get3A_229] {strides = array<i32>} : memref<128xf32, #tpu.memory_space<vmem>>, vector<16xf32>,
    %convert_element_type3A_231 = arith.fptosi %get3A_230 : vector<16xf32> to vector<16xi32>
    %gather3A_232 = tpu.vector_load_idx %arg10[%convert_element_type3A_231] : memref<16xf32, #tpu.memory_space<vmem>>[vector<16xi32>], vector<16xf32>,
    %get3A_233 = arith.constant 32 : index
    %get3A_234 = tpu.vector_load %arg12[%get3A_233] {strides = array<i32>} : memref<128xf32, #tpu.memory_space<vmem>>, vector<16xf32>,
    %add3A_235 = arith.addf %get3A_234, %gather3A_232 : vector<16xf32>
    %add3A_236 = arith.constant 5.000000e-01 : f32
    %add3A_237 = vector.broadcast %add3A_236 : f32 to vector<16xf32>
    %add3A_238 = arith.addf %add3A_235, %add3A_237 : vector<16xf32>
    %convert_element_type3A_239 = arith.fptosi %add3A_238 : vector<16xf32> to vector<16xi32>
    %swap3A_240 = arith.constant 32 : index
    %swap3A_241 = tpu.vector_load %arg16[%swap3A_240] {strides = array<i32>} : memref<64xi32, #tpu.memory_space<vmem>>, vector<16xi32>,
    tpu.vector_store %arg16[%swap3A_240], %convert_element_type3A_239 {strides = array<i32>} : memref<64xi32, #tpu.memory_space<vmem>>, vector<16xi32>,
    %get3A_242 = arith.constant 48 : index
    %get3A_243 = tpu.vector_load %arg14[%get3A_242] {strides = array<i32>} : memref<128xf32, #tpu.memory_space<vmem>>, vector<16xf32>,
    %convert_element_type3A_244 = arith.fptosi %get3A_243 : vector<16xf32> to vector<16xi32>
    %gather3A_245 = tpu.vector_load_idx %arg10[%convert_element_type3A_244] : memref<16xf32, #tpu.memory_space<vmem>>[vector<16xi32>], vector<16xf32>,
    %get3A_246 = arith.constant 48 : index
    %get3A_247 = tpu.vector_load %arg12[%get3A_246] {strides = array<i32>} : memref<128xf32, #tpu.memory_space<vmem>>, vector<16xf32>,
    %add3A_248 = arith.addf %get3A_247, %gather3A_245 : vector<16xf32>
    %add3A_249 = arith.constant 5.000000e-01 : f32
    %add3A_250 = vector.broadcast %add3A_249 : f32 to vector<16xf32>
    %add3A_251 = arith.addf %add3A_248, %add3A_250 : vector<16xf32>
    %convert_element_type3A_252 = arith.fptosi %add3A_251 : vector<16xf32> to vector<16xi32>
    %swap3A_253 = arith.constant 48 : index
    %swap3A_254 = tpu.vector_load %arg16[%swap3A_253] {strides = array<i32>} : memref<64xi32, #tpu.memory_space<vmem>>, vector<16xi32>,
    tpu.vector_store %arg16[%swap3A_253], %convert_element_type3A_252 {strides = array<i32>} : memref<64xi32, #tpu.memory_space<vmem>>, vector<16xi32>,
    %dma_start3A = arith.constant 0 : i32
    %dma_start3A_255 = arith.constant 0 : i32
    %dma_start3A_256 = tpu.memref_slice %arg2[%dma_start3A, %dma_start3A_255] : memref<8192x512xi32, #tpu.memory_space<hbm>> -> memref<8192x512xi32, #tpu.memory_space<hbm>>
    tpu.enqueue_indirect_dma source(%dma_start3A_256 : memref<8192x512xi32, #tpu.memory_space<hbm>>) target(%arg17 : memref<64x512xi32, #tpu.memory_space<vmem>>) offsets(%arg15 : memref<64xi32, #tpu.memory_space<vmem>>) semaphore(%arg19 : memref<!tpu.dma_semaphore, #tpu.memory_space<semaphore_mem>>)
    %dma_start3A_257 = arith.constant 0 : i32
    %dma_start3A_258 = arith.constant 0 : i32
    %dma_start3A_259 = tpu.memref_slice %arg2[%dma_start3A_257, %dma_start3A_258] : memref<8192x512xi32, #tpu.memory_space<hbm>> -> memref<8192x512xi32, #tpu.memory_space<hbm>>
    tpu.enqueue_indirect_dma source(%dma_start3A_259 : memref<8192x512xi32, #tpu.memory_space<hbm>>) target(%arg18 : memref<64x512xi32, #tpu.memory_space<vmem>>) offsets(%arg16 : memref<64xi32, #tpu.memory_space<vmem>>) semaphore(%arg19 : memref<!tpu.dma_semaphore, #tpu.memory_space<semaphore_mem>>)
    %dma_wait3A = arith.constant 0 : i32
    %dma_wait3A_260 = arith.constant 0 : i32
    %dma_wait3A_261 = tpu.memref_slice %arg2[%dma_wait3A, %dma_wait3A_260] : memref<8192x512xi32, #tpu.memory_space<hbm>> -> memref<8192x512xi32, #tpu.memory_space<hbm>>
    tpu.wait_indirect_dma semaphore(%arg19 : memref<!tpu.dma_semaphore, #tpu.memory_space<semaphore_mem>>) src(%dma_wait3A_261 : memref<8192x512xi32, #tpu.memory_space<hbm>>) dst(%arg17 : memref<64x512xi32, #tpu.memory_space<vmem>>)
    %dma_wait3A_262 = arith.constant 0 : i32
    %dma_wait3A_263 = arith.constant 0 : i32
    %dma_wait3A_264 = tpu.memref_slice %arg2[%dma_wait3A_262, %dma_wait3A_263] : memref<8192x512xi32, #tpu.memory_space<hbm>> -> memref<8192x512xi32, #tpu.memory_space<hbm>>
    tpu.wait_indirect_dma semaphore(%arg19 : memref<!tpu.dma_semaphore, #tpu.memory_space<semaphore_mem>>) src(%dma_wait3A_264 : memref<8192x512xi32, #tpu.memory_space<hbm>>) dst(%arg18 : memref<64x512xi32, #tpu.memory_space<vmem>>)
    "tpu.region"() ({
      %run_scoped3A = tpu.sem_alloc : memref<!tpu.dma_semaphore, #tpu.memory_space<semaphore_mem>>
      %dma_start3A_383 = arith.constant 0 : i32
      %dma_start3A_384 = tpu.memref_slice %arg8[%add3A_154, %dma_start3A_383] : memref<4096x512xi32, #tpu.memory_space<hbm>> -> memref<64x512xi32, #tpu.memory_space<hbm>>
      %dma_start3A_385 = arith.constant 0 : i32
      %dma_start3A_386 = tpu.memref_slice %arg8[%add3A_154, %dma_start3A_385] : memref<4096x512xi32, #tpu.memory_space<hbm>> -> memref<64x512xi32, #tpu.memory_space<hbm>>
      tpu.enqueue_dma source(%arg17 : memref<64x512xi32, #tpu.memory_space<vmem>>) target(%dma_start3A_386 : memref<64x512xi32, #tpu.memory_space<hbm>>) target_semaphore(%run_scoped3A : memref<!tpu.dma_semaphore, #tpu.memory_space<semaphore_mem>>)
      %dma_wait3A_387 = arith.constant 0 : i32
      %dma_wait3A_388 = tpu.memref_slice %arg8[%add3A_154, %dma_wait3A_387] : memref<4096x512xi32, #tpu.memory_space<hbm>> -> memref<64x512xi32, #tpu.memory_space<hbm>>
      %dma_wait3A_389 = arith.constant 0 : i32
      %dma_wait3A_390 = tpu.memref_slice %arg8[%add3A_154, %dma_wait3A_389] : memref<4096x512xi32, #tpu.memory_space<hbm>> -> memref<64x512xi32, #tpu.memory_space<hbm>>
      tpu.wait_dma2 semaphore(%run_scoped3A : memref<!tpu.dma_semaphore, #tpu.memory_space<semaphore_mem>>) src(%arg17 : memref<64x512xi32, #tpu.memory_space<vmem>>) dst(%dma_wait3A_390 : memref<64x512xi32, #tpu.memory_space<hbm>>)
      tpu.yield
    }) : () -> ()
    "tpu.region"() ({
      %run_scoped3A = tpu.sem_alloc : memref<!tpu.dma_semaphore, #tpu.memory_space<semaphore_mem>>
      %dma_start3A_383 = arith.constant 0 : i32
      %dma_start3A_384 = tpu.memref_slice %arg9[%add3A_154, %dma_start3A_383] : memref<4096x512xi32, #tpu.memory_space<hbm>> -> memref<64x512xi32, #tpu.memory_space<hbm>>
      %dma_start3A_385 = arith.constant 0 : i32
      %dma_start3A_386 = tpu.memref_slice %arg9[%add3A_154, %dma_start3A_385] : memref<4096x512xi32, #tpu.memory_space<hbm>> -> memref<64x512xi32, #tpu.memory_space<hbm>>
      tpu.enqueue_dma source(%arg18 : memref<64x512xi32, #tpu.memory_space<vmem>>) target(%dma_start3A_386 : memref<64x512xi32, #tpu.memory_space<hbm>>) target_semaphore(%run_scoped3A : memref<!tpu.dma_semaphore, #tpu.memory_space<semaphore_mem>>)
      %dma_wait3A_387 = arith.constant 0 : i32
      %dma_wait3A_388 = tpu.memref_slice %arg9[%add3A_154, %dma_wait3A_387] : memref<4096x512xi32, #tpu.memory_space<hbm>> -> memref<64x512xi32, #tpu.memory_space<hbm>>
      %dma_wait3A_389 = arith.constant 0 : i32
      %dma_wait3A_390 = tpu.memref_slice %arg9[%add3A_154, %dma_wait3A_389] : memref<4096x512xi32, #tpu.memory_space<hbm>> -> memref<64x512xi32, #tpu.memory_space<hbm>>
      tpu.wait_dma2 semaphore(%run_scoped3A : memref<!tpu.dma_semaphore, #tpu.memory_space<semaphore_mem>>) src(%arg18 : memref<64x512xi32, #tpu.memory_space<vmem>>) dst(%dma_wait3A_390 : memref<64x512xi32, #tpu.memory_space<hbm>>)
      tpu.yield
    }) : () -> ()
    %add3A_265 = arith.constant 64 : i32
    %add3A_266 = arith.addi %mul3A_2, %add3A_265 : i32
    %get3A_267 = arith.constant 64 : index
    %get3A_268 = tpu.vector_load %arg13[%get3A_267] {strides = array<i32>} : memref<128xf32, #tpu.memory_space<vmem>>, vector<16xf32>,
    %convert_element_type3A_269 = arith.fptosi %get3A_268 : vector<16xf32> to vector<16xi32>
    %gather3A_270 = tpu.vector_load_idx %arg10[%convert_element_type3A_269] : memref<16xf32, #tpu.memory_space<vmem>>[vector<16xi32>], vector<16xf32>,
    %get3A_271 = arith.constant 64 : index
    %get3A_272 = tpu.vector_load %arg11[%get3A_271] {strides = array<i32>} : memref<128xf32, #tpu.memory_space<vmem>>, vector<16xf32>,
    %add3A_273 = arith.addf %get3A_272, %gather3A_270 : vector<16xf32>
    %add3A_274 = arith.constant 5.000000e-01 : f32
    %add3A_275 = vector.broadcast %add3A_274 : f32 to vector<16xf32>
    %add3A_276 = arith.addf %add3A_273, %add3A_275 : vector<16xf32>
    %convert_element_type3A_277 = arith.fptosi %add3A_276 : vector<16xf32> to vector<16xi32>
    %swap3A_278 = arith.constant 0 : index
    %swap3A_279 = tpu.vector_load %arg15[%swap3A_278] {strides = array<i32>} : memref<64xi32, #tpu.memory_space<vmem>>, vector<16xi32>,
    tpu.vector_store %arg15[%swap3A_278], %convert_element_type3A_277 {strides = array<i32>} : memref<64xi32, #tpu.memory_space<vmem>>, vector<16xi32>,
    %get3A_280 = arith.constant 80 : index
    %get3A_281 = tpu.vector_load %arg13[%get3A_280] {strides = array<i32>} : memref<128xf32, #tpu.memory_space<vmem>>, vector<16xf32>,
    %convert_element_type3A_282 = arith.fptosi %get3A_281 : vector<16xf32> to vector<16xi32>
    %gather3A_283 = tpu.vector_load_idx %arg10[%convert_element_type3A_282] : memref<16xf32, #tpu.memory_space<vmem>>[vector<16xi32>], vector<16xf32>,
    %get3A_284 = arith.constant 80 : index
    %get3A_285 = tpu.vector_load %arg11[%get3A_284] {strides = array<i32>} : memref<128xf32, #tpu.memory_space<vmem>>, vector<16xf32>,
    %add3A_286 = arith.addf %get3A_285, %gather3A_283 : vector<16xf32>
    %add3A_287 = arith.constant 5.000000e-01 : f32
    %add3A_288 = vector.broadcast %add3A_287 : f32 to vector<16xf32>
    %add3A_289 = arith.addf %add3A_286, %add3A_288 : vector<16xf32>
    %convert_element_type3A_290 = arith.fptosi %add3A_289 : vector<16xf32> to vector<16xi32>
    %swap3A_291 = arith.constant 16 : index
    %swap3A_292 = tpu.vector_load %arg15[%swap3A_291] {strides = array<i32>} : memref<64xi32, #tpu.memory_space<vmem>>, vector<16xi32>,
    tpu.vector_store %arg15[%swap3A_291], %convert_element_type3A_290 {strides = array<i32>} : memref<64xi32, #tpu.memory_space<vmem>>, vector<16xi32>,
    %get3A_293 = arith.constant 96 : index
    %get3A_294 = tpu.vector_load %arg13[%get3A_293] {strides = array<i32>} : memref<128xf32, #tpu.memory_space<vmem>>, vector<16xf32>,
    %convert_element_type3A_295 = arith.fptosi %get3A_294 : vector<16xf32> to vector<16xi32>
    %gather3A_296 = tpu.vector_load_idx %arg10[%convert_element_type3A_295] : memref<16xf32, #tpu.memory_space<vmem>>[vector<16xi32>], vector<16xf32>,
    %get3A_297 = arith.constant 96 : index
    %get3A_298 = tpu.vector_load %arg11[%get3A_297] {strides = array<i32>} : memref<128xf32, #tpu.memory_space<vmem>>, vector<16xf32>,
    %add3A_299 = arith.addf %get3A_298, %gather3A_296 : vector<16xf32>
    %add3A_300 = arith.constant 5.000000e-01 : f32
    %add3A_301 = vector.broadcast %add3A_300 : f32 to vector<16xf32>
    %add3A_302 = arith.addf %add3A_299, %add3A_301 : vector<16xf32>
    %convert_element_type3A_303 = arith.fptosi %add3A_302 : vector<16xf32> to vector<16xi32>
    %swap3A_304 = arith.constant 32 : index
    %swap3A_305 = tpu.vector_load %arg15[%swap3A_304] {strides = array<i32>} : memref<64xi32, #tpu.memory_space<vmem>>, vector<16xi32>,
    tpu.vector_store %arg15[%swap3A_304], %convert_element_type3A_303 {strides = array<i32>} : memref<64xi32, #tpu.memory_space<vmem>>, vector<16xi32>,
    %get3A_306 = arith.constant 112 : index
    %get3A_307 = tpu.vector_load %arg13[%get3A_306] {strides = array<i32>} : memref<128xf32, #tpu.memory_space<vmem>>, vector<16xf32>,
    %convert_element_type3A_308 = arith.fptosi %get3A_307 : vector<16xf32> to vector<16xi32>
    %gather3A_309 = tpu.vector_load_idx %arg10[%convert_element_type3A_308] : memref<16xf32, #tpu.memory_space<vmem>>[vector<16xi32>], vector<16xf32>,
    %get3A_310 = arith.constant 112 : index
    %get3A_311 = tpu.vector_load %arg11[%get3A_310] {strides = array<i32>} : memref<128xf32, #tpu.memory_space<vmem>>, vector<16xf32>,
    %add3A_312 = arith.addf %get3A_311, %gather3A_309 : vector<16xf32>
    %add3A_313 = arith.constant 5.000000e-01 : f32
    %add3A_314 = vector.broadcast %add3A_313 : f32 to vector<16xf32>
    %add3A_315 = arith.addf %add3A_312, %add3A_314 : vector<16xf32>
    %convert_element_type3A_316 = arith.fptosi %add3A_315 : vector<16xf32> to vector<16xi32>
    %swap3A_317 = arith.constant 48 : index
    %swap3A_318 = tpu.vector_load %arg15[%swap3A_317] {strides = array<i32>} : memref<64xi32, #tpu.memory_space<vmem>>, vector<16xi32>,
    tpu.vector_store %arg15[%swap3A_317], %convert_element_type3A_316 {strides = array<i32>} : memref<64xi32, #tpu.memory_space<vmem>>, vector<16xi32>,
    %get3A_319 = arith.constant 64 : index
    %get3A_320 = tpu.vector_load %arg14[%get3A_319] {strides = array<i32>} : memref<128xf32, #tpu.memory_space<vmem>>, vector<16xf32>,
    %convert_element_type3A_321 = arith.fptosi %get3A_320 : vector<16xf32> to vector<16xi32>
    %gather3A_322 = tpu.vector_load_idx %arg10[%convert_element_type3A_321] : memref<16xf32, #tpu.memory_space<vmem>>[vector<16xi32>], vector<16xf32>,
    %get3A_323 = arith.constant 64 : index
    %get3A_324 = tpu.vector_load %arg12[%get3A_323] {strides = array<i32>} : memref<128xf32, #tpu.memory_space<vmem>>, vector<16xf32>,
    %add3A_325 = arith.addf %get3A_324, %gather3A_322 : vector<16xf32>
    %add3A_326 = arith.constant 5.000000e-01 : f32
    %add3A_327 = vector.broadcast %add3A_326 : f32 to vector<16xf32>
    %add3A_328 = arith.addf %add3A_325, %add3A_327 : vector<16xf32>
    %convert_element_type3A_329 = arith.fptosi %add3A_328 : vector<16xf32> to vector<16xi32>
    %swap3A_330 = arith.constant 0 : index
    %swap3A_331 = tpu.vector_load %arg16[%swap3A_330] {strides = array<i32>} : memref<64xi32, #tpu.memory_space<vmem>>, vector<16xi32>,
    tpu.vector_store %arg16[%swap3A_330], %convert_element_type3A_329 {strides = array<i32>} : memref<64xi32, #tpu.memory_space<vmem>>, vector<16xi32>,
    %get3A_332 = arith.constant 80 : index
    %get3A_333 = tpu.vector_load %arg14[%get3A_332] {strides = array<i32>} : memref<128xf32, #tpu.memory_space<vmem>>, vector<16xf32>,
    %convert_element_type3A_334 = arith.fptosi %get3A_333 : vector<16xf32> to vector<16xi32>
    %gather3A_335 = tpu.vector_load_idx %arg10[%convert_element_type3A_334] : memref<16xf32, #tpu.memory_space<vmem>>[vector<16xi32>], vector<16xf32>,
    %get3A_336 = arith.constant 80 : index
    %get3A_337 = tpu.vector_load %arg12[%get3A_336] {strides = array<i32>} : memref<128xf32, #tpu.memory_space<vmem>>, vector<16xf32>,
    %add3A_338 = arith.addf %get3A_337, %gather3A_335 : vector<16xf32>
    %add3A_339 = arith.constant 5.000000e-01 : f32
    %add3A_340 = vector.broadcast %add3A_339 : f32 to vector<16xf32>
    %add3A_341 = arith.addf %add3A_338, %add3A_340 : vector<16xf32>
    %convert_element_type3A_342 = arith.fptosi %add3A_341 : vector<16xf32> to vector<16xi32>
    %swap3A_343 = arith.constant 16 : index
    %swap3A_344 = tpu.vector_load %arg16[%swap3A_343] {strides = array<i32>} : memref<64xi32, #tpu.memory_space<vmem>>, vector<16xi32>,
    tpu.vector_store %arg16[%swap3A_343], %convert_element_type3A_342 {strides = array<i32>} : memref<64xi32, #tpu.memory_space<vmem>>, vector<16xi32>,
    %get3A_345 = arith.constant 96 : index
    %get3A_346 = tpu.vector_load %arg14[%get3A_345] {strides = array<i32>} : memref<128xf32, #tpu.memory_space<vmem>>, vector<16xf32>,
    %convert_element_type3A_347 = arith.fptosi %get3A_346 : vector<16xf32> to vector<16xi32>
    %gather3A_348 = tpu.vector_load_idx %arg10[%convert_element_type3A_347] : memref<16xf32, #tpu.memory_space<vmem>>[vector<16xi32>], vector<16xf32>,
    %get3A_349 = arith.constant 96 : index
    %get3A_350 = tpu.vector_load %arg12[%get3A_349] {strides = array<i32>} : memref<128xf32, #tpu.memory_space<vmem>>, vector<16xf32>,
    %add3A_351 = arith.addf %get3A_350, %gather3A_348 : vector<16xf32>
    %add3A_352 = arith.constant 5.000000e-01 : f32
    %add3A_353 = vector.broadcast %add3A_352 : f32 to vector<16xf32>
    %add3A_354 = arith.addf %add3A_351, %add3A_353 : vector<16xf32>
    %convert_element_type3A_355 = arith.fptosi %add3A_354 : vector<16xf32> to vector<16xi32>
    %swap3A_356 = arith.constant 32 : index
    %swap3A_357 = tpu.vector_load %arg16[%swap3A_356] {strides = array<i32>} : memref<64xi32, #tpu.memory_space<vmem>>, vector<16xi32>,
    tpu.vector_store %arg16[%swap3A_356], %convert_element_type3A_355 {strides = array<i32>} : memref<64xi32, #tpu.memory_space<vmem>>, vector<16xi32>,
    %get3A_358 = arith.constant 112 : index
    %get3A_359 = tpu.vector_load %arg14[%get3A_358] {strides = array<i32>} : memref<128xf32, #tpu.memory_space<vmem>>, vector<16xf32>,
    %convert_element_type3A_360 = arith.fptosi %get3A_359 : vector<16xf32> to vector<16xi32>
    %gather3A_361 = tpu.vector_load_idx %arg10[%convert_element_type3A_360] : memref<16xf32, #tpu.memory_space<vmem>>[vector<16xi32>], vector<16xf32>,
    %get3A_362 = arith.constant 112 : index
    %get3A_363 = tpu.vector_load %arg12[%get3A_362] {strides = array<i32>} : memref<128xf32, #tpu.memory_space<vmem>>, vector<16xf32>,
    %add3A_364 = arith.addf %get3A_363, %gather3A_361 : vector<16xf32>
    %add3A_365 = arith.constant 5.000000e-01 : f32
    %add3A_366 = vector.broadcast %add3A_365 : f32 to vector<16xf32>
    %add3A_367 = arith.addf %add3A_364, %add3A_366 : vector<16xf32>
    %convert_element_type3A_368 = arith.fptosi %add3A_367 : vector<16xf32> to vector<16xi32>
    %swap3A_369 = arith.constant 48 : index
    %swap3A_370 = tpu.vector_load %arg16[%swap3A_369] {strides = array<i32>} : memref<64xi32, #tpu.memory_space<vmem>>, vector<16xi32>,
    tpu.vector_store %arg16[%swap3A_369], %convert_element_type3A_368 {strides = array<i32>} : memref<64xi32, #tpu.memory_space<vmem>>, vector<16xi32>,
    %dma_start3A_371 = arith.constant 0 : i32
    %dma_start3A_372 = arith.constant 0 : i32
    %dma_start3A_373 = tpu.memref_slice %arg2[%dma_start3A_371, %dma_start3A_372] : memref<8192x512xi32, #tpu.memory_space<hbm>> -> memref<8192x512xi32, #tpu.memory_space<hbm>>
    tpu.enqueue_indirect_dma source(%dma_start3A_373 : memref<8192x512xi32, #tpu.memory_space<hbm>>) target(%arg17 : memref<64x512xi32, #tpu.memory_space<vmem>>) offsets(%arg15 : memref<64xi32, #tpu.memory_space<vmem>>) semaphore(%arg19 : memref<!tpu.dma_semaphore, #tpu.memory_space<semaphore_mem>>)
    %dma_start3A_374 = arith.constant 0 : i32
    %dma_start3A_375 = arith.constant 0 : i32
    %dma_start3A_376 = tpu.memref_slice %arg2[%dma_start3A_374, %dma_start3A_375] : memref<8192x512xi32, #tpu.memory_space<hbm>> -> memref<8192x512xi32, #tpu.memory_space<hbm>>
    tpu.enqueue_indirect_dma source(%dma_start3A_376 : memref<8192x512xi32, #tpu.memory_space<hbm>>) target(%arg18 : memref<64x512xi32, #tpu.memory_space<vmem>>) offsets(%arg16 : memref<64xi32, #tpu.memory_space<vmem>>) semaphore(%arg19 : memref<!tpu.dma_semaphore, #tpu.memory_space<semaphore_mem>>)
    %dma_wait3A_377 = arith.constant 0 : i32
    %dma_wait3A_378 = arith.constant 0 : i32
    %dma_wait3A_379 = tpu.memref_slice %arg2[%dma_wait3A_377, %dma_wait3A_378] : memref<8192x512xi32, #tpu.memory_space<hbm>> -> memref<8192x512xi32, #tpu.memory_space<hbm>>
    tpu.wait_indirect_dma semaphore(%arg19 : memref<!tpu.dma_semaphore, #tpu.memory_space<semaphore_mem>>) src(%dma_wait3A_379 : memref<8192x512xi32, #tpu.memory_space<hbm>>) dst(%arg17 : memref<64x512xi32, #tpu.memory_space<vmem>>)
    %dma_wait3A_380 = arith.constant 0 : i32
    %dma_wait3A_381 = arith.constant 0 : i32
    %dma_wait3A_382 = tpu.memref_slice %arg2[%dma_wait3A_380, %dma_wait3A_381] : memref<8192x512xi32, #tpu.memory_space<hbm>> -> memref<8192x512xi32, #tpu.memory_space<hbm>>
    tpu.wait_indirect_dma semaphore(%arg19 : memref<!tpu.dma_semaphore, #tpu.memory_space<semaphore_mem>>) src(%dma_wait3A_382 : memref<8192x512xi32, #tpu.memory_space<hbm>>) dst(%arg18 : memref<64x512xi32, #tpu.memory_space<vmem>>)
    "tpu.region"() ({
      %run_scoped3A = tpu.sem_alloc : memref<!tpu.dma_semaphore, #tpu.memory_space<semaphore_mem>>
      %dma_start3A_383 = arith.constant 0 : i32
      %dma_start3A_384 = tpu.memref_slice %arg8[%add3A_266, %dma_start3A_383] : memref<4096x512xi32, #tpu.memory_space<hbm>> -> memref<64x512xi32, #tpu.memory_space<hbm>>
      %dma_start3A_385 = arith.constant 0 : i32
      %dma_start3A_386 = tpu.memref_slice %arg8[%add3A_266, %dma_start3A_385] : memref<4096x512xi32, #tpu.memory_space<hbm>> -> memref<64x512xi32, #tpu.memory_space<hbm>>
      tpu.enqueue_dma source(%arg17 : memref<64x512xi32, #tpu.memory_space<vmem>>) target(%dma_start3A_386 : memref<64x512xi32, #tpu.memory_space<hbm>>) target_semaphore(%run_scoped3A : memref<!tpu.dma_semaphore, #tpu.memory_space<semaphore_mem>>)
      %dma_wait3A_387 = arith.constant 0 : i32
      %dma_wait3A_388 = tpu.memref_slice %arg8[%add3A_266, %dma_wait3A_387] : memref<4096x512xi32, #tpu.memory_space<hbm>> -> memref<64x512xi32, #tpu.memory_space<hbm>>
      %dma_wait3A_389 = arith.constant 0 : i32
      %dma_wait3A_390 = tpu.memref_slice %arg8[%add3A_266, %dma_wait3A_389] : memref<4096x512xi32, #tpu.memory_space<hbm>> -> memref<64x512xi32, #tpu.memory_space<hbm>>
      tpu.wait_dma2 semaphore(%run_scoped3A : memref<!tpu.dma_semaphore, #tpu.memory_space<semaphore_mem>>) src(%arg17 : memref<64x512xi32, #tpu.memory_space<vmem>>) dst(%dma_wait3A_390 : memref<64x512xi32, #tpu.memory_space<hbm>>)
      tpu.yield
    }) : () -> ()
    "tpu.region"() ({
      %run_scoped3A = tpu.sem_alloc : memref<!tpu.dma_semaphore, #tpu.memory_space<semaphore_mem>>
      %dma_start3A_383 = arith.constant 0 : i32
      %dma_start3A_384 = tpu.memref_slice %arg9[%add3A_266, %dma_start3A_383] : memref<4096x512xi32, #tpu.memory_space<hbm>> -> memref<64x512xi32, #tpu.memory_space<hbm>>
      %dma_start3A_385 = arith.constant 0 : i32
      %dma_start3A_386 = tpu.memref_slice %arg9[%add3A_266, %dma_start3A_385] : memref<4096x512xi32, #tpu.memory_space<hbm>> -> memref<64x512xi32, #tpu.memory_space<hbm>>
      tpu.enqueue_dma source(%arg18 : memref<64x512xi32, #tpu.memory_space<vmem>>) target(%dma_start3A_386 : memref<64x512xi32, #tpu.memory_space<hbm>>) target_semaphore(%run_scoped3A : memref<!tpu.dma_semaphore, #tpu.memory_space<semaphore_mem>>)
      %dma_wait3A_387 = arith.constant 0 : i32
      %dma_wait3A_388 = tpu.memref_slice %arg9[%add3A_266, %dma_wait3A_387] : memref<4096x512xi32, #tpu.memory_space<hbm>> -> memref<64x512xi32, #tpu.memory_space<hbm>>
      %dma_wait3A_389 = arith.constant 0 : i32
      %dma_wait3A_390 = tpu.memref_slice %arg9[%add3A_266, %dma_wait3A_389] : memref<4096x512xi32, #tpu.memory_space<hbm>> -> memref<64x512xi32, #tpu.memory_space<hbm>>
      tpu.wait_dma2 semaphore(%run_scoped3A : memref<!tpu.dma_semaphore, #tpu.memory_space<semaphore_mem>>) src(%arg18 : memref<64x512xi32, #tpu.memory_space<vmem>>) dst(%dma_wait3A_390 : memref<64x512xi32, #tpu.memory_space<hbm>>)
      tpu.yield
    }) : () -> ()
    return
  }
}

#map = affine_map<(d0, d1) -> (0, 0)>
#map1 = affine_map<(d0, d1) -> (0, 0, 0)>
#map2 = affine_map<(d0, d1) -> (0)>
module attributes {stable_mosaic.version = 14 : i64} {
  func.func @_dispatch_body(%arg0: i32, %arg1: i32, %arg2: memref<4096x512xi32, #tpu.memory_space<hbm>>, %arg3: memref<16x2x128xf32, #tpu.memory_space<hbm>>, %arg4: memref<16x2x128xf32, #tpu.memory_space<hbm>>, %arg5: memref<16x2x128xf32, #tpu.memory_space<hbm>>, %arg6: memref<16x2x128xf32, #tpu.memory_space<hbm>>, %arg7: memref<16xf32, #tpu.memory_space<hbm>>, %arg8: memref<8192x512xi32, #tpu.memory_space<hbm>>, %arg9: memref<16xf32, #tpu.memory_space<vmem>>, %arg10: memref<128xf32, #tpu.memory_space<vmem>>, %arg11: memref<128xf32, #tpu.memory_space<vmem>>, %arg12: memref<128xf32, #tpu.memory_space<vmem>>, %arg13: memref<128xf32, #tpu.memory_space<vmem>>, %arg14: memref<128xi32, #tpu.memory_space<vmem>>, %arg15: memref<128xi32, #tpu.memory_space<vmem>>, %arg16: memref<128x512xi32, #tpu.memory_space<vmem>>, %arg17: memref<!tpu.dma_semaphore, #tpu.memory_space<semaphore_mem>>) attributes {dimension_semantics = [#tpu.dimension_semantics<core_parallel>, #tpu.dimension_semantics<subcore_parallel>], iteration_bounds = array<i64: 2, 16>, scalar_prefetch = 0 : i64, scratch_operands = 9 : i64, tpu.core_type = #tpu.core_type<sc_vector_subcore>, window_params = [{transform_indices = #map}, {transform_indices = #map1}, {transform_indices = #map1}, {transform_indices = #map1}, {transform_indices = #map1}, {transform_indices = #map2}, {transform_indices = #map}]} {
    %mul3A = arith.constant 2 : i32
    %mul3A_0 = arith.muli %arg1, %mul3A : i32
    %add3A = arith.addi %mul3A_0, %arg0 : i32
    %mul3A_1 = arith.constant 128 : i32
    %mul3A_2 = arith.muli %add3A, %mul3A_1 : i32
    "tpu.region"() ({
      %run_scoped3A = tpu.sem_alloc : memref<!tpu.dma_semaphore, #tpu.memory_space<semaphore_mem>>
      tpu.enqueue_dma source(%arg7 : memref<16xf32, #tpu.memory_space<hbm>>) target(%arg9 : memref<16xf32, #tpu.memory_space<vmem>>) target_semaphore(%run_scoped3A : memref<!tpu.dma_semaphore, #tpu.memory_space<semaphore_mem>>)
      tpu.wait_dma2 semaphore(%run_scoped3A : memref<!tpu.dma_semaphore, #tpu.memory_space<semaphore_mem>>) src(%arg7 : memref<16xf32, #tpu.memory_space<hbm>>) dst(%arg9 : memref<16xf32, #tpu.memory_space<vmem>>)
      tpu.yield
    }) : () -> ()
    %jit3A = arith.constant 2 : i32
    %div3A = arith.divsi %add3A, %jit3A : i32
    %sign3A = arith.constant 0 : i32
    %sign3A_3 = arith.cmpi sgt, %add3A, %sign3A : i32
    %sign3A_4 = arith.extui %sign3A_3 : i1 to i32
    %sign3A_5 = arith.constant 0 : i32
    %sign3A_6 = arith.cmpi slt, %add3A, %sign3A_5 : i32
    %sign3A_7 = arith.extui %sign3A_6 : i1 to i32
    %sign3A_8 = arith.subi %sign3A_4, %sign3A_7 : i32
    %sign3A_9 = arith.constant 0 : i32
    %sign3A_10 = arith.cmpi sgt, %jit3A, %sign3A_9 : i32
    %sign3A_11 = arith.extui %sign3A_10 : i1 to i32
    %sign3A_12 = arith.constant 0 : i32
    %sign3A_13 = arith.cmpi slt, %jit3A, %sign3A_12 : i32
    %sign3A_14 = arith.extui %sign3A_13 : i1 to i32
    %sign3A_15 = arith.subi %sign3A_11, %sign3A_14 : i32
    %ne3A = arith.cmpi ne, %sign3A_8, %sign3A_15 : i32
    %rem3A = arith.remsi %add3A, %jit3A : i32
    %ne3A_16 = arith.constant 0 : i32
    %ne3A_17 = arith.cmpi ne, %rem3A, %ne3A_16 : i32
    %and3A = arith.andi %ne3A, %ne3A_17 : i1
    %sub3A = arith.constant 1 : i32
    %sub3A_18 = arith.subi %div3A, %sub3A : i32
    %select_n3A = arith.select %and3A, %sub3A_18, %div3A : i32
    %jit3A_19 = arith.constant 2 : i32
    %eq3A = arith.constant 0 : i32
    %eq3A_20 = arith.cmpi eq, %jit3A_19, %eq3A : i32
    %jit3A_21 = arith.constant 1 : i32
    %select_n3A_22 = arith.select %eq3A_20, %jit3A_21, %jit3A_19 : i32
    %rem3A_23 = arith.remsi %add3A, %select_n3A_22 : i32
    %ne3A_24 = arith.constant 0 : i32
    %ne3A_25 = arith.cmpi ne, %rem3A_23, %ne3A_24 : i32
    %lt3A = arith.constant 0 : i32
    %lt3A_26 = arith.cmpi slt, %rem3A_23, %lt3A : i32
    %lt3A_27 = arith.constant 0 : i32
    %lt3A_28 = arith.cmpi slt, %select_n3A_22, %lt3A_27 : i32
    %ne3A_29 = arith.xori %lt3A_26, %lt3A_28 : i1
    %and3A_30 = arith.andi %ne3A_29, %ne3A_25 : i1
    %add3A_31 = arith.addi %rem3A_23, %select_n3A_22 : i32
    %select_n3A_32 = arith.select %and3A_30, %add3A_31, %rem3A_23 : i32
    "tpu.region"() ({
      %run_scoped3A = tpu.sem_alloc : memref<!tpu.dma_semaphore, #tpu.memory_space<semaphore_mem>>
      %dma_start3A_369 = arith.constant 0 : i32
      %dma_start3A_370 = tpu.memref_slice %arg3[%select_n3A, %select_n3A_32, %dma_start3A_369] : memref<16x2x128xf32, #tpu.memory_space<hbm>> -> memref<1x1x128xf32, #tpu.memory_space<hbm>>
      %dma_start3A_371 = tpu.memref_squeeze %dma_start3A_370 : memref<1x1x128xf32, #tpu.memory_space<hbm>> -> memref<128xf32, #tpu.memory_space<hbm>>
      %dma_start3A_372 = arith.constant 0 : i32
      %dma_start3A_373 = tpu.memref_slice %arg3[%select_n3A, %select_n3A_32, %dma_start3A_372] : memref<16x2x128xf32, #tpu.memory_space<hbm>> -> memref<1x1x128xf32, #tpu.memory_space<hbm>>
      %dma_start3A_374 = tpu.memref_squeeze %dma_start3A_373 : memref<1x1x128xf32, #tpu.memory_space<hbm>> -> memref<128xf32, #tpu.memory_space<hbm>>
      tpu.enqueue_dma source(%dma_start3A_374 : memref<128xf32, #tpu.memory_space<hbm>>) target(%arg10 : memref<128xf32, #tpu.memory_space<vmem>>) target_semaphore(%run_scoped3A : memref<!tpu.dma_semaphore, #tpu.memory_space<semaphore_mem>>)
      %dma_wait3A_375 = arith.constant 0 : i32
      %dma_wait3A_376 = tpu.memref_slice %arg3[%select_n3A, %select_n3A_32, %dma_wait3A_375] : memref<16x2x128xf32, #tpu.memory_space<hbm>> -> memref<1x1x128xf32, #tpu.memory_space<hbm>>
      %dma_wait3A_377 = tpu.memref_squeeze %dma_wait3A_376 : memref<1x1x128xf32, #tpu.memory_space<hbm>> -> memref<128xf32, #tpu.memory_space<hbm>>
      %dma_wait3A_378 = arith.constant 0 : i32
      %dma_wait3A_379 = tpu.memref_slice %arg3[%select_n3A, %select_n3A_32, %dma_wait3A_378] : memref<16x2x128xf32, #tpu.memory_space<hbm>> -> memref<1x1x128xf32, #tpu.memory_space<hbm>>
      %dma_wait3A_380 = tpu.memref_squeeze %dma_wait3A_379 : memref<1x1x128xf32, #tpu.memory_space<hbm>> -> memref<128xf32, #tpu.memory_space<hbm>>
      tpu.wait_dma2 semaphore(%run_scoped3A : memref<!tpu.dma_semaphore, #tpu.memory_space<semaphore_mem>>) src(%dma_wait3A_380 : memref<128xf32, #tpu.memory_space<hbm>>) dst(%arg10 : memref<128xf32, #tpu.memory_space<vmem>>)
      tpu.yield
    }) : () -> ()
    %jit3A_33 = arith.constant 2 : i32
    %div3A_34 = arith.divsi %add3A, %jit3A_33 : i32
    %sign3A_35 = arith.constant 0 : i32
    %sign3A_36 = arith.cmpi sgt, %add3A, %sign3A_35 : i32
    %sign3A_37 = arith.extui %sign3A_36 : i1 to i32
    %sign3A_38 = arith.constant 0 : i32
    %sign3A_39 = arith.cmpi slt, %add3A, %sign3A_38 : i32
    %sign3A_40 = arith.extui %sign3A_39 : i1 to i32
    %sign3A_41 = arith.subi %sign3A_37, %sign3A_40 : i32
    %sign3A_42 = arith.constant 0 : i32
    %sign3A_43 = arith.cmpi sgt, %jit3A_33, %sign3A_42 : i32
    %sign3A_44 = arith.extui %sign3A_43 : i1 to i32
    %sign3A_45 = arith.constant 0 : i32
    %sign3A_46 = arith.cmpi slt, %jit3A_33, %sign3A_45 : i32
    %sign3A_47 = arith.extui %sign3A_46 : i1 to i32
    %sign3A_48 = arith.subi %sign3A_44, %sign3A_47 : i32
    %ne3A_49 = arith.cmpi ne, %sign3A_41, %sign3A_48 : i32
    %rem3A_50 = arith.remsi %add3A, %jit3A_33 : i32
    %ne3A_51 = arith.constant 0 : i32
    %ne3A_52 = arith.cmpi ne, %rem3A_50, %ne3A_51 : i32
    %and3A_53 = arith.andi %ne3A_49, %ne3A_52 : i1
    %sub3A_54 = arith.constant 1 : i32
    %sub3A_55 = arith.subi %div3A_34, %sub3A_54 : i32
    %select_n3A_56 = arith.select %and3A_53, %sub3A_55, %div3A_34 : i32
    %jit3A_57 = arith.constant 2 : i32
    %eq3A_58 = arith.constant 0 : i32
    %eq3A_59 = arith.cmpi eq, %jit3A_57, %eq3A_58 : i32
    %jit3A_60 = arith.constant 1 : i32
    %select_n3A_61 = arith.select %eq3A_59, %jit3A_60, %jit3A_57 : i32
    %rem3A_62 = arith.remsi %add3A, %select_n3A_61 : i32
    %ne3A_63 = arith.constant 0 : i32
    %ne3A_64 = arith.cmpi ne, %rem3A_62, %ne3A_63 : i32
    %lt3A_65 = arith.constant 0 : i32
    %lt3A_66 = arith.cmpi slt, %rem3A_62, %lt3A_65 : i32
    %lt3A_67 = arith.constant 0 : i32
    %lt3A_68 = arith.cmpi slt, %select_n3A_61, %lt3A_67 : i32
    %ne3A_69 = arith.xori %lt3A_66, %lt3A_68 : i1
    %and3A_70 = arith.andi %ne3A_69, %ne3A_64 : i1
    %add3A_71 = arith.addi %rem3A_62, %select_n3A_61 : i32
    %select_n3A_72 = arith.select %and3A_70, %add3A_71, %rem3A_62 : i32
    "tpu.region"() ({
      %run_scoped3A = tpu.sem_alloc : memref<!tpu.dma_semaphore, #tpu.memory_space<semaphore_mem>>
      %dma_start3A_369 = arith.constant 0 : i32
      %dma_start3A_370 = tpu.memref_slice %arg4[%select_n3A_56, %select_n3A_72, %dma_start3A_369] : memref<16x2x128xf32, #tpu.memory_space<hbm>> -> memref<1x1x128xf32, #tpu.memory_space<hbm>>
      %dma_start3A_371 = tpu.memref_squeeze %dma_start3A_370 : memref<1x1x128xf32, #tpu.memory_space<hbm>> -> memref<128xf32, #tpu.memory_space<hbm>>
      %dma_start3A_372 = arith.constant 0 : i32
      %dma_start3A_373 = tpu.memref_slice %arg4[%select_n3A_56, %select_n3A_72, %dma_start3A_372] : memref<16x2x128xf32, #tpu.memory_space<hbm>> -> memref<1x1x128xf32, #tpu.memory_space<hbm>>
      %dma_start3A_374 = tpu.memref_squeeze %dma_start3A_373 : memref<1x1x128xf32, #tpu.memory_space<hbm>> -> memref<128xf32, #tpu.memory_space<hbm>>
      tpu.enqueue_dma source(%dma_start3A_374 : memref<128xf32, #tpu.memory_space<hbm>>) target(%arg11 : memref<128xf32, #tpu.memory_space<vmem>>) target_semaphore(%run_scoped3A : memref<!tpu.dma_semaphore, #tpu.memory_space<semaphore_mem>>)
      %dma_wait3A_375 = arith.constant 0 : i32
      %dma_wait3A_376 = tpu.memref_slice %arg4[%select_n3A_56, %select_n3A_72, %dma_wait3A_375] : memref<16x2x128xf32, #tpu.memory_space<hbm>> -> memref<1x1x128xf32, #tpu.memory_space<hbm>>
      %dma_wait3A_377 = tpu.memref_squeeze %dma_wait3A_376 : memref<1x1x128xf32, #tpu.memory_space<hbm>> -> memref<128xf32, #tpu.memory_space<hbm>>
      %dma_wait3A_378 = arith.constant 0 : i32
      %dma_wait3A_379 = tpu.memref_slice %arg4[%select_n3A_56, %select_n3A_72, %dma_wait3A_378] : memref<16x2x128xf32, #tpu.memory_space<hbm>> -> memref<1x1x128xf32, #tpu.memory_space<hbm>>
      %dma_wait3A_380 = tpu.memref_squeeze %dma_wait3A_379 : memref<1x1x128xf32, #tpu.memory_space<hbm>> -> memref<128xf32, #tpu.memory_space<hbm>>
      tpu.wait_dma2 semaphore(%run_scoped3A : memref<!tpu.dma_semaphore, #tpu.memory_space<semaphore_mem>>) src(%dma_wait3A_380 : memref<128xf32, #tpu.memory_space<hbm>>) dst(%arg11 : memref<128xf32, #tpu.memory_space<vmem>>)
      tpu.yield
    }) : () -> ()
    %jit3A_73 = arith.constant 2 : i32
    %div3A_74 = arith.divsi %add3A, %jit3A_73 : i32
    %sign3A_75 = arith.constant 0 : i32
    %sign3A_76 = arith.cmpi sgt, %add3A, %sign3A_75 : i32
    %sign3A_77 = arith.extui %sign3A_76 : i1 to i32
    %sign3A_78 = arith.constant 0 : i32
    %sign3A_79 = arith.cmpi slt, %add3A, %sign3A_78 : i32
    %sign3A_80 = arith.extui %sign3A_79 : i1 to i32
    %sign3A_81 = arith.subi %sign3A_77, %sign3A_80 : i32
    %sign3A_82 = arith.constant 0 : i32
    %sign3A_83 = arith.cmpi sgt, %jit3A_73, %sign3A_82 : i32
    %sign3A_84 = arith.extui %sign3A_83 : i1 to i32
    %sign3A_85 = arith.constant 0 : i32
    %sign3A_86 = arith.cmpi slt, %jit3A_73, %sign3A_85 : i32
    %sign3A_87 = arith.extui %sign3A_86 : i1 to i32
    %sign3A_88 = arith.subi %sign3A_84, %sign3A_87 : i32
    %ne3A_89 = arith.cmpi ne, %sign3A_81, %sign3A_88 : i32
    %rem3A_90 = arith.remsi %add3A, %jit3A_73 : i32
    %ne3A_91 = arith.constant 0 : i32
    %ne3A_92 = arith.cmpi ne, %rem3A_90, %ne3A_91 : i32
    %and3A_93 = arith.andi %ne3A_89, %ne3A_92 : i1
    %sub3A_94 = arith.constant 1 : i32
    %sub3A_95 = arith.subi %div3A_74, %sub3A_94 : i32
    %select_n3A_96 = arith.select %and3A_93, %sub3A_95, %div3A_74 : i32
    %jit3A_97 = arith.constant 2 : i32
    %eq3A_98 = arith.constant 0 : i32
    %eq3A_99 = arith.cmpi eq, %jit3A_97, %eq3A_98 : i32
    %jit3A_100 = arith.constant 1 : i32
    %select_n3A_101 = arith.select %eq3A_99, %jit3A_100, %jit3A_97 : i32
    %rem3A_102 = arith.remsi %add3A, %select_n3A_101 : i32
    %ne3A_103 = arith.constant 0 : i32
    %ne3A_104 = arith.cmpi ne, %rem3A_102, %ne3A_103 : i32
    %lt3A_105 = arith.constant 0 : i32
    %lt3A_106 = arith.cmpi slt, %rem3A_102, %lt3A_105 : i32
    %lt3A_107 = arith.constant 0 : i32
    %lt3A_108 = arith.cmpi slt, %select_n3A_101, %lt3A_107 : i32
    %ne3A_109 = arith.xori %lt3A_106, %lt3A_108 : i1
    %and3A_110 = arith.andi %ne3A_109, %ne3A_104 : i1
    %add3A_111 = arith.addi %rem3A_102, %select_n3A_101 : i32
    %select_n3A_112 = arith.select %and3A_110, %add3A_111, %rem3A_102 : i32
    "tpu.region"() ({
      %run_scoped3A = tpu.sem_alloc : memref<!tpu.dma_semaphore, #tpu.memory_space<semaphore_mem>>
      %dma_start3A_369 = arith.constant 0 : i32
      %dma_start3A_370 = tpu.memref_slice %arg5[%select_n3A_96, %select_n3A_112, %dma_start3A_369] : memref<16x2x128xf32, #tpu.memory_space<hbm>> -> memref<1x1x128xf32, #tpu.memory_space<hbm>>
      %dma_start3A_371 = tpu.memref_squeeze %dma_start3A_370 : memref<1x1x128xf32, #tpu.memory_space<hbm>> -> memref<128xf32, #tpu.memory_space<hbm>>
      %dma_start3A_372 = arith.constant 0 : i32
      %dma_start3A_373 = tpu.memref_slice %arg5[%select_n3A_96, %select_n3A_112, %dma_start3A_372] : memref<16x2x128xf32, #tpu.memory_space<hbm>> -> memref<1x1x128xf32, #tpu.memory_space<hbm>>
      %dma_start3A_374 = tpu.memref_squeeze %dma_start3A_373 : memref<1x1x128xf32, #tpu.memory_space<hbm>> -> memref<128xf32, #tpu.memory_space<hbm>>
      tpu.enqueue_dma source(%dma_start3A_374 : memref<128xf32, #tpu.memory_space<hbm>>) target(%arg12 : memref<128xf32, #tpu.memory_space<vmem>>) target_semaphore(%run_scoped3A : memref<!tpu.dma_semaphore, #tpu.memory_space<semaphore_mem>>)
      %dma_wait3A_375 = arith.constant 0 : i32
      %dma_wait3A_376 = tpu.memref_slice %arg5[%select_n3A_96, %select_n3A_112, %dma_wait3A_375] : memref<16x2x128xf32, #tpu.memory_space<hbm>> -> memref<1x1x128xf32, #tpu.memory_space<hbm>>
      %dma_wait3A_377 = tpu.memref_squeeze %dma_wait3A_376 : memref<1x1x128xf32, #tpu.memory_space<hbm>> -> memref<128xf32, #tpu.memory_space<hbm>>
      %dma_wait3A_378 = arith.constant 0 : i32
      %dma_wait3A_379 = tpu.memref_slice %arg5[%select_n3A_96, %select_n3A_112, %dma_wait3A_378] : memref<16x2x128xf32, #tpu.memory_space<hbm>> -> memref<1x1x128xf32, #tpu.memory_space<hbm>>
      %dma_wait3A_380 = tpu.memref_squeeze %dma_wait3A_379 : memref<1x1x128xf32, #tpu.memory_space<hbm>> -> memref<128xf32, #tpu.memory_space<hbm>>
      tpu.wait_dma2 semaphore(%run_scoped3A : memref<!tpu.dma_semaphore, #tpu.memory_space<semaphore_mem>>) src(%dma_wait3A_380 : memref<128xf32, #tpu.memory_space<hbm>>) dst(%arg12 : memref<128xf32, #tpu.memory_space<vmem>>)
      tpu.yield
    }) : () -> ()
    %jit3A_113 = arith.constant 2 : i32
    %div3A_114 = arith.divsi %add3A, %jit3A_113 : i32
    %sign3A_115 = arith.constant 0 : i32
    %sign3A_116 = arith.cmpi sgt, %add3A, %sign3A_115 : i32
    %sign3A_117 = arith.extui %sign3A_116 : i1 to i32
    %sign3A_118 = arith.constant 0 : i32
    %sign3A_119 = arith.cmpi slt, %add3A, %sign3A_118 : i32
    %sign3A_120 = arith.extui %sign3A_119 : i1 to i32
    %sign3A_121 = arith.subi %sign3A_117, %sign3A_120 : i32
    %sign3A_122 = arith.constant 0 : i32
    %sign3A_123 = arith.cmpi sgt, %jit3A_113, %sign3A_122 : i32
    %sign3A_124 = arith.extui %sign3A_123 : i1 to i32
    %sign3A_125 = arith.constant 0 : i32
    %sign3A_126 = arith.cmpi slt, %jit3A_113, %sign3A_125 : i32
    %sign3A_127 = arith.extui %sign3A_126 : i1 to i32
    %sign3A_128 = arith.subi %sign3A_124, %sign3A_127 : i32
    %ne3A_129 = arith.cmpi ne, %sign3A_121, %sign3A_128 : i32
    %rem3A_130 = arith.remsi %add3A, %jit3A_113 : i32
    %ne3A_131 = arith.constant 0 : i32
    %ne3A_132 = arith.cmpi ne, %rem3A_130, %ne3A_131 : i32
    %and3A_133 = arith.andi %ne3A_129, %ne3A_132 : i1
    %sub3A_134 = arith.constant 1 : i32
    %sub3A_135 = arith.subi %div3A_114, %sub3A_134 : i32
    %select_n3A_136 = arith.select %and3A_133, %sub3A_135, %div3A_114 : i32
    %jit3A_137 = arith.constant 2 : i32
    %eq3A_138 = arith.constant 0 : i32
    %eq3A_139 = arith.cmpi eq, %jit3A_137, %eq3A_138 : i32
    %jit3A_140 = arith.constant 1 : i32
    %select_n3A_141 = arith.select %eq3A_139, %jit3A_140, %jit3A_137 : i32
    %rem3A_142 = arith.remsi %add3A, %select_n3A_141 : i32
    %ne3A_143 = arith.constant 0 : i32
    %ne3A_144 = arith.cmpi ne, %rem3A_142, %ne3A_143 : i32
    %lt3A_145 = arith.constant 0 : i32
    %lt3A_146 = arith.cmpi slt, %rem3A_142, %lt3A_145 : i32
    %lt3A_147 = arith.constant 0 : i32
    %lt3A_148 = arith.cmpi slt, %select_n3A_141, %lt3A_147 : i32
    %ne3A_149 = arith.xori %lt3A_146, %lt3A_148 : i1
    %and3A_150 = arith.andi %ne3A_149, %ne3A_144 : i1
    %add3A_151 = arith.addi %rem3A_142, %select_n3A_141 : i32
    %select_n3A_152 = arith.select %and3A_150, %add3A_151, %rem3A_142 : i32
    "tpu.region"() ({
      %run_scoped3A = tpu.sem_alloc : memref<!tpu.dma_semaphore, #tpu.memory_space<semaphore_mem>>
      %dma_start3A_369 = arith.constant 0 : i32
      %dma_start3A_370 = tpu.memref_slice %arg6[%select_n3A_136, %select_n3A_152, %dma_start3A_369] : memref<16x2x128xf32, #tpu.memory_space<hbm>> -> memref<1x1x128xf32, #tpu.memory_space<hbm>>
      %dma_start3A_371 = tpu.memref_squeeze %dma_start3A_370 : memref<1x1x128xf32, #tpu.memory_space<hbm>> -> memref<128xf32, #tpu.memory_space<hbm>>
      %dma_start3A_372 = arith.constant 0 : i32
      %dma_start3A_373 = tpu.memref_slice %arg6[%select_n3A_136, %select_n3A_152, %dma_start3A_372] : memref<16x2x128xf32, #tpu.memory_space<hbm>> -> memref<1x1x128xf32, #tpu.memory_space<hbm>>
      %dma_start3A_374 = tpu.memref_squeeze %dma_start3A_373 : memref<1x1x128xf32, #tpu.memory_space<hbm>> -> memref<128xf32, #tpu.memory_space<hbm>>
      tpu.enqueue_dma source(%dma_start3A_374 : memref<128xf32, #tpu.memory_space<hbm>>) target(%arg13 : memref<128xf32, #tpu.memory_space<vmem>>) target_semaphore(%run_scoped3A : memref<!tpu.dma_semaphore, #tpu.memory_space<semaphore_mem>>)
      %dma_wait3A_375 = arith.constant 0 : i32
      %dma_wait3A_376 = tpu.memref_slice %arg6[%select_n3A_136, %select_n3A_152, %dma_wait3A_375] : memref<16x2x128xf32, #tpu.memory_space<hbm>> -> memref<1x1x128xf32, #tpu.memory_space<hbm>>
      %dma_wait3A_377 = tpu.memref_squeeze %dma_wait3A_376 : memref<1x1x128xf32, #tpu.memory_space<hbm>> -> memref<128xf32, #tpu.memory_space<hbm>>
      %dma_wait3A_378 = arith.constant 0 : i32
      %dma_wait3A_379 = tpu.memref_slice %arg6[%select_n3A_136, %select_n3A_152, %dma_wait3A_378] : memref<16x2x128xf32, #tpu.memory_space<hbm>> -> memref<1x1x128xf32, #tpu.memory_space<hbm>>
      %dma_wait3A_380 = tpu.memref_squeeze %dma_wait3A_379 : memref<1x1x128xf32, #tpu.memory_space<hbm>> -> memref<128xf32, #tpu.memory_space<hbm>>
      tpu.wait_dma2 semaphore(%run_scoped3A : memref<!tpu.dma_semaphore, #tpu.memory_space<semaphore_mem>>) src(%dma_wait3A_380 : memref<128xf32, #tpu.memory_space<hbm>>) dst(%arg13 : memref<128xf32, #tpu.memory_space<vmem>>)
      tpu.yield
    }) : () -> ()
    %add3A_153 = arith.constant 0 : i32
    %add3A_154 = arith.addi %mul3A_2, %add3A_153 : i32
    "tpu.region"() ({
      %run_scoped3A = tpu.sem_alloc : memref<!tpu.dma_semaphore, #tpu.memory_space<semaphore_mem>>
      %dma_start3A_369 = arith.constant 0 : i32
      %dma_start3A_370 = tpu.memref_slice %arg2[%add3A_154, %dma_start3A_369] : memref<4096x512xi32, #tpu.memory_space<hbm>> -> memref<128x512xi32, #tpu.memory_space<hbm>>
      %dma_start3A_371 = arith.constant 0 : i32
      %dma_start3A_372 = tpu.memref_slice %arg2[%add3A_154, %dma_start3A_371] : memref<4096x512xi32, #tpu.memory_space<hbm>> -> memref<128x512xi32, #tpu.memory_space<hbm>>
      tpu.enqueue_dma source(%dma_start3A_372 : memref<128x512xi32, #tpu.memory_space<hbm>>) target(%arg16 : memref<128x512xi32, #tpu.memory_space<vmem>>) target_semaphore(%run_scoped3A : memref<!tpu.dma_semaphore, #tpu.memory_space<semaphore_mem>>)
      %dma_wait3A_373 = arith.constant 0 : i32
      %dma_wait3A_374 = tpu.memref_slice %arg2[%add3A_154, %dma_wait3A_373] : memref<4096x512xi32, #tpu.memory_space<hbm>> -> memref<128x512xi32, #tpu.memory_space<hbm>>
      %dma_wait3A_375 = arith.constant 0 : i32
      %dma_wait3A_376 = tpu.memref_slice %arg2[%add3A_154, %dma_wait3A_375] : memref<4096x512xi32, #tpu.memory_space<hbm>> -> memref<128x512xi32, #tpu.memory_space<hbm>>
      tpu.wait_dma2 semaphore(%run_scoped3A : memref<!tpu.dma_semaphore, #tpu.memory_space<semaphore_mem>>) src(%dma_wait3A_376 : memref<128x512xi32, #tpu.memory_space<hbm>>) dst(%arg16 : memref<128x512xi32, #tpu.memory_space<vmem>>)
      tpu.yield
    }) : () -> ()
    %get3A = arith.constant 0 : index
    %get3A_155 = tpu.vector_load %arg12[%get3A] {strides = array<i32>} : memref<128xf32, #tpu.memory_space<vmem>>, vector<16xf32>,
    %convert_element_type3A = arith.fptosi %get3A_155 : vector<16xf32> to vector<16xi32>
    %gather3A = tpu.vector_load_idx %arg9[%convert_element_type3A] : memref<16xf32, #tpu.memory_space<vmem>>[vector<16xi32>], vector<16xf32>,
    %get3A_156 = arith.constant 0 : index
    %get3A_157 = tpu.vector_load %arg10[%get3A_156] {strides = array<i32>} : memref<128xf32, #tpu.memory_space<vmem>>, vector<16xf32>,
    %add3A_158 = arith.addf %get3A_157, %gather3A : vector<16xf32>
    %add3A_159 = arith.constant 5.000000e-01 : f32
    %add3A_160 = vector.broadcast %add3A_159 : f32 to vector<16xf32>
    %add3A_161 = arith.addf %add3A_158, %add3A_160 : vector<16xf32>
    %convert_element_type3A_162 = arith.fptosi %add3A_161 : vector<16xf32> to vector<16xi32>
    %swap3A = arith.constant 0 : index
    %swap3A_163 = tpu.vector_load %arg14[%swap3A] {strides = array<i32>} : memref<128xi32, #tpu.memory_space<vmem>>, vector<16xi32>,
    tpu.vector_store %arg14[%swap3A], %convert_element_type3A_162 {strides = array<i32>} : memref<128xi32, #tpu.memory_space<vmem>>, vector<16xi32>,
    %get3A_164 = arith.constant 16 : index
    %get3A_165 = tpu.vector_load %arg12[%get3A_164] {strides = array<i32>} : memref<128xf32, #tpu.memory_space<vmem>>, vector<16xf32>,
    %convert_element_type3A_166 = arith.fptosi %get3A_165 : vector<16xf32> to vector<16xi32>
    %gather3A_167 = tpu.vector_load_idx %arg9[%convert_element_type3A_166] : memref<16xf32, #tpu.memory_space<vmem>>[vector<16xi32>], vector<16xf32>,
    %get3A_168 = arith.constant 16 : index
    %get3A_169 = tpu.vector_load %arg10[%get3A_168] {strides = array<i32>} : memref<128xf32, #tpu.memory_space<vmem>>, vector<16xf32>,
    %add3A_170 = arith.addf %get3A_169, %gather3A_167 : vector<16xf32>
    %add3A_171 = arith.constant 5.000000e-01 : f32
    %add3A_172 = vector.broadcast %add3A_171 : f32 to vector<16xf32>
    %add3A_173 = arith.addf %add3A_170, %add3A_172 : vector<16xf32>
    %convert_element_type3A_174 = arith.fptosi %add3A_173 : vector<16xf32> to vector<16xi32>
    %swap3A_175 = arith.constant 16 : index
    %swap3A_176 = tpu.vector_load %arg14[%swap3A_175] {strides = array<i32>} : memref<128xi32, #tpu.memory_space<vmem>>, vector<16xi32>,
    tpu.vector_store %arg14[%swap3A_175], %convert_element_type3A_174 {strides = array<i32>} : memref<128xi32, #tpu.memory_space<vmem>>, vector<16xi32>,
    %get3A_177 = arith.constant 32 : index
    %get3A_178 = tpu.vector_load %arg12[%get3A_177] {strides = array<i32>} : memref<128xf32, #tpu.memory_space<vmem>>, vector<16xf32>,
    %convert_element_type3A_179 = arith.fptosi %get3A_178 : vector<16xf32> to vector<16xi32>
    %gather3A_180 = tpu.vector_load_idx %arg9[%convert_element_type3A_179] : memref<16xf32, #tpu.memory_space<vmem>>[vector<16xi32>], vector<16xf32>,
    %get3A_181 = arith.constant 32 : index
    %get3A_182 = tpu.vector_load %arg10[%get3A_181] {strides = array<i32>} : memref<128xf32, #tpu.memory_space<vmem>>, vector<16xf32>,
    %add3A_183 = arith.addf %get3A_182, %gather3A_180 : vector<16xf32>
    %add3A_184 = arith.constant 5.000000e-01 : f32
    %add3A_185 = vector.broadcast %add3A_184 : f32 to vector<16xf32>
    %add3A_186 = arith.addf %add3A_183, %add3A_185 : vector<16xf32>
    %convert_element_type3A_187 = arith.fptosi %add3A_186 : vector<16xf32> to vector<16xi32>
    %swap3A_188 = arith.constant 32 : index
    %swap3A_189 = tpu.vector_load %arg14[%swap3A_188] {strides = array<i32>} : memref<128xi32, #tpu.memory_space<vmem>>, vector<16xi32>,
    tpu.vector_store %arg14[%swap3A_188], %convert_element_type3A_187 {strides = array<i32>} : memref<128xi32, #tpu.memory_space<vmem>>, vector<16xi32>,
    %get3A_190 = arith.constant 48 : index
    %get3A_191 = tpu.vector_load %arg12[%get3A_190] {strides = array<i32>} : memref<128xf32, #tpu.memory_space<vmem>>, vector<16xf32>,
    %convert_element_type3A_192 = arith.fptosi %get3A_191 : vector<16xf32> to vector<16xi32>
    %gather3A_193 = tpu.vector_load_idx %arg9[%convert_element_type3A_192] : memref<16xf32, #tpu.memory_space<vmem>>[vector<16xi32>], vector<16xf32>,
    %get3A_194 = arith.constant 48 : index
    %get3A_195 = tpu.vector_load %arg10[%get3A_194] {strides = array<i32>} : memref<128xf32, #tpu.memory_space<vmem>>, vector<16xf32>,
    %add3A_196 = arith.addf %get3A_195, %gather3A_193 : vector<16xf32>
    %add3A_197 = arith.constant 5.000000e-01 : f32
    %add3A_198 = vector.broadcast %add3A_197 : f32 to vector<16xf32>
    %add3A_199 = arith.addf %add3A_196, %add3A_198 : vector<16xf32>
    %convert_element_type3A_200 = arith.fptosi %add3A_199 : vector<16xf32> to vector<16xi32>
    %swap3A_201 = arith.constant 48 : index
    %swap3A_202 = tpu.vector_load %arg14[%swap3A_201] {strides = array<i32>} : memref<128xi32, #tpu.memory_space<vmem>>, vector<16xi32>,
    tpu.vector_store %arg14[%swap3A_201], %convert_element_type3A_200 {strides = array<i32>} : memref<128xi32, #tpu.memory_space<vmem>>, vector<16xi32>,
    %get3A_203 = arith.constant 64 : index
    %get3A_204 = tpu.vector_load %arg12[%get3A_203] {strides = array<i32>} : memref<128xf32, #tpu.memory_space<vmem>>, vector<16xf32>,
    %convert_element_type3A_205 = arith.fptosi %get3A_204 : vector<16xf32> to vector<16xi32>
    %gather3A_206 = tpu.vector_load_idx %arg9[%convert_element_type3A_205] : memref<16xf32, #tpu.memory_space<vmem>>[vector<16xi32>], vector<16xf32>,
    %get3A_207 = arith.constant 64 : index
    %get3A_208 = tpu.vector_load %arg10[%get3A_207] {strides = array<i32>} : memref<128xf32, #tpu.memory_space<vmem>>, vector<16xf32>,
    %add3A_209 = arith.addf %get3A_208, %gather3A_206 : vector<16xf32>
    %add3A_210 = arith.constant 5.000000e-01 : f32
    %add3A_211 = vector.broadcast %add3A_210 : f32 to vector<16xf32>
    %add3A_212 = arith.addf %add3A_209, %add3A_211 : vector<16xf32>
    %convert_element_type3A_213 = arith.fptosi %add3A_212 : vector<16xf32> to vector<16xi32>
    %swap3A_214 = arith.constant 64 : index
    %swap3A_215 = tpu.vector_load %arg14[%swap3A_214] {strides = array<i32>} : memref<128xi32, #tpu.memory_space<vmem>>, vector<16xi32>,
    tpu.vector_store %arg14[%swap3A_214], %convert_element_type3A_213 {strides = array<i32>} : memref<128xi32, #tpu.memory_space<vmem>>, vector<16xi32>,
    %get3A_216 = arith.constant 80 : index
    %get3A_217 = tpu.vector_load %arg12[%get3A_216] {strides = array<i32>} : memref<128xf32, #tpu.memory_space<vmem>>, vector<16xf32>,
    %convert_element_type3A_218 = arith.fptosi %get3A_217 : vector<16xf32> to vector<16xi32>
    %gather3A_219 = tpu.vector_load_idx %arg9[%convert_element_type3A_218] : memref<16xf32, #tpu.memory_space<vmem>>[vector<16xi32>], vector<16xf32>,
    %get3A_220 = arith.constant 80 : index
    %get3A_221 = tpu.vector_load %arg10[%get3A_220] {strides = array<i32>} : memref<128xf32, #tpu.memory_space<vmem>>, vector<16xf32>,
    %add3A_222 = arith.addf %get3A_221, %gather3A_219 : vector<16xf32>
    %add3A_223 = arith.constant 5.000000e-01 : f32
    %add3A_224 = vector.broadcast %add3A_223 : f32 to vector<16xf32>
    %add3A_225 = arith.addf %add3A_222, %add3A_224 : vector<16xf32>
    %convert_element_type3A_226 = arith.fptosi %add3A_225 : vector<16xf32> to vector<16xi32>
    %swap3A_227 = arith.constant 80 : index
    %swap3A_228 = tpu.vector_load %arg14[%swap3A_227] {strides = array<i32>} : memref<128xi32, #tpu.memory_space<vmem>>, vector<16xi32>,
    tpu.vector_store %arg14[%swap3A_227], %convert_element_type3A_226 {strides = array<i32>} : memref<128xi32, #tpu.memory_space<vmem>>, vector<16xi32>,
    %get3A_229 = arith.constant 96 : index
    %get3A_230 = tpu.vector_load %arg12[%get3A_229] {strides = array<i32>} : memref<128xf32, #tpu.memory_space<vmem>>, vector<16xf32>,
    %convert_element_type3A_231 = arith.fptosi %get3A_230 : vector<16xf32> to vector<16xi32>
    %gather3A_232 = tpu.vector_load_idx %arg9[%convert_element_type3A_231] : memref<16xf32, #tpu.memory_space<vmem>>[vector<16xi32>], vector<16xf32>,
    %get3A_233 = arith.constant 96 : index
    %get3A_234 = tpu.vector_load %arg10[%get3A_233] {strides = array<i32>} : memref<128xf32, #tpu.memory_space<vmem>>, vector<16xf32>,
    %add3A_235 = arith.addf %get3A_234, %gather3A_232 : vector<16xf32>
    %add3A_236 = arith.constant 5.000000e-01 : f32
    %add3A_237 = vector.broadcast %add3A_236 : f32 to vector<16xf32>
    %add3A_238 = arith.addf %add3A_235, %add3A_237 : vector<16xf32>
    %convert_element_type3A_239 = arith.fptosi %add3A_238 : vector<16xf32> to vector<16xi32>
    %swap3A_240 = arith.constant 96 : index
    %swap3A_241 = tpu.vector_load %arg14[%swap3A_240] {strides = array<i32>} : memref<128xi32, #tpu.memory_space<vmem>>, vector<16xi32>,
    tpu.vector_store %arg14[%swap3A_240], %convert_element_type3A_239 {strides = array<i32>} : memref<128xi32, #tpu.memory_space<vmem>>, vector<16xi32>,
    %get3A_242 = arith.constant 112 : index
    %get3A_243 = tpu.vector_load %arg12[%get3A_242] {strides = array<i32>} : memref<128xf32, #tpu.memory_space<vmem>>, vector<16xf32>,
    %convert_element_type3A_244 = arith.fptosi %get3A_243 : vector<16xf32> to vector<16xi32>
    %gather3A_245 = tpu.vector_load_idx %arg9[%convert_element_type3A_244] : memref<16xf32, #tpu.memory_space<vmem>>[vector<16xi32>], vector<16xf32>,
    %get3A_246 = arith.constant 112 : index
    %get3A_247 = tpu.vector_load %arg10[%get3A_246] {strides = array<i32>} : memref<128xf32, #tpu.memory_space<vmem>>, vector<16xf32>,
    %add3A_248 = arith.addf %get3A_247, %gather3A_245 : vector<16xf32>
    %add3A_249 = arith.constant 5.000000e-01 : f32
    %add3A_250 = vector.broadcast %add3A_249 : f32 to vector<16xf32>
    %add3A_251 = arith.addf %add3A_248, %add3A_250 : vector<16xf32>
    %convert_element_type3A_252 = arith.fptosi %add3A_251 : vector<16xf32> to vector<16xi32>
    %swap3A_253 = arith.constant 112 : index
    %swap3A_254 = tpu.vector_load %arg14[%swap3A_253] {strides = array<i32>} : memref<128xi32, #tpu.memory_space<vmem>>, vector<16xi32>,
    tpu.vector_store %arg14[%swap3A_253], %convert_element_type3A_252 {strides = array<i32>} : memref<128xi32, #tpu.memory_space<vmem>>, vector<16xi32>,
    %get3A_255 = arith.constant 0 : index
    %get3A_256 = tpu.vector_load %arg13[%get3A_255] {strides = array<i32>} : memref<128xf32, #tpu.memory_space<vmem>>, vector<16xf32>,
    %convert_element_type3A_257 = arith.fptosi %get3A_256 : vector<16xf32> to vector<16xi32>
    %gather3A_258 = tpu.vector_load_idx %arg9[%convert_element_type3A_257] : memref<16xf32, #tpu.memory_space<vmem>>[vector<16xi32>], vector<16xf32>,
    %get3A_259 = arith.constant 0 : index
    %get3A_260 = tpu.vector_load %arg11[%get3A_259] {strides = array<i32>} : memref<128xf32, #tpu.memory_space<vmem>>, vector<16xf32>,
    %add3A_261 = arith.addf %get3A_260, %gather3A_258 : vector<16xf32>
    %add3A_262 = arith.constant 5.000000e-01 : f32
    %add3A_263 = vector.broadcast %add3A_262 : f32 to vector<16xf32>
    %add3A_264 = arith.addf %add3A_261, %add3A_263 : vector<16xf32>
    %convert_element_type3A_265 = arith.fptosi %add3A_264 : vector<16xf32> to vector<16xi32>
    %swap3A_266 = arith.constant 0 : index
    %swap3A_267 = tpu.vector_load %arg15[%swap3A_266] {strides = array<i32>} : memref<128xi32, #tpu.memory_space<vmem>>, vector<16xi32>,
    tpu.vector_store %arg15[%swap3A_266], %convert_element_type3A_265 {strides = array<i32>} : memref<128xi32, #tpu.memory_space<vmem>>, vector<16xi32>,
    %get3A_268 = arith.constant 16 : index
    %get3A_269 = tpu.vector_load %arg13[%get3A_268] {strides = array<i32>} : memref<128xf32, #tpu.memory_space<vmem>>, vector<16xf32>,
    %convert_element_type3A_270 = arith.fptosi %get3A_269 : vector<16xf32> to vector<16xi32>
    %gather3A_271 = tpu.vector_load_idx %arg9[%convert_element_type3A_270] : memref<16xf32, #tpu.memory_space<vmem>>[vector<16xi32>], vector<16xf32>,
    %get3A_272 = arith.constant 16 : index
    %get3A_273 = tpu.vector_load %arg11[%get3A_272] {strides = array<i32>} : memref<128xf32, #tpu.memory_space<vmem>>, vector<16xf32>,
    %add3A_274 = arith.addf %get3A_273, %gather3A_271 : vector<16xf32>
    %add3A_275 = arith.constant 5.000000e-01 : f32
    %add3A_276 = vector.broadcast %add3A_275 : f32 to vector<16xf32>
    %add3A_277 = arith.addf %add3A_274, %add3A_276 : vector<16xf32>
    %convert_element_type3A_278 = arith.fptosi %add3A_277 : vector<16xf32> to vector<16xi32>
    %swap3A_279 = arith.constant 16 : index
    %swap3A_280 = tpu.vector_load %arg15[%swap3A_279] {strides = array<i32>} : memref<128xi32, #tpu.memory_space<vmem>>, vector<16xi32>,
    tpu.vector_store %arg15[%swap3A_279], %convert_element_type3A_278 {strides = array<i32>} : memref<128xi32, #tpu.memory_space<vmem>>, vector<16xi32>,
    %get3A_281 = arith.constant 32 : index
    %get3A_282 = tpu.vector_load %arg13[%get3A_281] {strides = array<i32>} : memref<128xf32, #tpu.memory_space<vmem>>, vector<16xf32>,
    %convert_element_type3A_283 = arith.fptosi %get3A_282 : vector<16xf32> to vector<16xi32>
    %gather3A_284 = tpu.vector_load_idx %arg9[%convert_element_type3A_283] : memref<16xf32, #tpu.memory_space<vmem>>[vector<16xi32>], vector<16xf32>,
    %get3A_285 = arith.constant 32 : index
    %get3A_286 = tpu.vector_load %arg11[%get3A_285] {strides = array<i32>} : memref<128xf32, #tpu.memory_space<vmem>>, vector<16xf32>,
    %add3A_287 = arith.addf %get3A_286, %gather3A_284 : vector<16xf32>
    %add3A_288 = arith.constant 5.000000e-01 : f32
    %add3A_289 = vector.broadcast %add3A_288 : f32 to vector<16xf32>
    %add3A_290 = arith.addf %add3A_287, %add3A_289 : vector<16xf32>
    %convert_element_type3A_291 = arith.fptosi %add3A_290 : vector<16xf32> to vector<16xi32>
    %swap3A_292 = arith.constant 32 : index
    %swap3A_293 = tpu.vector_load %arg15[%swap3A_292] {strides = array<i32>} : memref<128xi32, #tpu.memory_space<vmem>>, vector<16xi32>,
    tpu.vector_store %arg15[%swap3A_292], %convert_element_type3A_291 {strides = array<i32>} : memref<128xi32, #tpu.memory_space<vmem>>, vector<16xi32>,
    %get3A_294 = arith.constant 48 : index
    %get3A_295 = tpu.vector_load %arg13[%get3A_294] {strides = array<i32>} : memref<128xf32, #tpu.memory_space<vmem>>, vector<16xf32>,
    %convert_element_type3A_296 = arith.fptosi %get3A_295 : vector<16xf32> to vector<16xi32>
    %gather3A_297 = tpu.vector_load_idx %arg9[%convert_element_type3A_296] : memref<16xf32, #tpu.memory_space<vmem>>[vector<16xi32>], vector<16xf32>,
    %get3A_298 = arith.constant 48 : index
    %get3A_299 = tpu.vector_load %arg11[%get3A_298] {strides = array<i32>} : memref<128xf32, #tpu.memory_space<vmem>>, vector<16xf32>,
    %add3A_300 = arith.addf %get3A_299, %gather3A_297 : vector<16xf32>
    %add3A_301 = arith.constant 5.000000e-01 : f32
    %add3A_302 = vector.broadcast %add3A_301 : f32 to vector<16xf32>
    %add3A_303 = arith.addf %add3A_300, %add3A_302 : vector<16xf32>
    %convert_element_type3A_304 = arith.fptosi %add3A_303 : vector<16xf32> to vector<16xi32>
    %swap3A_305 = arith.constant 48 : index
    %swap3A_306 = tpu.vector_load %arg15[%swap3A_305] {strides = array<i32>} : memref<128xi32, #tpu.memory_space<vmem>>, vector<16xi32>,
    tpu.vector_store %arg15[%swap3A_305], %convert_element_type3A_304 {strides = array<i32>} : memref<128xi32, #tpu.memory_space<vmem>>, vector<16xi32>,
    %get3A_307 = arith.constant 64 : index
    %get3A_308 = tpu.vector_load %arg13[%get3A_307] {strides = array<i32>} : memref<128xf32, #tpu.memory_space<vmem>>, vector<16xf32>,
    %convert_element_type3A_309 = arith.fptosi %get3A_308 : vector<16xf32> to vector<16xi32>
    %gather3A_310 = tpu.vector_load_idx %arg9[%convert_element_type3A_309] : memref<16xf32, #tpu.memory_space<vmem>>[vector<16xi32>], vector<16xf32>,
    %get3A_311 = arith.constant 64 : index
    %get3A_312 = tpu.vector_load %arg11[%get3A_311] {strides = array<i32>} : memref<128xf32, #tpu.memory_space<vmem>>, vector<16xf32>,
    %add3A_313 = arith.addf %get3A_312, %gather3A_310 : vector<16xf32>
    %add3A_314 = arith.constant 5.000000e-01 : f32
    %add3A_315 = vector.broadcast %add3A_314 : f32 to vector<16xf32>
    %add3A_316 = arith.addf %add3A_313, %add3A_315 : vector<16xf32>
    %convert_element_type3A_317 = arith.fptosi %add3A_316 : vector<16xf32> to vector<16xi32>
    %swap3A_318 = arith.constant 64 : index
    %swap3A_319 = tpu.vector_load %arg15[%swap3A_318] {strides = array<i32>} : memref<128xi32, #tpu.memory_space<vmem>>, vector<16xi32>,
    tpu.vector_store %arg15[%swap3A_318], %convert_element_type3A_317 {strides = array<i32>} : memref<128xi32, #tpu.memory_space<vmem>>, vector<16xi32>,
    %get3A_320 = arith.constant 80 : index
    %get3A_321 = tpu.vector_load %arg13[%get3A_320] {strides = array<i32>} : memref<128xf32, #tpu.memory_space<vmem>>, vector<16xf32>,
    %convert_element_type3A_322 = arith.fptosi %get3A_321 : vector<16xf32> to vector<16xi32>
    %gather3A_323 = tpu.vector_load_idx %arg9[%convert_element_type3A_322] : memref<16xf32, #tpu.memory_space<vmem>>[vector<16xi32>], vector<16xf32>,
    %get3A_324 = arith.constant 80 : index
    %get3A_325 = tpu.vector_load %arg11[%get3A_324] {strides = array<i32>} : memref<128xf32, #tpu.memory_space<vmem>>, vector<16xf32>,
    %add3A_326 = arith.addf %get3A_325, %gather3A_323 : vector<16xf32>
    %add3A_327 = arith.constant 5.000000e-01 : f32
    %add3A_328 = vector.broadcast %add3A_327 : f32 to vector<16xf32>
    %add3A_329 = arith.addf %add3A_326, %add3A_328 : vector<16xf32>
    %convert_element_type3A_330 = arith.fptosi %add3A_329 : vector<16xf32> to vector<16xi32>
    %swap3A_331 = arith.constant 80 : index
    %swap3A_332 = tpu.vector_load %arg15[%swap3A_331] {strides = array<i32>} : memref<128xi32, #tpu.memory_space<vmem>>, vector<16xi32>,
    tpu.vector_store %arg15[%swap3A_331], %convert_element_type3A_330 {strides = array<i32>} : memref<128xi32, #tpu.memory_space<vmem>>, vector<16xi32>,
    %get3A_333 = arith.constant 96 : index
    %get3A_334 = tpu.vector_load %arg13[%get3A_333] {strides = array<i32>} : memref<128xf32, #tpu.memory_space<vmem>>, vector<16xf32>,
    %convert_element_type3A_335 = arith.fptosi %get3A_334 : vector<16xf32> to vector<16xi32>
    %gather3A_336 = tpu.vector_load_idx %arg9[%convert_element_type3A_335] : memref<16xf32, #tpu.memory_space<vmem>>[vector<16xi32>], vector<16xf32>,
    %get3A_337 = arith.constant 96 : index
    %get3A_338 = tpu.vector_load %arg11[%get3A_337] {strides = array<i32>} : memref<128xf32, #tpu.memory_space<vmem>>, vector<16xf32>,
    %add3A_339 = arith.addf %get3A_338, %gather3A_336 : vector<16xf32>
    %add3A_340 = arith.constant 5.000000e-01 : f32
    %add3A_341 = vector.broadcast %add3A_340 : f32 to vector<16xf32>
    %add3A_342 = arith.addf %add3A_339, %add3A_341 : vector<16xf32>
    %convert_element_type3A_343 = arith.fptosi %add3A_342 : vector<16xf32> to vector<16xi32>
    %swap3A_344 = arith.constant 96 : index
    %swap3A_345 = tpu.vector_load %arg15[%swap3A_344] {strides = array<i32>} : memref<128xi32, #tpu.memory_space<vmem>>, vector<16xi32>,
    tpu.vector_store %arg15[%swap3A_344], %convert_element_type3A_343 {strides = array<i32>} : memref<128xi32, #tpu.memory_space<vmem>>, vector<16xi32>,
    %get3A_346 = arith.constant 112 : index
    %get3A_347 = tpu.vector_load %arg13[%get3A_346] {strides = array<i32>} : memref<128xf32, #tpu.memory_space<vmem>>, vector<16xf32>,
    %convert_element_type3A_348 = arith.fptosi %get3A_347 : vector<16xf32> to vector<16xi32>
    %gather3A_349 = tpu.vector_load_idx %arg9[%convert_element_type3A_348] : memref<16xf32, #tpu.memory_space<vmem>>[vector<16xi32>], vector<16xf32>,
    %get3A_350 = arith.constant 112 : index
    %get3A_351 = tpu.vector_load %arg11[%get3A_350] {strides = array<i32>} : memref<128xf32, #tpu.memory_space<vmem>>, vector<16xf32>,
    %add3A_352 = arith.addf %get3A_351, %gather3A_349 : vector<16xf32>
    %add3A_353 = arith.constant 5.000000e-01 : f32
    %add3A_354 = vector.broadcast %add3A_353 : f32 to vector<16xf32>
    %add3A_355 = arith.addf %add3A_352, %add3A_354 : vector<16xf32>
    %convert_element_type3A_356 = arith.fptosi %add3A_355 : vector<16xf32> to vector<16xi32>
    %swap3A_357 = arith.constant 112 : index
    %swap3A_358 = tpu.vector_load %arg15[%swap3A_357] {strides = array<i32>} : memref<128xi32, #tpu.memory_space<vmem>>, vector<16xi32>,
    tpu.vector_store %arg15[%swap3A_357], %convert_element_type3A_356 {strides = array<i32>} : memref<128xi32, #tpu.memory_space<vmem>>, vector<16xi32>,
    %dma_start3A = arith.constant 0 : i32
    %dma_start3A_359 = arith.constant 0 : i32
    %dma_start3A_360 = tpu.memref_slice %arg8[%dma_start3A, %dma_start3A_359] : memref<8192x512xi32, #tpu.memory_space<hbm>> -> memref<8192x512xi32, #tpu.memory_space<hbm>>
    tpu.enqueue_indirect_dma source(%arg16 : memref<128x512xi32, #tpu.memory_space<vmem>>) target(%dma_start3A_360 : memref<8192x512xi32, #tpu.memory_space<hbm>>) offsets(%arg14 : memref<128xi32, #tpu.memory_space<vmem>>) semaphore(%arg17 : memref<!tpu.dma_semaphore, #tpu.memory_space<semaphore_mem>>)
    %dma_start3A_361 = arith.constant 0 : i32
    %dma_start3A_362 = arith.constant 0 : i32
    %dma_start3A_363 = tpu.memref_slice %arg8[%dma_start3A_361, %dma_start3A_362] : memref<8192x512xi32, #tpu.memory_space<hbm>> -> memref<8192x512xi32, #tpu.memory_space<hbm>>
    tpu.enqueue_indirect_dma source(%arg16 : memref<128x512xi32, #tpu.memory_space<vmem>>) target(%dma_start3A_363 : memref<8192x512xi32, #tpu.memory_space<hbm>>) offsets(%arg15 : memref<128xi32, #tpu.memory_space<vmem>>) semaphore(%arg17 : memref<!tpu.dma_semaphore, #tpu.memory_space<semaphore_mem>>)
    %dma_wait3A = arith.constant 0 : i32
    %dma_wait3A_364 = arith.constant 0 : i32
    %dma_wait3A_365 = tpu.memref_slice %arg8[%dma_wait3A, %dma_wait3A_364] : memref<8192x512xi32, #tpu.memory_space<hbm>> -> memref<8192x512xi32, #tpu.memory_space<hbm>>
    tpu.wait_indirect_dma semaphore(%arg17 : memref<!tpu.dma_semaphore, #tpu.memory_space<semaphore_mem>>) src(%arg16 : memref<128x512xi32, #tpu.memory_space<vmem>>) dst(%dma_wait3A_365 : memref<8192x512xi32, #tpu.memory_space<hbm>>)
    %dma_wait3A_366 = arith.constant 0 : i32
    %dma_wait3A_367 = arith.constant 0 : i32
    %dma_wait3A_368 = tpu.memref_slice %arg8[%dma_wait3A_366, %dma_wait3A_367] : memref<8192x512xi32, #tpu.memory_space<hbm>> -> memref<8192x512xi32, #tpu.memory_space<hbm>>
    tpu.wait_indirect_dma semaphore(%arg17 : memref<!tpu.dma_semaphore, #tpu.memory_space<semaphore_mem>>) src(%arg16 : memref<128x512xi32, #tpu.memory_space<vmem>>) dst(%dma_wait3A_368 : memref<8192x512xi32, #tpu.memory_space<hbm>>)
    return
  }
}

module attributes {stable_mosaic.version = 14 : i64} {
  func.func @_router_body(%arg0: i32, %arg1: memref<256x1024xf32, #tpu.memory_space<vmem>>, %arg2: memref<16x1024xf32, #tpu.memory_space<vmem>>, %arg3: memref<1x16xf32, #tpu.memory_space<vmem>>, %arg4: memref<1x2x128xf32, #tpu.memory_space<vmem>>, %arg5: memref<1x2x128xf32, #tpu.memory_space<vmem>>, %arg6: memref<1x2x128xf32, #tpu.memory_space<vmem>>, %arg7: memref<1x2x128xf32, #tpu.memory_space<vmem>>, %arg8: memref<256x1xf32, #tpu.memory_space<vmem>>, %arg9: memref<256x1xf32, #tpu.memory_space<vmem>>, %arg10: memref<256x512xi32, #tpu.memory_space<vmem>>, %arg11: memref<1x1x16xf32, #tpu.memory_space<vmem>>, %arg12: memref<1x16xf32, #tpu.memory_space<vmem>>) attributes {dimension_semantics = [#tpu.dimension_semantics<arbitrary>], iteration_bounds = array<i64: 16>, scalar_prefetch = 0 : i64, scratch_operands = 1 : i64, tpu.core_type = #tpu.core_type<tc>, window_params = [{transform_indices = @transform_0, window_bounds = array<i64: 256, 1024>}, {pipeline_mode = #tpu.pipeline_mode<synchronous>, transform_indices = @transform_1, window_bounds = array<i64: 16, 1024>}, {pipeline_mode = #tpu.pipeline_mode<synchronous>, transform_indices = @transform_2, window_bounds = array<i64: 1, 16>}, {transform_indices = @transform_3, window_bounds = array<i64: 1, 2, 128>}, {transform_indices = @transform_4, window_bounds = array<i64: 1, 2, 128>}, {transform_indices = @transform_5, window_bounds = array<i64: 1, 2, 128>}, {transform_indices = @transform_6, window_bounds = array<i64: 1, 2, 128>}, {transform_indices = @transform_7, window_bounds = array<i64: 256, 1>}, {transform_indices = @transform_8, window_bounds = array<i64: 256, 1>}, {transform_indices = @transform_9, window_bounds = array<i64: 256, 512>}, {pipeline_mode = #tpu.pipeline_mode<synchronous>, transform_indices = @transform_10, window_bounds = array<i64: 1, 1, 16>}]} {
    %eq3A = arith.constant 0 : i32
    %eq3A_0 = arith.cmpi eq, %arg0, %eq3A : i32
    %convert_element_type3A = arith.extui %eq3A_0 : i1 to i32
    %cond3A = arith.constant 0 : i32
    %cond3A_1 = arith.cmpi ne, %convert_element_type3A, %cond3A : i32
    scf.if %cond3A_1 {
      %broadcast_in_dim3A_187 = arith.constant 0.000000e+00 : f32
      %broadcast_in_dim3A_188 = vector.broadcast %broadcast_in_dim3A_187 : f32 to vector<1x16xf32>
      %swap3A_189 = arith.constant 0 : index
      %swap3A_190 = arith.constant 0 : index
      %swap3A_191 = vector.load %arg12[%swap3A_189, %swap3A_190] : memref<1x16xf32, #tpu.memory_space<vmem>>, vector<1x16xf32>
      tpu.vector_store %arg12[%swap3A_189, %swap3A_190], %broadcast_in_dim3A_188 {strides = array<i32>} : memref<1x16xf32, #tpu.memory_space<vmem>>, vector<1x16xf32>,
    } else {
    }
    %get3A = arith.constant 0 : index
    %get3A_2 = arith.constant 0 : index
    %get3A_3 = vector.load %arg1[%get3A, %get3A_2] : memref<256x1024xf32, #tpu.memory_space<vmem>>, vector<256x1024xf32>
    %get3A_4 = arith.constant 0 : index
    %get3A_5 = arith.constant 0 : index
    %get3A_6 = vector.load %arg2[%get3A_4, %get3A_5] : memref<16x1024xf32, #tpu.memory_space<vmem>>, vector<16x1024xf32>
    %dot_general3A = arith.constant dense<0.000000e+00> : vector<256x16xf32>
    %dot_general3A_7 = tpu.matmul %get3A_3, %get3A_6, %dot_general3A {dimension_numbers = #tpu.dot_dimension_numbers<[1], [1], [0], [0], [0, 0, 1, 0], [], []>, transpose_lhs_hint = false} : vector<256x1024xf32>, vector<16x1024xf32>, vector<256x16xf32> -> vector<256x16xf32>
    %get3A_8 = arith.constant 0 : index
    %get3A_9 = arith.constant 0 : index
    %get3A_10 = vector.load %arg3[%get3A_8, %get3A_9] : memref<1x16xf32, #tpu.memory_space<vmem>>, vector<1x16xf32>
    %add3A = vector.broadcast %get3A_10 : vector<1x16xf32> to vector<256x16xf32>
    %add3A_11 = arith.addf %dot_general3A_7, %add3A : vector<256x16xf32>
    %logistic3A = arith.negf %add3A_11 : vector<256x16xf32>
    %logistic3A_12 = math.exp %logistic3A : vector<256x16xf32>
    %logistic3A_13 = arith.constant 1.000000e+00 : f32
    %logistic3A_14 = vector.broadcast %logistic3A_13 : f32 to vector<256x16xf32>
    %logistic3A_15 = arith.addf %logistic3A_14, %logistic3A_12 : vector<256x16xf32>
    %logistic3A_16 = arith.divf %logistic3A_14, %logistic3A_15 : vector<256x16xf32>
    %iota3A = tpu.iota {dimensions = array<i32: 1>} : vector<256x16xi32>
    %reduce_max3A = arith.constant dense<0xFF800000> : vector<256xf32>
    %reduce_max3A_17 = vector.multi_reduction <maximumf>, %logistic3A_16, %reduce_max3A [1] : vector<256x16xf32> to vector<256xf32>
    %broadcast_in_dim3A = vector.shape_cast %reduce_max3A_17 : vector<256xf32> to vector<256x1xf32>
    %ge3A = vector.broadcast %broadcast_in_dim3A : vector<256x1xf32> to vector<256x16xf32>
    %ge3A_18 = arith.cmpf oge, %logistic3A_16, %ge3A : vector<256x16xf32>
    %jit3A = arith.constant 16 : i32
    %broadcast_in_dim3A_19 = vector.broadcast %jit3A : i32 to vector<256x16xi32>
    %select_n3A = arith.select %ge3A_18, %iota3A, %broadcast_in_dim3A_19 : vector<256x16xi1>, vector<256x16xi32>
    %reduce_min3A = arith.constant dense<2147483647> : vector<256xi32>
    %reduce_min3A_20 = vector.multi_reduction <minsi>, %select_n3A, %reduce_min3A [1] : vector<256x16xi32> to vector<256xi32>
    %broadcast_in_dim3A_21 = vector.shape_cast %reduce_min3A_20 : vector<256xi32> to vector<256x1xi32>
    %eq3A_22 = vector.broadcast %broadcast_in_dim3A_21 : vector<256x1xi32> to vector<256x16xi32>
    %eq3A_23 = arith.cmpi eq, %iota3A, %eq3A_22 : vector<256x16xi32>
    %jit3A_24 = arith.constant 0xFF800000 : f32
    %broadcast_in_dim3A_25 = vector.broadcast %jit3A_24 : f32 to vector<256x16xf32>
    %select_n3A_26 = arith.select %eq3A_23, %broadcast_in_dim3A_25, %logistic3A_16 : vector<256x16xi1>, vector<256x16xf32>
    %reduce_max3A_27 = arith.constant dense<0xFF800000> : vector<256xf32>
    %reduce_max3A_28 = vector.multi_reduction <maximumf>, %select_n3A_26, %reduce_max3A_27 [1] : vector<256x16xf32> to vector<256xf32>
    %broadcast_in_dim3A_29 = vector.shape_cast %reduce_max3A_28 : vector<256xf32> to vector<256x1xf32>
    %ge3A_30 = vector.broadcast %broadcast_in_dim3A_29 : vector<256x1xf32> to vector<256x16xf32>
    %ge3A_31 = arith.cmpf oge, %select_n3A_26, %ge3A_30 : vector<256x16xf32>
    %jit3A_32 = arith.constant 16 : i32
    %broadcast_in_dim3A_33 = vector.broadcast %jit3A_32 : i32 to vector<256x16xi32>
    %select_n3A_34 = arith.select %ge3A_31, %iota3A, %broadcast_in_dim3A_33 : vector<256x16xi1>, vector<256x16xi32>
    %reduce_min3A_35 = arith.constant dense<2147483647> : vector<256xi32>
    %reduce_min3A_36 = vector.multi_reduction <minsi>, %select_n3A_34, %reduce_min3A_35 [1] : vector<256x16xi32> to vector<256xi32>
    %broadcast_in_dim3A_37 = vector.shape_cast %reduce_min3A_36 : vector<256xi32> to vector<256x1xi32>
    %eq3A_38 = vector.broadcast %broadcast_in_dim3A_37 : vector<256x1xi32> to vector<256x16xi32>
    %eq3A_39 = arith.cmpi eq, %iota3A, %eq3A_38 : vector<256x16xi32>
    %add3A_40 = arith.addf %broadcast_in_dim3A, %broadcast_in_dim3A_29 : vector<256x1xf32>
    %add3A_41 = arith.constant 9.99999971E-10 : f32
    %add3A_42 = vector.broadcast %add3A_41 : f32 to vector<256x1xf32>
    %add3A_43 = arith.addf %add3A_40, %add3A_42 : vector<256x1xf32>
    %div3A = arith.divf %broadcast_in_dim3A, %add3A_43 : vector<256x1xf32>
    %mul3A = arith.constant 1.000000e+00 : f32
    %mul3A_44 = vector.broadcast %mul3A : f32 to vector<256x1xf32>
    %mul3A_45 = arith.mulf %div3A, %mul3A_44 : vector<256x1xf32>
    %div3A_46 = arith.divf %broadcast_in_dim3A_29, %add3A_43 : vector<256x1xf32>
    %mul3A_47 = arith.constant 1.000000e+00 : f32
    %mul3A_48 = vector.broadcast %mul3A_47 : f32 to vector<256x1xf32>
    %mul3A_49 = arith.mulf %div3A_46, %mul3A_48 : vector<256x1xf32>
    %or3A = arith.ori %eq3A_23, %eq3A_39 : vector<256x16xi1>
    %jit3A_50 = arith.constant 1.000000e+00 : f32
    %jit3A_51 = arith.constant 0.000000e+00 : f32
    %broadcast_in_dim3A_52 = vector.broadcast %jit3A_50 : f32 to vector<256x16xf32>
    %broadcast_in_dim3A_53 = vector.broadcast %jit3A_51 : f32 to vector<256x16xf32>
    %select_n3A_54 = arith.select %or3A, %broadcast_in_dim3A_52, %broadcast_in_dim3A_53 : vector<256x16xi1>, vector<256x16xf32>
    %iota3A_55 = tpu.iota {dimensions = array<i32: 0>} : vector<256x256xi32>
    %iota3A_56 = tpu.iota {dimensions = array<i32: 1>} : vector<256x256xi32>
    %lt3A = arith.cmpi slt, %iota3A_56, %iota3A_55 : vector<256x256xi32>
    %jit3A_57 = arith.constant 1.000000e+00 : f32
    %jit3A_58 = arith.constant 0.000000e+00 : f32
    %broadcast_in_dim3A_59 = vector.broadcast %jit3A_57 : f32 to vector<256x256xf32>
    %broadcast_in_dim3A_60 = vector.broadcast %jit3A_58 : f32 to vector<256x256xf32>
    %select_n3A_61 = arith.select %lt3A, %broadcast_in_dim3A_59, %broadcast_in_dim3A_60 : vector<256x256xi1>, vector<256x256xf32>
    %dot_general3A_62 = arith.constant dense<0.000000e+00> : vector<256x16xf32>
    %dot_general3A_63 = tpu.matmul %select_n3A_61, %select_n3A_54, %dot_general3A_62 {dimension_numbers = #tpu.dot_dimension_numbers<[1], [0], [0], [1], [0, 0, 1, 1], [], []>, precision = #tpu.contract_precision<fp32>, transpose_lhs_hint = false} : vector<256x256xf32>, vector<256x16xf32>, vector<256x16xf32> -> vector<256x16xf32>
    %get3A_64 = arith.constant 0 : index
    %get3A_65 = arith.constant 0 : index
    %get3A_66 = vector.load %arg12[%get3A_64, %get3A_65] : memref<1x16xf32, #tpu.memory_space<vmem>>, vector<1x16xf32>
    %add3A_67 = vector.broadcast %get3A_66 : vector<1x16xf32> to vector<256x16xf32>
    %add3A_68 = arith.addf %dot_general3A_63, %add3A_67 : vector<256x16xf32>
    %jit3A_69 = arith.constant 1.000000e+00 : f32
    %jit3A_70 = arith.constant 0.000000e+00 : f32
    %broadcast_in_dim3A_71 = vector.broadcast %jit3A_69 : f32 to vector<256x16xf32>
    %broadcast_in_dim3A_72 = vector.broadcast %jit3A_70 : f32 to vector<256x16xf32>
    %select_n3A_73 = arith.select %eq3A_23, %broadcast_in_dim3A_71, %broadcast_in_dim3A_72 : vector<256x16xi1>, vector<256x16xf32>
    %mul3A_74 = arith.mulf %add3A_68, %select_n3A_73 : vector<256x16xf32>
    %reduce_sum3A = arith.constant dense<0.000000e+00> : vector<256xf32>
    %reduce_sum3A_75 = vector.multi_reduction <add>, %mul3A_74, %reduce_sum3A [1] : vector<256x16xf32> to vector<256xf32>
    %broadcast_in_dim3A_76 = vector.shape_cast %reduce_sum3A_75 : vector<256xf32> to vector<256x1xf32>
    %jit3A_77 = arith.constant 1.000000e+00 : f32
    %jit3A_78 = arith.constant 0.000000e+00 : f32
    %broadcast_in_dim3A_79 = vector.broadcast %jit3A_77 : f32 to vector<256x16xf32>
    %broadcast_in_dim3A_80 = vector.broadcast %jit3A_78 : f32 to vector<256x16xf32>
    %select_n3A_81 = arith.select %eq3A_39, %broadcast_in_dim3A_79, %broadcast_in_dim3A_80 : vector<256x16xi1>, vector<256x16xf32>
    %mul3A_82 = arith.mulf %add3A_68, %select_n3A_81 : vector<256x16xf32>
    %reduce_sum3A_83 = arith.constant dense<0.000000e+00> : vector<256xf32>
    %reduce_sum3A_84 = vector.multi_reduction <add>, %mul3A_82, %reduce_sum3A_83 [1] : vector<256x16xf32> to vector<256xf32>
    %broadcast_in_dim3A_85 = vector.shape_cast %reduce_sum3A_84 : vector<256xf32> to vector<256x1xf32>
    %get3A_86 = arith.constant 0 : index
    %get3A_87 = arith.constant 0 : index
    %get3A_88 = vector.load %arg12[%get3A_86, %get3A_87] : memref<1x16xf32, #tpu.memory_space<vmem>>, vector<1x16xf32>
    %reduce_sum3A_89 = arith.constant dense<0.000000e+00> : vector<16xf32>
    %reduce_sum3A_90 = vector.multi_reduction <add>, %select_n3A_54, %reduce_sum3A_89 [0] : vector<256x16xf32> to vector<16xf32>
    %broadcast_in_dim3A_91 = vector.shape_cast %reduce_sum3A_90 : vector<16xf32> to vector<1x16xf32>
    %add3A_92 = arith.addf %get3A_88, %broadcast_in_dim3A_91 : vector<1x16xf32>
    %swap3A = arith.constant 0 : index
    %swap3A_93 = arith.constant 0 : index
    %swap3A_94 = vector.load %arg12[%swap3A, %swap3A_93] : memref<1x16xf32, #tpu.memory_space<vmem>>, vector<1x16xf32>
    tpu.vector_store %arg12[%swap3A, %swap3A_93], %add3A_92 {strides = array<i32>} : memref<1x16xf32, #tpu.memory_space<vmem>>, vector<1x16xf32>,
    %iota3A_95 = tpu.iota {dimensions = array<i32: 0>} : vector<16x16xi32>
    %iota3A_96 = tpu.iota {dimensions = array<i32: 1>} : vector<16x16xi32>
    %lt3A_97 = arith.cmpi slt, %iota3A_95, %iota3A_96 : vector<16x16xi32>
    %jit3A_98 = arith.constant 1.000000e+00 : f32
    %jit3A_99 = arith.constant 0.000000e+00 : f32
    %broadcast_in_dim3A_100 = vector.broadcast %jit3A_98 : f32 to vector<16x16xf32>
    %broadcast_in_dim3A_101 = vector.broadcast %jit3A_99 : f32 to vector<16x16xf32>
    %select_n3A_102 = arith.select %lt3A_97, %broadcast_in_dim3A_100, %broadcast_in_dim3A_101 : vector<16x16xi1>, vector<16x16xf32>
    %dot_general3A_103 = arith.constant dense<0.000000e+00> : vector<1x16xf32>
    %dot_general3A_104 = tpu.matmul %add3A_92, %select_n3A_102, %dot_general3A_103 {dimension_numbers = #tpu.dot_dimension_numbers<[1], [0], [0], [1], [0, 0, 1, 1], [], []>, precision = #tpu.contract_precision<fp32>, transpose_lhs_hint = false} : vector<1x16xf32>, vector<16x16xf32>, vector<1x16xf32> -> vector<1x16xf32>
    %reshape3A = vector.shape_cast %dot_general3A_104 : vector<1x16xf32> to vector<1x1x16xf32>
    %swap3A_105 = arith.constant 0 : index
    %swap3A_106 = arith.constant 0 : index
    %swap3A_107 = arith.constant 0 : index
    %swap3A_108 = vector.load %arg11[%swap3A_105, %swap3A_106, %swap3A_107] : memref<1x1x16xf32, #tpu.memory_space<vmem>>, vector<1x1x16xf32>
    tpu.vector_store %arg11[%swap3A_105, %swap3A_106, %swap3A_107], %reshape3A {strides = array<i32>} : memref<1x1x16xf32, #tpu.memory_space<vmem>>, vector<1x1x16xf32>,
    %slice3A = vector.extract_strided_slice %iota3A_55 {offsets = [0, 0], sizes = [128, 128], strides = [1, 1]} : vector<256x256xi32> to vector<128x128xi32>
    %slice3A_109 = vector.extract_strided_slice %iota3A_56 {offsets = [0, 0], sizes = [128, 128], strides = [1, 1]} : vector<256x256xi32> to vector<128x128xi32>
    %eq3A_110 = arith.cmpi eq, %slice3A, %slice3A_109 : vector<128x128xi32>
    %jit3A_111 = arith.constant 1.000000e+00 : f32
    %jit3A_112 = arith.constant 0.000000e+00 : f32
    %broadcast_in_dim3A_113 = vector.broadcast %jit3A_111 : f32 to vector<128x128xf32>
    %broadcast_in_dim3A_114 = vector.broadcast %jit3A_112 : f32 to vector<128x128xf32>
    %select_n3A_115 = arith.select %eq3A_110, %broadcast_in_dim3A_113, %broadcast_in_dim3A_114 : vector<128x128xi1>, vector<128x128xf32>
    %slice3A_116 = vector.extract_strided_slice %broadcast_in_dim3A_76 {offsets = [0, 0], sizes = [128, 1], strides = [1, 1]} : vector<256x1xf32> to vector<128x1xf32>
    %dot_general3A_117 = arith.constant dense<0.000000e+00> : vector<1x128xf32>
    %dot_general3A_118 = tpu.matmul %slice3A_116, %select_n3A_115, %dot_general3A_117 {dimension_numbers = #tpu.dot_dimension_numbers<[0], [0], [1], [1], [0, 1, 1, 1], [], []>, precision = #tpu.contract_precision<fp32>, transpose_lhs_hint = false} : vector<128x1xf32>, vector<128x128xf32>, vector<1x128xf32> -> vector<1x128xf32>
    %slice3A_119 = vector.extract_strided_slice %broadcast_in_dim3A_76 {offsets = [128, 0], sizes = [128, 1], strides = [1, 1]} : vector<256x1xf32> to vector<128x1xf32>
    %dot_general3A_120 = arith.constant dense<0.000000e+00> : vector<1x128xf32>
    %dot_general3A_121 = tpu.matmul %slice3A_119, %select_n3A_115, %dot_general3A_120 {dimension_numbers = #tpu.dot_dimension_numbers<[0], [0], [1], [1], [0, 1, 1, 1], [], []>, precision = #tpu.contract_precision<fp32>, transpose_lhs_hint = false} : vector<128x1xf32>, vector<128x128xf32>, vector<1x128xf32> -> vector<1x128xf32>
    %concatenate3A = tpu.concatenate %dot_general3A_118, %dot_general3A_121 in 0 : vector<1x128xf32>, vector<1x128xf32> -> vector<2x128xf32>
    %reshape3A_122 = vector.shape_cast %concatenate3A : vector<2x128xf32> to vector<1x2x128xf32>
    %swap3A_123 = arith.constant 0 : index
    %swap3A_124 = arith.constant 0 : index
    %swap3A_125 = arith.constant 0 : index
    %swap3A_126 = vector.load %arg4[%swap3A_123, %swap3A_124, %swap3A_125] : memref<1x2x128xf32, #tpu.memory_space<vmem>>, vector<1x2x128xf32>
    tpu.vector_store %arg4[%swap3A_123, %swap3A_124, %swap3A_125], %reshape3A_122 {strides = array<i32>} : memref<1x2x128xf32, #tpu.memory_space<vmem>>, vector<1x2x128xf32>,
    %slice3A_127 = vector.extract_strided_slice %broadcast_in_dim3A_85 {offsets = [0, 0], sizes = [128, 1], strides = [1, 1]} : vector<256x1xf32> to vector<128x1xf32>
    %dot_general3A_128 = arith.constant dense<0.000000e+00> : vector<1x128xf32>
    %dot_general3A_129 = tpu.matmul %slice3A_127, %select_n3A_115, %dot_general3A_128 {dimension_numbers = #tpu.dot_dimension_numbers<[0], [0], [1], [1], [0, 1, 1, 1], [], []>, precision = #tpu.contract_precision<fp32>, transpose_lhs_hint = false} : vector<128x1xf32>, vector<128x128xf32>, vector<1x128xf32> -> vector<1x128xf32>
    %slice3A_130 = vector.extract_strided_slice %broadcast_in_dim3A_85 {offsets = [128, 0], sizes = [128, 1], strides = [1, 1]} : vector<256x1xf32> to vector<128x1xf32>
    %dot_general3A_131 = arith.constant dense<0.000000e+00> : vector<1x128xf32>
    %dot_general3A_132 = tpu.matmul %slice3A_130, %select_n3A_115, %dot_general3A_131 {dimension_numbers = #tpu.dot_dimension_numbers<[0], [0], [1], [1], [0, 1, 1, 1], [], []>, precision = #tpu.contract_precision<fp32>, transpose_lhs_hint = false} : vector<128x1xf32>, vector<128x128xf32>, vector<1x128xf32> -> vector<1x128xf32>
    %concatenate3A_133 = tpu.concatenate %dot_general3A_129, %dot_general3A_132 in 0 : vector<1x128xf32>, vector<1x128xf32> -> vector<2x128xf32>
    %reshape3A_134 = vector.shape_cast %concatenate3A_133 : vector<2x128xf32> to vector<1x2x128xf32>
    %swap3A_135 = arith.constant 0 : index
    %swap3A_136 = arith.constant 0 : index
    %swap3A_137 = arith.constant 0 : index
    %swap3A_138 = vector.load %arg5[%swap3A_135, %swap3A_136, %swap3A_137] : memref<1x2x128xf32, #tpu.memory_space<vmem>>, vector<1x2x128xf32>
    tpu.vector_store %arg5[%swap3A_135, %swap3A_136, %swap3A_137], %reshape3A_134 {strides = array<i32>} : memref<1x2x128xf32, #tpu.memory_space<vmem>>, vector<1x2x128xf32>,
    %convert_element_type3A_139 = arith.sitofp %broadcast_in_dim3A_21 : vector<256x1xi32> to vector<256x1xf32>
    %slice3A_140 = vector.extract_strided_slice %convert_element_type3A_139 {offsets = [0, 0], sizes = [128, 1], strides = [1, 1]} : vector<256x1xf32> to vector<128x1xf32>
    %dot_general3A_141 = arith.constant dense<0.000000e+00> : vector<1x128xf32>
    %dot_general3A_142 = tpu.matmul %slice3A_140, %select_n3A_115, %dot_general3A_141 {dimension_numbers = #tpu.dot_dimension_numbers<[0], [0], [1], [1], [0, 1, 1, 1], [], []>, precision = #tpu.contract_precision<fp32>, transpose_lhs_hint = false} : vector<128x1xf32>, vector<128x128xf32>, vector<1x128xf32> -> vector<1x128xf32>
    %slice3A_143 = vector.extract_strided_slice %convert_element_type3A_139 {offsets = [128, 0], sizes = [128, 1], strides = [1, 1]} : vector<256x1xf32> to vector<128x1xf32>
    %dot_general3A_144 = arith.constant dense<0.000000e+00> : vector<1x128xf32>
    %dot_general3A_145 = tpu.matmul %slice3A_143, %select_n3A_115, %dot_general3A_144 {dimension_numbers = #tpu.dot_dimension_numbers<[0], [0], [1], [1], [0, 1, 1, 1], [], []>, precision = #tpu.contract_precision<fp32>, transpose_lhs_hint = false} : vector<128x1xf32>, vector<128x128xf32>, vector<1x128xf32> -> vector<1x128xf32>
    %concatenate3A_146 = tpu.concatenate %dot_general3A_142, %dot_general3A_145 in 0 : vector<1x128xf32>, vector<1x128xf32> -> vector<2x128xf32>
    %reshape3A_147 = vector.shape_cast %concatenate3A_146 : vector<2x128xf32> to vector<1x2x128xf32>
    %swap3A_148 = arith.constant 0 : index
    %swap3A_149 = arith.constant 0 : index
    %swap3A_150 = arith.constant 0 : index
    %swap3A_151 = vector.load %arg6[%swap3A_148, %swap3A_149, %swap3A_150] : memref<1x2x128xf32, #tpu.memory_space<vmem>>, vector<1x2x128xf32>
    tpu.vector_store %arg6[%swap3A_148, %swap3A_149, %swap3A_150], %reshape3A_147 {strides = array<i32>} : memref<1x2x128xf32, #tpu.memory_space<vmem>>, vector<1x2x128xf32>,
    %convert_element_type3A_152 = arith.sitofp %broadcast_in_dim3A_37 : vector<256x1xi32> to vector<256x1xf32>
    %slice3A_153 = vector.extract_strided_slice %convert_element_type3A_152 {offsets = [0, 0], sizes = [128, 1], strides = [1, 1]} : vector<256x1xf32> to vector<128x1xf32>
    %dot_general3A_154 = arith.constant dense<0.000000e+00> : vector<1x128xf32>
    %dot_general3A_155 = tpu.matmul %slice3A_153, %select_n3A_115, %dot_general3A_154 {dimension_numbers = #tpu.dot_dimension_numbers<[0], [0], [1], [1], [0, 1, 1, 1], [], []>, precision = #tpu.contract_precision<fp32>, transpose_lhs_hint = false} : vector<128x1xf32>, vector<128x128xf32>, vector<1x128xf32> -> vector<1x128xf32>
    %slice3A_156 = vector.extract_strided_slice %convert_element_type3A_152 {offsets = [128, 0], sizes = [128, 1], strides = [1, 1]} : vector<256x1xf32> to vector<128x1xf32>
    %dot_general3A_157 = arith.constant dense<0.000000e+00> : vector<1x128xf32>
    %dot_general3A_158 = tpu.matmul %slice3A_156, %select_n3A_115, %dot_general3A_157 {dimension_numbers = #tpu.dot_dimension_numbers<[0], [0], [1], [1], [0, 1, 1, 1], [], []>, precision = #tpu.contract_precision<fp32>, transpose_lhs_hint = false} : vector<128x1xf32>, vector<128x128xf32>, vector<1x128xf32> -> vector<1x128xf32>
    %concatenate3A_159 = tpu.concatenate %dot_general3A_155, %dot_general3A_158 in 0 : vector<1x128xf32>, vector<1x128xf32> -> vector<2x128xf32>
    %reshape3A_160 = vector.shape_cast %concatenate3A_159 : vector<2x128xf32> to vector<1x2x128xf32>
    %swap3A_161 = arith.constant 0 : index
    %swap3A_162 = arith.constant 0 : index
    %swap3A_163 = arith.constant 0 : index
    %swap3A_164 = vector.load %arg7[%swap3A_161, %swap3A_162, %swap3A_163] : memref<1x2x128xf32, #tpu.memory_space<vmem>>, vector<1x2x128xf32>
    tpu.vector_store %arg7[%swap3A_161, %swap3A_162, %swap3A_163], %reshape3A_160 {strides = array<i32>} : memref<1x2x128xf32, #tpu.memory_space<vmem>>, vector<1x2x128xf32>,
    %swap3A_165 = arith.constant 0 : index
    %swap3A_166 = arith.constant 0 : index
    %swap3A_167 = vector.load %arg8[%swap3A_165, %swap3A_166] : memref<256x1xf32, #tpu.memory_space<vmem>>, vector<256x1xf32>
    tpu.vector_store %arg8[%swap3A_165, %swap3A_166], %mul3A_45 {strides = array<i32>} : memref<256x1xf32, #tpu.memory_space<vmem>>, vector<256x1xf32>,
    %swap3A_168 = arith.constant 0 : index
    %swap3A_169 = arith.constant 0 : index
    %swap3A_170 = vector.load %arg9[%swap3A_168, %swap3A_169] : memref<256x1xf32, #tpu.memory_space<vmem>>, vector<256x1xf32>
    tpu.vector_store %arg9[%swap3A_168, %swap3A_169], %mul3A_49 {strides = array<i32>} : memref<256x1xf32, #tpu.memory_space<vmem>>, vector<256x1xf32>,
    %bitcast_convert_type3A = tpu.bitcast %get3A_3 : vector<256x1024xf32> -> vector<256x1024xi32>
    %add3A_171 = arith.constant 32768 : i32
    %add3A_172 = vector.broadcast %add3A_171 : i32 to vector<256x1024xi32>
    %add3A_173 = arith.addi %bitcast_convert_type3A, %add3A_172 : vector<256x1024xi32>
    %slice3A_174 = vector.extract_strided_slice %add3A_173 {offsets = [0, 0], sizes = [256, 512], strides = [1, 1]} : vector<256x1024xi32> to vector<256x512xi32>
    %shift_right_arithmetic3A = arith.constant 16 : i32
    %shift_right_arithmetic3A_175 = vector.broadcast %shift_right_arithmetic3A : i32 to vector<256x512xi32>
    %shift_right_arithmetic3A_176 = arith.shrsi %slice3A_174, %shift_right_arithmetic3A_175 : vector<256x512xi32>
    %and3A = arith.constant 65535 : i32
    %and3A_177 = vector.broadcast %and3A : i32 to vector<256x512xi32>
    %and3A_178 = arith.andi %shift_right_arithmetic3A_176, %and3A_177 : vector<256x512xi32>
    %slice3A_179 = vector.extract_strided_slice %add3A_173 {offsets = [0, 512], sizes = [256, 512], strides = [1, 1]} : vector<256x1024xi32> to vector<256x512xi32>
    %and3A_180 = arith.constant -65536 : i32
    %and3A_181 = vector.broadcast %and3A_180 : i32 to vector<256x512xi32>
    %and3A_182 = arith.andi %slice3A_179, %and3A_181 : vector<256x512xi32>
    %or3A_183 = arith.ori %and3A_178, %and3A_182 : vector<256x512xi32>
    %swap3A_184 = arith.constant 0 : index
    %swap3A_185 = arith.constant 0 : index
    %swap3A_186 = vector.load %arg10[%swap3A_184, %swap3A_185] : memref<256x512xi32, #tpu.memory_space<vmem>>, vector<256x512xi32>
    tpu.vector_store %arg10[%swap3A_184, %swap3A_185], %or3A_183 {strides = array<i32>} : memref<256x512xi32, #tpu.memory_space<vmem>>, vector<256x512xi32>,
    return
  }
  func.func @transform_0(%arg0: i32) -> (i32, i32) {
    %c0_i32 = arith.constant 0 : i32
    %c0_i32_0 = arith.constant 0 : i32
    return %arg0, %c0_i32 : i32, i32
  }
  func.func @transform_1(%arg0: i32) -> (i32, i32) {
    %c0_i32 = arith.constant 0 : i32
    %c0_i32_0 = arith.constant 0 : i32
    %c0_i32_1 = arith.constant 0 : i32
    return %c0_i32, %c0_i32_0 : i32, i32
  }
  func.func @transform_2(%arg0: i32) -> (i32, i32) {
    %c0_i32 = arith.constant 0 : i32
    %c0_i32_0 = arith.constant 0 : i32
    %c0_i32_1 = arith.constant 0 : i32
    return %c0_i32, %c0_i32_0 : i32, i32
  }
  func.func @transform_3(%arg0: i32) -> (i32, i32, i32) {
    %c0_i32 = arith.constant 0 : i32
    %c0_i32_0 = arith.constant 0 : i32
    %c0_i32_1 = arith.constant 0 : i32
    return %arg0, %c0_i32, %c0_i32_0 : i32, i32, i32
  }
  func.func @transform_4(%arg0: i32) -> (i32, i32, i32) {
    %c0_i32 = arith.constant 0 : i32
    %c0_i32_0 = arith.constant 0 : i32
    %c0_i32_1 = arith.constant 0 : i32
    return %arg0, %c0_i32, %c0_i32_0 : i32, i32, i32
  }
  func.func @transform_5(%arg0: i32) -> (i32, i32, i32) {
    %c0_i32 = arith.constant 0 : i32
    %c0_i32_0 = arith.constant 0 : i32
    %c0_i32_1 = arith.constant 0 : i32
    return %arg0, %c0_i32, %c0_i32_0 : i32, i32, i32
  }
  func.func @transform_6(%arg0: i32) -> (i32, i32, i32) {
    %c0_i32 = arith.constant 0 : i32
    %c0_i32_0 = arith.constant 0 : i32
    %c0_i32_1 = arith.constant 0 : i32
    return %arg0, %c0_i32, %c0_i32_0 : i32, i32, i32
  }
  func.func @transform_7(%arg0: i32) -> (i32, i32) {
    %c0_i32 = arith.constant 0 : i32
    %c0_i32_0 = arith.constant 0 : i32
    return %arg0, %c0_i32 : i32, i32
  }
  func.func @transform_8(%arg0: i32) -> (i32, i32) {
    %c0_i32 = arith.constant 0 : i32
    %c0_i32_0 = arith.constant 0 : i32
    return %arg0, %c0_i32 : i32, i32
  }
  func.func @transform_9(%arg0: i32) -> (i32, i32) {
    %c0_i32 = arith.constant 0 : i32
    %c0_i32_0 = arith.constant 0 : i32
    return %arg0, %c0_i32 : i32, i32
  }
  func.func @transform_10(%arg0: i32) -> (i32, i32, i32) {
    %c0_i32 = arith.constant 0 : i32
    %c0_i32_0 = arith.constant 0 : i32
    %c0_i32_1 = arith.constant 0 : i32
    %c0_i32_2 = arith.constant 0 : i32
    return %c0_i32, %c0_i32_0, %c0_i32_1 : i32, i32, i32
  }
}

module attributes {stable_mosaic.version = 14 : i64} {
  func.func @_group_body(%arg0: i32, %arg1: memref<17xi32, #tpu.memory_space<smem>>, %arg2: memref<256x512xi32, #tpu.memory_space<vmem>>, %arg3: memref<16x512x512xbf16, #tpu.memory_space<vmem>>, %arg4: memref<16x512x512xbf16, #tpu.memory_space<vmem>>, %arg5: memref<16x1024x512xbf16, #tpu.memory_space<vmem>>, %arg6: memref<256x512xi32, #tpu.memory_space<vmem>>, %arg7: memref<256x1024xf32, #tpu.memory_space<vmem>>) attributes {dimension_semantics = [#tpu.dimension_semantics<arbitrary>], iteration_bounds = array<i64: 32>, scalar_prefetch = 1 : i64, scratch_operands = 1 : i64, tpu.core_type = #tpu.core_type<tc>, window_params = [{transform_indices = @transform_0, window_bounds = array<i64: 256, 512>}, {pipeline_mode = #tpu.pipeline_mode<synchronous>, transform_indices = @transform_1, window_bounds = array<i64: 16, 512, 512>}, {pipeline_mode = #tpu.pipeline_mode<synchronous>, transform_indices = @transform_2, window_bounds = array<i64: 16, 512, 512>}, {pipeline_mode = #tpu.pipeline_mode<synchronous>, transform_indices = @transform_3, window_bounds = array<i64: 16, 1024, 512>}, {transform_indices = @transform_4, window_bounds = array<i64: 256, 512>}]} {
    %get3A = arith.constant 0 : index
    %get3A_0 = arith.constant 0 : index
    %get3A_1 = vector.load %arg2[%get3A, %get3A_0] : memref<256x512xi32, #tpu.memory_space<vmem>>, vector<256x512xi32>
    %shift_left3A = arith.constant 16 : i32
    %shift_left3A_2 = vector.broadcast %shift_left3A : i32 to vector<256x512xi32>
    %shift_left3A_3 = arith.shli %get3A_1, %shift_left3A_2 : vector<256x512xi32>
    %bitcast_convert_type3A = tpu.bitcast %shift_left3A_3 : vector<256x512xi32> -> vector<256x512xf32>
    %and3A = arith.constant -65536 : i32
    %and3A_4 = vector.broadcast %and3A : i32 to vector<256x512xi32>
    %and3A_5 = arith.andi %get3A_1, %and3A_4 : vector<256x512xi32>
    %bitcast_convert_type3A_6 = tpu.bitcast %and3A_5 : vector<256x512xi32> -> vector<256x512xf32>
    %convert_element_type3A = arith.truncf %bitcast_convert_type3A : vector<256x512xf32> to vector<256x512xbf16>
    %convert_element_type3A_7 = arith.truncf %bitcast_convert_type3A_6 : vector<256x512xf32> to vector<256x512xbf16>
    %mul3A = arith.constant 256 : i32
    %mul3A_8 = arith.muli %arg0, %mul3A : i32
    %iota3A = tpu.iota {dimensions = array<i32: 0>} : vector<256x1xi32>
    %add3A = vector.broadcast %mul3A_8 : i32 to vector<256x1xi32>
    %add3A_9 = arith.addi %add3A, %iota3A : vector<256x1xi32>
    %broadcast_in_dim3A = arith.constant 0.000000e+00 : f32
    %broadcast_in_dim3A_10 = vector.broadcast %broadcast_in_dim3A : f32 to vector<256x1024xf32>
    %swap3A = arith.constant 0 : index
    %swap3A_11 = arith.constant 0 : index
    %swap3A_12 = vector.load %arg7[%swap3A, %swap3A_11] : memref<256x1024xf32, #tpu.memory_space<vmem>>, vector<256x1024xf32>
    tpu.vector_store %arg7[%swap3A, %swap3A_11], %broadcast_in_dim3A_10 {strides = array<i32>} : memref<256x1024xf32, #tpu.memory_space<vmem>>, vector<256x1024xf32>,
    %get3A_13 = arith.constant 0 : index
    %get3A_14 = memref.load %arg1[%get3A_13] : memref<17xi32, #tpu.memory_space<smem>>
    %get3A_15 = arith.constant 1 : index
    %get3A_16 = memref.load %arg1[%get3A_15] : memref<17xi32, #tpu.memory_space<smem>>
    %add3A_17 = arith.constant 256 : i32
    %add3A_18 = arith.addi %mul3A_8, %add3A_17 : i32
    %lt3A = arith.cmpi slt, %get3A_14, %add3A_18 : i32
    %gt3A = arith.cmpi sgt, %get3A_16, %mul3A_8 : i32
    %and3A_19 = arith.andi %lt3A, %gt3A : i1
    %convert_element_type3A_20 = arith.extui %and3A_19 : i1 to i32
    %cond3A = arith.constant 0 : i32
    %cond3A_21 = arith.cmpi ne, %convert_element_type3A_20, %cond3A : i32
    scf.if %cond3A_21 {
      %get3A_221 = arith.constant 0 : index
      %get3A_222 = arith.constant 0 : index
      %get3A_223 = arith.constant 0 : index
      %get3A_224 = vector.load %arg3[%get3A_221, %get3A_222, %get3A_223] : memref<16x512x512xbf16, #tpu.memory_space<vmem>>, vector<1x512x512xbf16>
      %get3A_225 = vector.shape_cast %get3A_224 : vector<1x512x512xbf16> to vector<512x512xbf16>
      %dot_general3A = arith.constant dense<0.000000e+00> : vector<256x512xf32>
      %dot_general3A_226 = tpu.matmul %convert_element_type3A, %get3A_225, %dot_general3A {dimension_numbers = #tpu.dot_dimension_numbers<[1], [1], [0], [0], [0, 0, 1, 0], [], []>, transpose_lhs_hint = false} : vector<256x512xbf16>, vector<512x512xbf16>, vector<256x512xf32> -> vector<256x512xf32>
      %get3A_227 = arith.constant 0 : index
      %get3A_228 = arith.constant 0 : index
      %get3A_229 = arith.constant 0 : index
      %get3A_230 = vector.load %arg4[%get3A_227, %get3A_228, %get3A_229] : memref<16x512x512xbf16, #tpu.memory_space<vmem>>, vector<1x512x512xbf16>
      %get3A_231 = vector.shape_cast %get3A_230 : vector<1x512x512xbf16> to vector<512x512xbf16>
      %dot_general3A_232 = arith.constant dense<0.000000e+00> : vector<256x512xf32>
      %dot_general3A_233 = tpu.matmul %convert_element_type3A_7, %get3A_231, %dot_general3A_232 {dimension_numbers = #tpu.dot_dimension_numbers<[1], [1], [0], [0], [0, 0, 1, 0], [], []>, transpose_lhs_hint = false} : vector<256x512xbf16>, vector<512x512xbf16>, vector<256x512xf32> -> vector<256x512xf32>
      %add3A_234 = arith.addf %dot_general3A_226, %dot_general3A_233 : vector<256x512xf32>
      %logistic3A = arith.negf %add3A_234 : vector<256x512xf32>
      %logistic3A_235 = math.exp %logistic3A : vector<256x512xf32>
      %logistic3A_236 = arith.constant 1.000000e+00 : f32
      %logistic3A_237 = vector.broadcast %logistic3A_236 : f32 to vector<256x512xf32>
      %logistic3A_238 = arith.addf %logistic3A_237, %logistic3A_235 : vector<256x512xf32>
      %logistic3A_239 = arith.divf %logistic3A_237, %logistic3A_238 : vector<256x512xf32>
      %mul3A_240 = arith.mulf %add3A_234, %logistic3A_239 : vector<256x512xf32>
      %convert_element_type3A_241 = arith.truncf %mul3A_240 : vector<256x512xf32> to vector<256x512xbf16>
      %get3A_242 = arith.constant 0 : index
      %get3A_243 = arith.constant 0 : index
      %get3A_244 = arith.constant 0 : index
      %get3A_245 = vector.load %arg5[%get3A_242, %get3A_243, %get3A_244] : memref<16x1024x512xbf16, #tpu.memory_space<vmem>>, vector<1x1024x512xbf16>
      %get3A_246 = vector.shape_cast %get3A_245 : vector<1x1024x512xbf16> to vector<1024x512xbf16>
      %dot_general3A_247 = arith.constant dense<0.000000e+00> : vector<256x1024xf32>
      %dot_general3A_248 = tpu.matmul %convert_element_type3A_241, %get3A_246, %dot_general3A_247 {dimension_numbers = #tpu.dot_dimension_numbers<[1], [1], [0], [0], [0, 0, 1, 0], [], []>, transpose_lhs_hint = false} : vector<256x512xbf16>, vector<1024x512xbf16>, vector<256x1024xf32> -> vector<256x1024xf32>
      %ge3A = vector.broadcast %get3A_14 : i32 to vector<256x1xi32>
      %ge3A_249 = arith.cmpi sge, %add3A_9, %ge3A : vector<256x1xi32>
      %lt3A_250 = vector.broadcast %get3A_16 : i32 to vector<256x1xi32>
      %lt3A_251 = arith.cmpi slt, %add3A_9, %lt3A_250 : vector<256x1xi32>
      %and3A_252 = arith.andi %ge3A_249, %lt3A_251 : vector<256x1xi1>
      %get3A_253 = arith.constant 0 : index
      %get3A_254 = arith.constant 0 : index
      %get3A_255 = vector.load %arg7[%get3A_253, %get3A_254] : memref<256x1024xf32, #tpu.memory_space<vmem>>, vector<256x1024xf32>
      %jit3A = arith.constant 0.000000e+00 : f32
      %broadcast_in_dim3A_256 = vector.shape_cast %and3A_252 : vector<256x1xi1> to vector<256x1xi1>
      %broadcast_in_dim3A_257 = vector.broadcast %broadcast_in_dim3A_256 : vector<256x1xi1> to vector<256x1024xi1>
      %broadcast_in_dim3A_258 = vector.broadcast %jit3A : f32 to vector<256x1024xf32>
      %select_n3A = arith.select %broadcast_in_dim3A_257, %dot_general3A_248, %broadcast_in_dim3A_258 : vector<256x1024xi1>, vector<256x1024xf32>
      %add3A_259 = arith.addf %get3A_255, %select_n3A : vector<256x1024xf32>
      %swap3A_260 = arith.constant 0 : index
      %swap3A_261 = arith.constant 0 : index
      %swap3A_262 = vector.load %arg7[%swap3A_260, %swap3A_261] : memref<256x1024xf32, #tpu.memory_space<vmem>>, vector<256x1024xf32>
      tpu.vector_store %arg7[%swap3A_260, %swap3A_261], %add3A_259 {strides = array<i32>} : memref<256x1024xf32, #tpu.memory_space<vmem>>, vector<256x1024xf32>,
    } else {
    }
    %get3A_22 = arith.constant 1 : index
    %get3A_23 = memref.load %arg1[%get3A_22] : memref<17xi32, #tpu.memory_space<smem>>
    %get3A_24 = arith.constant 2 : index
    %get3A_25 = memref.load %arg1[%get3A_24] : memref<17xi32, #tpu.memory_space<smem>>
    %add3A_26 = arith.constant 256 : i32
    %add3A_27 = arith.addi %mul3A_8, %add3A_26 : i32
    %lt3A_28 = arith.cmpi slt, %get3A_23, %add3A_27 : i32
    %gt3A_29 = arith.cmpi sgt, %get3A_25, %mul3A_8 : i32
    %and3A_30 = arith.andi %lt3A_28, %gt3A_29 : i1
    %convert_element_type3A_31 = arith.extui %and3A_30 : i1 to i32
    %cond3A_32 = arith.constant 0 : i32
    %cond3A_33 = arith.cmpi ne, %convert_element_type3A_31, %cond3A_32 : i32
    scf.if %cond3A_33 {
      %get3A_221 = arith.constant 1 : index
      %get3A_222 = arith.constant 0 : index
      %get3A_223 = arith.constant 0 : index
      %get3A_224 = vector.load %arg3[%get3A_221, %get3A_222, %get3A_223] : memref<16x512x512xbf16, #tpu.memory_space<vmem>>, vector<1x512x512xbf16>
      %get3A_225 = vector.shape_cast %get3A_224 : vector<1x512x512xbf16> to vector<512x512xbf16>
      %dot_general3A = arith.constant dense<0.000000e+00> : vector<256x512xf32>
      %dot_general3A_226 = tpu.matmul %convert_element_type3A, %get3A_225, %dot_general3A {dimension_numbers = #tpu.dot_dimension_numbers<[1], [1], [0], [0], [0, 0, 1, 0], [], []>, transpose_lhs_hint = false} : vector<256x512xbf16>, vector<512x512xbf16>, vector<256x512xf32> -> vector<256x512xf32>
      %get3A_227 = arith.constant 1 : index
      %get3A_228 = arith.constant 0 : index
      %get3A_229 = arith.constant 0 : index
      %get3A_230 = vector.load %arg4[%get3A_227, %get3A_228, %get3A_229] : memref<16x512x512xbf16, #tpu.memory_space<vmem>>, vector<1x512x512xbf16>
      %get3A_231 = vector.shape_cast %get3A_230 : vector<1x512x512xbf16> to vector<512x512xbf16>
      %dot_general3A_232 = arith.constant dense<0.000000e+00> : vector<256x512xf32>
      %dot_general3A_233 = tpu.matmul %convert_element_type3A_7, %get3A_231, %dot_general3A_232 {dimension_numbers = #tpu.dot_dimension_numbers<[1], [1], [0], [0], [0, 0, 1, 0], [], []>, transpose_lhs_hint = false} : vector<256x512xbf16>, vector<512x512xbf16>, vector<256x512xf32> -> vector<256x512xf32>
      %add3A_234 = arith.addf %dot_general3A_226, %dot_general3A_233 : vector<256x512xf32>
      %logistic3A = arith.negf %add3A_234 : vector<256x512xf32>
      %logistic3A_235 = math.exp %logistic3A : vector<256x512xf32>
      %logistic3A_236 = arith.constant 1.000000e+00 : f32
      %logistic3A_237 = vector.broadcast %logistic3A_236 : f32 to vector<256x512xf32>
      %logistic3A_238 = arith.addf %logistic3A_237, %logistic3A_235 : vector<256x512xf32>
      %logistic3A_239 = arith.divf %logistic3A_237, %logistic3A_238 : vector<256x512xf32>
      %mul3A_240 = arith.mulf %add3A_234, %logistic3A_239 : vector<256x512xf32>
      %convert_element_type3A_241 = arith.truncf %mul3A_240 : vector<256x512xf32> to vector<256x512xbf16>
      %get3A_242 = arith.constant 1 : index
      %get3A_243 = arith.constant 0 : index
      %get3A_244 = arith.constant 0 : index
      %get3A_245 = vector.load %arg5[%get3A_242, %get3A_243, %get3A_244] : memref<16x1024x512xbf16, #tpu.memory_space<vmem>>, vector<1x1024x512xbf16>
      %get3A_246 = vector.shape_cast %get3A_245 : vector<1x1024x512xbf16> to vector<1024x512xbf16>
      %dot_general3A_247 = arith.constant dense<0.000000e+00> : vector<256x1024xf32>
      %dot_general3A_248 = tpu.matmul %convert_element_type3A_241, %get3A_246, %dot_general3A_247 {dimension_numbers = #tpu.dot_dimension_numbers<[1], [1], [0], [0], [0, 0, 1, 0], [], []>, transpose_lhs_hint = false} : vector<256x512xbf16>, vector<1024x512xbf16>, vector<256x1024xf32> -> vector<256x1024xf32>
      %ge3A = vector.broadcast %get3A_23 : i32 to vector<256x1xi32>
      %ge3A_249 = arith.cmpi sge, %add3A_9, %ge3A : vector<256x1xi32>
      %lt3A_250 = vector.broadcast %get3A_25 : i32 to vector<256x1xi32>
      %lt3A_251 = arith.cmpi slt, %add3A_9, %lt3A_250 : vector<256x1xi32>
      %and3A_252 = arith.andi %ge3A_249, %lt3A_251 : vector<256x1xi1>
      %get3A_253 = arith.constant 0 : index
      %get3A_254 = arith.constant 0 : index
      %get3A_255 = vector.load %arg7[%get3A_253, %get3A_254] : memref<256x1024xf32, #tpu.memory_space<vmem>>, vector<256x1024xf32>
      %jit3A = arith.constant 0.000000e+00 : f32
      %broadcast_in_dim3A_256 = vector.shape_cast %and3A_252 : vector<256x1xi1> to vector<256x1xi1>
      %broadcast_in_dim3A_257 = vector.broadcast %broadcast_in_dim3A_256 : vector<256x1xi1> to vector<256x1024xi1>
      %broadcast_in_dim3A_258 = vector.broadcast %jit3A : f32 to vector<256x1024xf32>
      %select_n3A = arith.select %broadcast_in_dim3A_257, %dot_general3A_248, %broadcast_in_dim3A_258 : vector<256x1024xi1>, vector<256x1024xf32>
      %add3A_259 = arith.addf %get3A_255, %select_n3A : vector<256x1024xf32>
      %swap3A_260 = arith.constant 0 : index
      %swap3A_261 = arith.constant 0 : index
      %swap3A_262 = vector.load %arg7[%swap3A_260, %swap3A_261] : memref<256x1024xf32, #tpu.memory_space<vmem>>, vector<256x1024xf32>
      tpu.vector_store %arg7[%swap3A_260, %swap3A_261], %add3A_259 {strides = array<i32>} : memref<256x1024xf32, #tpu.memory_space<vmem>>, vector<256x1024xf32>,
    } else {
    }
    %get3A_34 = arith.constant 2 : index
    %get3A_35 = memref.load %arg1[%get3A_34] : memref<17xi32, #tpu.memory_space<smem>>
    %get3A_36 = arith.constant 3 : index
    %get3A_37 = memref.load %arg1[%get3A_36] : memref<17xi32, #tpu.memory_space<smem>>
    %add3A_38 = arith.constant 256 : i32
    %add3A_39 = arith.addi %mul3A_8, %add3A_38 : i32
    %lt3A_40 = arith.cmpi slt, %get3A_35, %add3A_39 : i32
    %gt3A_41 = arith.cmpi sgt, %get3A_37, %mul3A_8 : i32
    %and3A_42 = arith.andi %lt3A_40, %gt3A_41 : i1
    %convert_element_type3A_43 = arith.extui %and3A_42 : i1 to i32
    %cond3A_44 = arith.constant 0 : i32
    %cond3A_45 = arith.cmpi ne, %convert_element_type3A_43, %cond3A_44 : i32
    scf.if %cond3A_45 {
      %get3A_221 = arith.constant 2 : index
      %get3A_222 = arith.constant 0 : index
      %get3A_223 = arith.constant 0 : index
      %get3A_224 = vector.load %arg3[%get3A_221, %get3A_222, %get3A_223] : memref<16x512x512xbf16, #tpu.memory_space<vmem>>, vector<1x512x512xbf16>
      %get3A_225 = vector.shape_cast %get3A_224 : vector<1x512x512xbf16> to vector<512x512xbf16>
      %dot_general3A = arith.constant dense<0.000000e+00> : vector<256x512xf32>
      %dot_general3A_226 = tpu.matmul %convert_element_type3A, %get3A_225, %dot_general3A {dimension_numbers = #tpu.dot_dimension_numbers<[1], [1], [0], [0], [0, 0, 1, 0], [], []>, transpose_lhs_hint = false} : vector<256x512xbf16>, vector<512x512xbf16>, vector<256x512xf32> -> vector<256x512xf32>
      %get3A_227 = arith.constant 2 : index
      %get3A_228 = arith.constant 0 : index
      %get3A_229 = arith.constant 0 : index
      %get3A_230 = vector.load %arg4[%get3A_227, %get3A_228, %get3A_229] : memref<16x512x512xbf16, #tpu.memory_space<vmem>>, vector<1x512x512xbf16>
      %get3A_231 = vector.shape_cast %get3A_230 : vector<1x512x512xbf16> to vector<512x512xbf16>
      %dot_general3A_232 = arith.constant dense<0.000000e+00> : vector<256x512xf32>
      %dot_general3A_233 = tpu.matmul %convert_element_type3A_7, %get3A_231, %dot_general3A_232 {dimension_numbers = #tpu.dot_dimension_numbers<[1], [1], [0], [0], [0, 0, 1, 0], [], []>, transpose_lhs_hint = false} : vector<256x512xbf16>, vector<512x512xbf16>, vector<256x512xf32> -> vector<256x512xf32>
      %add3A_234 = arith.addf %dot_general3A_226, %dot_general3A_233 : vector<256x512xf32>
      %logistic3A = arith.negf %add3A_234 : vector<256x512xf32>
      %logistic3A_235 = math.exp %logistic3A : vector<256x512xf32>
      %logistic3A_236 = arith.constant 1.000000e+00 : f32
      %logistic3A_237 = vector.broadcast %logistic3A_236 : f32 to vector<256x512xf32>
      %logistic3A_238 = arith.addf %logistic3A_237, %logistic3A_235 : vector<256x512xf32>
      %logistic3A_239 = arith.divf %logistic3A_237, %logistic3A_238 : vector<256x512xf32>
      %mul3A_240 = arith.mulf %add3A_234, %logistic3A_239 : vector<256x512xf32>
      %convert_element_type3A_241 = arith.truncf %mul3A_240 : vector<256x512xf32> to vector<256x512xbf16>
      %get3A_242 = arith.constant 2 : index
      %get3A_243 = arith.constant 0 : index
      %get3A_244 = arith.constant 0 : index
      %get3A_245 = vector.load %arg5[%get3A_242, %get3A_243, %get3A_244] : memref<16x1024x512xbf16, #tpu.memory_space<vmem>>, vector<1x1024x512xbf16>
      %get3A_246 = vector.shape_cast %get3A_245 : vector<1x1024x512xbf16> to vector<1024x512xbf16>
      %dot_general3A_247 = arith.constant dense<0.000000e+00> : vector<256x1024xf32>
      %dot_general3A_248 = tpu.matmul %convert_element_type3A_241, %get3A_246, %dot_general3A_247 {dimension_numbers = #tpu.dot_dimension_numbers<[1], [1], [0], [0], [0, 0, 1, 0], [], []>, transpose_lhs_hint = false} : vector<256x512xbf16>, vector<1024x512xbf16>, vector<256x1024xf32> -> vector<256x1024xf32>
      %ge3A = vector.broadcast %get3A_35 : i32 to vector<256x1xi32>
      %ge3A_249 = arith.cmpi sge, %add3A_9, %ge3A : vector<256x1xi32>
      %lt3A_250 = vector.broadcast %get3A_37 : i32 to vector<256x1xi32>
      %lt3A_251 = arith.cmpi slt, %add3A_9, %lt3A_250 : vector<256x1xi32>
      %and3A_252 = arith.andi %ge3A_249, %lt3A_251 : vector<256x1xi1>
      %get3A_253 = arith.constant 0 : index
      %get3A_254 = arith.constant 0 : index
      %get3A_255 = vector.load %arg7[%get3A_253, %get3A_254] : memref<256x1024xf32, #tpu.memory_space<vmem>>, vector<256x1024xf32>
      %jit3A = arith.constant 0.000000e+00 : f32
      %broadcast_in_dim3A_256 = vector.shape_cast %and3A_252 : vector<256x1xi1> to vector<256x1xi1>
      %broadcast_in_dim3A_257 = vector.broadcast %broadcast_in_dim3A_256 : vector<256x1xi1> to vector<256x1024xi1>
      %broadcast_in_dim3A_258 = vector.broadcast %jit3A : f32 to vector<256x1024xf32>
      %select_n3A = arith.select %broadcast_in_dim3A_257, %dot_general3A_248, %broadcast_in_dim3A_258 : vector<256x1024xi1>, vector<256x1024xf32>
      %add3A_259 = arith.addf %get3A_255, %select_n3A : vector<256x1024xf32>
      %swap3A_260 = arith.constant 0 : index
      %swap3A_261 = arith.constant 0 : index
      %swap3A_262 = vector.load %arg7[%swap3A_260, %swap3A_261] : memref<256x1024xf32, #tpu.memory_space<vmem>>, vector<256x1024xf32>
      tpu.vector_store %arg7[%swap3A_260, %swap3A_261], %add3A_259 {strides = array<i32>} : memref<256x1024xf32, #tpu.memory_space<vmem>>, vector<256x1024xf32>,
    } else {
    }
    %get3A_46 = arith.constant 3 : index
    %get3A_47 = memref.load %arg1[%get3A_46] : memref<17xi32, #tpu.memory_space<smem>>
    %get3A_48 = arith.constant 4 : index
    %get3A_49 = memref.load %arg1[%get3A_48] : memref<17xi32, #tpu.memory_space<smem>>
    %add3A_50 = arith.constant 256 : i32
    %add3A_51 = arith.addi %mul3A_8, %add3A_50 : i32
    %lt3A_52 = arith.cmpi slt, %get3A_47, %add3A_51 : i32
    %gt3A_53 = arith.cmpi sgt, %get3A_49, %mul3A_8 : i32
    %and3A_54 = arith.andi %lt3A_52, %gt3A_53 : i1
    %convert_element_type3A_55 = arith.extui %and3A_54 : i1 to i32
    %cond3A_56 = arith.constant 0 : i32
    %cond3A_57 = arith.cmpi ne, %convert_element_type3A_55, %cond3A_56 : i32
    scf.if %cond3A_57 {
      %get3A_221 = arith.constant 3 : index
      %get3A_222 = arith.constant 0 : index
      %get3A_223 = arith.constant 0 : index
      %get3A_224 = vector.load %arg3[%get3A_221, %get3A_222, %get3A_223] : memref<16x512x512xbf16, #tpu.memory_space<vmem>>, vector<1x512x512xbf16>
      %get3A_225 = vector.shape_cast %get3A_224 : vector<1x512x512xbf16> to vector<512x512xbf16>
      %dot_general3A = arith.constant dense<0.000000e+00> : vector<256x512xf32>
      %dot_general3A_226 = tpu.matmul %convert_element_type3A, %get3A_225, %dot_general3A {dimension_numbers = #tpu.dot_dimension_numbers<[1], [1], [0], [0], [0, 0, 1, 0], [], []>, transpose_lhs_hint = false} : vector<256x512xbf16>, vector<512x512xbf16>, vector<256x512xf32> -> vector<256x512xf32>
      %get3A_227 = arith.constant 3 : index
      %get3A_228 = arith.constant 0 : index
      %get3A_229 = arith.constant 0 : index
      %get3A_230 = vector.load %arg4[%get3A_227, %get3A_228, %get3A_229] : memref<16x512x512xbf16, #tpu.memory_space<vmem>>, vector<1x512x512xbf16>
      %get3A_231 = vector.shape_cast %get3A_230 : vector<1x512x512xbf16> to vector<512x512xbf16>
      %dot_general3A_232 = arith.constant dense<0.000000e+00> : vector<256x512xf32>
      %dot_general3A_233 = tpu.matmul %convert_element_type3A_7, %get3A_231, %dot_general3A_232 {dimension_numbers = #tpu.dot_dimension_numbers<[1], [1], [0], [0], [0, 0, 1, 0], [], []>, transpose_lhs_hint = false} : vector<256x512xbf16>, vector<512x512xbf16>, vector<256x512xf32> -> vector<256x512xf32>
      %add3A_234 = arith.addf %dot_general3A_226, %dot_general3A_233 : vector<256x512xf32>
      %logistic3A = arith.negf %add3A_234 : vector<256x512xf32>
      %logistic3A_235 = math.exp %logistic3A : vector<256x512xf32>
      %logistic3A_236 = arith.constant 1.000000e+00 : f32
      %logistic3A_237 = vector.broadcast %logistic3A_236 : f32 to vector<256x512xf32>
      %logistic3A_238 = arith.addf %logistic3A_237, %logistic3A_235 : vector<256x512xf32>
      %logistic3A_239 = arith.divf %logistic3A_237, %logistic3A_238 : vector<256x512xf32>
      %mul3A_240 = arith.mulf %add3A_234, %logistic3A_239 : vector<256x512xf32>
      %convert_element_type3A_241 = arith.truncf %mul3A_240 : vector<256x512xf32> to vector<256x512xbf16>
      %get3A_242 = arith.constant 3 : index
      %get3A_243 = arith.constant 0 : index
      %get3A_244 = arith.constant 0 : index
      %get3A_245 = vector.load %arg5[%get3A_242, %get3A_243, %get3A_244] : memref<16x1024x512xbf16, #tpu.memory_space<vmem>>, vector<1x1024x512xbf16>
      %get3A_246 = vector.shape_cast %get3A_245 : vector<1x1024x512xbf16> to vector<1024x512xbf16>
      %dot_general3A_247 = arith.constant dense<0.000000e+00> : vector<256x1024xf32>
      %dot_general3A_248 = tpu.matmul %convert_element_type3A_241, %get3A_246, %dot_general3A_247 {dimension_numbers = #tpu.dot_dimension_numbers<[1], [1], [0], [0], [0, 0, 1, 0], [], []>, transpose_lhs_hint = false} : vector<256x512xbf16>, vector<1024x512xbf16>, vector<256x1024xf32> -> vector<256x1024xf32>
      %ge3A = vector.broadcast %get3A_47 : i32 to vector<256x1xi32>
      %ge3A_249 = arith.cmpi sge, %add3A_9, %ge3A : vector<256x1xi32>
      %lt3A_250 = vector.broadcast %get3A_49 : i32 to vector<256x1xi32>
      %lt3A_251 = arith.cmpi slt, %add3A_9, %lt3A_250 : vector<256x1xi32>
      %and3A_252 = arith.andi %ge3A_249, %lt3A_251 : vector<256x1xi1>
      %get3A_253 = arith.constant 0 : index
      %get3A_254 = arith.constant 0 : index
      %get3A_255 = vector.load %arg7[%get3A_253, %get3A_254] : memref<256x1024xf32, #tpu.memory_space<vmem>>, vector<256x1024xf32>
      %jit3A = arith.constant 0.000000e+00 : f32
      %broadcast_in_dim3A_256 = vector.shape_cast %and3A_252 : vector<256x1xi1> to vector<256x1xi1>
      %broadcast_in_dim3A_257 = vector.broadcast %broadcast_in_dim3A_256 : vector<256x1xi1> to vector<256x1024xi1>
      %broadcast_in_dim3A_258 = vector.broadcast %jit3A : f32 to vector<256x1024xf32>
      %select_n3A = arith.select %broadcast_in_dim3A_257, %dot_general3A_248, %broadcast_in_dim3A_258 : vector<256x1024xi1>, vector<256x1024xf32>
      %add3A_259 = arith.addf %get3A_255, %select_n3A : vector<256x1024xf32>
      %swap3A_260 = arith.constant 0 : index
      %swap3A_261 = arith.constant 0 : index
      %swap3A_262 = vector.load %arg7[%swap3A_260, %swap3A_261] : memref<256x1024xf32, #tpu.memory_space<vmem>>, vector<256x1024xf32>
      tpu.vector_store %arg7[%swap3A_260, %swap3A_261], %add3A_259 {strides = array<i32>} : memref<256x1024xf32, #tpu.memory_space<vmem>>, vector<256x1024xf32>,
    } else {
    }
    %get3A_58 = arith.constant 4 : index
    %get3A_59 = memref.load %arg1[%get3A_58] : memref<17xi32, #tpu.memory_space<smem>>
    %get3A_60 = arith.constant 5 : index
    %get3A_61 = memref.load %arg1[%get3A_60] : memref<17xi32, #tpu.memory_space<smem>>
    %add3A_62 = arith.constant 256 : i32
    %add3A_63 = arith.addi %mul3A_8, %add3A_62 : i32
    %lt3A_64 = arith.cmpi slt, %get3A_59, %add3A_63 : i32
    %gt3A_65 = arith.cmpi sgt, %get3A_61, %mul3A_8 : i32
    %and3A_66 = arith.andi %lt3A_64, %gt3A_65 : i1
    %convert_element_type3A_67 = arith.extui %and3A_66 : i1 to i32
    %cond3A_68 = arith.constant 0 : i32
    %cond3A_69 = arith.cmpi ne, %convert_element_type3A_67, %cond3A_68 : i32
    scf.if %cond3A_69 {
      %get3A_221 = arith.constant 4 : index
      %get3A_222 = arith.constant 0 : index
      %get3A_223 = arith.constant 0 : index
      %get3A_224 = vector.load %arg3[%get3A_221, %get3A_222, %get3A_223] : memref<16x512x512xbf16, #tpu.memory_space<vmem>>, vector<1x512x512xbf16>
      %get3A_225 = vector.shape_cast %get3A_224 : vector<1x512x512xbf16> to vector<512x512xbf16>
      %dot_general3A = arith.constant dense<0.000000e+00> : vector<256x512xf32>
      %dot_general3A_226 = tpu.matmul %convert_element_type3A, %get3A_225, %dot_general3A {dimension_numbers = #tpu.dot_dimension_numbers<[1], [1], [0], [0], [0, 0, 1, 0], [], []>, transpose_lhs_hint = false} : vector<256x512xbf16>, vector<512x512xbf16>, vector<256x512xf32> -> vector<256x512xf32>
      %get3A_227 = arith.constant 4 : index
      %get3A_228 = arith.constant 0 : index
      %get3A_229 = arith.constant 0 : index
      %get3A_230 = vector.load %arg4[%get3A_227, %get3A_228, %get3A_229] : memref<16x512x512xbf16, #tpu.memory_space<vmem>>, vector<1x512x512xbf16>
      %get3A_231 = vector.shape_cast %get3A_230 : vector<1x512x512xbf16> to vector<512x512xbf16>
      %dot_general3A_232 = arith.constant dense<0.000000e+00> : vector<256x512xf32>
      %dot_general3A_233 = tpu.matmul %convert_element_type3A_7, %get3A_231, %dot_general3A_232 {dimension_numbers = #tpu.dot_dimension_numbers<[1], [1], [0], [0], [0, 0, 1, 0], [], []>, transpose_lhs_hint = false} : vector<256x512xbf16>, vector<512x512xbf16>, vector<256x512xf32> -> vector<256x512xf32>
      %add3A_234 = arith.addf %dot_general3A_226, %dot_general3A_233 : vector<256x512xf32>
      %logistic3A = arith.negf %add3A_234 : vector<256x512xf32>
      %logistic3A_235 = math.exp %logistic3A : vector<256x512xf32>
      %logistic3A_236 = arith.constant 1.000000e+00 : f32
      %logistic3A_237 = vector.broadcast %logistic3A_236 : f32 to vector<256x512xf32>
      %logistic3A_238 = arith.addf %logistic3A_237, %logistic3A_235 : vector<256x512xf32>
      %logistic3A_239 = arith.divf %logistic3A_237, %logistic3A_238 : vector<256x512xf32>
      %mul3A_240 = arith.mulf %add3A_234, %logistic3A_239 : vector<256x512xf32>
      %convert_element_type3A_241 = arith.truncf %mul3A_240 : vector<256x512xf32> to vector<256x512xbf16>
      %get3A_242 = arith.constant 4 : index
      %get3A_243 = arith.constant 0 : index
      %get3A_244 = arith.constant 0 : index
      %get3A_245 = vector.load %arg5[%get3A_242, %get3A_243, %get3A_244] : memref<16x1024x512xbf16, #tpu.memory_space<vmem>>, vector<1x1024x512xbf16>
      %get3A_246 = vector.shape_cast %get3A_245 : vector<1x1024x512xbf16> to vector<1024x512xbf16>
      %dot_general3A_247 = arith.constant dense<0.000000e+00> : vector<256x1024xf32>
      %dot_general3A_248 = tpu.matmul %convert_element_type3A_241, %get3A_246, %dot_general3A_247 {dimension_numbers = #tpu.dot_dimension_numbers<[1], [1], [0], [0], [0, 0, 1, 0], [], []>, transpose_lhs_hint = false} : vector<256x512xbf16>, vector<1024x512xbf16>, vector<256x1024xf32> -> vector<256x1024xf32>
      %ge3A = vector.broadcast %get3A_59 : i32 to vector<256x1xi32>
      %ge3A_249 = arith.cmpi sge, %add3A_9, %ge3A : vector<256x1xi32>
      %lt3A_250 = vector.broadcast %get3A_61 : i32 to vector<256x1xi32>
      %lt3A_251 = arith.cmpi slt, %add3A_9, %lt3A_250 : vector<256x1xi32>
      %and3A_252 = arith.andi %ge3A_249, %lt3A_251 : vector<256x1xi1>
      %get3A_253 = arith.constant 0 : index
      %get3A_254 = arith.constant 0 : index
      %get3A_255 = vector.load %arg7[%get3A_253, %get3A_254] : memref<256x1024xf32, #tpu.memory_space<vmem>>, vector<256x1024xf32>
      %jit3A = arith.constant 0.000000e+00 : f32
      %broadcast_in_dim3A_256 = vector.shape_cast %and3A_252 : vector<256x1xi1> to vector<256x1xi1>
      %broadcast_in_dim3A_257 = vector.broadcast %broadcast_in_dim3A_256 : vector<256x1xi1> to vector<256x1024xi1>
      %broadcast_in_dim3A_258 = vector.broadcast %jit3A : f32 to vector<256x1024xf32>
      %select_n3A = arith.select %broadcast_in_dim3A_257, %dot_general3A_248, %broadcast_in_dim3A_258 : vector<256x1024xi1>, vector<256x1024xf32>
      %add3A_259 = arith.addf %get3A_255, %select_n3A : vector<256x1024xf32>
      %swap3A_260 = arith.constant 0 : index
      %swap3A_261 = arith.constant 0 : index
      %swap3A_262 = vector.load %arg7[%swap3A_260, %swap3A_261] : memref<256x1024xf32, #tpu.memory_space<vmem>>, vector<256x1024xf32>
      tpu.vector_store %arg7[%swap3A_260, %swap3A_261], %add3A_259 {strides = array<i32>} : memref<256x1024xf32, #tpu.memory_space<vmem>>, vector<256x1024xf32>,
    } else {
    }
    %get3A_70 = arith.constant 5 : index
    %get3A_71 = memref.load %arg1[%get3A_70] : memref<17xi32, #tpu.memory_space<smem>>
    %get3A_72 = arith.constant 6 : index
    %get3A_73 = memref.load %arg1[%get3A_72] : memref<17xi32, #tpu.memory_space<smem>>
    %add3A_74 = arith.constant 256 : i32
    %add3A_75 = arith.addi %mul3A_8, %add3A_74 : i32
    %lt3A_76 = arith.cmpi slt, %get3A_71, %add3A_75 : i32
    %gt3A_77 = arith.cmpi sgt, %get3A_73, %mul3A_8 : i32
    %and3A_78 = arith.andi %lt3A_76, %gt3A_77 : i1
    %convert_element_type3A_79 = arith.extui %and3A_78 : i1 to i32
    %cond3A_80 = arith.constant 0 : i32
    %cond3A_81 = arith.cmpi ne, %convert_element_type3A_79, %cond3A_80 : i32
    scf.if %cond3A_81 {
      %get3A_221 = arith.constant 5 : index
      %get3A_222 = arith.constant 0 : index
      %get3A_223 = arith.constant 0 : index
      %get3A_224 = vector.load %arg3[%get3A_221, %get3A_222, %get3A_223] : memref<16x512x512xbf16, #tpu.memory_space<vmem>>, vector<1x512x512xbf16>
      %get3A_225 = vector.shape_cast %get3A_224 : vector<1x512x512xbf16> to vector<512x512xbf16>
      %dot_general3A = arith.constant dense<0.000000e+00> : vector<256x512xf32>
      %dot_general3A_226 = tpu.matmul %convert_element_type3A, %get3A_225, %dot_general3A {dimension_numbers = #tpu.dot_dimension_numbers<[1], [1], [0], [0], [0, 0, 1, 0], [], []>, transpose_lhs_hint = false} : vector<256x512xbf16>, vector<512x512xbf16>, vector<256x512xf32> -> vector<256x512xf32>
      %get3A_227 = arith.constant 5 : index
      %get3A_228 = arith.constant 0 : index
      %get3A_229 = arith.constant 0 : index
      %get3A_230 = vector.load %arg4[%get3A_227, %get3A_228, %get3A_229] : memref<16x512x512xbf16, #tpu.memory_space<vmem>>, vector<1x512x512xbf16>
      %get3A_231 = vector.shape_cast %get3A_230 : vector<1x512x512xbf16> to vector<512x512xbf16>
      %dot_general3A_232 = arith.constant dense<0.000000e+00> : vector<256x512xf32>
      %dot_general3A_233 = tpu.matmul %convert_element_type3A_7, %get3A_231, %dot_general3A_232 {dimension_numbers = #tpu.dot_dimension_numbers<[1], [1], [0], [0], [0, 0, 1, 0], [], []>, transpose_lhs_hint = false} : vector<256x512xbf16>, vector<512x512xbf16>, vector<256x512xf32> -> vector<256x512xf32>
      %add3A_234 = arith.addf %dot_general3A_226, %dot_general3A_233 : vector<256x512xf32>
      %logistic3A = arith.negf %add3A_234 : vector<256x512xf32>
      %logistic3A_235 = math.exp %logistic3A : vector<256x512xf32>
      %logistic3A_236 = arith.constant 1.000000e+00 : f32
      %logistic3A_237 = vector.broadcast %logistic3A_236 : f32 to vector<256x512xf32>
      %logistic3A_238 = arith.addf %logistic3A_237, %logistic3A_235 : vector<256x512xf32>
      %logistic3A_239 = arith.divf %logistic3A_237, %logistic3A_238 : vector<256x512xf32>
      %mul3A_240 = arith.mulf %add3A_234, %logistic3A_239 : vector<256x512xf32>
      %convert_element_type3A_241 = arith.truncf %mul3A_240 : vector<256x512xf32> to vector<256x512xbf16>
      %get3A_242 = arith.constant 5 : index
      %get3A_243 = arith.constant 0 : index
      %get3A_244 = arith.constant 0 : index
      %get3A_245 = vector.load %arg5[%get3A_242, %get3A_243, %get3A_244] : memref<16x1024x512xbf16, #tpu.memory_space<vmem>>, vector<1x1024x512xbf16>
      %get3A_246 = vector.shape_cast %get3A_245 : vector<1x1024x512xbf16> to vector<1024x512xbf16>
      %dot_general3A_247 = arith.constant dense<0.000000e+00> : vector<256x1024xf32>
      %dot_general3A_248 = tpu.matmul %convert_element_type3A_241, %get3A_246, %dot_general3A_247 {dimension_numbers = #tpu.dot_dimension_numbers<[1], [1], [0], [0], [0, 0, 1, 0], [], []>, transpose_lhs_hint = false} : vector<256x512xbf16>, vector<1024x512xbf16>, vector<256x1024xf32> -> vector<256x1024xf32>
      %ge3A = vector.broadcast %get3A_71 : i32 to vector<256x1xi32>
      %ge3A_249 = arith.cmpi sge, %add3A_9, %ge3A : vector<256x1xi32>
      %lt3A_250 = vector.broadcast %get3A_73 : i32 to vector<256x1xi32>
      %lt3A_251 = arith.cmpi slt, %add3A_9, %lt3A_250 : vector<256x1xi32>
      %and3A_252 = arith.andi %ge3A_249, %lt3A_251 : vector<256x1xi1>
      %get3A_253 = arith.constant 0 : index
      %get3A_254 = arith.constant 0 : index
      %get3A_255 = vector.load %arg7[%get3A_253, %get3A_254] : memref<256x1024xf32, #tpu.memory_space<vmem>>, vector<256x1024xf32>
      %jit3A = arith.constant 0.000000e+00 : f32
      %broadcast_in_dim3A_256 = vector.shape_cast %and3A_252 : vector<256x1xi1> to vector<256x1xi1>
      %broadcast_in_dim3A_257 = vector.broadcast %broadcast_in_dim3A_256 : vector<256x1xi1> to vector<256x1024xi1>
      %broadcast_in_dim3A_258 = vector.broadcast %jit3A : f32 to vector<256x1024xf32>
      %select_n3A = arith.select %broadcast_in_dim3A_257, %dot_general3A_248, %broadcast_in_dim3A_258 : vector<256x1024xi1>, vector<256x1024xf32>
      %add3A_259 = arith.addf %get3A_255, %select_n3A : vector<256x1024xf32>
      %swap3A_260 = arith.constant 0 : index
      %swap3A_261 = arith.constant 0 : index
      %swap3A_262 = vector.load %arg7[%swap3A_260, %swap3A_261] : memref<256x1024xf32, #tpu.memory_space<vmem>>, vector<256x1024xf32>
      tpu.vector_store %arg7[%swap3A_260, %swap3A_261], %add3A_259 {strides = array<i32>} : memref<256x1024xf32, #tpu.memory_space<vmem>>, vector<256x1024xf32>,
    } else {
    }
    %get3A_82 = arith.constant 6 : index
    %get3A_83 = memref.load %arg1[%get3A_82] : memref<17xi32, #tpu.memory_space<smem>>
    %get3A_84 = arith.constant 7 : index
    %get3A_85 = memref.load %arg1[%get3A_84] : memref<17xi32, #tpu.memory_space<smem>>
    %add3A_86 = arith.constant 256 : i32
    %add3A_87 = arith.addi %mul3A_8, %add3A_86 : i32
    %lt3A_88 = arith.cmpi slt, %get3A_83, %add3A_87 : i32
    %gt3A_89 = arith.cmpi sgt, %get3A_85, %mul3A_8 : i32
    %and3A_90 = arith.andi %lt3A_88, %gt3A_89 : i1
    %convert_element_type3A_91 = arith.extui %and3A_90 : i1 to i32
    %cond3A_92 = arith.constant 0 : i32
    %cond3A_93 = arith.cmpi ne, %convert_element_type3A_91, %cond3A_92 : i32
    scf.if %cond3A_93 {
      %get3A_221 = arith.constant 6 : index
      %get3A_222 = arith.constant 0 : index
      %get3A_223 = arith.constant 0 : index
      %get3A_224 = vector.load %arg3[%get3A_221, %get3A_222, %get3A_223] : memref<16x512x512xbf16, #tpu.memory_space<vmem>>, vector<1x512x512xbf16>
      %get3A_225 = vector.shape_cast %get3A_224 : vector<1x512x512xbf16> to vector<512x512xbf16>
      %dot_general3A = arith.constant dense<0.000000e+00> : vector<256x512xf32>
      %dot_general3A_226 = tpu.matmul %convert_element_type3A, %get3A_225, %dot_general3A {dimension_numbers = #tpu.dot_dimension_numbers<[1], [1], [0], [0], [0, 0, 1, 0], [], []>, transpose_lhs_hint = false} : vector<256x512xbf16>, vector<512x512xbf16>, vector<256x512xf32> -> vector<256x512xf32>
      %get3A_227 = arith.constant 6 : index
      %get3A_228 = arith.constant 0 : index
      %get3A_229 = arith.constant 0 : index
      %get3A_230 = vector.load %arg4[%get3A_227, %get3A_228, %get3A_229] : memref<16x512x512xbf16, #tpu.memory_space<vmem>>, vector<1x512x512xbf16>
      %get3A_231 = vector.shape_cast %get3A_230 : vector<1x512x512xbf16> to vector<512x512xbf16>
      %dot_general3A_232 = arith.constant dense<0.000000e+00> : vector<256x512xf32>
      %dot_general3A_233 = tpu.matmul %convert_element_type3A_7, %get3A_231, %dot_general3A_232 {dimension_numbers = #tpu.dot_dimension_numbers<[1], [1], [0], [0], [0, 0, 1, 0], [], []>, transpose_lhs_hint = false} : vector<256x512xbf16>, vector<512x512xbf16>, vector<256x512xf32> -> vector<256x512xf32>
      %add3A_234 = arith.addf %dot_general3A_226, %dot_general3A_233 : vector<256x512xf32>
      %logistic3A = arith.negf %add3A_234 : vector<256x512xf32>
      %logistic3A_235 = math.exp %logistic3A : vector<256x512xf32>
      %logistic3A_236 = arith.constant 1.000000e+00 : f32
      %logistic3A_237 = vector.broadcast %logistic3A_236 : f32 to vector<256x512xf32>
      %logistic3A_238 = arith.addf %logistic3A_237, %logistic3A_235 : vector<256x512xf32>
      %logistic3A_239 = arith.divf %logistic3A_237, %logistic3A_238 : vector<256x512xf32>
      %mul3A_240 = arith.mulf %add3A_234, %logistic3A_239 : vector<256x512xf32>
      %convert_element_type3A_241 = arith.truncf %mul3A_240 : vector<256x512xf32> to vector<256x512xbf16>
      %get3A_242 = arith.constant 6 : index
      %get3A_243 = arith.constant 0 : index
      %get3A_244 = arith.constant 0 : index
      %get3A_245 = vector.load %arg5[%get3A_242, %get3A_243, %get3A_244] : memref<16x1024x512xbf16, #tpu.memory_space<vmem>>, vector<1x1024x512xbf16>
      %get3A_246 = vector.shape_cast %get3A_245 : vector<1x1024x512xbf16> to vector<1024x512xbf16>
      %dot_general3A_247 = arith.constant dense<0.000000e+00> : vector<256x1024xf32>
      %dot_general3A_248 = tpu.matmul %convert_element_type3A_241, %get3A_246, %dot_general3A_247 {dimension_numbers = #tpu.dot_dimension_numbers<[1], [1], [0], [0], [0, 0, 1, 0], [], []>, transpose_lhs_hint = false} : vector<256x512xbf16>, vector<1024x512xbf16>, vector<256x1024xf32> -> vector<256x1024xf32>
      %ge3A = vector.broadcast %get3A_83 : i32 to vector<256x1xi32>
      %ge3A_249 = arith.cmpi sge, %add3A_9, %ge3A : vector<256x1xi32>
      %lt3A_250 = vector.broadcast %get3A_85 : i32 to vector<256x1xi32>
      %lt3A_251 = arith.cmpi slt, %add3A_9, %lt3A_250 : vector<256x1xi32>
      %and3A_252 = arith.andi %ge3A_249, %lt3A_251 : vector<256x1xi1>
      %get3A_253 = arith.constant 0 : index
      %get3A_254 = arith.constant 0 : index
      %get3A_255 = vector.load %arg7[%get3A_253, %get3A_254] : memref<256x1024xf32, #tpu.memory_space<vmem>>, vector<256x1024xf32>
      %jit3A = arith.constant 0.000000e+00 : f32
      %broadcast_in_dim3A_256 = vector.shape_cast %and3A_252 : vector<256x1xi1> to vector<256x1xi1>
      %broadcast_in_dim3A_257 = vector.broadcast %broadcast_in_dim3A_256 : vector<256x1xi1> to vector<256x1024xi1>
      %broadcast_in_dim3A_258 = vector.broadcast %jit3A : f32 to vector<256x1024xf32>
      %select_n3A = arith.select %broadcast_in_dim3A_257, %dot_general3A_248, %broadcast_in_dim3A_258 : vector<256x1024xi1>, vector<256x1024xf32>
      %add3A_259 = arith.addf %get3A_255, %select_n3A : vector<256x1024xf32>
      %swap3A_260 = arith.constant 0 : index
      %swap3A_261 = arith.constant 0 : index
      %swap3A_262 = vector.load %arg7[%swap3A_260, %swap3A_261] : memref<256x1024xf32, #tpu.memory_space<vmem>>, vector<256x1024xf32>
      tpu.vector_store %arg7[%swap3A_260, %swap3A_261], %add3A_259 {strides = array<i32>} : memref<256x1024xf32, #tpu.memory_space<vmem>>, vector<256x1024xf32>,
    } else {
    }
    %get3A_94 = arith.constant 7 : index
    %get3A_95 = memref.load %arg1[%get3A_94] : memref<17xi32, #tpu.memory_space<smem>>
    %get3A_96 = arith.constant 8 : index
    %get3A_97 = memref.load %arg1[%get3A_96] : memref<17xi32, #tpu.memory_space<smem>>
    %add3A_98 = arith.constant 256 : i32
    %add3A_99 = arith.addi %mul3A_8, %add3A_98 : i32
    %lt3A_100 = arith.cmpi slt, %get3A_95, %add3A_99 : i32
    %gt3A_101 = arith.cmpi sgt, %get3A_97, %mul3A_8 : i32
    %and3A_102 = arith.andi %lt3A_100, %gt3A_101 : i1
    %convert_element_type3A_103 = arith.extui %and3A_102 : i1 to i32
    %cond3A_104 = arith.constant 0 : i32
    %cond3A_105 = arith.cmpi ne, %convert_element_type3A_103, %cond3A_104 : i32
    scf.if %cond3A_105 {
      %get3A_221 = arith.constant 7 : index
      %get3A_222 = arith.constant 0 : index
      %get3A_223 = arith.constant 0 : index
      %get3A_224 = vector.load %arg3[%get3A_221, %get3A_222, %get3A_223] : memref<16x512x512xbf16, #tpu.memory_space<vmem>>, vector<1x512x512xbf16>
      %get3A_225 = vector.shape_cast %get3A_224 : vector<1x512x512xbf16> to vector<512x512xbf16>
      %dot_general3A = arith.constant dense<0.000000e+00> : vector<256x512xf32>
      %dot_general3A_226 = tpu.matmul %convert_element_type3A, %get3A_225, %dot_general3A {dimension_numbers = #tpu.dot_dimension_numbers<[1], [1], [0], [0], [0, 0, 1, 0], [], []>, transpose_lhs_hint = false} : vector<256x512xbf16>, vector<512x512xbf16>, vector<256x512xf32> -> vector<256x512xf32>
      %get3A_227 = arith.constant 7 : index
      %get3A_228 = arith.constant 0 : index
      %get3A_229 = arith.constant 0 : index
      %get3A_230 = vector.load %arg4[%get3A_227, %get3A_228, %get3A_229] : memref<16x512x512xbf16, #tpu.memory_space<vmem>>, vector<1x512x512xbf16>
      %get3A_231 = vector.shape_cast %get3A_230 : vector<1x512x512xbf16> to vector<512x512xbf16>
      %dot_general3A_232 = arith.constant dense<0.000000e+00> : vector<256x512xf32>
      %dot_general3A_233 = tpu.matmul %convert_element_type3A_7, %get3A_231, %dot_general3A_232 {dimension_numbers = #tpu.dot_dimension_numbers<[1], [1], [0], [0], [0, 0, 1, 0], [], []>, transpose_lhs_hint = false} : vector<256x512xbf16>, vector<512x512xbf16>, vector<256x512xf32> -> vector<256x512xf32>
      %add3A_234 = arith.addf %dot_general3A_226, %dot_general3A_233 : vector<256x512xf32>
      %logistic3A = arith.negf %add3A_234 : vector<256x512xf32>
      %logistic3A_235 = math.exp %logistic3A : vector<256x512xf32>
      %logistic3A_236 = arith.constant 1.000000e+00 : f32
      %logistic3A_237 = vector.broadcast %logistic3A_236 : f32 to vector<256x512xf32>
      %logistic3A_238 = arith.addf %logistic3A_237, %logistic3A_235 : vector<256x512xf32>
      %logistic3A_239 = arith.divf %logistic3A_237, %logistic3A_238 : vector<256x512xf32>
      %mul3A_240 = arith.mulf %add3A_234, %logistic3A_239 : vector<256x512xf32>
      %convert_element_type3A_241 = arith.truncf %mul3A_240 : vector<256x512xf32> to vector<256x512xbf16>
      %get3A_242 = arith.constant 7 : index
      %get3A_243 = arith.constant 0 : index
      %get3A_244 = arith.constant 0 : index
      %get3A_245 = vector.load %arg5[%get3A_242, %get3A_243, %get3A_244] : memref<16x1024x512xbf16, #tpu.memory_space<vmem>>, vector<1x1024x512xbf16>
      %get3A_246 = vector.shape_cast %get3A_245 : vector<1x1024x512xbf16> to vector<1024x512xbf16>
      %dot_general3A_247 = arith.constant dense<0.000000e+00> : vector<256x1024xf32>
      %dot_general3A_248 = tpu.matmul %convert_element_type3A_241, %get3A_246, %dot_general3A_247 {dimension_numbers = #tpu.dot_dimension_numbers<[1], [1], [0], [0], [0, 0, 1, 0], [], []>, transpose_lhs_hint = false} : vector<256x512xbf16>, vector<1024x512xbf16>, vector<256x1024xf32> -> vector<256x1024xf32>
      %ge3A = vector.broadcast %get3A_95 : i32 to vector<256x1xi32>
      %ge3A_249 = arith.cmpi sge, %add3A_9, %ge3A : vector<256x1xi32>
      %lt3A_250 = vector.broadcast %get3A_97 : i32 to vector<256x1xi32>
      %lt3A_251 = arith.cmpi slt, %add3A_9, %lt3A_250 : vector<256x1xi32>
      %and3A_252 = arith.andi %ge3A_249, %lt3A_251 : vector<256x1xi1>
      %get3A_253 = arith.constant 0 : index
      %get3A_254 = arith.constant 0 : index
      %get3A_255 = vector.load %arg7[%get3A_253, %get3A_254] : memref<256x1024xf32, #tpu.memory_space<vmem>>, vector<256x1024xf32>
      %jit3A = arith.constant 0.000000e+00 : f32
      %broadcast_in_dim3A_256 = vector.shape_cast %and3A_252 : vector<256x1xi1> to vector<256x1xi1>
      %broadcast_in_dim3A_257 = vector.broadcast %broadcast_in_dim3A_256 : vector<256x1xi1> to vector<256x1024xi1>
      %broadcast_in_dim3A_258 = vector.broadcast %jit3A : f32 to vector<256x1024xf32>
      %select_n3A = arith.select %broadcast_in_dim3A_257, %dot_general3A_248, %broadcast_in_dim3A_258 : vector<256x1024xi1>, vector<256x1024xf32>
      %add3A_259 = arith.addf %get3A_255, %select_n3A : vector<256x1024xf32>
      %swap3A_260 = arith.constant 0 : index
      %swap3A_261 = arith.constant 0 : index
      %swap3A_262 = vector.load %arg7[%swap3A_260, %swap3A_261] : memref<256x1024xf32, #tpu.memory_space<vmem>>, vector<256x1024xf32>
      tpu.vector_store %arg7[%swap3A_260, %swap3A_261], %add3A_259 {strides = array<i32>} : memref<256x1024xf32, #tpu.memory_space<vmem>>, vector<256x1024xf32>,
    } else {
    }
    %get3A_106 = arith.constant 8 : index
    %get3A_107 = memref.load %arg1[%get3A_106] : memref<17xi32, #tpu.memory_space<smem>>
    %get3A_108 = arith.constant 9 : index
    %get3A_109 = memref.load %arg1[%get3A_108] : memref<17xi32, #tpu.memory_space<smem>>
    %add3A_110 = arith.constant 256 : i32
    %add3A_111 = arith.addi %mul3A_8, %add3A_110 : i32
    %lt3A_112 = arith.cmpi slt, %get3A_107, %add3A_111 : i32
    %gt3A_113 = arith.cmpi sgt, %get3A_109, %mul3A_8 : i32
    %and3A_114 = arith.andi %lt3A_112, %gt3A_113 : i1
    %convert_element_type3A_115 = arith.extui %and3A_114 : i1 to i32
    %cond3A_116 = arith.constant 0 : i32
    %cond3A_117 = arith.cmpi ne, %convert_element_type3A_115, %cond3A_116 : i32
    scf.if %cond3A_117 {
      %get3A_221 = arith.constant 8 : index
      %get3A_222 = arith.constant 0 : index
      %get3A_223 = arith.constant 0 : index
      %get3A_224 = vector.load %arg3[%get3A_221, %get3A_222, %get3A_223] : memref<16x512x512xbf16, #tpu.memory_space<vmem>>, vector<1x512x512xbf16>
      %get3A_225 = vector.shape_cast %get3A_224 : vector<1x512x512xbf16> to vector<512x512xbf16>
      %dot_general3A = arith.constant dense<0.000000e+00> : vector<256x512xf32>
      %dot_general3A_226 = tpu.matmul %convert_element_type3A, %get3A_225, %dot_general3A {dimension_numbers = #tpu.dot_dimension_numbers<[1], [1], [0], [0], [0, 0, 1, 0], [], []>, transpose_lhs_hint = false} : vector<256x512xbf16>, vector<512x512xbf16>, vector<256x512xf32> -> vector<256x512xf32>
      %get3A_227 = arith.constant 8 : index
      %get3A_228 = arith.constant 0 : index
      %get3A_229 = arith.constant 0 : index
      %get3A_230 = vector.load %arg4[%get3A_227, %get3A_228, %get3A_229] : memref<16x512x512xbf16, #tpu.memory_space<vmem>>, vector<1x512x512xbf16>
      %get3A_231 = vector.shape_cast %get3A_230 : vector<1x512x512xbf16> to vector<512x512xbf16>
      %dot_general3A_232 = arith.constant dense<0.000000e+00> : vector<256x512xf32>
      %dot_general3A_233 = tpu.matmul %convert_element_type3A_7, %get3A_231, %dot_general3A_232 {dimension_numbers = #tpu.dot_dimension_numbers<[1], [1], [0], [0], [0, 0, 1, 0], [], []>, transpose_lhs_hint = false} : vector<256x512xbf16>, vector<512x512xbf16>, vector<256x512xf32> -> vector<256x512xf32>
      %add3A_234 = arith.addf %dot_general3A_226, %dot_general3A_233 : vector<256x512xf32>
      %logistic3A = arith.negf %add3A_234 : vector<256x512xf32>
      %logistic3A_235 = math.exp %logistic3A : vector<256x512xf32>
      %logistic3A_236 = arith.constant 1.000000e+00 : f32
      %logistic3A_237 = vector.broadcast %logistic3A_236 : f32 to vector<256x512xf32>
      %logistic3A_238 = arith.addf %logistic3A_237, %logistic3A_235 : vector<256x512xf32>
      %logistic3A_239 = arith.divf %logistic3A_237, %logistic3A_238 : vector<256x512xf32>
      %mul3A_240 = arith.mulf %add3A_234, %logistic3A_239 : vector<256x512xf32>
      %convert_element_type3A_241 = arith.truncf %mul3A_240 : vector<256x512xf32> to vector<256x512xbf16>
      %get3A_242 = arith.constant 8 : index
      %get3A_243 = arith.constant 0 : index
      %get3A_244 = arith.constant 0 : index
      %get3A_245 = vector.load %arg5[%get3A_242, %get3A_243, %get3A_244] : memref<16x1024x512xbf16, #tpu.memory_space<vmem>>, vector<1x1024x512xbf16>
      %get3A_246 = vector.shape_cast %get3A_245 : vector<1x1024x512xbf16> to vector<1024x512xbf16>
      %dot_general3A_247 = arith.constant dense<0.000000e+00> : vector<256x1024xf32>
      %dot_general3A_248 = tpu.matmul %convert_element_type3A_241, %get3A_246, %dot_general3A_247 {dimension_numbers = #tpu.dot_dimension_numbers<[1], [1], [0], [0], [0, 0, 1, 0], [], []>, transpose_lhs_hint = false} : vector<256x512xbf16>, vector<1024x512xbf16>, vector<256x1024xf32> -> vector<256x1024xf32>
      %ge3A = vector.broadcast %get3A_107 : i32 to vector<256x1xi32>
      %ge3A_249 = arith.cmpi sge, %add3A_9, %ge3A : vector<256x1xi32>
      %lt3A_250 = vector.broadcast %get3A_109 : i32 to vector<256x1xi32>
      %lt3A_251 = arith.cmpi slt, %add3A_9, %lt3A_250 : vector<256x1xi32>
      %and3A_252 = arith.andi %ge3A_249, %lt3A_251 : vector<256x1xi1>
      %get3A_253 = arith.constant 0 : index
      %get3A_254 = arith.constant 0 : index
      %get3A_255 = vector.load %arg7[%get3A_253, %get3A_254] : memref<256x1024xf32, #tpu.memory_space<vmem>>, vector<256x1024xf32>
      %jit3A = arith.constant 0.000000e+00 : f32
      %broadcast_in_dim3A_256 = vector.shape_cast %and3A_252 : vector<256x1xi1> to vector<256x1xi1>
      %broadcast_in_dim3A_257 = vector.broadcast %broadcast_in_dim3A_256 : vector<256x1xi1> to vector<256x1024xi1>
      %broadcast_in_dim3A_258 = vector.broadcast %jit3A : f32 to vector<256x1024xf32>
      %select_n3A = arith.select %broadcast_in_dim3A_257, %dot_general3A_248, %broadcast_in_dim3A_258 : vector<256x1024xi1>, vector<256x1024xf32>
      %add3A_259 = arith.addf %get3A_255, %select_n3A : vector<256x1024xf32>
      %swap3A_260 = arith.constant 0 : index
      %swap3A_261 = arith.constant 0 : index
      %swap3A_262 = vector.load %arg7[%swap3A_260, %swap3A_261] : memref<256x1024xf32, #tpu.memory_space<vmem>>, vector<256x1024xf32>
      tpu.vector_store %arg7[%swap3A_260, %swap3A_261], %add3A_259 {strides = array<i32>} : memref<256x1024xf32, #tpu.memory_space<vmem>>, vector<256x1024xf32>,
    } else {
    }
    %get3A_118 = arith.constant 9 : index
    %get3A_119 = memref.load %arg1[%get3A_118] : memref<17xi32, #tpu.memory_space<smem>>
    %get3A_120 = arith.constant 10 : index
    %get3A_121 = memref.load %arg1[%get3A_120] : memref<17xi32, #tpu.memory_space<smem>>
    %add3A_122 = arith.constant 256 : i32
    %add3A_123 = arith.addi %mul3A_8, %add3A_122 : i32
    %lt3A_124 = arith.cmpi slt, %get3A_119, %add3A_123 : i32
    %gt3A_125 = arith.cmpi sgt, %get3A_121, %mul3A_8 : i32
    %and3A_126 = arith.andi %lt3A_124, %gt3A_125 : i1
    %convert_element_type3A_127 = arith.extui %and3A_126 : i1 to i32
    %cond3A_128 = arith.constant 0 : i32
    %cond3A_129 = arith.cmpi ne, %convert_element_type3A_127, %cond3A_128 : i32
    scf.if %cond3A_129 {
      %get3A_221 = arith.constant 9 : index
      %get3A_222 = arith.constant 0 : index
      %get3A_223 = arith.constant 0 : index
      %get3A_224 = vector.load %arg3[%get3A_221, %get3A_222, %get3A_223] : memref<16x512x512xbf16, #tpu.memory_space<vmem>>, vector<1x512x512xbf16>
      %get3A_225 = vector.shape_cast %get3A_224 : vector<1x512x512xbf16> to vector<512x512xbf16>
      %dot_general3A = arith.constant dense<0.000000e+00> : vector<256x512xf32>
      %dot_general3A_226 = tpu.matmul %convert_element_type3A, %get3A_225, %dot_general3A {dimension_numbers = #tpu.dot_dimension_numbers<[1], [1], [0], [0], [0, 0, 1, 0], [], []>, transpose_lhs_hint = false} : vector<256x512xbf16>, vector<512x512xbf16>, vector<256x512xf32> -> vector<256x512xf32>
      %get3A_227 = arith.constant 9 : index
      %get3A_228 = arith.constant 0 : index
      %get3A_229 = arith.constant 0 : index
      %get3A_230 = vector.load %arg4[%get3A_227, %get3A_228, %get3A_229] : memref<16x512x512xbf16, #tpu.memory_space<vmem>>, vector<1x512x512xbf16>
      %get3A_231 = vector.shape_cast %get3A_230 : vector<1x512x512xbf16> to vector<512x512xbf16>
      %dot_general3A_232 = arith.constant dense<0.000000e+00> : vector<256x512xf32>
      %dot_general3A_233 = tpu.matmul %convert_element_type3A_7, %get3A_231, %dot_general3A_232 {dimension_numbers = #tpu.dot_dimension_numbers<[1], [1], [0], [0], [0, 0, 1, 0], [], []>, transpose_lhs_hint = false} : vector<256x512xbf16>, vector<512x512xbf16>, vector<256x512xf32> -> vector<256x512xf32>
      %add3A_234 = arith.addf %dot_general3A_226, %dot_general3A_233 : vector<256x512xf32>
      %logistic3A = arith.negf %add3A_234 : vector<256x512xf32>
      %logistic3A_235 = math.exp %logistic3A : vector<256x512xf32>
      %logistic3A_236 = arith.constant 1.000000e+00 : f32
      %logistic3A_237 = vector.broadcast %logistic3A_236 : f32 to vector<256x512xf32>
      %logistic3A_238 = arith.addf %logistic3A_237, %logistic3A_235 : vector<256x512xf32>
      %logistic3A_239 = arith.divf %logistic3A_237, %logistic3A_238 : vector<256x512xf32>
      %mul3A_240 = arith.mulf %add3A_234, %logistic3A_239 : vector<256x512xf32>
      %convert_element_type3A_241 = arith.truncf %mul3A_240 : vector<256x512xf32> to vector<256x512xbf16>
      %get3A_242 = arith.constant 9 : index
      %get3A_243 = arith.constant 0 : index
      %get3A_244 = arith.constant 0 : index
      %get3A_245 = vector.load %arg5[%get3A_242, %get3A_243, %get3A_244] : memref<16x1024x512xbf16, #tpu.memory_space<vmem>>, vector<1x1024x512xbf16>
      %get3A_246 = vector.shape_cast %get3A_245 : vector<1x1024x512xbf16> to vector<1024x512xbf16>
      %dot_general3A_247 = arith.constant dense<0.000000e+00> : vector<256x1024xf32>
      %dot_general3A_248 = tpu.matmul %convert_element_type3A_241, %get3A_246, %dot_general3A_247 {dimension_numbers = #tpu.dot_dimension_numbers<[1], [1], [0], [0], [0, 0, 1, 0], [], []>, transpose_lhs_hint = false} : vector<256x512xbf16>, vector<1024x512xbf16>, vector<256x1024xf32> -> vector<256x1024xf32>
      %ge3A = vector.broadcast %get3A_119 : i32 to vector<256x1xi32>
      %ge3A_249 = arith.cmpi sge, %add3A_9, %ge3A : vector<256x1xi32>
      %lt3A_250 = vector.broadcast %get3A_121 : i32 to vector<256x1xi32>
      %lt3A_251 = arith.cmpi slt, %add3A_9, %lt3A_250 : vector<256x1xi32>
      %and3A_252 = arith.andi %ge3A_249, %lt3A_251 : vector<256x1xi1>
      %get3A_253 = arith.constant 0 : index
      %get3A_254 = arith.constant 0 : index
      %get3A_255 = vector.load %arg7[%get3A_253, %get3A_254] : memref<256x1024xf32, #tpu.memory_space<vmem>>, vector<256x1024xf32>
      %jit3A = arith.constant 0.000000e+00 : f32
      %broadcast_in_dim3A_256 = vector.shape_cast %and3A_252 : vector<256x1xi1> to vector<256x1xi1>
      %broadcast_in_dim3A_257 = vector.broadcast %broadcast_in_dim3A_256 : vector<256x1xi1> to vector<256x1024xi1>
      %broadcast_in_dim3A_258 = vector.broadcast %jit3A : f32 to vector<256x1024xf32>
      %select_n3A = arith.select %broadcast_in_dim3A_257, %dot_general3A_248, %broadcast_in_dim3A_258 : vector<256x1024xi1>, vector<256x1024xf32>
      %add3A_259 = arith.addf %get3A_255, %select_n3A : vector<256x1024xf32>
      %swap3A_260 = arith.constant 0 : index
      %swap3A_261 = arith.constant 0 : index
      %swap3A_262 = vector.load %arg7[%swap3A_260, %swap3A_261] : memref<256x1024xf32, #tpu.memory_space<vmem>>, vector<256x1024xf32>
      tpu.vector_store %arg7[%swap3A_260, %swap3A_261], %add3A_259 {strides = array<i32>} : memref<256x1024xf32, #tpu.memory_space<vmem>>, vector<256x1024xf32>,
    } else {
    }
    %get3A_130 = arith.constant 10 : index
    %get3A_131 = memref.load %arg1[%get3A_130] : memref<17xi32, #tpu.memory_space<smem>>
    %get3A_132 = arith.constant 11 : index
    %get3A_133 = memref.load %arg1[%get3A_132] : memref<17xi32, #tpu.memory_space<smem>>
    %add3A_134 = arith.constant 256 : i32
    %add3A_135 = arith.addi %mul3A_8, %add3A_134 : i32
    %lt3A_136 = arith.cmpi slt, %get3A_131, %add3A_135 : i32
    %gt3A_137 = arith.cmpi sgt, %get3A_133, %mul3A_8 : i32
    %and3A_138 = arith.andi %lt3A_136, %gt3A_137 : i1
    %convert_element_type3A_139 = arith.extui %and3A_138 : i1 to i32
    %cond3A_140 = arith.constant 0 : i32
    %cond3A_141 = arith.cmpi ne, %convert_element_type3A_139, %cond3A_140 : i32
    scf.if %cond3A_141 {
      %get3A_221 = arith.constant 10 : index
      %get3A_222 = arith.constant 0 : index
      %get3A_223 = arith.constant 0 : index
      %get3A_224 = vector.load %arg3[%get3A_221, %get3A_222, %get3A_223] : memref<16x512x512xbf16, #tpu.memory_space<vmem>>, vector<1x512x512xbf16>
      %get3A_225 = vector.shape_cast %get3A_224 : vector<1x512x512xbf16> to vector<512x512xbf16>
      %dot_general3A = arith.constant dense<0.000000e+00> : vector<256x512xf32>
      %dot_general3A_226 = tpu.matmul %convert_element_type3A, %get3A_225, %dot_general3A {dimension_numbers = #tpu.dot_dimension_numbers<[1], [1], [0], [0], [0, 0, 1, 0], [], []>, transpose_lhs_hint = false} : vector<256x512xbf16>, vector<512x512xbf16>, vector<256x512xf32> -> vector<256x512xf32>
      %get3A_227 = arith.constant 10 : index
      %get3A_228 = arith.constant 0 : index
      %get3A_229 = arith.constant 0 : index
      %get3A_230 = vector.load %arg4[%get3A_227, %get3A_228, %get3A_229] : memref<16x512x512xbf16, #tpu.memory_space<vmem>>, vector<1x512x512xbf16>
      %get3A_231 = vector.shape_cast %get3A_230 : vector<1x512x512xbf16> to vector<512x512xbf16>
      %dot_general3A_232 = arith.constant dense<0.000000e+00> : vector<256x512xf32>
      %dot_general3A_233 = tpu.matmul %convert_element_type3A_7, %get3A_231, %dot_general3A_232 {dimension_numbers = #tpu.dot_dimension_numbers<[1], [1], [0], [0], [0, 0, 1, 0], [], []>, transpose_lhs_hint = false} : vector<256x512xbf16>, vector<512x512xbf16>, vector<256x512xf32> -> vector<256x512xf32>
      %add3A_234 = arith.addf %dot_general3A_226, %dot_general3A_233 : vector<256x512xf32>
      %logistic3A = arith.negf %add3A_234 : vector<256x512xf32>
      %logistic3A_235 = math.exp %logistic3A : vector<256x512xf32>
      %logistic3A_236 = arith.constant 1.000000e+00 : f32
      %logistic3A_237 = vector.broadcast %logistic3A_236 : f32 to vector<256x512xf32>
      %logistic3A_238 = arith.addf %logistic3A_237, %logistic3A_235 : vector<256x512xf32>
      %logistic3A_239 = arith.divf %logistic3A_237, %logistic3A_238 : vector<256x512xf32>
      %mul3A_240 = arith.mulf %add3A_234, %logistic3A_239 : vector<256x512xf32>
      %convert_element_type3A_241 = arith.truncf %mul3A_240 : vector<256x512xf32> to vector<256x512xbf16>
      %get3A_242 = arith.constant 10 : index
      %get3A_243 = arith.constant 0 : index
      %get3A_244 = arith.constant 0 : index
      %get3A_245 = vector.load %arg5[%get3A_242, %get3A_243, %get3A_244] : memref<16x1024x512xbf16, #tpu.memory_space<vmem>>, vector<1x1024x512xbf16>
      %get3A_246 = vector.shape_cast %get3A_245 : vector<1x1024x512xbf16> to vector<1024x512xbf16>
      %dot_general3A_247 = arith.constant dense<0.000000e+00> : vector<256x1024xf32>
      %dot_general3A_248 = tpu.matmul %convert_element_type3A_241, %get3A_246, %dot_general3A_247 {dimension_numbers = #tpu.dot_dimension_numbers<[1], [1], [0], [0], [0, 0, 1, 0], [], []>, transpose_lhs_hint = false} : vector<256x512xbf16>, vector<1024x512xbf16>, vector<256x1024xf32> -> vector<256x1024xf32>
      %ge3A = vector.broadcast %get3A_131 : i32 to vector<256x1xi32>
      %ge3A_249 = arith.cmpi sge, %add3A_9, %ge3A : vector<256x1xi32>
      %lt3A_250 = vector.broadcast %get3A_133 : i32 to vector<256x1xi32>
      %lt3A_251 = arith.cmpi slt, %add3A_9, %lt3A_250 : vector<256x1xi32>
      %and3A_252 = arith.andi %ge3A_249, %lt3A_251 : vector<256x1xi1>
      %get3A_253 = arith.constant 0 : index
      %get3A_254 = arith.constant 0 : index
      %get3A_255 = vector.load %arg7[%get3A_253, %get3A_254] : memref<256x1024xf32, #tpu.memory_space<vmem>>, vector<256x1024xf32>
      %jit3A = arith.constant 0.000000e+00 : f32
      %broadcast_in_dim3A_256 = vector.shape_cast %and3A_252 : vector<256x1xi1> to vector<256x1xi1>
      %broadcast_in_dim3A_257 = vector.broadcast %broadcast_in_dim3A_256 : vector<256x1xi1> to vector<256x1024xi1>
      %broadcast_in_dim3A_258 = vector.broadcast %jit3A : f32 to vector<256x1024xf32>
      %select_n3A = arith.select %broadcast_in_dim3A_257, %dot_general3A_248, %broadcast_in_dim3A_258 : vector<256x1024xi1>, vector<256x1024xf32>
      %add3A_259 = arith.addf %get3A_255, %select_n3A : vector<256x1024xf32>
      %swap3A_260 = arith.constant 0 : index
      %swap3A_261 = arith.constant 0 : index
      %swap3A_262 = vector.load %arg7[%swap3A_260, %swap3A_261] : memref<256x1024xf32, #tpu.memory_space<vmem>>, vector<256x1024xf32>
      tpu.vector_store %arg7[%swap3A_260, %swap3A_261], %add3A_259 {strides = array<i32>} : memref<256x1024xf32, #tpu.memory_space<vmem>>, vector<256x1024xf32>,
    } else {
    }
    %get3A_142 = arith.constant 11 : index
    %get3A_143 = memref.load %arg1[%get3A_142] : memref<17xi32, #tpu.memory_space<smem>>
    %get3A_144 = arith.constant 12 : index
    %get3A_145 = memref.load %arg1[%get3A_144] : memref<17xi32, #tpu.memory_space<smem>>
    %add3A_146 = arith.constant 256 : i32
    %add3A_147 = arith.addi %mul3A_8, %add3A_146 : i32
    %lt3A_148 = arith.cmpi slt, %get3A_143, %add3A_147 : i32
    %gt3A_149 = arith.cmpi sgt, %get3A_145, %mul3A_8 : i32
    %and3A_150 = arith.andi %lt3A_148, %gt3A_149 : i1
    %convert_element_type3A_151 = arith.extui %and3A_150 : i1 to i32
    %cond3A_152 = arith.constant 0 : i32
    %cond3A_153 = arith.cmpi ne, %convert_element_type3A_151, %cond3A_152 : i32
    scf.if %cond3A_153 {
      %get3A_221 = arith.constant 11 : index
      %get3A_222 = arith.constant 0 : index
      %get3A_223 = arith.constant 0 : index
      %get3A_224 = vector.load %arg3[%get3A_221, %get3A_222, %get3A_223] : memref<16x512x512xbf16, #tpu.memory_space<vmem>>, vector<1x512x512xbf16>
      %get3A_225 = vector.shape_cast %get3A_224 : vector<1x512x512xbf16> to vector<512x512xbf16>
      %dot_general3A = arith.constant dense<0.000000e+00> : vector<256x512xf32>
      %dot_general3A_226 = tpu.matmul %convert_element_type3A, %get3A_225, %dot_general3A {dimension_numbers = #tpu.dot_dimension_numbers<[1], [1], [0], [0], [0, 0, 1, 0], [], []>, transpose_lhs_hint = false} : vector<256x512xbf16>, vector<512x512xbf16>, vector<256x512xf32> -> vector<256x512xf32>
      %get3A_227 = arith.constant 11 : index
      %get3A_228 = arith.constant 0 : index
      %get3A_229 = arith.constant 0 : index
      %get3A_230 = vector.load %arg4[%get3A_227, %get3A_228, %get3A_229] : memref<16x512x512xbf16, #tpu.memory_space<vmem>>, vector<1x512x512xbf16>
      %get3A_231 = vector.shape_cast %get3A_230 : vector<1x512x512xbf16> to vector<512x512xbf16>
      %dot_general3A_232 = arith.constant dense<0.000000e+00> : vector<256x512xf32>
      %dot_general3A_233 = tpu.matmul %convert_element_type3A_7, %get3A_231, %dot_general3A_232 {dimension_numbers = #tpu.dot_dimension_numbers<[1], [1], [0], [0], [0, 0, 1, 0], [], []>, transpose_lhs_hint = false} : vector<256x512xbf16>, vector<512x512xbf16>, vector<256x512xf32> -> vector<256x512xf32>
      %add3A_234 = arith.addf %dot_general3A_226, %dot_general3A_233 : vector<256x512xf32>
      %logistic3A = arith.negf %add3A_234 : vector<256x512xf32>
      %logistic3A_235 = math.exp %logistic3A : vector<256x512xf32>
      %logistic3A_236 = arith.constant 1.000000e+00 : f32
      %logistic3A_237 = vector.broadcast %logistic3A_236 : f32 to vector<256x512xf32>
      %logistic3A_238 = arith.addf %logistic3A_237, %logistic3A_235 : vector<256x512xf32>
      %logistic3A_239 = arith.divf %logistic3A_237, %logistic3A_238 : vector<256x512xf32>
      %mul3A_240 = arith.mulf %add3A_234, %logistic3A_239 : vector<256x512xf32>
      %convert_element_type3A_241 = arith.truncf %mul3A_240 : vector<256x512xf32> to vector<256x512xbf16>
      %get3A_242 = arith.constant 11 : index
      %get3A_243 = arith.constant 0 : index
      %get3A_244 = arith.constant 0 : index
      %get3A_245 = vector.load %arg5[%get3A_242, %get3A_243, %get3A_244] : memref<16x1024x512xbf16, #tpu.memory_space<vmem>>, vector<1x1024x512xbf16>
      %get3A_246 = vector.shape_cast %get3A_245 : vector<1x1024x512xbf16> to vector<1024x512xbf16>
      %dot_general3A_247 = arith.constant dense<0.000000e+00> : vector<256x1024xf32>
      %dot_general3A_248 = tpu.matmul %convert_element_type3A_241, %get3A_246, %dot_general3A_247 {dimension_numbers = #tpu.dot_dimension_numbers<[1], [1], [0], [0], [0, 0, 1, 0], [], []>, transpose_lhs_hint = false} : vector<256x512xbf16>, vector<1024x512xbf16>, vector<256x1024xf32> -> vector<256x1024xf32>
      %ge3A = vector.broadcast %get3A_143 : i32 to vector<256x1xi32>
      %ge3A_249 = arith.cmpi sge, %add3A_9, %ge3A : vector<256x1xi32>
      %lt3A_250 = vector.broadcast %get3A_145 : i32 to vector<256x1xi32>
      %lt3A_251 = arith.cmpi slt, %add3A_9, %lt3A_250 : vector<256x1xi32>
      %and3A_252 = arith.andi %ge3A_249, %lt3A_251 : vector<256x1xi1>
      %get3A_253 = arith.constant 0 : index
      %get3A_254 = arith.constant 0 : index
      %get3A_255 = vector.load %arg7[%get3A_253, %get3A_254] : memref<256x1024xf32, #tpu.memory_space<vmem>>, vector<256x1024xf32>
      %jit3A = arith.constant 0.000000e+00 : f32
      %broadcast_in_dim3A_256 = vector.shape_cast %and3A_252 : vector<256x1xi1> to vector<256x1xi1>
      %broadcast_in_dim3A_257 = vector.broadcast %broadcast_in_dim3A_256 : vector<256x1xi1> to vector<256x1024xi1>
      %broadcast_in_dim3A_258 = vector.broadcast %jit3A : f32 to vector<256x1024xf32>
      %select_n3A = arith.select %broadcast_in_dim3A_257, %dot_general3A_248, %broadcast_in_dim3A_258 : vector<256x1024xi1>, vector<256x1024xf32>
      %add3A_259 = arith.addf %get3A_255, %select_n3A : vector<256x1024xf32>
      %swap3A_260 = arith.constant 0 : index
      %swap3A_261 = arith.constant 0 : index
      %swap3A_262 = vector.load %arg7[%swap3A_260, %swap3A_261] : memref<256x1024xf32, #tpu.memory_space<vmem>>, vector<256x1024xf32>
      tpu.vector_store %arg7[%swap3A_260, %swap3A_261], %add3A_259 {strides = array<i32>} : memref<256x1024xf32, #tpu.memory_space<vmem>>, vector<256x1024xf32>,
    } else {
    }
    %get3A_154 = arith.constant 12 : index
    %get3A_155 = memref.load %arg1[%get3A_154] : memref<17xi32, #tpu.memory_space<smem>>
    %get3A_156 = arith.constant 13 : index
    %get3A_157 = memref.load %arg1[%get3A_156] : memref<17xi32, #tpu.memory_space<smem>>
    %add3A_158 = arith.constant 256 : i32
    %add3A_159 = arith.addi %mul3A_8, %add3A_158 : i32
    %lt3A_160 = arith.cmpi slt, %get3A_155, %add3A_159 : i32
    %gt3A_161 = arith.cmpi sgt, %get3A_157, %mul3A_8 : i32
    %and3A_162 = arith.andi %lt3A_160, %gt3A_161 : i1
    %convert_element_type3A_163 = arith.extui %and3A_162 : i1 to i32
    %cond3A_164 = arith.constant 0 : i32
    %cond3A_165 = arith.cmpi ne, %convert_element_type3A_163, %cond3A_164 : i32
    scf.if %cond3A_165 {
      %get3A_221 = arith.constant 12 : index
      %get3A_222 = arith.constant 0 : index
      %get3A_223 = arith.constant 0 : index
      %get3A_224 = vector.load %arg3[%get3A_221, %get3A_222, %get3A_223] : memref<16x512x512xbf16, #tpu.memory_space<vmem>>, vector<1x512x512xbf16>
      %get3A_225 = vector.shape_cast %get3A_224 : vector<1x512x512xbf16> to vector<512x512xbf16>
      %dot_general3A = arith.constant dense<0.000000e+00> : vector<256x512xf32>
      %dot_general3A_226 = tpu.matmul %convert_element_type3A, %get3A_225, %dot_general3A {dimension_numbers = #tpu.dot_dimension_numbers<[1], [1], [0], [0], [0, 0, 1, 0], [], []>, transpose_lhs_hint = false} : vector<256x512xbf16>, vector<512x512xbf16>, vector<256x512xf32> -> vector<256x512xf32>
      %get3A_227 = arith.constant 12 : index
      %get3A_228 = arith.constant 0 : index
      %get3A_229 = arith.constant 0 : index
      %get3A_230 = vector.load %arg4[%get3A_227, %get3A_228, %get3A_229] : memref<16x512x512xbf16, #tpu.memory_space<vmem>>, vector<1x512x512xbf16>
      %get3A_231 = vector.shape_cast %get3A_230 : vector<1x512x512xbf16> to vector<512x512xbf16>
      %dot_general3A_232 = arith.constant dense<0.000000e+00> : vector<256x512xf32>
      %dot_general3A_233 = tpu.matmul %convert_element_type3A_7, %get3A_231, %dot_general3A_232 {dimension_numbers = #tpu.dot_dimension_numbers<[1], [1], [0], [0], [0, 0, 1, 0], [], []>, transpose_lhs_hint = false} : vector<256x512xbf16>, vector<512x512xbf16>, vector<256x512xf32> -> vector<256x512xf32>
      %add3A_234 = arith.addf %dot_general3A_226, %dot_general3A_233 : vector<256x512xf32>
      %logistic3A = arith.negf %add3A_234 : vector<256x512xf32>
      %logistic3A_235 = math.exp %logistic3A : vector<256x512xf32>
      %logistic3A_236 = arith.constant 1.000000e+00 : f32
      %logistic3A_237 = vector.broadcast %logistic3A_236 : f32 to vector<256x512xf32>
      %logistic3A_238 = arith.addf %logistic3A_237, %logistic3A_235 : vector<256x512xf32>
      %logistic3A_239 = arith.divf %logistic3A_237, %logistic3A_238 : vector<256x512xf32>
      %mul3A_240 = arith.mulf %add3A_234, %logistic3A_239 : vector<256x512xf32>
      %convert_element_type3A_241 = arith.truncf %mul3A_240 : vector<256x512xf32> to vector<256x512xbf16>
      %get3A_242 = arith.constant 12 : index
      %get3A_243 = arith.constant 0 : index
      %get3A_244 = arith.constant 0 : index
      %get3A_245 = vector.load %arg5[%get3A_242, %get3A_243, %get3A_244] : memref<16x1024x512xbf16, #tpu.memory_space<vmem>>, vector<1x1024x512xbf16>
      %get3A_246 = vector.shape_cast %get3A_245 : vector<1x1024x512xbf16> to vector<1024x512xbf16>
      %dot_general3A_247 = arith.constant dense<0.000000e+00> : vector<256x1024xf32>
      %dot_general3A_248 = tpu.matmul %convert_element_type3A_241, %get3A_246, %dot_general3A_247 {dimension_numbers = #tpu.dot_dimension_numbers<[1], [1], [0], [0], [0, 0, 1, 0], [], []>, transpose_lhs_hint = false} : vector<256x512xbf16>, vector<1024x512xbf16>, vector<256x1024xf32> -> vector<256x1024xf32>
      %ge3A = vector.broadcast %get3A_155 : i32 to vector<256x1xi32>
      %ge3A_249 = arith.cmpi sge, %add3A_9, %ge3A : vector<256x1xi32>
      %lt3A_250 = vector.broadcast %get3A_157 : i32 to vector<256x1xi32>
      %lt3A_251 = arith.cmpi slt, %add3A_9, %lt3A_250 : vector<256x1xi32>
      %and3A_252 = arith.andi %ge3A_249, %lt3A_251 : vector<256x1xi1>
      %get3A_253 = arith.constant 0 : index
      %get3A_254 = arith.constant 0 : index
      %get3A_255 = vector.load %arg7[%get3A_253, %get3A_254] : memref<256x1024xf32, #tpu.memory_space<vmem>>, vector<256x1024xf32>
      %jit3A = arith.constant 0.000000e+00 : f32
      %broadcast_in_dim3A_256 = vector.shape_cast %and3A_252 : vector<256x1xi1> to vector<256x1xi1>
      %broadcast_in_dim3A_257 = vector.broadcast %broadcast_in_dim3A_256 : vector<256x1xi1> to vector<256x1024xi1>
      %broadcast_in_dim3A_258 = vector.broadcast %jit3A : f32 to vector<256x1024xf32>
      %select_n3A = arith.select %broadcast_in_dim3A_257, %dot_general3A_248, %broadcast_in_dim3A_258 : vector<256x1024xi1>, vector<256x1024xf32>
      %add3A_259 = arith.addf %get3A_255, %select_n3A : vector<256x1024xf32>
      %swap3A_260 = arith.constant 0 : index
      %swap3A_261 = arith.constant 0 : index
      %swap3A_262 = vector.load %arg7[%swap3A_260, %swap3A_261] : memref<256x1024xf32, #tpu.memory_space<vmem>>, vector<256x1024xf32>
      tpu.vector_store %arg7[%swap3A_260, %swap3A_261], %add3A_259 {strides = array<i32>} : memref<256x1024xf32, #tpu.memory_space<vmem>>, vector<256x1024xf32>,
    } else {
    }
    %get3A_166 = arith.constant 13 : index
    %get3A_167 = memref.load %arg1[%get3A_166] : memref<17xi32, #tpu.memory_space<smem>>
    %get3A_168 = arith.constant 14 : index
    %get3A_169 = memref.load %arg1[%get3A_168] : memref<17xi32, #tpu.memory_space<smem>>
    %add3A_170 = arith.constant 256 : i32
    %add3A_171 = arith.addi %mul3A_8, %add3A_170 : i32
    %lt3A_172 = arith.cmpi slt, %get3A_167, %add3A_171 : i32
    %gt3A_173 = arith.cmpi sgt, %get3A_169, %mul3A_8 : i32
    %and3A_174 = arith.andi %lt3A_172, %gt3A_173 : i1
    %convert_element_type3A_175 = arith.extui %and3A_174 : i1 to i32
    %cond3A_176 = arith.constant 0 : i32
    %cond3A_177 = arith.cmpi ne, %convert_element_type3A_175, %cond3A_176 : i32
    scf.if %cond3A_177 {
      %get3A_221 = arith.constant 13 : index
      %get3A_222 = arith.constant 0 : index
      %get3A_223 = arith.constant 0 : index
      %get3A_224 = vector.load %arg3[%get3A_221, %get3A_222, %get3A_223] : memref<16x512x512xbf16, #tpu.memory_space<vmem>>, vector<1x512x512xbf16>
      %get3A_225 = vector.shape_cast %get3A_224 : vector<1x512x512xbf16> to vector<512x512xbf16>
      %dot_general3A = arith.constant dense<0.000000e+00> : vector<256x512xf32>
      %dot_general3A_226 = tpu.matmul %convert_element_type3A, %get3A_225, %dot_general3A {dimension_numbers = #tpu.dot_dimension_numbers<[1], [1], [0], [0], [0, 0, 1, 0], [], []>, transpose_lhs_hint = false} : vector<256x512xbf16>, vector<512x512xbf16>, vector<256x512xf32> -> vector<256x512xf32>
      %get3A_227 = arith.constant 13 : index
      %get3A_228 = arith.constant 0 : index
      %get3A_229 = arith.constant 0 : index
      %get3A_230 = vector.load %arg4[%get3A_227, %get3A_228, %get3A_229] : memref<16x512x512xbf16, #tpu.memory_space<vmem>>, vector<1x512x512xbf16>
      %get3A_231 = vector.shape_cast %get3A_230 : vector<1x512x512xbf16> to vector<512x512xbf16>
      %dot_general3A_232 = arith.constant dense<0.000000e+00> : vector<256x512xf32>
      %dot_general3A_233 = tpu.matmul %convert_element_type3A_7, %get3A_231, %dot_general3A_232 {dimension_numbers = #tpu.dot_dimension_numbers<[1], [1], [0], [0], [0, 0, 1, 0], [], []>, transpose_lhs_hint = false} : vector<256x512xbf16>, vector<512x512xbf16>, vector<256x512xf32> -> vector<256x512xf32>
      %add3A_234 = arith.addf %dot_general3A_226, %dot_general3A_233 : vector<256x512xf32>
      %logistic3A = arith.negf %add3A_234 : vector<256x512xf32>
      %logistic3A_235 = math.exp %logistic3A : vector<256x512xf32>
      %logistic3A_236 = arith.constant 1.000000e+00 : f32
      %logistic3A_237 = vector.broadcast %logistic3A_236 : f32 to vector<256x512xf32>
      %logistic3A_238 = arith.addf %logistic3A_237, %logistic3A_235 : vector<256x512xf32>
      %logistic3A_239 = arith.divf %logistic3A_237, %logistic3A_238 : vector<256x512xf32>
      %mul3A_240 = arith.mulf %add3A_234, %logistic3A_239 : vector<256x512xf32>
      %convert_element_type3A_241 = arith.truncf %mul3A_240 : vector<256x512xf32> to vector<256x512xbf16>
      %get3A_242 = arith.constant 13 : index
      %get3A_243 = arith.constant 0 : index
      %get3A_244 = arith.constant 0 : index
      %get3A_245 = vector.load %arg5[%get3A_242, %get3A_243, %get3A_244] : memref<16x1024x512xbf16, #tpu.memory_space<vmem>>, vector<1x1024x512xbf16>
      %get3A_246 = vector.shape_cast %get3A_245 : vector<1x1024x512xbf16> to vector<1024x512xbf16>
      %dot_general3A_247 = arith.constant dense<0.000000e+00> : vector<256x1024xf32>
      %dot_general3A_248 = tpu.matmul %convert_element_type3A_241, %get3A_246, %dot_general3A_247 {dimension_numbers = #tpu.dot_dimension_numbers<[1], [1], [0], [0], [0, 0, 1, 0], [], []>, transpose_lhs_hint = false} : vector<256x512xbf16>, vector<1024x512xbf16>, vector<256x1024xf32> -> vector<256x1024xf32>
      %ge3A = vector.broadcast %get3A_167 : i32 to vector<256x1xi32>
      %ge3A_249 = arith.cmpi sge, %add3A_9, %ge3A : vector<256x1xi32>
      %lt3A_250 = vector.broadcast %get3A_169 : i32 to vector<256x1xi32>
      %lt3A_251 = arith.cmpi slt, %add3A_9, %lt3A_250 : vector<256x1xi32>
      %and3A_252 = arith.andi %ge3A_249, %lt3A_251 : vector<256x1xi1>
      %get3A_253 = arith.constant 0 : index
      %get3A_254 = arith.constant 0 : index
      %get3A_255 = vector.load %arg7[%get3A_253, %get3A_254] : memref<256x1024xf32, #tpu.memory_space<vmem>>, vector<256x1024xf32>
      %jit3A = arith.constant 0.000000e+00 : f32
      %broadcast_in_dim3A_256 = vector.shape_cast %and3A_252 : vector<256x1xi1> to vector<256x1xi1>
      %broadcast_in_dim3A_257 = vector.broadcast %broadcast_in_dim3A_256 : vector<256x1xi1> to vector<256x1024xi1>
      %broadcast_in_dim3A_258 = vector.broadcast %jit3A : f32 to vector<256x1024xf32>
      %select_n3A = arith.select %broadcast_in_dim3A_257, %dot_general3A_248, %broadcast_in_dim3A_258 : vector<256x1024xi1>, vector<256x1024xf32>
      %add3A_259 = arith.addf %get3A_255, %select_n3A : vector<256x1024xf32>
      %swap3A_260 = arith.constant 0 : index
      %swap3A_261 = arith.constant 0 : index
      %swap3A_262 = vector.load %arg7[%swap3A_260, %swap3A_261] : memref<256x1024xf32, #tpu.memory_space<vmem>>, vector<256x1024xf32>
      tpu.vector_store %arg7[%swap3A_260, %swap3A_261], %add3A_259 {strides = array<i32>} : memref<256x1024xf32, #tpu.memory_space<vmem>>, vector<256x1024xf32>,
    } else {
    }
    %get3A_178 = arith.constant 14 : index
    %get3A_179 = memref.load %arg1[%get3A_178] : memref<17xi32, #tpu.memory_space<smem>>
    %get3A_180 = arith.constant 15 : index
    %get3A_181 = memref.load %arg1[%get3A_180] : memref<17xi32, #tpu.memory_space<smem>>
    %add3A_182 = arith.constant 256 : i32
    %add3A_183 = arith.addi %mul3A_8, %add3A_182 : i32
    %lt3A_184 = arith.cmpi slt, %get3A_179, %add3A_183 : i32
    %gt3A_185 = arith.cmpi sgt, %get3A_181, %mul3A_8 : i32
    %and3A_186 = arith.andi %lt3A_184, %gt3A_185 : i1
    %convert_element_type3A_187 = arith.extui %and3A_186 : i1 to i32
    %cond3A_188 = arith.constant 0 : i32
    %cond3A_189 = arith.cmpi ne, %convert_element_type3A_187, %cond3A_188 : i32
    scf.if %cond3A_189 {
      %get3A_221 = arith.constant 14 : index
      %get3A_222 = arith.constant 0 : index
      %get3A_223 = arith.constant 0 : index
      %get3A_224 = vector.load %arg3[%get3A_221, %get3A_222, %get3A_223] : memref<16x512x512xbf16, #tpu.memory_space<vmem>>, vector<1x512x512xbf16>
      %get3A_225 = vector.shape_cast %get3A_224 : vector<1x512x512xbf16> to vector<512x512xbf16>
      %dot_general3A = arith.constant dense<0.000000e+00> : vector<256x512xf32>
      %dot_general3A_226 = tpu.matmul %convert_element_type3A, %get3A_225, %dot_general3A {dimension_numbers = #tpu.dot_dimension_numbers<[1], [1], [0], [0], [0, 0, 1, 0], [], []>, transpose_lhs_hint = false} : vector<256x512xbf16>, vector<512x512xbf16>, vector<256x512xf32> -> vector<256x512xf32>
      %get3A_227 = arith.constant 14 : index
      %get3A_228 = arith.constant 0 : index
      %get3A_229 = arith.constant 0 : index
      %get3A_230 = vector.load %arg4[%get3A_227, %get3A_228, %get3A_229] : memref<16x512x512xbf16, #tpu.memory_space<vmem>>, vector<1x512x512xbf16>
      %get3A_231 = vector.shape_cast %get3A_230 : vector<1x512x512xbf16> to vector<512x512xbf16>
      %dot_general3A_232 = arith.constant dense<0.000000e+00> : vector<256x512xf32>
      %dot_general3A_233 = tpu.matmul %convert_element_type3A_7, %get3A_231, %dot_general3A_232 {dimension_numbers = #tpu.dot_dimension_numbers<[1], [1], [0], [0], [0, 0, 1, 0], [], []>, transpose_lhs_hint = false} : vector<256x512xbf16>, vector<512x512xbf16>, vector<256x512xf32> -> vector<256x512xf32>
      %add3A_234 = arith.addf %dot_general3A_226, %dot_general3A_233 : vector<256x512xf32>
      %logistic3A = arith.negf %add3A_234 : vector<256x512xf32>
      %logistic3A_235 = math.exp %logistic3A : vector<256x512xf32>
      %logistic3A_236 = arith.constant 1.000000e+00 : f32
      %logistic3A_237 = vector.broadcast %logistic3A_236 : f32 to vector<256x512xf32>
      %logistic3A_238 = arith.addf %logistic3A_237, %logistic3A_235 : vector<256x512xf32>
      %logistic3A_239 = arith.divf %logistic3A_237, %logistic3A_238 : vector<256x512xf32>
      %mul3A_240 = arith.mulf %add3A_234, %logistic3A_239 : vector<256x512xf32>
      %convert_element_type3A_241 = arith.truncf %mul3A_240 : vector<256x512xf32> to vector<256x512xbf16>
      %get3A_242 = arith.constant 14 : index
      %get3A_243 = arith.constant 0 : index
      %get3A_244 = arith.constant 0 : index
      %get3A_245 = vector.load %arg5[%get3A_242, %get3A_243, %get3A_244] : memref<16x1024x512xbf16, #tpu.memory_space<vmem>>, vector<1x1024x512xbf16>
      %get3A_246 = vector.shape_cast %get3A_245 : vector<1x1024x512xbf16> to vector<1024x512xbf16>
      %dot_general3A_247 = arith.constant dense<0.000000e+00> : vector<256x1024xf32>
      %dot_general3A_248 = tpu.matmul %convert_element_type3A_241, %get3A_246, %dot_general3A_247 {dimension_numbers = #tpu.dot_dimension_numbers<[1], [1], [0], [0], [0, 0, 1, 0], [], []>, transpose_lhs_hint = false} : vector<256x512xbf16>, vector<1024x512xbf16>, vector<256x1024xf32> -> vector<256x1024xf32>
      %ge3A = vector.broadcast %get3A_179 : i32 to vector<256x1xi32>
      %ge3A_249 = arith.cmpi sge, %add3A_9, %ge3A : vector<256x1xi32>
      %lt3A_250 = vector.broadcast %get3A_181 : i32 to vector<256x1xi32>
      %lt3A_251 = arith.cmpi slt, %add3A_9, %lt3A_250 : vector<256x1xi32>
      %and3A_252 = arith.andi %ge3A_249, %lt3A_251 : vector<256x1xi1>
      %get3A_253 = arith.constant 0 : index
      %get3A_254 = arith.constant 0 : index
      %get3A_255 = vector.load %arg7[%get3A_253, %get3A_254] : memref<256x1024xf32, #tpu.memory_space<vmem>>, vector<256x1024xf32>
      %jit3A = arith.constant 0.000000e+00 : f32
      %broadcast_in_dim3A_256 = vector.shape_cast %and3A_252 : vector<256x1xi1> to vector<256x1xi1>
      %broadcast_in_dim3A_257 = vector.broadcast %broadcast_in_dim3A_256 : vector<256x1xi1> to vector<256x1024xi1>
      %broadcast_in_dim3A_258 = vector.broadcast %jit3A : f32 to vector<256x1024xf32>
      %select_n3A = arith.select %broadcast_in_dim3A_257, %dot_general3A_248, %broadcast_in_dim3A_258 : vector<256x1024xi1>, vector<256x1024xf32>
      %add3A_259 = arith.addf %get3A_255, %select_n3A : vector<256x1024xf32>
      %swap3A_260 = arith.constant 0 : index
      %swap3A_261 = arith.constant 0 : index
      %swap3A_262 = vector.load %arg7[%swap3A_260, %swap3A_261] : memref<256x1024xf32, #tpu.memory_space<vmem>>, vector<256x1024xf32>
      tpu.vector_store %arg7[%swap3A_260, %swap3A_261], %add3A_259 {strides = array<i32>} : memref<256x1024xf32, #tpu.memory_space<vmem>>, vector<256x1024xf32>,
    } else {
    }
    %get3A_190 = arith.constant 15 : index
    %get3A_191 = memref.load %arg1[%get3A_190] : memref<17xi32, #tpu.memory_space<smem>>
    %get3A_192 = arith.constant 16 : index
    %get3A_193 = memref.load %arg1[%get3A_192] : memref<17xi32, #tpu.memory_space<smem>>
    %add3A_194 = arith.constant 256 : i32
    %add3A_195 = arith.addi %mul3A_8, %add3A_194 : i32
    %lt3A_196 = arith.cmpi slt, %get3A_191, %add3A_195 : i32
    %gt3A_197 = arith.cmpi sgt, %get3A_193, %mul3A_8 : i32
    %and3A_198 = arith.andi %lt3A_196, %gt3A_197 : i1
    %convert_element_type3A_199 = arith.extui %and3A_198 : i1 to i32
    %cond3A_200 = arith.constant 0 : i32
    %cond3A_201 = arith.cmpi ne, %convert_element_type3A_199, %cond3A_200 : i32
    scf.if %cond3A_201 {
      %get3A_221 = arith.constant 15 : index
      %get3A_222 = arith.constant 0 : index
      %get3A_223 = arith.constant 0 : index
      %get3A_224 = vector.load %arg3[%get3A_221, %get3A_222, %get3A_223] : memref<16x512x512xbf16, #tpu.memory_space<vmem>>, vector<1x512x512xbf16>
      %get3A_225 = vector.shape_cast %get3A_224 : vector<1x512x512xbf16> to vector<512x512xbf16>
      %dot_general3A = arith.constant dense<0.000000e+00> : vector<256x512xf32>
      %dot_general3A_226 = tpu.matmul %convert_element_type3A, %get3A_225, %dot_general3A {dimension_numbers = #tpu.dot_dimension_numbers<[1], [1], [0], [0], [0, 0, 1, 0], [], []>, transpose_lhs_hint = false} : vector<256x512xbf16>, vector<512x512xbf16>, vector<256x512xf32> -> vector<256x512xf32>
      %get3A_227 = arith.constant 15 : index
      %get3A_228 = arith.constant 0 : index
      %get3A_229 = arith.constant 0 : index
      %get3A_230 = vector.load %arg4[%get3A_227, %get3A_228, %get3A_229] : memref<16x512x512xbf16, #tpu.memory_space<vmem>>, vector<1x512x512xbf16>
      %get3A_231 = vector.shape_cast %get3A_230 : vector<1x512x512xbf16> to vector<512x512xbf16>
      %dot_general3A_232 = arith.constant dense<0.000000e+00> : vector<256x512xf32>
      %dot_general3A_233 = tpu.matmul %convert_element_type3A_7, %get3A_231, %dot_general3A_232 {dimension_numbers = #tpu.dot_dimension_numbers<[1], [1], [0], [0], [0, 0, 1, 0], [], []>, transpose_lhs_hint = false} : vector<256x512xbf16>, vector<512x512xbf16>, vector<256x512xf32> -> vector<256x512xf32>
      %add3A_234 = arith.addf %dot_general3A_226, %dot_general3A_233 : vector<256x512xf32>
      %logistic3A = arith.negf %add3A_234 : vector<256x512xf32>
      %logistic3A_235 = math.exp %logistic3A : vector<256x512xf32>
      %logistic3A_236 = arith.constant 1.000000e+00 : f32
      %logistic3A_237 = vector.broadcast %logistic3A_236 : f32 to vector<256x512xf32>
      %logistic3A_238 = arith.addf %logistic3A_237, %logistic3A_235 : vector<256x512xf32>
      %logistic3A_239 = arith.divf %logistic3A_237, %logistic3A_238 : vector<256x512xf32>
      %mul3A_240 = arith.mulf %add3A_234, %logistic3A_239 : vector<256x512xf32>
      %convert_element_type3A_241 = arith.truncf %mul3A_240 : vector<256x512xf32> to vector<256x512xbf16>
      %get3A_242 = arith.constant 15 : index
      %get3A_243 = arith.constant 0 : index
      %get3A_244 = arith.constant 0 : index
      %get3A_245 = vector.load %arg5[%get3A_242, %get3A_243, %get3A_244] : memref<16x1024x512xbf16, #tpu.memory_space<vmem>>, vector<1x1024x512xbf16>
      %get3A_246 = vector.shape_cast %get3A_245 : vector<1x1024x512xbf16> to vector<1024x512xbf16>
      %dot_general3A_247 = arith.constant dense<0.000000e+00> : vector<256x1024xf32>
      %dot_general3A_248 = tpu.matmul %convert_element_type3A_241, %get3A_246, %dot_general3A_247 {dimension_numbers = #tpu.dot_dimension_numbers<[1], [1], [0], [0], [0, 0, 1, 0], [], []>, transpose_lhs_hint = false} : vector<256x512xbf16>, vector<1024x512xbf16>, vector<256x1024xf32> -> vector<256x1024xf32>
      %ge3A = vector.broadcast %get3A_191 : i32 to vector<256x1xi32>
      %ge3A_249 = arith.cmpi sge, %add3A_9, %ge3A : vector<256x1xi32>
      %lt3A_250 = vector.broadcast %get3A_193 : i32 to vector<256x1xi32>
      %lt3A_251 = arith.cmpi slt, %add3A_9, %lt3A_250 : vector<256x1xi32>
      %and3A_252 = arith.andi %ge3A_249, %lt3A_251 : vector<256x1xi1>
      %get3A_253 = arith.constant 0 : index
      %get3A_254 = arith.constant 0 : index
      %get3A_255 = vector.load %arg7[%get3A_253, %get3A_254] : memref<256x1024xf32, #tpu.memory_space<vmem>>, vector<256x1024xf32>
      %jit3A = arith.constant 0.000000e+00 : f32
      %broadcast_in_dim3A_256 = vector.shape_cast %and3A_252 : vector<256x1xi1> to vector<256x1xi1>
      %broadcast_in_dim3A_257 = vector.broadcast %broadcast_in_dim3A_256 : vector<256x1xi1> to vector<256x1024xi1>
      %broadcast_in_dim3A_258 = vector.broadcast %jit3A : f32 to vector<256x1024xf32>
      %select_n3A = arith.select %broadcast_in_dim3A_257, %dot_general3A_248, %broadcast_in_dim3A_258 : vector<256x1024xi1>, vector<256x1024xf32>
      %add3A_259 = arith.addf %get3A_255, %select_n3A : vector<256x1024xf32>
      %swap3A_260 = arith.constant 0 : index
      %swap3A_261 = arith.constant 0 : index
      %swap3A_262 = vector.load %arg7[%swap3A_260, %swap3A_261] : memref<256x1024xf32, #tpu.memory_space<vmem>>, vector<256x1024xf32>
      tpu.vector_store %arg7[%swap3A_260, %swap3A_261], %add3A_259 {strides = array<i32>} : memref<256x1024xf32, #tpu.memory_space<vmem>>, vector<256x1024xf32>,
    } else {
    }
    %get3A_202 = arith.constant 0 : index
    %get3A_203 = arith.constant 0 : index
    %get3A_204 = vector.load %arg7[%get3A_202, %get3A_203] : memref<256x1024xf32, #tpu.memory_space<vmem>>, vector<256x1024xf32>
    %bitcast_convert_type3A_205 = tpu.bitcast %get3A_204 : vector<256x1024xf32> -> vector<256x1024xi32>
    %add3A_206 = arith.constant 32768 : i32
    %add3A_207 = vector.broadcast %add3A_206 : i32 to vector<256x1024xi32>
    %add3A_208 = arith.addi %bitcast_convert_type3A_205, %add3A_207 : vector<256x1024xi32>
    %slice3A = vector.extract_strided_slice %add3A_208 {offsets = [0, 0], sizes = [256, 512], strides = [1, 1]} : vector<256x1024xi32> to vector<256x512xi32>
    %shift_right_arithmetic3A = arith.constant 16 : i32
    %shift_right_arithmetic3A_209 = vector.broadcast %shift_right_arithmetic3A : i32 to vector<256x512xi32>
    %shift_right_arithmetic3A_210 = arith.shrsi %slice3A, %shift_right_arithmetic3A_209 : vector<256x512xi32>
    %and3A_211 = arith.constant 65535 : i32
    %and3A_212 = vector.broadcast %and3A_211 : i32 to vector<256x512xi32>
    %and3A_213 = arith.andi %shift_right_arithmetic3A_210, %and3A_212 : vector<256x512xi32>
    %slice3A_214 = vector.extract_strided_slice %add3A_208 {offsets = [0, 512], sizes = [256, 512], strides = [1, 1]} : vector<256x1024xi32> to vector<256x512xi32>
    %and3A_215 = arith.constant -65536 : i32
    %and3A_216 = vector.broadcast %and3A_215 : i32 to vector<256x512xi32>
    %and3A_217 = arith.andi %slice3A_214, %and3A_216 : vector<256x512xi32>
    %or3A = arith.ori %and3A_213, %and3A_217 : vector<256x512xi32>
    %swap3A_218 = arith.constant 0 : index
    %swap3A_219 = arith.constant 0 : index
    %swap3A_220 = vector.load %arg6[%swap3A_218, %swap3A_219] : memref<256x512xi32, #tpu.memory_space<vmem>>, vector<256x512xi32>
    tpu.vector_store %arg6[%swap3A_218, %swap3A_219], %or3A {strides = array<i32>} : memref<256x512xi32, #tpu.memory_space<vmem>>, vector<256x512xi32>,
    return
  }
  func.func @transform_0(%arg0: i32, %arg1: memref<17xi32, #tpu.memory_space<smem>>) -> (i32, i32) {
    %c0_i32 = arith.constant 0 : i32
    %c0_i32_0 = arith.constant 0 : i32
    return %arg0, %c0_i32 : i32, i32
  }
  func.func @transform_1(%arg0: i32, %arg1: memref<17xi32, #tpu.memory_space<smem>>) -> (i32, i32, i32) {
    %c0_i32 = arith.constant 0 : i32
    %c0_i32_0 = arith.constant 0 : i32
    %c0_i32_1 = arith.constant 0 : i32
    %c0_i32_2 = arith.constant 0 : i32
    return %c0_i32, %c0_i32_0, %c0_i32_1 : i32, i32, i32
  }
  func.func @transform_2(%arg0: i32, %arg1: memref<17xi32, #tpu.memory_space<smem>>) -> (i32, i32, i32) {
    %c0_i32 = arith.constant 0 : i32
    %c0_i32_0 = arith.constant 0 : i32
    %c0_i32_1 = arith.constant 0 : i32
    %c0_i32_2 = arith.constant 0 : i32
    return %c0_i32, %c0_i32_0, %c0_i32_1 : i32, i32, i32
  }
  func.func @transform_3(%arg0: i32, %arg1: memref<17xi32, #tpu.memory_space<smem>>) -> (i32, i32, i32) {
    %c0_i32 = arith.constant 0 : i32
    %c0_i32_0 = arith.constant 0 : i32
    %c0_i32_1 = arith.constant 0 : i32
    %c0_i32_2 = arith.constant 0 : i32
    return %c0_i32, %c0_i32_0, %c0_i32_1 : i32, i32, i32
  }
  func.func @transform_4(%arg0: i32, %arg1: memref<17xi32, #tpu.memory_space<smem>>) -> (i32, i32) {
    %c0_i32 = arith.constant 0 : i32
    %c0_i32_0 = arith.constant 0 : i32
    return %arg0, %c0_i32 : i32, i32
  }
}

module attributes {stable_mosaic.version = 14 : i64} {
  func.func @_shared_body(%arg0: i32, %arg1: memref<512x1024xf32, #tpu.memory_space<vmem>>, %arg2: memref<512x1024xbf16, #tpu.memory_space<vmem>>, %arg3: memref<1024x512xbf16, #tpu.memory_space<vmem>>, %arg4: memref<512x1024xf32, #tpu.memory_space<vmem>>) attributes {dimension_semantics = [#tpu.dimension_semantics<arbitrary>], iteration_bounds = array<i64: 8>, scalar_prefetch = 0 : i64, scratch_operands = 0 : i64, tpu.core_type = #tpu.core_type<tc>, window_params = [{transform_indices = @transform_0, window_bounds = array<i64: 512, 1024>}, {pipeline_mode = #tpu.pipeline_mode<synchronous>, transform_indices = @transform_1, window_bounds = array<i64: 512, 1024>}, {pipeline_mode = #tpu.pipeline_mode<synchronous>, transform_indices = @transform_2, window_bounds = array<i64: 1024, 512>}, {transform_indices = @transform_3, window_bounds = array<i64: 512, 1024>}]} {
    %get3A = arith.constant 0 : index
    %get3A_0 = arith.constant 0 : index
    %get3A_1 = vector.load %arg1[%get3A, %get3A_0] : memref<512x1024xf32, #tpu.memory_space<vmem>>, vector<512x1024xf32>
    %convert_element_type3A = arith.truncf %get3A_1 : vector<512x1024xf32> to vector<512x1024xbf16>
    %get3A_2 = arith.constant 0 : index
    %get3A_3 = arith.constant 0 : index
    %get3A_4 = vector.load %arg2[%get3A_2, %get3A_3] : memref<512x1024xbf16, #tpu.memory_space<vmem>>, vector<512x1024xbf16>
    %get3A_5 = arith.constant 0 : index
    %get3A_6 = arith.constant 0 : index
    %get3A_7 = vector.load %arg3[%get3A_5, %get3A_6] : memref<1024x512xbf16, #tpu.memory_space<vmem>>, vector<1024x512xbf16>
    %dot_general3A = arith.constant dense<0.000000e+00> : vector<512x512xf32>
    %dot_general3A_8 = tpu.matmul %convert_element_type3A, %get3A_4, %dot_general3A {dimension_numbers = #tpu.dot_dimension_numbers<[1], [1], [0], [0], [0, 0, 1, 0], [], []>, transpose_lhs_hint = false} : vector<512x1024xbf16>, vector<512x1024xbf16>, vector<512x512xf32> -> vector<512x512xf32>
    %logistic3A = arith.negf %dot_general3A_8 : vector<512x512xf32>
    %logistic3A_9 = math.exp %logistic3A : vector<512x512xf32>
    %logistic3A_10 = arith.constant 1.000000e+00 : f32
    %logistic3A_11 = vector.broadcast %logistic3A_10 : f32 to vector<512x512xf32>
    %logistic3A_12 = arith.addf %logistic3A_11, %logistic3A_9 : vector<512x512xf32>
    %logistic3A_13 = arith.divf %logistic3A_11, %logistic3A_12 : vector<512x512xf32>
    %mul3A = arith.mulf %dot_general3A_8, %logistic3A_13 : vector<512x512xf32>
    %convert_element_type3A_14 = arith.truncf %mul3A : vector<512x512xf32> to vector<512x512xbf16>
    %dot_general3A_15 = arith.constant dense<0.000000e+00> : vector<512x1024xf32>
    %dot_general3A_16 = tpu.matmul %convert_element_type3A_14, %get3A_7, %dot_general3A_15 {dimension_numbers = #tpu.dot_dimension_numbers<[1], [1], [0], [0], [0, 0, 1, 0], [], []>, transpose_lhs_hint = false} : vector<512x512xbf16>, vector<1024x512xbf16>, vector<512x1024xf32> -> vector<512x1024xf32>
    %swap3A = arith.constant 0 : index
    %swap3A_17 = arith.constant 0 : index
    %swap3A_18 = vector.load %arg4[%swap3A, %swap3A_17] : memref<512x1024xf32, #tpu.memory_space<vmem>>, vector<512x1024xf32>
    tpu.vector_store %arg4[%swap3A, %swap3A_17], %dot_general3A_16 {strides = array<i32>} : memref<512x1024xf32, #tpu.memory_space<vmem>>, vector<512x1024xf32>,
    return
  }
  func.func @transform_0(%arg0: i32) -> (i32, i32) {
    %c0_i32 = arith.constant 0 : i32
    %c0_i32_0 = arith.constant 0 : i32
    return %arg0, %c0_i32 : i32, i32
  }
  func.func @transform_1(%arg0: i32) -> (i32, i32) {
    %c0_i32 = arith.constant 0 : i32
    %c0_i32_0 = arith.constant 0 : i32
    %c0_i32_1 = arith.constant 0 : i32
    return %c0_i32, %c0_i32_0 : i32, i32
  }
  func.func @transform_2(%arg0: i32) -> (i32, i32) {
    %c0_i32 = arith.constant 0 : i32
    %c0_i32_0 = arith.constant 0 : i32
    %c0_i32_1 = arith.constant 0 : i32
    return %c0_i32, %c0_i32_0 : i32, i32
  }
  func.func @transform_3(%arg0: i32) -> (i32, i32) {
    %c0_i32 = arith.constant 0 : i32
    %c0_i32_0 = arith.constant 0 : i32
    return %arg0, %c0_i32 : i32, i32
  }
}

module attributes {stable_mosaic.version = 14 : i64} {
  func.func @_final_body(%arg0: i32, %arg1: memref<512x1024xf32, #tpu.memory_space<vmem>>, %arg2: memref<512x512xi32, #tpu.memory_space<vmem>>, %arg3: memref<512x512xi32, #tpu.memory_space<vmem>>, %arg4: memref<512x1xf32, #tpu.memory_space<vmem>>, %arg5: memref<512x1xf32, #tpu.memory_space<vmem>>, %arg6: memref<512x1024xf32, #tpu.memory_space<vmem>>) attributes {dimension_semantics = [#tpu.dimension_semantics<arbitrary>], iteration_bounds = array<i64: 8>, scalar_prefetch = 0 : i64, scratch_operands = 0 : i64, tpu.core_type = #tpu.core_type<tc>, window_params = [{transform_indices = @transform_0, window_bounds = array<i64: 512, 1024>}, {transform_indices = @transform_1, window_bounds = array<i64: 512, 512>}, {transform_indices = @transform_2, window_bounds = array<i64: 512, 512>}, {transform_indices = @transform_3, window_bounds = array<i64: 512, 1>}, {transform_indices = @transform_4, window_bounds = array<i64: 512, 1>}, {transform_indices = @transform_5, window_bounds = array<i64: 512, 1024>}]} {
    %get3A = arith.constant 0 : index
    %get3A_0 = arith.constant 0 : index
    %get3A_1 = vector.load %arg2[%get3A, %get3A_0] : memref<512x512xi32, #tpu.memory_space<vmem>>, vector<512x512xi32>
    %shift_left3A = arith.constant 16 : i32
    %shift_left3A_2 = vector.broadcast %shift_left3A : i32 to vector<512x512xi32>
    %shift_left3A_3 = arith.shli %get3A_1, %shift_left3A_2 : vector<512x512xi32>
    %bitcast_convert_type3A = tpu.bitcast %shift_left3A_3 : vector<512x512xi32> -> vector<512x512xf32>
    %and3A = arith.constant -65536 : i32
    %and3A_4 = vector.broadcast %and3A : i32 to vector<512x512xi32>
    %and3A_5 = arith.andi %get3A_1, %and3A_4 : vector<512x512xi32>
    %bitcast_convert_type3A_6 = tpu.bitcast %and3A_5 : vector<512x512xi32> -> vector<512x512xf32>
    %get3A_7 = arith.constant 0 : index
    %get3A_8 = arith.constant 0 : index
    %get3A_9 = vector.load %arg3[%get3A_7, %get3A_8] : memref<512x512xi32, #tpu.memory_space<vmem>>, vector<512x512xi32>
    %shift_left3A_10 = arith.constant 16 : i32
    %shift_left3A_11 = vector.broadcast %shift_left3A_10 : i32 to vector<512x512xi32>
    %shift_left3A_12 = arith.shli %get3A_9, %shift_left3A_11 : vector<512x512xi32>
    %bitcast_convert_type3A_13 = tpu.bitcast %shift_left3A_12 : vector<512x512xi32> -> vector<512x512xf32>
    %and3A_14 = arith.constant -65536 : i32
    %and3A_15 = vector.broadcast %and3A_14 : i32 to vector<512x512xi32>
    %and3A_16 = arith.andi %get3A_9, %and3A_15 : vector<512x512xi32>
    %bitcast_convert_type3A_17 = tpu.bitcast %and3A_16 : vector<512x512xi32> -> vector<512x512xf32>
    %get3A_18 = arith.constant 0 : index
    %get3A_19 = arith.constant 0 : index
    %get3A_20 = vector.load %arg1[%get3A_18, %get3A_19] : memref<512x1024xf32, #tpu.memory_space<vmem>>, vector<512x1024xf32>
    %get3A_21 = arith.constant 0 : index
    %get3A_22 = arith.constant 0 : index
    %get3A_23 = vector.load %arg4[%get3A_21, %get3A_22] : memref<512x1xf32, #tpu.memory_space<vmem>>, vector<512x1xf32>
    %get3A_24 = arith.constant 0 : index
    %get3A_25 = arith.constant 0 : index
    %get3A_26 = vector.load %arg5[%get3A_24, %get3A_25] : memref<512x1xf32, #tpu.memory_space<vmem>>, vector<512x1xf32>
    %slice3A = vector.extract_strided_slice %get3A_20 {offsets = [0, 0], sizes = [512, 512], strides = [1, 1]} : vector<512x1024xf32> to vector<512x512xf32>
    %mul3A = vector.broadcast %get3A_23 : vector<512x1xf32> to vector<512x512xf32>
    %mul3A_27 = arith.mulf %mul3A, %bitcast_convert_type3A : vector<512x512xf32>
    %add3A = arith.addf %slice3A, %mul3A_27 : vector<512x512xf32>
    %mul3A_28 = vector.broadcast %get3A_26 : vector<512x1xf32> to vector<512x512xf32>
    %mul3A_29 = arith.mulf %mul3A_28, %bitcast_convert_type3A_13 : vector<512x512xf32>
    %add3A_30 = arith.addf %add3A, %mul3A_29 : vector<512x512xf32>
    %swap3A = arith.constant 0 : index
    %swap3A_31 = arith.constant 0 : index
    %swap3A_32 = vector.load %arg6[%swap3A, %swap3A_31] : memref<512x1024xf32, #tpu.memory_space<vmem>>, vector<512x512xf32>
    tpu.vector_store %arg6[%swap3A, %swap3A_31], %add3A_30 {strides = array<i32>} : memref<512x1024xf32, #tpu.memory_space<vmem>>, vector<512x512xf32>,
    %slice3A_33 = vector.extract_strided_slice %get3A_20 {offsets = [0, 512], sizes = [512, 512], strides = [1, 1]} : vector<512x1024xf32> to vector<512x512xf32>
    %mul3A_34 = vector.broadcast %get3A_23 : vector<512x1xf32> to vector<512x512xf32>
    %mul3A_35 = arith.mulf %mul3A_34, %bitcast_convert_type3A_6 : vector<512x512xf32>
    %add3A_36 = arith.addf %slice3A_33, %mul3A_35 : vector<512x512xf32>
    %mul3A_37 = vector.broadcast %get3A_26 : vector<512x1xf32> to vector<512x512xf32>
    %mul3A_38 = arith.mulf %mul3A_37, %bitcast_convert_type3A_17 : vector<512x512xf32>
    %add3A_39 = arith.addf %add3A_36, %mul3A_38 : vector<512x512xf32>
    %swap3A_40 = arith.constant 0 : index
    %swap3A_41 = arith.constant 512 : index
    %swap3A_42 = vector.load %arg6[%swap3A_40, %swap3A_41] : memref<512x1024xf32, #tpu.memory_space<vmem>>, vector<512x512xf32>
    tpu.vector_store %arg6[%swap3A_40, %swap3A_41], %add3A_39 {strides = array<i32>} : memref<512x1024xf32, #tpu.memory_space<vmem>>, vector<512x512xf32>,
    return
  }
  func.func @transform_0(%arg0: i32) -> (i32, i32) {
    %c0_i32 = arith.constant 0 : i32
    %c0_i32_0 = arith.constant 0 : i32
    return %arg0, %c0_i32 : i32, i32
  }
  func.func @transform_1(%arg0: i32) -> (i32, i32) {
    %c0_i32 = arith.constant 0 : i32
    %c0_i32_0 = arith.constant 0 : i32
    return %arg0, %c0_i32 : i32, i32
  }
  func.func @transform_2(%arg0: i32) -> (i32, i32) {
    %c0_i32 = arith.constant 0 : i32
    %c0_i32_0 = arith.constant 0 : i32
    return %arg0, %c0_i32 : i32, i32
  }
  func.func @transform_3(%arg0: i32) -> (i32, i32) {
    %c0_i32 = arith.constant 0 : i32
    %c0_i32_0 = arith.constant 0 : i32
    return %arg0, %c0_i32 : i32, i32
  }
  func.func @transform_4(%arg0: i32) -> (i32, i32) {
    %c0_i32 = arith.constant 0 : i32
    %c0_i32_0 = arith.constant 0 : i32
    return %arg0, %c0_i32 : i32, i32
  }
  func.func @transform_5(%arg0: i32) -> (i32, i32) {
    %c0_i32 = arith.constant 0 : i32
    %c0_i32_0 = arith.constant 0 : i32
    return %arg0, %c0_i32 : i32, i32
  }
}

</mosaic_0001>

<sc_bundles>
// kernel: kernel.11.cloned.1.call-start
scs
__scs_entry_jumppad:
0x0: {  	(pc) =	sbr.rel $0x88, $3  }
0x1: {  	(tag) =	ssettag $0x0;
	lr =	simm.s32 $0x1  }
0x2: {  	[smem:$0x3F9A] =	sst lr;
	_ =	strace $0xD0000000  }
0x3: {  	_ = 	snop  }
0x4: {  	_ = 	snop  }
0x5: {  	_ = 	snop  }
0x6: {  	_ = 	snop  }
0x7: {  	_ = 	snop  }
__scs_overlays_trampoline_lowered:
0x8: {  	[smem:$0x3FA9] =	sst s0  }
0x9: {  	[smem:$0x3FAA] =	sst s1  }
0xa: {  	[smem:$0x3FAB] =	sst s2  }
0xb: {  	[smem:$0x3FAC] =	sst s3  }
0xc: {  	[smem:$0x3FAD] =	sst s4  }
0xd: {  	[smem:$0x3FAE] =	sst s5  }
0xe: {  	[smem:$0x3FAF] =	sst s6  }
0xf: {  	[smem:$0x3FB0] =	sst s7  }
0x10: {  	[smem:$0x3FB1] =	sst s8  }
0x11: {  	[smem:$0x3FB2] =	sst s9;
	s0 =	simm.s32 @!p0 $0x0  }
0x12: {  	s1 =	sld [smem:$0x3F98];
	s0 =	simm.s32 @p0 $0x1  }
0x13: {  	[smem:$0x3FB3] =	sst s0;
	s0 =	simm.s32 @!p1 $0x0  }
0x14: {  	s2 =	sld [smem:$0x3F97];
	s0 =	simm.s32 @p1 $0x1  }
0x15: {  	[smem:$0x3FB4] =	sst s0;
	s0 =	simm.s32 @!p2 $0x0  }
0x16: {  	s3 =	sld [smem:$0x3FDB];
	s0 =	simm.s32 @p2 $0x1  }
0x17: {  	s4 =	simm.s32 $0x1BF5;
	[smem:$0x3FB6] =	sst s0  }
0x18: {  	s0 =	sld [smem:$0x3F99];
	_ =	swait.ge [sflag:s4], $0x0  }
0x19: {  	s7 =	sld [smem:$0x3F9A]  }
0x1a: {  	s8 =	sadd.s32 $0xFFFFE003, lr  }
0x1b: {  	s9 =	sadd.s32 $0xFFFFFEF7, lr;
	s5 =	simm.s32 $0xFFFFFFFF;
	p2 =	slt.u32 s8, $0xFFFFF086  }
0x1c: {  	p1 =	slt.u32 s9, $0xF7A;
	s5 =	simm.s32 @!p2 $0x0  }
0x1d: {  	s5 =	simm.s32 @p1 $0x1;
	p0 =	seq.s32 s7, s2  }
0x1e: {  	s7 =	smul.u32 @!p0 $0xF7A, s2;
	p2 =	seq.s32 @!p0 s5, $0x0  }
0x1f: {  	s9 =	smul.u32 $0xF7A, s1;
	s8 =	simm.s32 @!p0 $0x1BF5;
	p2 =	por !p2, p0  }
0x20: {  	[sflag:s8] =	ssyncset.s32 @!p0 $0xFFFFF086;
	s6 =	sadd.s32 @!p0 s3, s7;
	s7 =	simm.s32 @!p0 $0x108  }
0x21: {  	s3 =	sadd.s32 s3, s9;
	s6 =	sadd.s32 @!p0 $0x88, s6;
	s7 =	simm.s32 @p2 $0x1082  }
0x22: {  	[simem:s7], [sflag:s8] =	dma.local @!p0 [hbm:s6], $0xF7A  }
0x23: {  	s9 =	sor.u32 $0xD0000000, s2;
	s6 =	simm.s32 $0x108;
	_ =	swait.ge @!p0 [sflag:s8], $0x0  }
0x24: {  	s3 =	sadd.s32 $0x88, s3;
	s6 =	simm.s32 @!p1 $0x1082;
	[sflag:s4] =	ssyncset.s32 $0xFFFFF086  }
0x25: {  	[simem:s6], [sflag:s4] =	dma.local [hbm:s3], $0xF7A  }
0x26: {  	[smem:$0x3F9A] =	sst s1;
	(tag) =	ssettag s2;
	_ =	strace s9  }
0x27: {  	s1 =	sld [smem:$0x3FAA]  }
0x28: {  	s2 =	sld [smem:$0x3FAB]  }
0x29: {  	s4 =	sld [smem:$0x3FAD]  }
0x2a: {  	p0 =	seq.s32 s5, $0x0;
	s5 =	sld [smem:$0x3FAE]  }
0x2b: {  	s6 =	sld [smem:$0x3FAF]  }
0x2c: {  	s7 =	sld [smem:$0x3FB0]  }
0x2d: {  	s3 =	simm.s32 $0x108;
	s8 =	sld [smem:$0x3FB1]  }
0x2e: {  	s3 =	simm.s32 @!p0 $0x1082;
	s9 =	sld [smem:$0x3FB2]  }
0x2f: {  	lr =	sadd.s32 s0, s3;
	s0 =	sld [smem:$0x3FA9]  }
0x30: {  	s3 =	sld [smem:$0x3FAC]  }
0x31: {  	[smem:$0x3FB5] =	sst s10  }
0x32: {  	s10 =	sld [smem:$0x3FB3];
	_ =	sdelay $0x3  }
0x33: {  	p0 =	seq.s32 s10, $0x1;
	s10 =	sld [smem:$0x3FB5];
	_ =	sdelay $0x3  }
0x34: {  	[smem:$0x3FB5] =	sst s10  }
0x35: {  	s10 =	sld [smem:$0x3FB4];
	_ =	sdelay $0x3  }
0x36: {  	p1 =	seq.s32 s10, $0x1;
	s10 =	sld [smem:$0x3FB5];
	_ =	sdelay $0x3  }
0x37: {  	[smem:$0x3FB5] =	sst s10  }
0x38: {  	s10 =	sld [smem:$0x3FB6]  }
0x39: {  	_ = 	snop;
	(pc) =	sbr.ind lr, $3  }
0x3a: {  	_ = 	snop  }
0x3b: {  	_ = 	snop  }
0x3c: {  	p2 =	seq.s32 s10, $0x1;
	s10 =	sld [smem:$0x3FB5]  }
0x3d: {  	_ =	shalt  }
0x3e: {  	_ =	shalt  }
0x3f: {  	_ =	shalt  }
0x40: {  	_ =	shalt  }
0x41: {  	_ =	shalt  }
0x42: {  	_ =	shalt  }
0x43: {  	_ =	shalt  }
0x44: {  	_ =	shalt  }
0x45: {  	_ =	shalt  }
0x46: {  	_ =	shalt  }
0x47: {  	_ =	shalt  }
0x48: {  	_ =	shalt  }
0x49: {  	_ =	shalt  }
0x4a: {  	_ =	shalt  }
0x4b: {  	_ =	shalt  }
0x4c: {  	_ =	shalt  }
0x4d: {  	_ =	shalt  }
0x4e: {  	_ =	shalt  }
0x4f: {  	_ =	shalt  }
0x50: {  	_ =	shalt  }
0x51: {  	_ =	shalt  }
0x52: {  	_ =	shalt  }
0x53: {  	_ =	shalt  }
0x54: {  	_ =	shalt  }
0x55: {  	_ =	shalt  }
0x56: {  	_ =	shalt  }
0x57: {  	_ =	shalt  }
0x58: {  	_ =	shalt  }
0x59: {  	_ =	shalt  }
0x5a: {  	_ =	shalt  }
0x5b: {  	_ =	shalt  }
0x5c: {  	_ =	shalt  }
0x5d: {  	_ =	shalt  }
0x5e: {  	_ =	shalt  }
0x5f: {  	_ =	shalt  }
0x60: {  	_ =	shalt  }
0x61: {  	_ =	shalt  }
0x62: {  	_ =	shalt  }
0x63: {  	_ =	shalt  }
0x64: {  	_ =	shalt  }
0x65: {  	_ =	shalt  }
0x66: {  	_ =	shalt  }
0x67: {  	_ =	shalt  }
0x68: {  	_ =	shalt  }
0x69: {  	_ =	shalt  }
0x6a: {  	_ =	shalt  }
0x6b: {  	_ =	shalt  }
0x6c: {  	_ =	shalt  }
0x6d: {  	_ =	shalt  }
0x6e: {  	_ =	shalt  }
0x6f: {  	_ =	shalt  }
0x70: {  	_ =	shalt  }
0x71: {  	_ =	shalt  }
0x72: {  	_ =	shalt  }
0x73: {  	_ =	shalt  }
0x74: {  	_ =	shalt  }
0x75: {  	_ =	shalt  }
0x76: {  	_ =	shalt  }
0x77: {  	_ =	shalt  }
0x78: {  	_ =	shalt  }
0x79: {  	_ =	shalt  }
0x7a: {  	_ =	shalt  }
0x7b: {  	_ =	shalt  }
0x7c: {  	_ =	shalt  }
0x7d: {  	_ =	shalt  }
0x7e: {  	_ =	shalt  }
0x7f: {  	_ =	shalt  }
0x80: {  	_ =	shalt  }
0x81: {  	_ =	shalt  }
0x82: {  	_ =	shalt  }
0x83: {  	_ =	shalt  }
0x84: {  	_ =	shalt  }
0x85: {  	_ =	shalt  }
0x86: {  	_ =	shalt  }
0x87: {  	_ =	shalt  }
.Lfunc_end0:
.L_simem_size_0:
called_computation.1_lowered:
.L_overlay_start_0:
0x88: {  	s2 =	sld [smem:$0x3FD9]  }
0x89: {  	s3 =	sld [smem:$0x3FFE];
	_ =	sdelay $0x1  }
0x8a: {  	s1 =	srdreg.scid  }
0x8b: {  	s0 =	sand.u32 $0x1, s1  }
0x8c: {  	s17 =	sshll.u32 s0, $0xA;
	s2 =	sadd.s32 s3, s2  }
0x8d: {  	s2 =	sadd.s32 s2, s17  }
0x8e: {  	[smem:$0x3FC1] =	sst s2  }
0x8f: {  	_ = 	snop  }
0x90: {  	s2 =	sld [smem:$0x3FD0];
	(tm) =	ssettm $0x1  }
0x91: {  	s18 =	sld [smem:$0x3FFB];
	_ =	sdelay $0x3  }
0x92: {  	_ =	strace s18  }
0x93: {  	s3 =	sld [smem:$0x3FFC];
	_ =	sdelay $0x3  }
0x94: {  	_ =	strace s3  }
0x95: {  	s3 =	sld [smem:$0x3FFD];
	_ =	sdelay $0x3  }
0x96: {  	_ =	strace s3  }
0x97: {  	_ =	strace $0x8FFFFFFF  }
0x98: {  	s19 =	sld [smem:$0x3FDB];
	_ =	sdelay $0x1  }
0x99: {  	s4 =	simm.s32 $_scs_section_size  }
0x9a: {  	s5 =	simm.s32 $_size__tile_overlayer_lowered;
	s6 =	simm.s32 $_tile_overlayer_lowered  }
0x9b: {  	s22 =	simm.s32 $0x1BFF;
	s21 =	sshll.u32 s6, $0x1;
	s3 =	sadd.s32 s4, s19  }
0x9c: {  	s7 =	simm.s32 $0x0;
	s20 =	sshll.u32 s5, $0x1;
	s5 =	sadd.s32 s21, s3  }
0x9d: {  	[timem:s7], [sflag:s22] =	dma.local [hbm:s5], s20  }
0x9e: {  	_ =	swait.ge [sflag:s22], s20  }
0x9f: {  	s4 =	ssub.s32 $0x0, s20;
	[sflag:s22] =	ssyncset.done $0x0  }
0xa0: {  	[sflag:s22] =	ssyncadd.s32 s4;
	_ =	sdelay $0x1  }
0xa1: {  	s23 =	simm.s32 $0x1B8B  }
0xa2: {  	_ =	swait.ge [sflag:s23], $0x1  }
0xa3: {  	[sflag:s23] =	ssyncset.done $0x0  }
0xa4: {  	s25 =	simm.s32 $0x1B8E;
	s24 =	sld [smem:$0x3FFE];
	[sflag:s23] =	ssyncadd.s32 $0xFFFFFFFF  }
0xa5: {  	s26 =	simm.s32 $execute0_lowered;
	[smem:$0x3FD2] =	sst s25  }
0xa6: {  	s5 =	sshll.u32 s26, $0x1;
	_ =	strace $0x80000049;
	[dreg:$0x1] =	wrdreg $0xFFFFFFFF  }
0xa7: {  	s28 =	simm.s32 $_size_execute0_lowered;
	s3 =	sadd.s32 s3, s5;
	[dreg:$0x0] =	wrdreg $0x0  }
0xa8: {  	s5 =	sshll.u32 s28, $0x1;
	[dreg:$0x2] =	wrdreg s3  }
0xa9: {  	[dreg:$0x3] =	wrdreg s5  }
0xaa: {  	[dreg:$0x4] =	wrdreg $0xC0  }
0xab: {  	_ =	task [dreg:s7], $0x5FFFF  }
0xac: {  	[dreg:$0x1] =	wrdreg $0xFFFFFFFF  }
0xad: {  	[dreg:$0x0] =	wrdreg $0x60  }
0xae: {  	[dreg:$0x2] =	wrdreg s2  }
0xaf: {  	[dreg:$0x3] =	wrdreg s24  }
0xb0: {  	[dreg:$0x4] =	wrdreg $0x9  }
0xb1: {  	_ =	task.clear_ibuf [dreg:s7], $0x5FFFF;
	_ =	strace $0x90000049  }
0xb2: {  	s29 =	simm.s32 $0x9;
	_ =	strace $0x8000004B  }
0xb3: {  	_ =	swait.ge [sflag:s29], $0x1  }
0xb4: {  	[sflag:s29] =	ssyncadd.s32 $0xFFFFFFFF  }
0xb5: {  	_ =	strace $0x9000004B  }
0xb6: {  	_ =	sfence  }
0xb7: {  	s30 =	sld [smem:$0x0];
	_ =	sdelay $0x2  }
0xb8: {  	s31 =	sshll.u32 s1, $0xD;
	s1 =	sshrl.u32 s1, $0x2  }
0xb9: {  	s3 =	sand.u32 $0x4000, s31;
	s1 =	sadd.s32 s1, s30  }
0xba: {  	s0 =	sor.u32 s3, s0;
	s1 =	sshll.u32 s1, $0x11  }
0xbb: {  	s0 =	sor.u32 s1, s0  }
0xbc: {  	s0 =	sadd.s32 $0x8F2B, s0  }
0xbd: {  	[sflag:s0] =	ssyncadd.remote.s32 $0x1  }
0xbe: {  	_ =	sfence.sel $0xFFFF  }
0xbf: {  	[dreg:$0x0] =	wrdreg $0xFFFFFFFF;
	(pc) =	sbr.abs _section_cstart, $3  }
0xc0: {  	[dreg:$0x1] =	wrdreg $0xFFFFFFFF  }
0xc1: {  	_ =	task.clear_ibuf [dreg:s7], $0x2FFFF;
	_ =	strace $0x9FFFFFFF  }
0xc2: {  	(tm) =	ssettm $0x7FFFFFFF  }
0xc3: {  	_ =	shalt  }
tec
execute0_lowered:
.L_overlay_start_1:
0x0: {  	(tag) =	ssettag $0x1  }
0x1: {  	s0 =	srdreg.scid;
	s2 =	rddreg [dreg:$0x0]  }
0x2: {  	s4 =	stileid.u32;
	s3 =	simm.s32 $0x1;
	s5 =	rddreg [dreg:$0x1]  }
0x3: {  	s23 =	simm.s32 $0x80;
	s0 =	sand.u32 $0x1, s0;
	s1 =	sshll.u32 s4, $0x1  }
0x4: {  	s24 =	simm.s32 $0x100;
	s25 =	simm.s32 $0x180;
	s1 =	sor.u32 s0, s1  }
0x5: {  	s26 =	simm.s32 $0x200;
	p1 =	seq.s32 s0, $0x1;
	p0 =	seq.s32 s1, $0x0  }
0x6: {  	s28 =	simm.s32 $0x5380;
	s29 =	simm.s32 $0x5B80;
	p0 =	por !p0, !p1  }
0x7: {  	s30 =	simm.s32 $0x6380;
	s31 =	simm.s32 $0x6B80;
	p0 =	por !p0, !p0  }
0x8: {  	s9 =	simm.s32 $0x8B80;
	s10 =	simm.s32 $0x9380;
	s3 =	simm.s32 @!p0 $0x0  }
0x9: {  	s11 =	simm.s32 $0x9B80;
	s12 =	simm.s32 $0xA380;
	s3 =	ssub.s32 s4, s3  }
0xa: {  	s16 =	sadd.s32 $0x45400, s5;
	s4 =	sshll.u32 s3, $0x8;
	s3 =	simm.s32 $0x0  }
0xb: {  	s8 =	sadd.s32 $0x4C00, s5;
	s1 =	sshll.u32 s1, $0xD;
	[smem:$0x7FF] =	sst s3  }
0xc: {  	s19 =	sadd.s32 s8, s1;
	_ =	strace $0x8000004A;
	[dreg:$0x3] =	wrdreg s16  }
0xd: {  	s6 =	sshll.u32 s0, $0x7;
	s0 =	ssub.s32 $0x2, s0;
	[dreg:$0x8] =	wrdreg s19  }
0xe: {  	s13 =	simm.s32 $0xAB80;
	s22 =	sshrl.u32 s0, $0x1;
	[dreg:$0xc] =	wrdreg s23  }
0xf: {  	s14 =	simm.s32 $0xB380;
	s0 =	ssub.s32 s0, s22;
	[dreg:$0xd] =	wrdreg s24  }
0x10: {  	s22 =	simm.s32 $0x3380;
	s4 =	sor.u32 s6, s4;
	[dreg:$0xe] =	wrdreg s25  }
0x11: {  	s4 =	sshrl.u32 s4, $0x3;
	[dreg:$0xf] =	wrdreg s26;
	s24 =	simm.s32 $0x380  }
0x12: {  	s19 =	simm.s32 $0x1B80;
	s23 =	simm.s32 $0x3B80;
	s15 =	sadd.s32 s4, s5  }
0x13: {  	s25 =	simm.s32 $0x4380;
	s26 =	simm.s32 $0x4B80;
	s7 =	sadd.s32 $0x44C00, s15  }
0x14: {  	s4 =	simm.s32 $0x1;
	s17 =	sadd.s32 $0x44E00, s15;
	[dreg:$0x4] =	wrdreg s7  }
0x15: {  	s5 =	sadd.s32 $0x45600, s5;
	s18 =	sadd.s32 $0x45000, s15;
	[dreg:$0x5] =	wrdreg s17  }
0x16: {  	s6 =	sadd.s32 $0x45200, s15;
	s20 =	sadd.s32 s5, s1;
	[dreg:$0x6] =	wrdreg s18  }
0x17: {  	s1 =	sor.u32 $0x1000, s1;
	s15 =	simm.s32 $0xBB80;
	[dreg:$0x7] =	wrdreg s6  }
0x18: {  	[dreg:$0x9] =	wrdreg s20;
	s21 =	sadd.s32 s8, s1;
	s1 =	sadd.s32 s5, s1  }
0x19: {  	v2 =	vlaneseq.u32;
	s5 =	sadd.s32 $0x100, s2;
	s6 =	smax.u32 s0, $0x1;
	s7 =	simm.s32 $0x2  }
0x1a: {  	vm0 =	vmmov $0xffff;
	v1 =	vshrl.u32 v2, $0x3;
	s18 =	simm.s32 $0x1380;
	s20 =	simm.s32 $0x2380;
	[dreg:$0xa] =	wrdreg s21  }
0x1b: {  	v0 =	vand.u32 $0x7, v2;
	v2 =	vor.u32 $0x8, v2;
	v1 =	vmul.u32 $0x8, v1;
	s8 =	simm.s32 $0xC380;
	[dreg:$0xb] =	wrdreg s1;
	s21 =	simm.s32 $0x2B80  }
.LBB2_1:
0x1c: {  	s16 =	rddreg [dreg:$0x3]  }
0x1d: {  	[tilespmem:s3], [sflag:$0x2] =	stream.linear.gather [hbm4b:s16+s3], $0x80, $0x38;
	[tilespmem:$0x10380] =	vst v63  }
0x1e: {  	_ =	swait.ge [sflag:s7], $0x80  }
0x1f: {  	s1 =	rddreg [dreg:$0x4];
	[sflag:s7] =	ssyncset.done $0x0  }
0x20: {  	s17 =	rddreg [dreg:$0xc];
	[sflag:s7] =	ssyncadd.s32 $0xFFFFFF80  }
0x21: {  	[tilespmem:s17], [sflag:$0x2] =	stream.linear.gather [hbm4b:s1+s3], $0x80, $0x38;
	[tilespmem:$0x10380] =	vst v63  }
0x22: {  	_ =	swait.ge [sflag:s7], $0x80  }
0x23: {  	s0 =	rddreg [dreg:$0x5];
	[sflag:s7] =	ssyncset.done $0x0  }
0x24: {  	s1 =	rddreg [dreg:$0xd];
	[sflag:s7] =	ssyncadd.s32 $0xFFFFFF80  }
0x25: {  	[tilespmem:s1], [sflag:$0x2] =	stream.linear.gather [hbm4b:s0+s3], $0x80, $0x38;
	[tilespmem:$0x10380] =	vst v63  }
0x26: {  	_ =	swait.ge [sflag:s7], $0x80  }
0x27: {  	s0 =	rddreg [dreg:$0x6];
	[sflag:s7] =	ssyncset.done $0x0  }
0x28: {  	s1 =	rddreg [dreg:$0xe];
	[sflag:s7] =	ssyncadd.s32 $0xFFFFFF80  }
0x29: {  	[tilespmem:s1], [sflag:$0x2] =	stream.linear.gather [hbm4b:s0+s3], $0x80, $0x38;
	[tilespmem:$0x10380] =	vst v63  }
0x2a: {  	_ =	swait.ge [sflag:s7], $0x80  }
0x2b: {  	s0 =	rddreg [dreg:$0x7];
	[sflag:s7] =	ssyncset.done $0x0  }
0x2c: {  	s1 =	rddreg [dreg:$0xf];
	[sflag:s7] =	ssyncadd.s32 $0xFFFFFF80  }
0x2d: {  	[tilespmem:s1], [sflag:$0x2] =	stream.linear.gather [hbm4b:s0+s3], $0x80, $0x38;
	[tilespmem:$0x10380] =	vst v63  }
0x2e: {  	_ =	swait.ge [sflag:s7], $0x80  }
0x2f: {  	[sflag:s7] =	ssyncset.done $0x0  }
0x30: {  	[sflag:s7] =	ssyncadd.s32 $0xFFFFFF80  }
0x31: {  	v3 =	vld [tilespmem:$0x180];
	_ =	sdelay $0x4  }
0x32: {  	v3 =	vtrunc.f32 v3  }
0x33: {  	v3 =	vcvt.f32.s32 v3;
	_ =	sdelay $0x4  }
0x34: {  	v4 =	vld [tilespmem:$0x80]  }
0x35: {  	v3 =	vld.idx.msk [tilespmem:v3+s3+$0x0], $0xffff  }
0x36: {  	v5 =	vld [tilespmem:$0x190];
	_ =	sdelay $0x3  }
0x37: {  	v3 =	vadd.f32 v4, v3  }
0x38: {  	v61 =	vtrunc.f32 v5  }
0x39: {  	v4 =	vcvt.f32.s32 v61;
	v3 =	vadd.f32 $5.000000000e-01, v3;
	_ =	sdelay $0x1  }
0x3a: {  	v3 =	vtrunc.f32 v3  }
0x3b: {  	v3 =	vcvt.f32.s32 v3;
	_ =	sdelay $0x1  }
0x3c: {  	v62 =	vld [tilespmem:$0x90];
	[tilespmem:$0x280] =	vst v3  }
0x3d: {  	v3 =	vld.idx.msk [tilespmem:v4+s3+$0x0], $0xffff  }
0x3e: {  	v63 =	vld [tilespmem:$0x1A0];
	_ =	sdelay $0x3  }
0x3f: {  	v3 =	vadd.f32 v62, v3  }
0x40: {  	v8 =	vtrunc.f32 v63  }
0x41: {  	v4 =	vcvt.f32.s32 v8;
	v3 =	vadd.f32 $5.000000000e-01, v3;
	_ =	sdelay $0x1  }
0x42: {  	v3 =	vtrunc.f32 v3  }
0x43: {  	v3 =	vcvt.f32.s32 v3;
	_ =	sdelay $0x1  }
0x44: {  	v9 =	vld [tilespmem:$0xA0];
	[tilespmem:$0x290] =	vst v3  }
0x45: {  	v3 =	vld.idx.msk [tilespmem:v4+s3+$0x0], $0xffff  }
0x46: {  	v10 =	vld [tilespmem:$0x1B0];
	_ =	sdelay $0x3  }
0x47: {  	v3 =	vadd.f32 v9, v3  }
0x48: {  	v11 =	vtrunc.f32 v10  }
0x49: {  	v4 =	vcvt.f32.s32 v11;
	v3 =	vadd.f32 $5.000000000e-01, v3;
	_ =	sdelay $0x1  }
0x4a: {  	v3 =	vtrunc.f32 v3  }
0x4b: {  	v3 =	vcvt.f32.s32 v3;
	_ =	sdelay $0x1  }
0x4c: {  	v12 =	vld [tilespmem:$0xB0];
	[tilespmem:$0x2A0] =	vst v3  }
0x4d: {  	v3 =	vld.idx.msk [tilespmem:v4+s3+$0x0], $0xffff  }
0x4e: {  	v13 =	vld [tilespmem:$0x200];
	_ =	sdelay $0x3  }
0x4f: {  	v3 =	vadd.f32 v12, v3  }
0x50: {  	v14 =	vtrunc.f32 v13  }
0x51: {  	v4 =	vcvt.f32.s32 v14;
	v3 =	vadd.f32 $5.000000000e-01, v3;
	_ =	sdelay $0x1  }
0x52: {  	v3 =	vtrunc.f32 v3  }
0x53: {  	v3 =	vcvt.f32.s32 v3;
	_ =	sdelay $0x1  }
0x54: {  	v15 =	vld [tilespmem:$0x100];
	[tilespmem:$0x2B0] =	vst v3  }
0x55: {  	v3 =	vld.idx.msk [tilespmem:v4+s3+$0x0], $0xffff  }
0x56: {  	v16 =	vld [tilespmem:$0x210];
	_ =	sdelay $0x3  }
0x57: {  	v3 =	vadd.f32 v15, v3  }
0x58: {  	v17 =	vtrunc.f32 v16  }
0x59: {  	v4 =	vcvt.f32.s32 v17;
	v3 =	vadd.f32 $5.000000000e-01, v3;
	_ =	sdelay $0x1  }
0x5a: {  	v3 =	vtrunc.f32 v3  }
0x5b: {  	v3 =	vcvt.f32.s32 v3;
	_ =	sdelay $0x1  }
0x5c: {  	v18 =	vld [tilespmem:$0x110];
	[tilespmem:$0x300] =	vst v3  }
0x5d: {  	v3 =	vld.idx.msk [tilespmem:v4+s3+$0x0], $0xffff  }
0x5e: {  	v19 =	vld [tilespmem:$0x220];
	_ =	sdelay $0x3  }
0x5f: {  	v3 =	vadd.f32 v18, v3  }
0x60: {  	v20 =	vtrunc.f32 v19  }
0x61: {  	v4 =	vcvt.f32.s32 v20;
	v3 =	vadd.f32 $5.000000000e-01, v3;
	_ =	sdelay $0x1  }
0x62: {  	v3 =	vtrunc.f32 v3  }
0x63: {  	v3 =	vcvt.f32.s32 v3;
	_ =	sdelay $0x1  }
0x64: {  	v21 =	vld [tilespmem:$0x120];
	[tilespmem:$0x310] =	vst v3  }
0x65: {  	v3 =	vld.idx.msk [tilespmem:v4+s3+$0x0], $0xffff;
	_ =	sdelay $0x1  }
0x66: {  	v22 =	vld [tilespmem:$0x230];
	_ =	sdelay $0x2  }
0x67: {  	v3 =	vadd.f32 v21, v3;
	_ =	sdelay $0x1  }
0x68: {  	v23 =	vtrunc.f32 v22;
	v3 =	vadd.f32 $5.000000000e-01, v3  }
0x69: {  	v4 =	vcvt.f32.s32 v23  }
0x6a: {  	v3 =	vtrunc.f32 v3  }
0x6b: {  	v3 =	vcvt.f32.s32 v3;
	_ =	sdelay $0x1  }
0x6c: {  	[tilespmem:$0x320] =	vst v3;
	v3 =	vld [tilespmem:$0x280]  }
0x6d: {  	v24 =	vld [tilespmem:$0x130]  }
0x6e: {  	v4 =	vld.idx.msk [tilespmem:v4+s3+$0x0], $0xffff;
	_ =	sdelay $0x2  }
0x6f: {  	v6 =	vshll.u32 v3, $0x2  }
0x70: {  	v3 =	vand.u32 $0x7, v3;
	v6 =	vand.u32 $0xFFFFFFE0, v6  }
0x71: {  	v4 =	vadd.f32 v24, v4;
	v3 =	vor.u32 v3, v6  }
0x72: {  	v25 =	vperm.xlane v3, v0  }
0x73: {  	v4 =	vadd.f32 $5.000000000e-01, v4  }
0x74: {  	v5 =	vadd.s32 v1, v25  }
0x75: {  	v4 =	vtrunc.f32 v4  }
0x76: {  	v3 =	vperm.xlane v3, v2;
	v4 =	vcvt.f32.s32 v4;
	_ =	sdelay $0x1  }
0x77: {  	v3 =	vadd.s32 v1, v3;
	[tilespmem:$0x330] =	vst v4  }
0x78: {  	[tilespmem:s24], [sflag:$0x1] =	stream.indirect_vreg.gather [hbm4b:s2+s3], $0x80, v5, vm0, $0xb8;
	[tilespmem:$0x10380] =	vst v63  }
0x79: {  	s17 =	simm.s32 $0xB80  }
0x7a: {  	[tilespmem:s17], [sflag:$0x1] =	stream.indirect_vreg.gather [hbm4b:s5+s3], $0x80, v5, vm0, $0xb8;
	[tilespmem:$0x10380] =	vst v63  }
0x7b: {  	_ = 	snop  }
0x7c: {  	[tilespmem:s18], [sflag:$0x1] =	stream.indirect_vreg.gather [hbm4b:s2+s3], $0x80, v3, vm0, $0xb8;
	[tilespmem:$0x10380] =	vst v63  }
0x7d: {  	_ = 	snop  }
0x7e: {  	[tilespmem:s19], [sflag:$0x1] =	stream.indirect_vreg.gather [hbm4b:s5+s3], $0x80, v3, vm0, $0xb8;
	[tilespmem:$0x10380] =	vst v63  }
0x7f: {  	v3 =	vld [tilespmem:$0x290];
	_ =	sdelay $0x4  }
0x80: {  	v26 =	vshll.u32 v3, $0x2  }
0x81: {  	v3 =	vand.u32 $0x7, v3;
	v4 =	vand.u32 $0xFFFFFFE0, v26  }
0x82: {  	v3 =	vor.u32 v3, v4  }
0x83: {  	v4 =	vperm.xlane v3, v0;
	_ =	sdelay $0x1  }
0x84: {  	v4 =	vadd.s32 v1, v4;
	_ =	sdelay $0x1  }
0x85: {  	v3 =	vperm.xlane v3, v2;
	_ =	sdelay $0x1  }
0x86: {  	v3 =	vadd.s32 v1, v3  }
0x87: {  	[tilespmem:s20], [sflag:$0x1] =	stream.indirect_vreg.gather [hbm4b:s2+s3], $0x80, v4, vm0, $0xb8;
	[tilespmem:$0x10380] =	vst v63  }
0x88: {  	_ = 	snop  }
0x89: {  	[tilespmem:s21], [sflag:$0x1] =	stream.indirect_vreg.gather [hbm4b:s5+s3], $0x80, v4, vm0, $0xb8;
	[tilespmem:$0x10380] =	vst v63  }
0x8a: {  	_ = 	snop  }
0x8b: {  	[tilespmem:s22], [sflag:$0x1] =	stream.indirect_vreg.gather [hbm4b:s2+s3], $0x80, v3, vm0, $0xb8;
	[tilespmem:$0x10380] =	vst v63  }
0x8c: {  	_ = 	snop  }
0x8d: {  	[tilespmem:s23], [sflag:$0x1] =	stream.indirect_vreg.gather [hbm4b:s5+s3], $0x80, v3, vm0, $0xb8;
	[tilespmem:$0x10380] =	vst v63  }
0x8e: {  	v3 =	vld [tilespmem:$0x2A0];
	_ =	sdelay $0x4  }
0x8f: {  	v27 =	vshll.u32 v3, $0x2  }
0x90: {  	v3 =	vand.u32 $0x7, v3;
	v4 =	vand.u32 $0xFFFFFFE0, v27  }
0x91: {  	v3 =	vor.u32 v3, v4  }
0x92: {  	v4 =	vperm.xlane v3, v0;
	_ =	sdelay $0x1  }
0x93: {  	v4 =	vadd.s32 v1, v4;
	_ =	sdelay $0x1  }
0x94: {  	v3 =	vperm.xlane v3, v2;
	_ =	sdelay $0x1  }
0x95: {  	v3 =	vadd.s32 v1, v3  }
0x96: {  	[tilespmem:s25], [sflag:$0x1] =	stream.indirect_vreg.gather [hbm4b:s2+s3], $0x80, v4, vm0, $0xb8;
	[tilespmem:$0x10380] =	vst v63  }
0x97: {  	_ = 	snop  }
0x98: {  	[tilespmem:s26], [sflag:$0x1] =	stream.indirect_vreg.gather [hbm4b:s5+s3], $0x80, v4, vm0, $0xb8;
	[tilespmem:$0x10380] =	vst v63  }
0x99: {  	_ = 	snop  }
0x9a: {  	[tilespmem:s28], [sflag:$0x1] =	stream.indirect_vreg.gather [hbm4b:s2+s3], $0x80, v3, vm0, $0xb8;
	[tilespmem:$0x10380] =	vst v63  }
0x9b: {  	_ = 	snop  }
0x9c: {  	[tilespmem:s29], [sflag:$0x1] =	stream.indirect_vreg.gather [hbm4b:s5+s3], $0x80, v3, vm0, $0xb8;
	[tilespmem:$0x10380] =	vst v63  }
0x9d: {  	v3 =	vld [tilespmem:$0x2B0];
	_ =	sdelay $0x4  }
0x9e: {  	v28 =	vshll.u32 v3, $0x2  }
0x9f: {  	v3 =	vand.u32 $0x7, v3;
	v4 =	vand.u32 $0xFFFFFFE0, v28  }
0xa0: {  	v3 =	vor.u32 v3, v4  }
0xa1: {  	v4 =	vperm.xlane v3, v0;
	_ =	sdelay $0x1  }
0xa2: {  	v4 =	vadd.s32 v1, v4;
	_ =	sdelay $0x1  }
0xa3: {  	v3 =	vperm.xlane v3, v2;
	_ =	sdelay $0x1  }
0xa4: {  	v3 =	vadd.s32 v1, v3  }
0xa5: {  	[tilespmem:s30], [sflag:$0x1] =	stream.indirect_vreg.gather [hbm4b:s2+s3], $0x80, v4, vm0, $0xb8;
	[tilespmem:$0x10380] =	vst v63  }
0xa6: {  	_ = 	snop  }
0xa7: {  	[tilespmem:s31], [sflag:$0x1] =	stream.indirect_vreg.gather [hbm4b:s5+s3], $0x80, v4, vm0, $0xb8;
	[tilespmem:$0x10380] =	vst v63  }
0xa8: {  	s1 =	simm.s32 $0x7380  }
0xa9: {  	[tilespmem:s1], [sflag:$0x1] =	stream.indirect_vreg.gather [hbm4b:s2+s3], $0x80, v3, vm0, $0xb8;
	[tilespmem:$0x10380] =	vst v63  }
0xaa: {  	s0 =	simm.s32 $0x7B80  }
0xab: {  	[tilespmem:s0], [sflag:$0x1] =	stream.indirect_vreg.gather [hbm4b:s5+s3], $0x80, v3, vm0, $0xb8;
	[tilespmem:$0x10380] =	vst v63  }
0xac: {  	v3 =	vld [tilespmem:$0x300];
	_ =	sdelay $0x4  }
0xad: {  	v29 =	vshll.u32 v3, $0x2  }
0xae: {  	v3 =	vand.u32 $0x7, v3;
	v4 =	vand.u32 $0xFFFFFFE0, v29  }
0xaf: {  	v3 =	vor.u32 v3, v4  }
0xb0: {  	v4 =	vperm.xlane v3, v0;
	_ =	sdelay $0x1  }
0xb1: {  	v4 =	vadd.s32 v1, v4;
	_ =	sdelay $0x1  }
0xb2: {  	v3 =	vperm.xlane v3, v2;
	_ =	sdelay $0x1  }
0xb3: {  	s0 =	simm.s32 $0x8380;
	v3 =	vadd.s32 v1, v3  }
0xb4: {  	[tilespmem:s0], [sflag:$0x1] =	stream.indirect_vreg.gather [hbm4b:s2+s3], $0x80, v4, vm0, $0xb8;
	[tilespmem:$0x10380] =	vst v63  }
0xb5: {  	_ = 	snop  }
0xb6: {  	[tilespmem:s9], [sflag:$0x1] =	stream.indirect_vreg.gather [hbm4b:s5+s3], $0x80, v4, vm0, $0xb8;
	[tilespmem:$0x10380] =	vst v63  }
0xb7: {  	_ = 	snop  }
0xb8: {  	[tilespmem:s10], [sflag:$0x1] =	stream.indirect_vreg.gather [hbm4b:s2+s3], $0x80, v3, vm0, $0xb8;
	[tilespmem:$0x10380] =	vst v63  }
0xb9: {  	_ = 	snop  }
0xba: {  	[tilespmem:s11], [sflag:$0x1] =	stream.indirect_vreg.gather [hbm4b:s5+s3], $0x80, v3, vm0, $0xb8;
	[tilespmem:$0x10380] =	vst v63  }
0xbb: {  	v3 =	vld [tilespmem:$0x310];
	_ =	sdelay $0x4  }
0xbc: {  	v30 =	vshll.u32 v3, $0x2  }
0xbd: {  	v3 =	vand.u32 $0x7, v3;
	v4 =	vand.u32 $0xFFFFFFE0, v30  }
0xbe: {  	v3 =	vor.u32 v3, v4  }
0xbf: {  	v4 =	vperm.xlane v3, v0;
	_ =	sdelay $0x1  }
0xc0: {  	v4 =	vadd.s32 v1, v4;
	_ =	sdelay $0x1  }
0xc1: {  	v3 =	vperm.xlane v3, v2;
	_ =	sdelay $0x1  }
0xc2: {  	v3 =	vadd.s32 v1, v3  }
0xc3: {  	[tilespmem:s12], [sflag:$0x1] =	stream.indirect_vreg.gather [hbm4b:s2+s3], $0x80, v4, vm0, $0xb8;
	[tilespmem:$0x10380] =	vst v63  }
0xc4: {  	_ = 	snop  }
0xc5: {  	[tilespmem:s13], [sflag:$0x1] =	stream.indirect_vreg.gather [hbm4b:s5+s3], $0x80, v4, vm0, $0xb8;
	[tilespmem:$0x10380] =	vst v63  }
0xc6: {  	_ = 	snop  }
0xc7: {  	[tilespmem:s14], [sflag:$0x1] =	stream.indirect_vreg.gather [hbm4b:s2+s3], $0x80, v3, vm0, $0xb8;
	[tilespmem:$0x10380] =	vst v63  }
0xc8: {  	_ = 	snop  }
0xc9: {  	[tilespmem:s15], [sflag:$0x1] =	stream.indirect_vreg.gather [hbm4b:s5+s3], $0x80, v3, vm0, $0xb8;
	[tilespmem:$0x10380] =	vst v63  }
0xca: {  	v3 =	vld [tilespmem:$0x320];
	_ =	sdelay $0x4  }
0xcb: {  	v31 =	vshll.u32 v3, $0x2  }
0xcc: {  	v3 =	vand.u32 $0x7, v3;
	v4 =	vand.u32 $0xFFFFFFE0, v31  }
0xcd: {  	v3 =	vor.u32 v3, v4  }
0xce: {  	v4 =	vperm.xlane v3, v0;
	_ =	sdelay $0x1  }
0xcf: {  	v4 =	vadd.s32 v1, v4;
	_ =	sdelay $0x1  }
0xd0: {  	v3 =	vperm.xlane v3, v2;
	_ =	sdelay $0x1  }
0xd1: {  	v3 =	vadd.s32 v1, v3  }
0xd2: {  	[tilespmem:s8], [sflag:$0x1] =	stream.indirect_vreg.gather [hbm4b:s2+s3], $0x80, v4, vm0, $0xb8;
	[tilespmem:$0x10380] =	vst v63  }
0xd3: {  	s16 =	simm.s32 $0xCB80  }
0xd4: {  	[tilespmem:s16], [sflag:$0x1] =	stream.indirect_vreg.gather [hbm4b:s5+s3], $0x80, v4, vm0, $0xb8;
	[tilespmem:$0x10380] =	vst v63  }
0xd5: {  	s16 =	simm.s32 $0xD380  }
0xd6: {  	[tilespmem:s16], [sflag:$0x1] =	stream.indirect_vreg.gather [hbm4b:s2+s3], $0x80, v3, vm0, $0xb8;
	[tilespmem:$0x10380] =	vst v63  }
0xd7: {  	s16 =	simm.s32 $0xDB80  }
0xd8: {  	[tilespmem:s16], [sflag:$0x1] =	stream.indirect_vreg.gather [hbm4b:s5+s3], $0x80, v3, vm0, $0xb8;
	[tilespmem:$0x10380] =	vst v63  }
0xd9: {  	v3 =	vld [tilespmem:$0x330];
	_ =	sdelay $0x4  }
0xda: {  	v32 =	vshll.u32 v3, $0x2  }
0xdb: {  	v3 =	vand.u32 $0x7, v3;
	v4 =	vand.u32 $0xFFFFFFE0, v32  }
0xdc: {  	v3 =	vor.u32 v3, v4  }
0xdd: {  	v4 =	vperm.xlane v3, v0;
	_ =	sdelay $0x1  }
0xde: {  	v4 =	vadd.s32 v1, v4;
	_ =	sdelay $0x1  }
0xdf: {  	v3 =	vperm.xlane v3, v2;
	_ =	sdelay $0x1  }
0xe0: {  	s16 =	simm.s32 $0xE380;
	v3 =	vadd.s32 v1, v3  }
0xe1: {  	[tilespmem:s16], [sflag:$0x1] =	stream.indirect_vreg.gather [hbm4b:s2+s3], $0x80, v4, vm0, $0xb8;
	[tilespmem:$0x10380] =	vst v63  }
0xe2: {  	s16 =	simm.s32 $0xEB80  }
0xe3: {  	[tilespmem:s16], [sflag:$0x1] =	stream.indirect_vreg.gather [hbm4b:s5+s3], $0x80, v4, vm0, $0xb8;
	[tilespmem:$0x10380] =	vst v63  }
0xe4: {  	s16 =	simm.s32 $0xF380  }
0xe5: {  	[tilespmem:s16], [sflag:$0x1] =	stream.indirect_vreg.gather [hbm4b:s2+s3], $0x80, v3, vm0, $0xb8;
	[tilespmem:$0x10380] =	vst v63  }
0xe6: {  	s16 =	simm.s32 $0xFB80  }
0xe7: {  	[tilespmem:s16], [sflag:$0x1] =	stream.indirect_vreg.gather [hbm4b:s5+s3], $0x80, v3, vm0, $0xb8;
	[tilespmem:$0x10380] =	vst v63  }
0xe8: {  	_ =	swait.ge [sflag:s4], $0x8000  }
0xe9: {  	[sflag:s4] =	ssyncset.done $0x0  }
0xea: {  	[sflag:s4] =	ssyncadd.s32 $0xFFFF8000  }
0xeb: {  	_ =	swait.ge [sflag:s4], $0x8000  }
0xec: {  	[sflag:s4] =	ssyncset.done $0x0  }
0xed: {  	s16 =	rddreg [dreg:$0x8];
	[sflag:s4] =	ssyncadd.s32 $0xFFFF8000  }
0xee: {  	[hbm4b:s16+s3] =	stream.linear.scatter [tilespmem:s24], [sflag:$0x2], $0x8000, $0x38;
	[tilespmem:$0x10380] =	vst v63  }
0xef: {  	_ =	swait.ge [sflag:s7], $0x8000  }
0xf0: {  	[sflag:s7] =	ssyncset.done $0x0  }
0xf1: {  	s16 =	rddreg [dreg:$0x9];
	[sflag:s7] =	ssyncadd.s32 $0xFFFF8000  }
0xf2: {  	[hbm4b:s16+s3] =	stream.linear.scatter [tilespmem:s0], [sflag:$0x2], $0x8000, $0x38;
	[tilespmem:$0x10380] =	vst v63  }
0xf3: {  	_ =	swait.ge [sflag:s7], $0x8000  }
0xf4: {  	[sflag:s7] =	ssyncset.done $0x0  }
0xf5: {  	[sflag:s7] =	ssyncadd.s32 $0xFFFF8000  }
0xf6: {  	v3 =	vld [tilespmem:$0x1C0];
	_ =	sdelay $0x4  }
0xf7: {  	v3 =	vtrunc.f32 v3  }
0xf8: {  	v3 =	vcvt.f32.s32 v3;
	_ =	sdelay $0x4  }
0xf9: {  	v33 =	vld [tilespmem:$0xC0]  }
0xfa: {  	v3 =	vld.idx.msk [tilespmem:v3+s3+$0x0], $0xffff  }
0xfb: {  	v34 =	vld [tilespmem:$0x1D0];
	_ =	sdelay $0x3  }
0xfc: {  	v3 =	vadd.f32 v33, v3  }
0xfd: {  	v35 =	vtrunc.f32 v34  }
0xfe: {  	v4 =	vcvt.f32.s32 v35;
	v3 =	vadd.f32 $5.000000000e-01, v3;
	_ =	sdelay $0x1  }
0xff: {  	v3 =	vtrunc.f32 v3  }
0x100: {  	v3 =	vcvt.f32.s32 v3;
	_ =	sdelay $0x1  }
0x101: {  	v36 =	vld [tilespmem:$0xD0];
	[tilespmem:$0x280] =	vst v3  }
0x102: {  	v3 =	vld.idx.msk [tilespmem:v4+s3+$0x0], $0xffff  }
0x103: {  	v37 =	vld [tilespmem:$0x1E0];
	_ =	sdelay $0x3  }
0x104: {  	v3 =	vadd.f32 v36, v3  }
0x105: {  	v38 =	vtrunc.f32 v37  }
0x106: {  	v4 =	vcvt.f32.s32 v38;
	v3 =	vadd.f32 $5.000000000e-01, v3;
	_ =	sdelay $0x1  }
0x107: {  	v3 =	vtrunc.f32 v3  }
0x108: {  	v3 =	vcvt.f32.s32 v3;
	_ =	sdelay $0x1  }
0x109: {  	v39 =	vld [tilespmem:$0xE0];
	[tilespmem:$0x290] =	vst v3  }
0x10a: {  	v3 =	vld.idx.msk [tilespmem:v4+s3+$0x0], $0xffff  }
0x10b: {  	v40 =	vld [tilespmem:$0x1F0];
	_ =	sdelay $0x3  }
0x10c: {  	v3 =	vadd.f32 v39, v3  }
0x10d: {  	v41 =	vtrunc.f32 v40  }
0x10e: {  	v4 =	vcvt.f32.s32 v41;
	v3 =	vadd.f32 $5.000000000e-01, v3;
	_ =	sdelay $0x1  }
0x10f: {  	v3 =	vtrunc.f32 v3  }
0x110: {  	v3 =	vcvt.f32.s32 v3;
	_ =	sdelay $0x1  }
0x111: {  	v42 =	vld [tilespmem:$0xF0];
	[tilespmem:$0x2A0] =	vst v3  }
0x112: {  	v3 =	vld.idx.msk [tilespmem:v4+s3+$0x0], $0xffff  }
0x113: {  	v43 =	vld [tilespmem:$0x240];
	_ =	sdelay $0x3  }
0x114: {  	v3 =	vadd.f32 v42, v3  }
0x115: {  	v44 =	vtrunc.f32 v43  }
0x116: {  	v4 =	vcvt.f32.s32 v44;
	v3 =	vadd.f32 $5.000000000e-01, v3;
	_ =	sdelay $0x1  }
0x117: {  	v3 =	vtrunc.f32 v3  }
0x118: {  	v3 =	vcvt.f32.s32 v3;
	_ =	sdelay $0x1  }
0x119: {  	v45 =	vld [tilespmem:$0x140];
	[tilespmem:$0x2B0] =	vst v3  }
0x11a: {  	v3 =	vld.idx.msk [tilespmem:v4+s3+$0x0], $0xffff  }
0x11b: {  	v46 =	vld [tilespmem:$0x250];
	_ =	sdelay $0x3  }
0x11c: {  	v3 =	vadd.f32 v45, v3  }
0x11d: {  	v47 =	vtrunc.f32 v46  }
0x11e: {  	v4 =	vcvt.f32.s32 v47;
	v3 =	vadd.f32 $5.000000000e-01, v3;
	_ =	sdelay $0x1  }
0x11f: {  	v3 =	vtrunc.f32 v3  }
0x120: {  	v3 =	vcvt.f32.s32 v3;
	_ =	sdelay $0x1  }
0x121: {  	v48 =	vld [tilespmem:$0x150];
	[tilespmem:$0x300] =	vst v3  }
0x122: {  	v3 =	vld.idx.msk [tilespmem:v4+s3+$0x0], $0xffff  }
0x123: {  	v49 =	vld [tilespmem:$0x260];
	_ =	sdelay $0x3  }
0x124: {  	v3 =	vadd.f32 v48, v3  }
0x125: {  	v50 =	vtrunc.f32 v49  }
0x126: {  	v4 =	vcvt.f32.s32 v50;
	v3 =	vadd.f32 $5.000000000e-01, v3;
	_ =	sdelay $0x1  }
0x127: {  	v3 =	vtrunc.f32 v3  }
0x128: {  	v3 =	vcvt.f32.s32 v3;
	_ =	sdelay $0x1  }
0x129: {  	v51 =	vld [tilespmem:$0x160];
	[tilespmem:$0x310] =	vst v3  }
0x12a: {  	v3 =	vld.idx.msk [tilespmem:v4+s3+$0x0], $0xffff;
	_ =	sdelay $0x1  }
0x12b: {  	v52 =	vld [tilespmem:$0x270];
	_ =	sdelay $0x2  }
0x12c: {  	v3 =	vadd.f32 v51, v3;
	_ =	sdelay $0x1  }
0x12d: {  	v53 =	vtrunc.f32 v52;
	v3 =	vadd.f32 $5.000000000e-01, v3  }
0x12e: {  	v4 =	vcvt.f32.s32 v53  }
0x12f: {  	v3 =	vtrunc.f32 v3  }
0x130: {  	v3 =	vcvt.f32.s32 v3;
	_ =	sdelay $0x1  }
0x131: {  	[tilespmem:$0x320] =	vst v3;
	v3 =	vld [tilespmem:$0x280]  }
0x132: {  	v54 =	vld [tilespmem:$0x170]  }
0x133: {  	v4 =	vld.idx.msk [tilespmem:v4+s3+$0x0], $0xffff;
	_ =	sdelay $0x2  }
0x134: {  	v55 =	vshll.u32 v3, $0x2  }
0x135: {  	v3 =	vand.u32 $0x7, v3;
	v6 =	vand.u32 $0xFFFFFFE0, v55  }
0x136: {  	v4 =	vadd.f32 v54, v4;
	v3 =	vor.u32 v3, v6  }
0x137: {  	v56 =	vperm.xlane v3, v0  }
0x138: {  	v4 =	vadd.f32 $5.000000000e-01, v4  }
0x139: {  	v5 =	vadd.s32 v1, v56  }
0x13a: {  	v4 =	vtrunc.f32 v4  }
0x13b: {  	v3 =	vperm.xlane v3, v2;
	v4 =	vcvt.f32.s32 v4;
	_ =	sdelay $0x1  }
0x13c: {  	v3 =	vadd.s32 v1, v3;
	[tilespmem:$0x330] =	vst v4  }
0x13d: {  	[tilespmem:s24], [sflag:$0x1] =	stream.indirect_vreg.gather [hbm4b:s2+s3], $0x80, v5, vm0, $0xb8;
	[tilespmem:$0x10380] =	vst v63  }
0x13e: {  	_ = 	snop  }
0x13f: {  	[tilespmem:s17], [sflag:$0x1] =	stream.indirect_vreg.gather [hbm4b:s5+s3], $0x80, v5, vm0, $0xb8;
	[tilespmem:$0x10380] =	vst v63  }
0x140: {  	_ = 	snop  }
0x141: {  	[tilespmem:s18], [sflag:$0x1] =	stream.indirect_vreg.gather [hbm4b:s2+s3], $0x80, v3, vm0, $0xb8;
	[tilespmem:$0x10380] =	vst v63  }
0x142: {  	_ = 	snop  }
0x143: {  	[tilespmem:s19], [sflag:$0x1] =	stream.indirect_vreg.gather [hbm4b:s5+s3], $0x80, v3, vm0, $0xb8;
	[tilespmem:$0x10380] =	vst v63  }
0x144: {  	v3 =	vld [tilespmem:$0x290];
	_ =	sdelay $0x4  }
0x145: {  	v57 =	vshll.u32 v3, $0x2  }
0x146: {  	v3 =	vand.u32 $0x7, v3;
	v4 =	vand.u32 $0xFFFFFFE0, v57  }
0x147: {  	v3 =	vor.u32 v3, v4  }
0x148: {  	v4 =	vperm.xlane v3, v0;
	_ =	sdelay $0x1  }
0x149: {  	v4 =	vadd.s32 v1, v4;
	_ =	sdelay $0x1  }
0x14a: {  	v3 =	vperm.xlane v3, v2;
	_ =	sdelay $0x1  }
0x14b: {  	v3 =	vadd.s32 v1, v3  }
0x14c: {  	[tilespmem:s20], [sflag:$0x1] =	stream.indirect_vreg.gather [hbm4b:s2+s3], $0x80, v4, vm0, $0xb8;
	[tilespmem:$0x10380] =	vst v63  }
0x14d: {  	_ = 	snop  }
0x14e: {  	[tilespmem:s21], [sflag:$0x1] =	stream.indirect_vreg.gather [hbm4b:s5+s3], $0x80, v4, vm0, $0xb8;
	[tilespmem:$0x10380] =	vst v63  }
0x14f: {  	_ = 	snop  }
0x150: {  	[tilespmem:s22], [sflag:$0x1] =	stream.indirect_vreg.gather [hbm4b:s2+s3], $0x80, v3, vm0, $0xb8;
	[tilespmem:$0x10380] =	vst v63  }
0x151: {  	_ = 	snop  }
0x152: {  	[tilespmem:s23], [sflag:$0x1] =	stream.indirect_vreg.gather [hbm4b:s5+s3], $0x80, v3, vm0, $0xb8;
	[tilespmem:$0x10380] =	vst v63  }
0x153: {  	v3 =	vld [tilespmem:$0x2A0];
	_ =	sdelay $0x4  }
0x154: {  	v58 =	vshll.u32 v3, $0x2  }
0x155: {  	v3 =	vand.u32 $0x7, v3;
	v4 =	vand.u32 $0xFFFFFFE0, v58  }
0x156: {  	v3 =	vor.u32 v3, v4  }
0x157: {  	v4 =	vperm.xlane v3, v0;
	_ =	sdelay $0x1  }
0x158: {  	v4 =	vadd.s32 v1, v4;
	_ =	sdelay $0x1  }
0x159: {  	v3 =	vperm.xlane v3, v2;
	_ =	sdelay $0x1  }
0x15a: {  	v3 =	vadd.s32 v1, v3  }
0x15b: {  	[tilespmem:s25], [sflag:$0x1] =	stream.indirect_vreg.gather [hbm4b:s2+s3], $0x80, v4, vm0, $0xb8;
	[tilespmem:$0x10380] =	vst v63  }
0x15c: {  	_ = 	snop  }
0x15d: {  	[tilespmem:s26], [sflag:$0x1] =	stream.indirect_vreg.gather [hbm4b:s5+s3], $0x80, v4, vm0, $0xb8;
	[tilespmem:$0x10380] =	vst v63  }
0x15e: {  	_ = 	snop  }
0x15f: {  	[tilespmem:s28], [sflag:$0x1] =	stream.indirect_vreg.gather [hbm4b:s2+s3], $0x80, v3, vm0, $0xb8;
	[tilespmem:$0x10380] =	vst v63  }
0x160: {  	_ = 	snop  }
0x161: {  	[tilespmem:s29], [sflag:$0x1] =	stream.indirect_vreg.gather [hbm4b:s5+s3], $0x80, v3, vm0, $0xb8;
	[tilespmem:$0x10380] =	vst v63  }
0x162: {  	v3 =	vld [tilespmem:$0x2B0];
	_ =	sdelay $0x4  }
0x163: {  	v59 =	vshll.u32 v3, $0x2  }
0x164: {  	v3 =	vand.u32 $0x7, v3;
	v4 =	vand.u32 $0xFFFFFFE0, v59  }
0x165: {  	v3 =	vor.u32 v3, v4  }
0x166: {  	v4 =	vperm.xlane v3, v0;
	_ =	sdelay $0x1  }
0x167: {  	v4 =	vadd.s32 v1, v4;
	_ =	sdelay $0x1  }
0x168: {  	v3 =	vperm.xlane v3, v2;
	_ =	sdelay $0x1  }
0x169: {  	v3 =	vadd.s32 v1, v3  }
0x16a: {  	[tilespmem:s30], [sflag:$0x1] =	stream.indirect_vreg.gather [hbm4b:s2+s3], $0x80, v4, vm0, $0xb8;
	[tilespmem:$0x10380] =	vst v63  }
0x16b: {  	_ = 	snop  }
0x16c: {  	[tilespmem:s31], [sflag:$0x1] =	stream.indirect_vreg.gather [hbm4b:s5+s3], $0x80, v4, vm0, $0xb8;
	[tilespmem:$0x10380] =	vst v63  }
0x16d: {  	_ = 	snop  }
0x16e: {  	[tilespmem:s1], [sflag:$0x1] =	stream.indirect_vreg.gather [hbm4b:s2+s3], $0x80, v3, vm0, $0xb8;
	[tilespmem:$0x10380] =	vst v63  }
0x16f: {  	s16 =	simm.s32 $0x7B80  }
0x170: {  	[tilespmem:s16], [sflag:$0x1] =	stream.indirect_vreg.gather [hbm4b:s5+s3], $0x80, v3, vm0, $0xb8;
	[tilespmem:$0x10380] =	vst v63  }
0x171: {  	v3 =	vld [tilespmem:$0x300];
	_ =	sdelay $0x4  }
0x172: {  	v60 =	vshll.u32 v3, $0x2  }
0x173: {  	v3 =	vand.u32 $0x7, v3;
	v4 =	vand.u32 $0xFFFFFFE0, v60  }
0x174: {  	v3 =	vor.u32 v3, v4  }
0x175: {  	v4 =	vperm.xlane v3, v0;
	_ =	sdelay $0x1  }
0x176: {  	v4 =	vadd.s32 v1, v4;
	_ =	sdelay $0x1  }
0x177: {  	v3 =	vperm.xlane v3, v2;
	_ =	sdelay $0x1  }
0x178: {  	v3 =	vadd.s32 v1, v3  }
0x179: {  	[tilespmem:s0], [sflag:$0x1] =	stream.indirect_vreg.gather [hbm4b:s2+s3], $0x80, v4, vm0, $0xb8;
	[tilespmem:$0x10380] =	vst v63  }
0x17a: {  	_ = 	snop  }
0x17b: {  	[tilespmem:s9], [sflag:$0x1] =	stream.indirect_vreg.gather [hbm4b:s5+s3], $0x80, v4, vm0, $0xb8;
	[tilespmem:$0x10380] =	vst v63  }
0x17c: {  	_ = 	snop  }
0x17d: {  	[tilespmem:s10], [sflag:$0x1] =	stream.indirect_vreg.gather [hbm4b:s2+s3], $0x80, v3, vm0, $0xb8;
	[tilespmem:$0x10380] =	vst v63  }
0x17e: {  	_ = 	snop  }
0x17f: {  	[tilespmem:s11], [sflag:$0x1] =	stream.indirect_vreg.gather [hbm4b:s5+s3], $0x80, v3, vm0, $0xb8;
	[tilespmem:$0x10380] =	vst v63  }
0x180: {  	v3 =	vld [tilespmem:$0x310];
	_ =	sdelay $0x4  }
0x181: {  	v61 =	vshll.u32 v3, $0x2  }
0x182: {  	v3 =	vand.u32 $0x7, v3;
	v4 =	vand.u32 $0xFFFFFFE0, v61  }
0x183: {  	v3 =	vor.u32 v3, v4  }
0x184: {  	v4 =	vperm.xlane v3, v0;
	_ =	sdelay $0x1  }
0x185: {  	v4 =	vadd.s32 v1, v4;
	_ =	sdelay $0x1  }
0x186: {  	v3 =	vperm.xlane v3, v2;
	_ =	sdelay $0x1  }
0x187: {  	v3 =	vadd.s32 v1, v3  }
0x188: {  	[tilespmem:s12], [sflag:$0x1] =	stream.indirect_vreg.gather [hbm4b:s2+s3], $0x80, v4, vm0, $0xb8;
	[tilespmem:$0x10380] =	vst v63  }
0x189: {  	_ = 	snop  }
0x18a: {  	[tilespmem:s13], [sflag:$0x1] =	stream.indirect_vreg.gather [hbm4b:s5+s3], $0x80, v4, vm0, $0xb8;
	[tilespmem:$0x10380] =	vst v63  }
0x18b: {  	_ = 	snop  }
0x18c: {  	[tilespmem:s14], [sflag:$0x1] =	stream.indirect_vreg.gather [hbm4b:s2+s3], $0x80, v3, vm0, $0xb8;
	[tilespmem:$0x10380] =	vst v63  }
0x18d: {  	_ = 	snop  }
0x18e: {  	[tilespmem:s15], [sflag:$0x1] =	stream.indirect_vreg.gather [hbm4b:s5+s3], $0x80, v3, vm0, $0xb8;
	[tilespmem:$0x10380] =	vst v63  }
0x18f: {  	v3 =	vld [tilespmem:$0x320];
	_ =	sdelay $0x4  }
0x190: {  	v62 =	vshll.u32 v3, $0x2  }
0x191: {  	v3 =	vand.u32 $0x7, v3;
	v4 =	vand.u32 $0xFFFFFFE0, v62  }
0x192: {  	v3 =	vor.u32 v3, v4  }
0x193: {  	v4 =	vperm.xlane v3, v0;
	_ =	sdelay $0x1  }
0x194: {  	v4 =	vadd.s32 v1, v4;
	_ =	sdelay $0x1  }
0x195: {  	v3 =	vperm.xlane v3, v2;
	_ =	sdelay $0x1  }
0x196: {  	v3 =	vadd.s32 v1, v3  }
0x197: {  	[tilespmem:s8], [sflag:$0x1] =	stream.indirect_vreg.gather [hbm4b:s2+s3], $0x80, v4, vm0, $0xb8;
	[tilespmem:$0x10380] =	vst v63  }
0x198: {  	s17 =	simm.s32 $0xCB80  }
0x199: {  	[tilespmem:s17], [sflag:$0x1] =	stream.indirect_vreg.gather [hbm4b:s5+s3], $0x80, v4, vm0, $0xb8;
	[tilespmem:$0x10380] =	vst v63  }
0x19a: {  	s16 =	simm.s32 $0xD380  }
0x19b: {  	[tilespmem:s16], [sflag:$0x1] =	stream.indirect_vreg.gather [hbm4b:s2+s3], $0x80, v3, vm0, $0xb8;
	[tilespmem:$0x10380] =	vst v63  }
0x19c: {  	s17 =	simm.s32 $0xDB80  }
0x19d: {  	[tilespmem:s17], [sflag:$0x1] =	stream.indirect_vreg.gather [hbm4b:s5+s3], $0x80, v3, vm0, $0xb8;
	[tilespmem:$0x10380] =	vst v63  }
0x19e: {  	v3 =	vld [tilespmem:$0x330];
	_ =	sdelay $0x4  }
0x19f: {  	v63 =	vshll.u32 v3, $0x2  }
0x1a0: {  	v3 =	vand.u32 $0x7, v3;
	v4 =	vand.u32 $0xFFFFFFE0, v63  }
0x1a1: {  	v3 =	vor.u32 v3, v4  }
0x1a2: {  	v4 =	vperm.xlane v3, v0;
	_ =	sdelay $0x1  }
0x1a3: {  	v4 =	vadd.s32 v1, v4;
	_ =	sdelay $0x1  }
0x1a4: {  	v3 =	vperm.xlane v3, v2;
	_ =	sdelay $0x1  }
0x1a5: {  	s16 =	simm.s32 $0xE380;
	v3 =	vadd.s32 v1, v3  }
0x1a6: {  	[tilespmem:s16], [sflag:$0x1] =	stream.indirect_vreg.gather [hbm4b:s2+s3], $0x80, v4, vm0, $0xb8;
	[tilespmem:$0x10380] =	vst v63  }
0x1a7: {  	s17 =	simm.s32 $0xEB80  }
0x1a8: {  	[tilespmem:s17], [sflag:$0x1] =	stream.indirect_vreg.gather [hbm4b:s5+s3], $0x80, v4, vm0, $0xb8;
	[tilespmem:$0x10380] =	vst v63  }
0x1a9: {  	s16 =	simm.s32 $0xF380  }
0x1aa: {  	[tilespmem:s16], [sflag:$0x1] =	stream.indirect_vreg.gather [hbm4b:s2+s3], $0x80, v3, vm0, $0xb8;
	[tilespmem:$0x10380] =	vst v63  }
0x1ab: {  	s17 =	simm.s32 $0xFB80  }
0x1ac: {  	[tilespmem:s17], [sflag:$0x1] =	stream.indirect_vreg.gather [hbm4b:s5+s3], $0x80, v3, vm0, $0xb8;
	[tilespmem:$0x10380] =	vst v63  }
0x1ad: {  	_ =	swait.ge [sflag:s4], $0x8000  }
0x1ae: {  	[sflag:s4] =	ssyncset.done $0x0  }
0x1af: {  	[sflag:s4] =	ssyncadd.s32 $0xFFFF8000  }
0x1b0: {  	_ =	swait.ge [sflag:s4], $0x8000  }
0x1b1: {  	[sflag:s4] =	ssyncset.done $0x0  }
0x1b2: {  	s1 =	rddreg [dreg:$0xa];
	[sflag:s4] =	ssyncadd.s32 $0xFFFF8000  }
0x1b3: {  	[hbm4b:s1+s3] =	stream.linear.scatter [tilespmem:s24], [sflag:$0x2], $0x8000, $0x38;
	[tilespmem:$0x10380] =	vst v63  }
0x1b4: {  	_ =	swait.ge [sflag:s7], $0x8000  }
0x1b5: {  	p0 =	sne.s32 s6, $0x1;
	[sflag:s7] =	ssyncset.done $0x0  }
.Ltmp0:
0x1b6: {  	s17 =	rddreg [dreg:$0xb];
	[sflag:s7] =	ssyncadd.s32 $0xFFFF8000;
	(pc) =	sbr.rel @p0 .LBB2_1-.Ltmp0, $4  }
0x1b7: {  	[hbm4b:s17+s3] =	stream.linear.scatter [tilespmem:s0], [sflag:$0x2], $0x8000, $0x38;
	[tilespmem:$0x10380] =	vst v63  }
0x1b8: {  	_ =	swait.ge [sflag:s7], $0x8000  }
0x1b9: {  	[sflag:s7] =	ssyncset.done $0x0  }
0x1ba: {  	s6 =	sadd.s32 $0xFFFFFFFF, s6;
	[sflag:s7] =	ssyncadd.s32 $0xFFFF8000  }
0x1bb: {  	_ =	sfence.sel $0x180000  }
0x1bc: {  	[bflag:$0x0] =	sbarrier.arrive $0xFFFF  }
0x1bd: {  	_ =	strace $0x9000004A  }
0x1be: {  	s0 =	stileid.u32;
	[bflag:$0x2] =	sbarrier.arrive $0xFFFF  }
0x1bf: {  	p0 =	sne.s32 s0, $0x0;
	s0 =	rddreg [dreg:$0x2]  }
0x1c0: {  	s0 =	sadd.s32 @!p0 $0x100000, s0  }
0x1c1: {  	[sflag:s0] =	ssyncadd.tile.s32 @!p0 $0x1;
	_ =	shalt  }
.Lfunc_end2:
_tile_overlayer_lowered:
.L_overlay_start_2:
0x1c2: {  	(tag) =	ssettag $0x2  }
0x1c3: {  	s0 =	rddreg [dreg:$0x0];
	s2 =	stileid.u32  }
0x1c4: {  	s1 =	rddreg [dreg:$0x1];
	p0 =	sne.s32 s2, $0x0  }
0x1c5: {  	s3 =	rddreg [dreg:$0x2];
	[bflag:$0x3] =	sbarrier.arrive $0xFFFF;
	s2 =	simm.s32 @!p0 $0x1C02  }
0x1c6: {  	[timem:s3], [sflag:s2] =	dma.local @!p0 [hbm:s0], s1  }
0x1c7: {  	s0 =	simm.s32 @!p0 $0x2  }
0x1c8: {  	_ =	swait.ge @!p0 [sflag:s0], s1  }
0x1c9: {  	s1 =	ssub.s32 @!p0 $0x0, s1;
	[sflag:s0] =	ssyncset.done @!p0 $0x0  }
0x1ca: {  	[sflag:s0] =	ssyncadd.s32 @!p0 s1  }
0x1cb: {  	[bflag:$0x3] =	sbarrier.arrive $0xFFFF  }
0x1cc: {  	_ =	shalt  }

// kernel: kernel.8.cloned.1.call-start
scs
__scs_entry_jumppad:
0x0: {  	(pc) =	sbr.rel $0x88, $3  }
0x1: {  	(tag) =	ssettag $0x0;
	lr =	simm.s32 $0x1  }
0x2: {  	[smem:$0x3F9A] =	sst lr;
	_ =	strace $0xD0000000  }
0x3: {  	_ = 	snop  }
0x4: {  	_ = 	snop  }
0x5: {  	_ = 	snop  }
0x6: {  	_ = 	snop  }
0x7: {  	_ = 	snop  }
__scs_overlays_trampoline_lowered:
0x8: {  	[smem:$0x3FA9] =	sst s0  }
0x9: {  	[smem:$0x3FAA] =	sst s1  }
0xa: {  	[smem:$0x3FAB] =	sst s2  }
0xb: {  	[smem:$0x3FAC] =	sst s3  }
0xc: {  	[smem:$0x3FAD] =	sst s4  }
0xd: {  	[smem:$0x3FAE] =	sst s5  }
0xe: {  	[smem:$0x3FAF] =	sst s6  }
0xf: {  	[smem:$0x3FB0] =	sst s7  }
0x10: {  	[smem:$0x3FB1] =	sst s8  }
0x11: {  	[smem:$0x3FB2] =	sst s9;
	s0 =	simm.s32 @!p0 $0x0  }
0x12: {  	s1 =	sld [smem:$0x3F98];
	s0 =	simm.s32 @p0 $0x1  }
0x13: {  	[smem:$0x3FB3] =	sst s0;
	s0 =	simm.s32 @!p1 $0x0  }
0x14: {  	s2 =	sld [smem:$0x3F97];
	s0 =	simm.s32 @p1 $0x1  }
0x15: {  	[smem:$0x3FB4] =	sst s0;
	s0 =	simm.s32 @!p2 $0x0  }
0x16: {  	s3 =	sld [smem:$0x3FDB];
	s0 =	simm.s32 @p2 $0x1  }
0x17: {  	s4 =	simm.s32 $0x1BF5;
	[smem:$0x3FB6] =	sst s0  }
0x18: {  	s0 =	sld [smem:$0x3F99];
	_ =	swait.ge [sflag:s4], $0x0  }
0x19: {  	s7 =	sld [smem:$0x3F9A]  }
0x1a: {  	s8 =	sadd.s32 $0xFFFFE003, lr  }
0x1b: {  	s9 =	sadd.s32 $0xFFFFFEF7, lr;
	s5 =	simm.s32 $0xFFFFFFFF;
	p2 =	slt.u32 s8, $0xFFFFF086  }
0x1c: {  	p1 =	slt.u32 s9, $0xF7A;
	s5 =	simm.s32 @!p2 $0x0  }
0x1d: {  	s5 =	simm.s32 @p1 $0x1;
	p0 =	seq.s32 s7, s2  }
0x1e: {  	s7 =	smul.u32 @!p0 $0xF7A, s2;
	p2 =	seq.s32 @!p0 s5, $0x0  }
0x1f: {  	s9 =	smul.u32 $0xF7A, s1;
	s8 =	simm.s32 @!p0 $0x1BF5;
	p2 =	por !p2, p0  }
0x20: {  	[sflag:s8] =	ssyncset.s32 @!p0 $0xFFFFF086;
	s6 =	sadd.s32 @!p0 s3, s7;
	s7 =	simm.s32 @!p0 $0x108  }
0x21: {  	s3 =	sadd.s32 s3, s9;
	s6 =	sadd.s32 @!p0 $0x88, s6;
	s7 =	simm.s32 @p2 $0x1082  }
0x22: {  	[simem:s7], [sflag:s8] =	dma.local @!p0 [hbm:s6], $0xF7A  }
0x23: {  	s9 =	sor.u32 $0xD0000000, s2;
	s6 =	simm.s32 $0x108;
	_ =	swait.ge @!p0 [sflag:s8], $0x0  }
0x24: {  	s3 =	sadd.s32 $0x88, s3;
	s6 =	simm.s32 @!p1 $0x1082;
	[sflag:s4] =	ssyncset.s32 $0xFFFFF086  }
0x25: {  	[simem:s6], [sflag:s4] =	dma.local [hbm:s3], $0xF7A  }
0x26: {  	[smem:$0x3F9A] =	sst s1;
	(tag) =	ssettag s2;
	_ =	strace s9  }
0x27: {  	s1 =	sld [smem:$0x3FAA]  }
0x28: {  	s2 =	sld [smem:$0x3FAB]  }
0x29: {  	s4 =	sld [smem:$0x3FAD]  }
0x2a: {  	p0 =	seq.s32 s5, $0x0;
	s5 =	sld [smem:$0x3FAE]  }
0x2b: {  	s6 =	sld [smem:$0x3FAF]  }
0x2c: {  	s7 =	sld [smem:$0x3FB0]  }
0x2d: {  	s3 =	simm.s32 $0x108;
	s8 =	sld [smem:$0x3FB1]  }
0x2e: {  	s3 =	simm.s32 @!p0 $0x1082;
	s9 =	sld [smem:$0x3FB2]  }
0x2f: {  	lr =	sadd.s32 s0, s3;
	s0 =	sld [smem:$0x3FA9]  }
0x30: {  	s3 =	sld [smem:$0x3FAC]  }
0x31: {  	[smem:$0x3FB5] =	sst s10  }
0x32: {  	s10 =	sld [smem:$0x3FB3];
	_ =	sdelay $0x3  }
0x33: {  	p0 =	seq.s32 s10, $0x1;
	s10 =	sld [smem:$0x3FB5];
	_ =	sdelay $0x3  }
0x34: {  	[smem:$0x3FB5] =	sst s10  }
0x35: {  	s10 =	sld [smem:$0x3FB4];
	_ =	sdelay $0x3  }
0x36: {  	p1 =	seq.s32 s10, $0x1;
	s10 =	sld [smem:$0x3FB5];
	_ =	sdelay $0x3  }
0x37: {  	[smem:$0x3FB5] =	sst s10  }
0x38: {  	s10 =	sld [smem:$0x3FB6]  }
0x39: {  	_ = 	snop;
	(pc) =	sbr.ind lr, $3  }
0x3a: {  	_ = 	snop  }
0x3b: {  	_ = 	snop  }
0x3c: {  	p2 =	seq.s32 s10, $0x1;
	s10 =	sld [smem:$0x3FB5]  }
0x3d: {  	_ =	shalt  }
0x3e: {  	_ =	shalt  }
0x3f: {  	_ =	shalt  }
0x40: {  	_ =	shalt  }
0x41: {  	_ =	shalt  }
0x42: {  	_ =	shalt  }
0x43: {  	_ =	shalt  }
0x44: {  	_ =	shalt  }
0x45: {  	_ =	shalt  }
0x46: {  	_ =	shalt  }
0x47: {  	_ =	shalt  }
0x48: {  	_ =	shalt  }
0x49: {  	_ =	shalt  }
0x4a: {  	_ =	shalt  }
0x4b: {  	_ =	shalt  }
0x4c: {  	_ =	shalt  }
0x4d: {  	_ =	shalt  }
0x4e: {  	_ =	shalt  }
0x4f: {  	_ =	shalt  }
0x50: {  	_ =	shalt  }
0x51: {  	_ =	shalt  }
0x52: {  	_ =	shalt  }
0x53: {  	_ =	shalt  }
0x54: {  	_ =	shalt  }
0x55: {  	_ =	shalt  }
0x56: {  	_ =	shalt  }
0x57: {  	_ =	shalt  }
0x58: {  	_ =	shalt  }
0x59: {  	_ =	shalt  }
0x5a: {  	_ =	shalt  }
0x5b: {  	_ =	shalt  }
0x5c: {  	_ =	shalt  }
0x5d: {  	_ =	shalt  }
0x5e: {  	_ =	shalt  }
0x5f: {  	_ =	shalt  }
0x60: {  	_ =	shalt  }
0x61: {  	_ =	shalt  }
0x62: {  	_ =	shalt  }
0x63: {  	_ =	shalt  }
0x64: {  	_ =	shalt  }
0x65: {  	_ =	shalt  }
0x66: {  	_ =	shalt  }
0x67: {  	_ =	shalt  }
0x68: {  	_ =	shalt  }
0x69: {  	_ =	shalt  }
0x6a: {  	_ =	shalt  }
0x6b: {  	_ =	shalt  }
0x6c: {  	_ =	shalt  }
0x6d: {  	_ =	shalt  }
0x6e: {  	_ =	shalt  }
0x6f: {  	_ =	shalt  }
0x70: {  	_ =	shalt  }
0x71: {  	_ =	shalt  }
0x72: {  	_ =	shalt  }
0x73: {  	_ =	shalt  }
0x74: {  	_ =	shalt  }
0x75: {  	_ =	shalt  }
0x76: {  	_ =	shalt  }
0x77: {  	_ =	shalt  }
0x78: {  	_ =	shalt  }
0x79: {  	_ =	shalt  }
0x7a: {  	_ =	shalt  }
0x7b: {  	_ =	shalt  }
0x7c: {  	_ =	shalt  }
0x7d: {  	_ =	shalt  }
0x7e: {  	_ =	shalt  }
0x7f: {  	_ =	shalt  }
0x80: {  	_ =	shalt  }
0x81: {  	_ =	shalt  }
0x82: {  	_ =	shalt  }
0x83: {  	_ =	shalt  }
0x84: {  	_ =	shalt  }
0x85: {  	_ =	shalt  }
0x86: {  	_ =	shalt  }
0x87: {  	_ =	shalt  }
.Lfunc_end0:
.L_simem_size_0:
called_computation_lowered:
.L_overlay_start_0:
0x88: {  	s2 =	sld [smem:$0x3FD9]  }
0x89: {  	s3 =	sld [smem:$0x3FFE];
	_ =	sdelay $0x1  }
0x8a: {  	s1 =	srdreg.scid  }
0x8b: {  	s0 =	sand.u32 $0x1, s1  }
0x8c: {  	s16 =	sshll.u32 s0, $0xA;
	s2 =	sadd.s32 s3, s2  }
0x8d: {  	s2 =	sadd.s32 s2, s16  }
0x8e: {  	[smem:$0x3FC1] =	sst s2  }
0x8f: {  	_ = 	snop  }
0x90: {  	(tm) =	ssettm $0x1  }
0x91: {  	s17 =	sld [smem:$0x3FFB];
	_ =	sdelay $0x3  }
0x92: {  	_ =	strace s17  }
0x93: {  	s2 =	sld [smem:$0x3FFC];
	_ =	sdelay $0x3  }
0x94: {  	_ =	strace s2  }
0x95: {  	s2 =	sld [smem:$0x3FFD];
	_ =	sdelay $0x3  }
0x96: {  	_ =	strace s2  }
0x97: {  	_ =	strace $0x8FFFFFFF  }
0x98: {  	s18 =	sld [smem:$0x3FDB];
	_ =	sdelay $0x1  }
0x99: {  	s19 =	simm.s32 $_scs_section_size  }
0x9a: {  	s4 =	simm.s32 $_size__tile_overlayer_lowered;
	s5 =	simm.s32 $_tile_overlayer_lowered  }
0x9b: {  	s22 =	simm.s32 $0x1BFF;
	s21 =	sshll.u32 s5, $0x1;
	s2 =	sadd.s32 s19, s18  }
0x9c: {  	s6 =	simm.s32 $0x0;
	s20 =	sshll.u32 s4, $0x1;
	s4 =	sadd.s32 s21, s2  }
0x9d: {  	[timem:s6], [sflag:s22] =	dma.local [hbm:s4], s20  }
0x9e: {  	_ =	swait.ge [sflag:s22], s20  }
0x9f: {  	s3 =	ssub.s32 $0x0, s20;
	[sflag:s22] =	ssyncset.done $0x0  }
0xa0: {  	[sflag:s22] =	ssyncadd.s32 s3;
	_ =	sdelay $0x1  }
0xa1: {  	s23 =	simm.s32 $0x1B8B  }
0xa2: {  	_ =	swait.ge [sflag:s23], $0x1  }
0xa3: {  	[sflag:s23] =	ssyncset.done $0x0  }
0xa4: {  	s25 =	simm.s32 $0x1B8E;
	s24 =	sld [smem:$0x3FFE];
	[sflag:s23] =	ssyncadd.s32 $0xFFFFFFFF  }
0xa5: {  	s26 =	simm.s32 $execute0_lowered;
	[smem:$0x3FD2] =	sst s25  }
0xa6: {  	s4 =	sshll.u32 s26, $0x1;
	_ =	strace $0x80000046;
	[dreg:$0x1] =	wrdreg $0xFFFFFFFF  }
0xa7: {  	s28 =	simm.s32 $_size_execute0_lowered;
	s2 =	sadd.s32 s2, s4;
	[dreg:$0x0] =	wrdreg $0x0  }
0xa8: {  	s4 =	sshll.u32 s28, $0x1;
	[dreg:$0x2] =	wrdreg s2  }
0xa9: {  	[dreg:$0x3] =	wrdreg s4  }
0xaa: {  	[dreg:$0x4] =	wrdreg $0xC0  }
0xab: {  	_ =	task [dreg:s6], $0x5FFFF  }
0xac: {  	[dreg:$0x1] =	wrdreg $0xFFFFFFFF  }
0xad: {  	[dreg:$0x0] =	wrdreg $0x60  }
0xae: {  	[dreg:$0x2] =	wrdreg s24  }
0xaf: {  	[dreg:$0x3] =	wrdreg $0x9  }
0xb0: {  	_ =	task.clear_ibuf [dreg:s6], $0x4FFFF;
	_ =	strace $0x90000046  }
0xb1: {  	s29 =	simm.s32 $0x9;
	_ =	strace $0x80000048  }
0xb2: {  	_ =	swait.ge [sflag:s29], $0x1  }
0xb3: {  	[sflag:s29] =	ssyncadd.s32 $0xFFFFFFFF  }
0xb4: {  	_ =	strace $0x90000048  }
0xb5: {  	_ =	sfence  }
0xb6: {  	s30 =	sld [smem:$0x0];
	_ =	sdelay $0x2  }
0xb7: {  	s31 =	sshll.u32 s1, $0xD;
	s1 =	sshrl.u32 s1, $0x2  }
0xb8: {  	s3 =	sand.u32 $0x4000, s31;
	s1 =	sadd.s32 s1, s30  }
0xb9: {  	s0 =	sor.u32 s3, s0;
	s1 =	sshll.u32 s1, $0x11  }
0xba: {  	s0 =	sor.u32 s1, s0  }
0xbb: {  	s0 =	sadd.s32 $0x8F2B, s0  }
0xbc: {  	[sflag:s0] =	ssyncadd.remote.s32 $0x1  }
0xbd: {  	_ =	sfence.sel $0xFFFF  }
0xbe: {  	[dreg:$0x0] =	wrdreg $0xFFFFFFFF;
	(pc) =	sbr.abs _section_cstart, $3  }
0xbf: {  	[dreg:$0x1] =	wrdreg $0xFFFFFFFF  }
0xc0: {  	_ =	task.clear_ibuf [dreg:s6], $0x2FFFF;
	_ =	strace $0x9FFFFFFF  }
0xc1: {  	(tm) =	ssettm $0x7FFFFFFF  }
tec
execute0_lowered:
.L_overlay_start_1:
0x0: {  	(tag) =	ssettag $0x1  }
0x1: {  	s0 =	srdreg.scid  }
0x2: {  	s3 =	stileid.u32;
	s2 =	simm.s32 $0x1;
	s5 =	rddreg [dreg:$0x0]  }
0x3: {  	s23 =	simm.s32 $0x80;
	s24 =	simm.s32 $0x100;
	s25 =	simm.s32 $0x180  }
0x4: {  	s26 =	simm.s32 $0x200;
	s18 =	simm.s32 $0x1B80;
	s28 =	simm.s32 $0x6380  }
0x5: {  	s29 =	simm.s32 $0x6B80;
	s0 =	sand.u32 $0x1, s0;
	s1 =	sshll.u32 s3, $0x1  }
0x6: {  	s30 =	simm.s32 $0x7380;
	s31 =	simm.s32 $0x7B80;
	s1 =	sor.u32 s0, s1  }
0x7: {  	s9 =	simm.s32 $0x9380;
	p1 =	seq.s32 s0, $0x1;
	p0 =	seq.s32 s1, $0x0  }
0x8: {  	s10 =	simm.s32 $0x9B80;
	s11 =	simm.s32 $0xA380;
	p0 =	por !p0, !p1  }
0x9: {  	s12 =	simm.s32 $0xAB80;
	s13 =	simm.s32 $0xB380;
	p0 =	por !p0, !p0  }
0xa: {  	s14 =	simm.s32 $0xBB80;
	s15 =	simm.s32 $0xC380;
	s2 =	simm.s32 @!p0 $0x0  }
0xb: {  	s1 =	sshll.u32 s1, $0xD;
	s3 =	ssub.s32 s3, s2;
	s2 =	simm.s32 $0x0  }
0xc: {  	s19 =	sadd.s32 $0x45400, s5;
	s1 =	sadd.s32 s1, s5;
	[smem:$0x7FF] =	sst s2  }
0xd: {  	s1 =	sadd.s32 $0x4C00, s1;
	_ =	strace $0x80000047;
	[dreg:$0x2] =	wrdreg s19  }
0xe: {  	s4 =	sshll.u32 s0, $0x7;
	s0 =	ssub.s32 $0x2, s0;
	[dreg:$0x7] =	wrdreg s1  }
0xf: {  	s8 =	simm.s32 $0xCB80;
	s22 =	sshrl.u32 s0, $0x1;
	[dreg:$0x8] =	wrdreg s23  }
0x10: {  	s0 =	ssub.s32 s0, s22;
	s3 =	sshll.u32 s3, $0x8;
	[dreg:$0x9] =	wrdreg s24  }
0x11: {  	s22 =	simm.s32 $0x3B80;
	s3 =	sor.u32 s4, s3;
	[dreg:$0xa] =	wrdreg s25  }
0x12: {  	s4 =	sadd.s32 $0x45600, s5;
	[dreg:$0xb] =	wrdreg s26;
	s3 =	sshrl.u32 s3, $0x3  }
0x13: {  	s19 =	simm.s32 $0x2380;
	s23 =	simm.s32 $0x4380;
	s6 =	sadd.s32 s3, s5  }
0x14: {  	s24 =	simm.s32 $0x4B80;
	s25 =	simm.s32 $0x5380;
	s20 =	sadd.s32 $0x44C00, s6  }
0x15: {  	s26 =	simm.s32 $0x5B80;
	s7 =	sadd.s32 $0x44E00, s6;
	[dreg:$0x3] =	wrdreg s20  }
0x16: {  	s1 =	simm.s32 $0x8380;
	s21 =	sadd.s32 $0x45000, s6;
	[dreg:$0x4] =	wrdreg s7  }
0x17: {  	v2 =	vlaneseq.u32;
	s5 =	sadd.s32 $0x45700, s5;
	s6 =	sadd.s32 $0x45200, s6;
	[dreg:$0x5] =	wrdreg s21  }
0x18: {  	vm0 =	vmmov $0xffff;
	v1 =	vshrl.u32 v2, $0x3;
	s3 =	simm.s32 $0xD380;
	[dreg:$0x6] =	wrdreg s6;
	s6 =	smax.u32 s0, $0x1  }
0x19: {  	v0 =	vand.u32 $0x7, v2;
	v2 =	vor.u32 $0x8, v2;
	v1 =	vmul.u32 $0x8, v1;
	s7 =	simm.s32 $0x2;
	s20 =	simm.s32 $0x2B80;
	s21 =	simm.s32 $0x3380  }
.LBB2_1:
0x1a: {  	s16 =	rddreg [dreg:$0x2]  }
0x1b: {  	[tilespmem:s2], [sflag:$0x2] =	stream.linear.gather [hbm4b:s16+s2], $0x80, $0x38;
	[tilespmem:$0x10380] =	vst v63  }
0x1c: {  	_ =	swait.ge [sflag:s7], $0x80  }
0x1d: {  	s0 =	rddreg [dreg:$0x3];
	[sflag:s7] =	ssyncset.done $0x0  }
0x1e: {  	s17 =	rddreg [dreg:$0x8];
	[sflag:s7] =	ssyncadd.s32 $0xFFFFFF80  }
0x1f: {  	[tilespmem:s17], [sflag:$0x2] =	stream.linear.gather [hbm4b:s0+s2], $0x80, $0x38;
	[tilespmem:$0x10380] =	vst v63  }
0x20: {  	_ =	swait.ge [sflag:s7], $0x80  }
0x21: {  	s17 =	rddreg [dreg:$0x4];
	[sflag:s7] =	ssyncset.done $0x0  }
0x22: {  	s0 =	rddreg [dreg:$0x9];
	[sflag:s7] =	ssyncadd.s32 $0xFFFFFF80  }
0x23: {  	[tilespmem:s0], [sflag:$0x2] =	stream.linear.gather [hbm4b:s17+s2], $0x80, $0x38;
	[tilespmem:$0x10380] =	vst v63  }
0x24: {  	_ =	swait.ge [sflag:s7], $0x80  }
0x25: {  	s17 =	rddreg [dreg:$0x5];
	[sflag:s7] =	ssyncset.done $0x0  }
0x26: {  	s0 =	rddreg [dreg:$0xa];
	[sflag:s7] =	ssyncadd.s32 $0xFFFFFF80  }
0x27: {  	[tilespmem:s0], [sflag:$0x2] =	stream.linear.gather [hbm4b:s17+s2], $0x80, $0x38;
	[tilespmem:$0x10380] =	vst v63  }
0x28: {  	_ =	swait.ge [sflag:s7], $0x80  }
0x29: {  	s17 =	rddreg [dreg:$0x6];
	[sflag:s7] =	ssyncset.done $0x0  }
0x2a: {  	s0 =	rddreg [dreg:$0xb];
	[sflag:s7] =	ssyncadd.s32 $0xFFFFFF80  }
0x2b: {  	[tilespmem:s0], [sflag:$0x2] =	stream.linear.gather [hbm4b:s17+s2], $0x80, $0x38;
	[tilespmem:$0x10380] =	vst v63  }
0x2c: {  	_ =	swait.ge [sflag:s7], $0x80  }
0x2d: {  	[sflag:s7] =	ssyncset.done $0x0  }
0x2e: {  	s0 =	simm.s32 $0x380;
	s17 =	rddreg [dreg:$0x7];
	[sflag:s7] =	ssyncadd.s32 $0xFFFFFF80  }
0x2f: {  	[tilespmem:s0], [sflag:$0x2] =	stream.linear.gather [hbm4b:s17+s2], $0x10000, $0x38;
	[tilespmem:$0x10380] =	vst v63  }
0x30: {  	_ =	swait.ge [sflag:s7], $0x10000  }
0x31: {  	[sflag:s7] =	ssyncset.done $0x0  }
0x32: {  	[sflag:s7] =	ssyncadd.s32 $0xFFFF0000  }
0x33: {  	v3 =	vld [tilespmem:$0x180];
	_ =	sdelay $0x4  }
0x34: {  	v3 =	vtrunc.f32 v3  }
0x35: {  	v3 =	vcvt.f32.s32 v3;
	_ =	sdelay $0x4  }
0x36: {  	v4 =	vld [tilespmem:$0x80]  }
0x37: {  	v3 =	vld.idx.msk [tilespmem:v3+s2+$0x0], $0xffff  }
0x38: {  	v5 =	vld [tilespmem:$0x190];
	_ =	sdelay $0x3  }
0x39: {  	v3 =	vadd.f32 v4, v3  }
0x3a: {  	v60 =	vtrunc.f32 v5  }
0x3b: {  	v4 =	vcvt.f32.s32 v60;
	v3 =	vadd.f32 $5.000000000e-01, v3;
	_ =	sdelay $0x1  }
0x3c: {  	v3 =	vtrunc.f32 v3  }
0x3d: {  	v3 =	vcvt.f32.s32 v3;
	_ =	sdelay $0x1  }
0x3e: {  	v61 =	vld [tilespmem:$0x90];
	[tilespmem:$0x280] =	vst v3  }
0x3f: {  	v3 =	vld.idx.msk [tilespmem:v4+s2+$0x0], $0xffff  }
0x40: {  	v62 =	vld [tilespmem:$0x1A0];
	_ =	sdelay $0x3  }
0x41: {  	v3 =	vadd.f32 v61, v3  }
0x42: {  	v63 =	vtrunc.f32 v62  }
0x43: {  	v4 =	vcvt.f32.s32 v63;
	v3 =	vadd.f32 $5.000000000e-01, v3;
	_ =	sdelay $0x1  }
0x44: {  	v3 =	vtrunc.f32 v3  }
0x45: {  	v3 =	vcvt.f32.s32 v3;
	_ =	sdelay $0x1  }
0x46: {  	v8 =	vld [tilespmem:$0xA0];
	[tilespmem:$0x290] =	vst v3  }
0x47: {  	v3 =	vld.idx.msk [tilespmem:v4+s2+$0x0], $0xffff  }
0x48: {  	v9 =	vld [tilespmem:$0x1B0];
	_ =	sdelay $0x3  }
0x49: {  	v3 =	vadd.f32 v8, v3  }
0x4a: {  	v10 =	vtrunc.f32 v9  }
0x4b: {  	v4 =	vcvt.f32.s32 v10;
	v3 =	vadd.f32 $5.000000000e-01, v3;
	_ =	sdelay $0x1  }
0x4c: {  	v3 =	vtrunc.f32 v3  }
0x4d: {  	v3 =	vcvt.f32.s32 v3;
	_ =	sdelay $0x1  }
0x4e: {  	v11 =	vld [tilespmem:$0xB0];
	[tilespmem:$0x2A0] =	vst v3  }
0x4f: {  	v3 =	vld.idx.msk [tilespmem:v4+s2+$0x0], $0xffff  }
0x50: {  	v12 =	vld [tilespmem:$0x1C0];
	_ =	sdelay $0x3  }
0x51: {  	v3 =	vadd.f32 v11, v3  }
0x52: {  	v13 =	vtrunc.f32 v12  }
0x53: {  	v4 =	vcvt.f32.s32 v13;
	v3 =	vadd.f32 $5.000000000e-01, v3;
	_ =	sdelay $0x1  }
0x54: {  	v3 =	vtrunc.f32 v3  }
0x55: {  	v3 =	vcvt.f32.s32 v3;
	_ =	sdelay $0x1  }
0x56: {  	v14 =	vld [tilespmem:$0xC0];
	[tilespmem:$0x2B0] =	vst v3  }
0x57: {  	v3 =	vld.idx.msk [tilespmem:v4+s2+$0x0], $0xffff  }
0x58: {  	v15 =	vld [tilespmem:$0x1D0];
	_ =	sdelay $0x3  }
0x59: {  	v3 =	vadd.f32 v14, v3  }
0x5a: {  	v16 =	vtrunc.f32 v15  }
0x5b: {  	v4 =	vcvt.f32.s32 v16;
	v3 =	vadd.f32 $5.000000000e-01, v3;
	_ =	sdelay $0x1  }
0x5c: {  	v3 =	vtrunc.f32 v3  }
0x5d: {  	v3 =	vcvt.f32.s32 v3;
	_ =	sdelay $0x1  }
0x5e: {  	v17 =	vld [tilespmem:$0xD0];
	[tilespmem:$0x2C0] =	vst v3  }
0x5f: {  	v3 =	vld.idx.msk [tilespmem:v4+s2+$0x0], $0xffff  }
0x60: {  	v18 =	vld [tilespmem:$0x1E0];
	_ =	sdelay $0x3  }
0x61: {  	v3 =	vadd.f32 v17, v3  }
0x62: {  	v19 =	vtrunc.f32 v18  }
0x63: {  	v4 =	vcvt.f32.s32 v19;
	v3 =	vadd.f32 $5.000000000e-01, v3;
	_ =	sdelay $0x1  }
0x64: {  	v3 =	vtrunc.f32 v3  }
0x65: {  	v3 =	vcvt.f32.s32 v3;
	_ =	sdelay $0x1  }
0x66: {  	v20 =	vld [tilespmem:$0xE0];
	[tilespmem:$0x2D0] =	vst v3  }
0x67: {  	v3 =	vld.idx.msk [tilespmem:v4+s2+$0x0], $0xffff  }
0x68: {  	v21 =	vld [tilespmem:$0x1F0];
	_ =	sdelay $0x3  }
0x69: {  	v3 =	vadd.f32 v20, v3  }
0x6a: {  	v22 =	vtrunc.f32 v21  }
0x6b: {  	v4 =	vcvt.f32.s32 v22;
	v3 =	vadd.f32 $5.000000000e-01, v3;
	_ =	sdelay $0x1  }
0x6c: {  	v3 =	vtrunc.f32 v3  }
0x6d: {  	v3 =	vcvt.f32.s32 v3;
	_ =	sdelay $0x1  }
0x6e: {  	v23 =	vld [tilespmem:$0xF0];
	[tilespmem:$0x2E0] =	vst v3  }
0x6f: {  	v3 =	vld.idx.msk [tilespmem:v4+s2+$0x0], $0xffff  }
0x70: {  	v24 =	vld [tilespmem:$0x200];
	_ =	sdelay $0x3  }
0x71: {  	v3 =	vadd.f32 v23, v3  }
0x72: {  	v25 =	vtrunc.f32 v24  }
0x73: {  	v4 =	vcvt.f32.s32 v25;
	v3 =	vadd.f32 $5.000000000e-01, v3;
	_ =	sdelay $0x1  }
0x74: {  	v3 =	vtrunc.f32 v3  }
0x75: {  	v3 =	vcvt.f32.s32 v3;
	_ =	sdelay $0x1  }
0x76: {  	v26 =	vld [tilespmem:$0x100];
	[tilespmem:$0x2F0] =	vst v3  }
0x77: {  	v3 =	vld.idx.msk [tilespmem:v4+s2+$0x0], $0xffff  }
0x78: {  	v27 =	vld [tilespmem:$0x210];
	_ =	sdelay $0x3  }
0x79: {  	v3 =	vadd.f32 v26, v3  }
0x7a: {  	v28 =	vtrunc.f32 v27  }
0x7b: {  	v4 =	vcvt.f32.s32 v28;
	v3 =	vadd.f32 $5.000000000e-01, v3;
	_ =	sdelay $0x1  }
0x7c: {  	v3 =	vtrunc.f32 v3  }
0x7d: {  	v3 =	vcvt.f32.s32 v3;
	_ =	sdelay $0x1  }
0x7e: {  	v29 =	vld [tilespmem:$0x110];
	[tilespmem:$0x300] =	vst v3  }
0x7f: {  	v3 =	vld.idx.msk [tilespmem:v4+s2+$0x0], $0xffff  }
0x80: {  	v30 =	vld [tilespmem:$0x220];
	_ =	sdelay $0x3  }
0x81: {  	v3 =	vadd.f32 v29, v3  }
0x82: {  	v31 =	vtrunc.f32 v30  }
0x83: {  	v4 =	vcvt.f32.s32 v31;
	v3 =	vadd.f32 $5.000000000e-01, v3;
	_ =	sdelay $0x1  }
0x84: {  	v3 =	vtrunc.f32 v3  }
0x85: {  	v3 =	vcvt.f32.s32 v3;
	_ =	sdelay $0x1  }
0x86: {  	v32 =	vld [tilespmem:$0x120];
	[tilespmem:$0x310] =	vst v3  }
0x87: {  	v3 =	vld.idx.msk [tilespmem:v4+s2+$0x0], $0xffff  }
0x88: {  	v33 =	vld [tilespmem:$0x230];
	_ =	sdelay $0x3  }
0x89: {  	v3 =	vadd.f32 v32, v3  }
0x8a: {  	v34 =	vtrunc.f32 v33  }
0x8b: {  	v4 =	vcvt.f32.s32 v34;
	v3 =	vadd.f32 $5.000000000e-01, v3;
	_ =	sdelay $0x1  }
0x8c: {  	v3 =	vtrunc.f32 v3  }
0x8d: {  	v3 =	vcvt.f32.s32 v3;
	_ =	sdelay $0x1  }
0x8e: {  	v35 =	vld [tilespmem:$0x130];
	[tilespmem:$0x320] =	vst v3  }
0x8f: {  	v3 =	vld.idx.msk [tilespmem:v4+s2+$0x0], $0xffff  }
0x90: {  	v36 =	vld [tilespmem:$0x240];
	_ =	sdelay $0x3  }
0x91: {  	v3 =	vadd.f32 v35, v3  }
0x92: {  	v37 =	vtrunc.f32 v36  }
0x93: {  	v4 =	vcvt.f32.s32 v37;
	v3 =	vadd.f32 $5.000000000e-01, v3;
	_ =	sdelay $0x1  }
0x94: {  	v3 =	vtrunc.f32 v3  }
0x95: {  	v3 =	vcvt.f32.s32 v3;
	_ =	sdelay $0x1  }
0x96: {  	v38 =	vld [tilespmem:$0x140];
	[tilespmem:$0x330] =	vst v3  }
0x97: {  	v3 =	vld.idx.msk [tilespmem:v4+s2+$0x0], $0xffff  }
0x98: {  	v39 =	vld [tilespmem:$0x250];
	_ =	sdelay $0x3  }
0x99: {  	v3 =	vadd.f32 v38, v3  }
0x9a: {  	v40 =	vtrunc.f32 v39  }
0x9b: {  	v4 =	vcvt.f32.s32 v40;
	v3 =	vadd.f32 $5.000000000e-01, v3;
	_ =	sdelay $0x1  }
0x9c: {  	v3 =	vtrunc.f32 v3  }
0x9d: {  	v3 =	vcvt.f32.s32 v3;
	_ =	sdelay $0x1  }
0x9e: {  	v41 =	vld [tilespmem:$0x150];
	[tilespmem:$0x340] =	vst v3  }
0x9f: {  	v3 =	vld.idx.msk [tilespmem:v4+s2+$0x0], $0xffff  }
0xa0: {  	v42 =	vld [tilespmem:$0x260];
	_ =	sdelay $0x3  }
0xa1: {  	v3 =	vadd.f32 v41, v3  }
0xa2: {  	v43 =	vtrunc.f32 v42  }
0xa3: {  	v4 =	vcvt.f32.s32 v43;
	v3 =	vadd.f32 $5.000000000e-01, v3;
	_ =	sdelay $0x1  }
0xa4: {  	v3 =	vtrunc.f32 v3  }
0xa5: {  	v3 =	vcvt.f32.s32 v3;
	_ =	sdelay $0x1  }
0xa6: {  	v44 =	vld [tilespmem:$0x160];
	[tilespmem:$0x350] =	vst v3  }
0xa7: {  	v3 =	vld.idx.msk [tilespmem:v4+s2+$0x0], $0xffff;
	_ =	sdelay $0x1  }
0xa8: {  	v45 =	vld [tilespmem:$0x270];
	_ =	sdelay $0x2  }
0xa9: {  	v3 =	vadd.f32 v44, v3;
	_ =	sdelay $0x1  }
0xaa: {  	v46 =	vtrunc.f32 v45;
	v3 =	vadd.f32 $5.000000000e-01, v3  }
0xab: {  	v4 =	vcvt.f32.s32 v46  }
0xac: {  	v3 =	vtrunc.f32 v3  }
0xad: {  	v3 =	vcvt.f32.s32 v3;
	_ =	sdelay $0x1  }
0xae: {  	[tilespmem:$0x360] =	vst v3;
	v3 =	vld [tilespmem:$0x280]  }
0xaf: {  	v47 =	vld [tilespmem:$0x170]  }
0xb0: {  	v4 =	vld.idx.msk [tilespmem:v4+s2+$0x0], $0xffff;
	_ =	sdelay $0x2  }
0xb1: {  	v6 =	vshll.u32 v3, $0x2  }
0xb2: {  	v3 =	vand.u32 $0x7, v3;
	v6 =	vand.u32 $0xFFFFFFE0, v6  }
0xb3: {  	v4 =	vadd.f32 v47, v4;
	v3 =	vor.u32 v3, v6  }
0xb4: {  	v48 =	vperm.xlane v3, v0  }
0xb5: {  	v4 =	vadd.f32 $5.000000000e-01, v4  }
0xb6: {  	v5 =	vadd.s32 v1, v48  }
0xb7: {  	v4 =	vtrunc.f32 v4  }
0xb8: {  	v3 =	vperm.xlane v3, v2;
	v4 =	vcvt.f32.s32 v4;
	_ =	sdelay $0x1  }
0xb9: {  	s16 =	simm.s32 $0x380;
	v3 =	vadd.s32 v1, v3;
	[tilespmem:$0x370] =	vst v4  }
0xba: {  	[hbm4b:s4+s2] =	stream.indirect_vreg.scatter [tilespmem:s16], [sflag:$0x1], $0x80, v5, vm0, $0xb8;
	[tilespmem:$0x10380] =	vst v63  }
0xbb: {  	s16 =	simm.s32 $0xB80  }
0xbc: {  	[hbm4b:s5+s2] =	stream.indirect_vreg.scatter [tilespmem:s16], [sflag:$0x1], $0x80, v5, vm0, $0xb8;
	[tilespmem:$0x10380] =	vst v63  }
0xbd: {  	s17 =	simm.s32 $0x1380  }
0xbe: {  	[hbm4b:s4+s2] =	stream.indirect_vreg.scatter [tilespmem:s17], [sflag:$0x1], $0x80, v3, vm0, $0xb8;
	[tilespmem:$0x10380] =	vst v63  }
0xbf: {  	_ = 	snop  }
0xc0: {  	[hbm4b:s5+s2] =	stream.indirect_vreg.scatter [tilespmem:s18], [sflag:$0x1], $0x80, v3, vm0, $0xb8;
	[tilespmem:$0x10380] =	vst v63  }
0xc1: {  	v3 =	vld [tilespmem:$0x290];
	_ =	sdelay $0x4  }
0xc2: {  	v49 =	vshll.u32 v3, $0x2  }
0xc3: {  	v3 =	vand.u32 $0x7, v3;
	v4 =	vand.u32 $0xFFFFFFE0, v49  }
0xc4: {  	v3 =	vor.u32 v3, v4  }
0xc5: {  	v4 =	vperm.xlane v3, v0;
	_ =	sdelay $0x1  }
0xc6: {  	v4 =	vadd.s32 v1, v4;
	_ =	sdelay $0x1  }
0xc7: {  	v3 =	vperm.xlane v3, v2;
	_ =	sdelay $0x1  }
0xc8: {  	v3 =	vadd.s32 v1, v3  }
0xc9: {  	[hbm4b:s4+s2] =	stream.indirect_vreg.scatter [tilespmem:s19], [sflag:$0x1], $0x80, v4, vm0, $0xb8;
	[tilespmem:$0x10380] =	vst v63  }
0xca: {  	_ = 	snop  }
0xcb: {  	[hbm4b:s5+s2] =	stream.indirect_vreg.scatter [tilespmem:s20], [sflag:$0x1], $0x80, v4, vm0, $0xb8;
	[tilespmem:$0x10380] =	vst v63  }
0xcc: {  	_ = 	snop  }
0xcd: {  	[hbm4b:s4+s2] =	stream.indirect_vreg.scatter [tilespmem:s21], [sflag:$0x1], $0x80, v3, vm0, $0xb8;
	[tilespmem:$0x10380] =	vst v63  }
0xce: {  	_ = 	snop  }
0xcf: {  	[hbm4b:s5+s2] =	stream.indirect_vreg.scatter [tilespmem:s22], [sflag:$0x1], $0x80, v3, vm0, $0xb8;
	[tilespmem:$0x10380] =	vst v63  }
0xd0: {  	v3 =	vld [tilespmem:$0x2A0];
	_ =	sdelay $0x4  }
0xd1: {  	v50 =	vshll.u32 v3, $0x2  }
0xd2: {  	v3 =	vand.u32 $0x7, v3;
	v4 =	vand.u32 $0xFFFFFFE0, v50  }
0xd3: {  	v3 =	vor.u32 v3, v4  }
0xd4: {  	v4 =	vperm.xlane v3, v0;
	_ =	sdelay $0x1  }
0xd5: {  	v4 =	vadd.s32 v1, v4;
	_ =	sdelay $0x1  }
0xd6: {  	v3 =	vperm.xlane v3, v2;
	_ =	sdelay $0x1  }
0xd7: {  	v3 =	vadd.s32 v1, v3  }
0xd8: {  	[hbm4b:s4+s2] =	stream.indirect_vreg.scatter [tilespmem:s23], [sflag:$0x1], $0x80, v4, vm0, $0xb8;
	[tilespmem:$0x10380] =	vst v63  }
0xd9: {  	_ = 	snop  }
0xda: {  	[hbm4b:s5+s2] =	stream.indirect_vreg.scatter [tilespmem:s24], [sflag:$0x1], $0x80, v4, vm0, $0xb8;
	[tilespmem:$0x10380] =	vst v63  }
0xdb: {  	_ = 	snop  }
0xdc: {  	[hbm4b:s4+s2] =	stream.indirect_vreg.scatter [tilespmem:s25], [sflag:$0x1], $0x80, v3, vm0, $0xb8;
	[tilespmem:$0x10380] =	vst v63  }
0xdd: {  	_ = 	snop  }
0xde: {  	[hbm4b:s5+s2] =	stream.indirect_vreg.scatter [tilespmem:s26], [sflag:$0x1], $0x80, v3, vm0, $0xb8;
	[tilespmem:$0x10380] =	vst v63  }
0xdf: {  	v3 =	vld [tilespmem:$0x2B0];
	_ =	sdelay $0x4  }
0xe0: {  	v51 =	vshll.u32 v3, $0x2  }
0xe1: {  	v3 =	vand.u32 $0x7, v3;
	v4 =	vand.u32 $0xFFFFFFE0, v51  }
0xe2: {  	v3 =	vor.u32 v3, v4  }
0xe3: {  	v4 =	vperm.xlane v3, v0;
	_ =	sdelay $0x1  }
0xe4: {  	v4 =	vadd.s32 v1, v4;
	_ =	sdelay $0x1  }
0xe5: {  	v3 =	vperm.xlane v3, v2;
	_ =	sdelay $0x1  }
0xe6: {  	v3 =	vadd.s32 v1, v3  }
0xe7: {  	[hbm4b:s4+s2] =	stream.indirect_vreg.scatter [tilespmem:s28], [sflag:$0x1], $0x80, v4, vm0, $0xb8;
	[tilespmem:$0x10380] =	vst v63  }
0xe8: {  	_ = 	snop  }
0xe9: {  	[hbm4b:s5+s2] =	stream.indirect_vreg.scatter [tilespmem:s29], [sflag:$0x1], $0x80, v4, vm0, $0xb8;
	[tilespmem:$0x10380] =	vst v63  }
0xea: {  	_ = 	snop  }
0xeb: {  	[hbm4b:s4+s2] =	stream.indirect_vreg.scatter [tilespmem:s30], [sflag:$0x1], $0x80, v3, vm0, $0xb8;
	[tilespmem:$0x10380] =	vst v63  }
0xec: {  	_ = 	snop  }
0xed: {  	[hbm4b:s5+s2] =	stream.indirect_vreg.scatter [tilespmem:s31], [sflag:$0x1], $0x80, v3, vm0, $0xb8;
	[tilespmem:$0x10380] =	vst v63  }
0xee: {  	v3 =	vld [tilespmem:$0x2C0];
	_ =	sdelay $0x4  }
0xef: {  	v52 =	vshll.u32 v3, $0x2  }
0xf0: {  	v3 =	vand.u32 $0x7, v3;
	v4 =	vand.u32 $0xFFFFFFE0, v52  }
0xf1: {  	v3 =	vor.u32 v3, v4  }
0xf2: {  	v4 =	vperm.xlane v3, v0;
	_ =	sdelay $0x1  }
0xf3: {  	v4 =	vadd.s32 v1, v4;
	_ =	sdelay $0x1  }
0xf4: {  	v3 =	vperm.xlane v3, v2;
	_ =	sdelay $0x1  }
0xf5: {  	v3 =	vadd.s32 v1, v3  }
0xf6: {  	[hbm4b:s4+s2] =	stream.indirect_vreg.scatter [tilespmem:s1], [sflag:$0x1], $0x80, v4, vm0, $0xb8;
	[tilespmem:$0x10380] =	vst v63  }
0xf7: {  	s0 =	simm.s32 $0x8B80  }
0xf8: {  	[hbm4b:s5+s2] =	stream.indirect_vreg.scatter [tilespmem:s0], [sflag:$0x1], $0x80, v4, vm0, $0xb8;
	[tilespmem:$0x10380] =	vst v63  }
0xf9: {  	_ = 	snop  }
0xfa: {  	[hbm4b:s4+s2] =	stream.indirect_vreg.scatter [tilespmem:s9], [sflag:$0x1], $0x80, v3, vm0, $0xb8;
	[tilespmem:$0x10380] =	vst v63  }
0xfb: {  	_ = 	snop  }
0xfc: {  	[hbm4b:s5+s2] =	stream.indirect_vreg.scatter [tilespmem:s10], [sflag:$0x1], $0x80, v3, vm0, $0xb8;
	[tilespmem:$0x10380] =	vst v63  }
0xfd: {  	v3 =	vld [tilespmem:$0x2D0];
	_ =	sdelay $0x4  }
0xfe: {  	v53 =	vshll.u32 v3, $0x2  }
0xff: {  	v3 =	vand.u32 $0x7, v3;
	v4 =	vand.u32 $0xFFFFFFE0, v53  }
0x100: {  	v3 =	vor.u32 v3, v4  }
0x101: {  	v4 =	vperm.xlane v3, v0;
	_ =	sdelay $0x1  }
0x102: {  	v4 =	vadd.s32 v1, v4;
	_ =	sdelay $0x1  }
0x103: {  	v3 =	vperm.xlane v3, v2;
	_ =	sdelay $0x1  }
0x104: {  	v3 =	vadd.s32 v1, v3  }
0x105: {  	[hbm4b:s4+s2] =	stream.indirect_vreg.scatter [tilespmem:s11], [sflag:$0x1], $0x80, v4, vm0, $0xb8;
	[tilespmem:$0x10380] =	vst v63  }
0x106: {  	_ = 	snop  }
0x107: {  	[hbm4b:s5+s2] =	stream.indirect_vreg.scatter [tilespmem:s12], [sflag:$0x1], $0x80, v4, vm0, $0xb8;
	[tilespmem:$0x10380] =	vst v63  }
0x108: {  	_ = 	snop  }
0x109: {  	[hbm4b:s4+s2] =	stream.indirect_vreg.scatter [tilespmem:s13], [sflag:$0x1], $0x80, v3, vm0, $0xb8;
	[tilespmem:$0x10380] =	vst v63  }
0x10a: {  	_ = 	snop  }
0x10b: {  	[hbm4b:s5+s2] =	stream.indirect_vreg.scatter [tilespmem:s14], [sflag:$0x1], $0x80, v3, vm0, $0xb8;
	[tilespmem:$0x10380] =	vst v63  }
0x10c: {  	v3 =	vld [tilespmem:$0x2E0];
	_ =	sdelay $0x4  }
0x10d: {  	v54 =	vshll.u32 v3, $0x2  }
0x10e: {  	v3 =	vand.u32 $0x7, v3;
	v4 =	vand.u32 $0xFFFFFFE0, v54  }
0x10f: {  	v3 =	vor.u32 v3, v4  }
0x110: {  	v4 =	vperm.xlane v3, v0;
	_ =	sdelay $0x1  }
0x111: {  	v4 =	vadd.s32 v1, v4;
	_ =	sdelay $0x1  }
0x112: {  	v3 =	vperm.xlane v3, v2;
	_ =	sdelay $0x1  }
0x113: {  	v3 =	vadd.s32 v1, v3  }
0x114: {  	[hbm4b:s4+s2] =	stream.indirect_vreg.scatter [tilespmem:s15], [sflag:$0x1], $0x80, v4, vm0, $0xb8;
	[tilespmem:$0x10380] =	vst v63  }
0x115: {  	_ = 	snop  }
0x116: {  	[hbm4b:s5+s2] =	stream.indirect_vreg.scatter [tilespmem:s8], [sflag:$0x1], $0x80, v4, vm0, $0xb8;
	[tilespmem:$0x10380] =	vst v63  }
0x117: {  	_ = 	snop  }
0x118: {  	[hbm4b:s4+s2] =	stream.indirect_vreg.scatter [tilespmem:s3], [sflag:$0x1], $0x80, v3, vm0, $0xb8;
	[tilespmem:$0x10380] =	vst v63  }
0x119: {  	s0 =	simm.s32 $0xDB80  }
0x11a: {  	[hbm4b:s5+s2] =	stream.indirect_vreg.scatter [tilespmem:s0], [sflag:$0x1], $0x80, v3, vm0, $0xb8;
	[tilespmem:$0x10380] =	vst v63  }
0x11b: {  	v3 =	vld [tilespmem:$0x2F0];
	_ =	sdelay $0x4  }
0x11c: {  	v55 =	vshll.u32 v3, $0x2  }
0x11d: {  	v3 =	vand.u32 $0x7, v3;
	v4 =	vand.u32 $0xFFFFFFE0, v55  }
0x11e: {  	v3 =	vor.u32 v3, v4  }
0x11f: {  	v4 =	vperm.xlane v3, v0;
	_ =	sdelay $0x1  }
0x120: {  	v4 =	vadd.s32 v1, v4;
	_ =	sdelay $0x1  }
0x121: {  	v3 =	vperm.xlane v3, v2;
	_ =	sdelay $0x1  }
0x122: {  	s0 =	simm.s32 $0xE380;
	v3 =	vadd.s32 v1, v3  }
0x123: {  	[hbm4b:s4+s2] =	stream.indirect_vreg.scatter [tilespmem:s0], [sflag:$0x1], $0x80, v4, vm0, $0xb8;
	[tilespmem:$0x10380] =	vst v63  }
0x124: {  	s0 =	simm.s32 $0xEB80  }
0x125: {  	[hbm4b:s5+s2] =	stream.indirect_vreg.scatter [tilespmem:s0], [sflag:$0x1], $0x80, v4, vm0, $0xb8;
	[tilespmem:$0x10380] =	vst v63  }
0x126: {  	s0 =	simm.s32 $0xF380  }
0x127: {  	[hbm4b:s4+s2] =	stream.indirect_vreg.scatter [tilespmem:s0], [sflag:$0x1], $0x80, v3, vm0, $0xb8;
	[tilespmem:$0x10380] =	vst v63  }
0x128: {  	s0 =	simm.s32 $0xFB80  }
0x129: {  	[hbm4b:s5+s2] =	stream.indirect_vreg.scatter [tilespmem:s0], [sflag:$0x1], $0x80, v3, vm0, $0xb8;
	[tilespmem:$0x10380] =	vst v63  }
0x12a: {  	v3 =	vld [tilespmem:$0x300];
	_ =	sdelay $0x4  }
0x12b: {  	v56 =	vshll.u32 v3, $0x2  }
0x12c: {  	v3 =	vand.u32 $0x7, v3;
	v4 =	vand.u32 $0xFFFFFFE0, v56  }
0x12d: {  	v3 =	vor.u32 v3, v4  }
0x12e: {  	v4 =	vperm.xlane v3, v0;
	_ =	sdelay $0x1  }
0x12f: {  	v4 =	vadd.s32 v1, v4;
	_ =	sdelay $0x1  }
0x130: {  	v3 =	vperm.xlane v3, v2;
	_ =	sdelay $0x1  }
0x131: {  	s0 =	simm.s32 $0x380;
	v3 =	vadd.s32 v1, v3  }
0x132: {  	[hbm4b:s4+s2] =	stream.indirect_vreg.scatter [tilespmem:s0], [sflag:$0x1], $0x80, v4, vm0, $0xb8;
	[tilespmem:$0x10380] =	vst v63  }
0x133: {  	_ = 	snop  }
0x134: {  	[hbm4b:s5+s2] =	stream.indirect_vreg.scatter [tilespmem:s16], [sflag:$0x1], $0x80, v4, vm0, $0xb8;
	[tilespmem:$0x10380] =	vst v63  }
0x135: {  	_ = 	snop  }
0x136: {  	[hbm4b:s4+s2] =	stream.indirect_vreg.scatter [tilespmem:s17], [sflag:$0x1], $0x80, v3, vm0, $0xb8;
	[tilespmem:$0x10380] =	vst v63  }
0x137: {  	_ = 	snop  }
0x138: {  	[hbm4b:s5+s2] =	stream.indirect_vreg.scatter [tilespmem:s18], [sflag:$0x1], $0x80, v3, vm0, $0xb8;
	[tilespmem:$0x10380] =	vst v63  }
0x139: {  	v3 =	vld [tilespmem:$0x310];
	_ =	sdelay $0x4  }
0x13a: {  	v57 =	vshll.u32 v3, $0x2  }
0x13b: {  	v3 =	vand.u32 $0x7, v3;
	v4 =	vand.u32 $0xFFFFFFE0, v57  }
0x13c: {  	v3 =	vor.u32 v3, v4  }
0x13d: {  	v4 =	vperm.xlane v3, v0;
	_ =	sdelay $0x1  }
0x13e: {  	v4 =	vadd.s32 v1, v4;
	_ =	sdelay $0x1  }
0x13f: {  	v3 =	vperm.xlane v3, v2;
	_ =	sdelay $0x1  }
0x140: {  	v3 =	vadd.s32 v1, v3  }
0x141: {  	[hbm4b:s4+s2] =	stream.indirect_vreg.scatter [tilespmem:s19], [sflag:$0x1], $0x80, v4, vm0, $0xb8;
	[tilespmem:$0x10380] =	vst v63  }
0x142: {  	_ = 	snop  }
0x143: {  	[hbm4b:s5+s2] =	stream.indirect_vreg.scatter [tilespmem:s20], [sflag:$0x1], $0x80, v4, vm0, $0xb8;
	[tilespmem:$0x10380] =	vst v63  }
0x144: {  	_ = 	snop  }
0x145: {  	[hbm4b:s4+s2] =	stream.indirect_vreg.scatter [tilespmem:s21], [sflag:$0x1], $0x80, v3, vm0, $0xb8;
	[tilespmem:$0x10380] =	vst v63  }
0x146: {  	_ = 	snop  }
0x147: {  	[hbm4b:s5+s2] =	stream.indirect_vreg.scatter [tilespmem:s22], [sflag:$0x1], $0x80, v3, vm0, $0xb8;
	[tilespmem:$0x10380] =	vst v63  }
0x148: {  	v3 =	vld [tilespmem:$0x320];
	_ =	sdelay $0x4  }
0x149: {  	v58 =	vshll.u32 v3, $0x2  }
0x14a: {  	v3 =	vand.u32 $0x7, v3;
	v4 =	vand.u32 $0xFFFFFFE0, v58  }
0x14b: {  	v3 =	vor.u32 v3, v4  }
0x14c: {  	v4 =	vperm.xlane v3, v0;
	_ =	sdelay $0x1  }
0x14d: {  	v4 =	vadd.s32 v1, v4;
	_ =	sdelay $0x1  }
0x14e: {  	v3 =	vperm.xlane v3, v2;
	_ =	sdelay $0x1  }
0x14f: {  	v3 =	vadd.s32 v1, v3  }
0x150: {  	[hbm4b:s4+s2] =	stream.indirect_vreg.scatter [tilespmem:s23], [sflag:$0x1], $0x80, v4, vm0, $0xb8;
	[tilespmem:$0x10380] =	vst v63  }
0x151: {  	_ = 	snop  }
0x152: {  	[hbm4b:s5+s2] =	stream.indirect_vreg.scatter [tilespmem:s24], [sflag:$0x1], $0x80, v4, vm0, $0xb8;
	[tilespmem:$0x10380] =	vst v63  }
0x153: {  	_ = 	snop  }
0x154: {  	[hbm4b:s4+s2] =	stream.indirect_vreg.scatter [tilespmem:s25], [sflag:$0x1], $0x80, v3, vm0, $0xb8;
	[tilespmem:$0x10380] =	vst v63  }
0x155: {  	_ = 	snop  }
0x156: {  	[hbm4b:s5+s2] =	stream.indirect_vreg.scatter [tilespmem:s26], [sflag:$0x1], $0x80, v3, vm0, $0xb8;
	[tilespmem:$0x10380] =	vst v63  }
0x157: {  	v3 =	vld [tilespmem:$0x330];
	_ =	sdelay $0x4  }
0x158: {  	v59 =	vshll.u32 v3, $0x2  }
0x159: {  	v3 =	vand.u32 $0x7, v3;
	v4 =	vand.u32 $0xFFFFFFE0, v59  }
0x15a: {  	v3 =	vor.u32 v3, v4  }
0x15b: {  	v4 =	vperm.xlane v3, v0;
	_ =	sdelay $0x1  }
0x15c: {  	v4 =	vadd.s32 v1, v4;
	_ =	sdelay $0x1  }
0x15d: {  	v3 =	vperm.xlane v3, v2;
	_ =	sdelay $0x1  }
0x15e: {  	v3 =	vadd.s32 v1, v3  }
0x15f: {  	[hbm4b:s4+s2] =	stream.indirect_vreg.scatter [tilespmem:s28], [sflag:$0x1], $0x80, v4, vm0, $0xb8;
	[tilespmem:$0x10380] =	vst v63  }
0x160: {  	_ = 	snop  }
0x161: {  	[hbm4b:s5+s2] =	stream.indirect_vreg.scatter [tilespmem:s29], [sflag:$0x1], $0x80, v4, vm0, $0xb8;
	[tilespmem:$0x10380] =	vst v63  }
0x162: {  	_ = 	snop  }
0x163: {  	[hbm4b:s4+s2] =	stream.indirect_vreg.scatter [tilespmem:s30], [sflag:$0x1], $0x80, v3, vm0, $0xb8;
	[tilespmem:$0x10380] =	vst v63  }
0x164: {  	_ = 	snop  }
0x165: {  	[hbm4b:s5+s2] =	stream.indirect_vreg.scatter [tilespmem:s31], [sflag:$0x1], $0x80, v3, vm0, $0xb8;
	[tilespmem:$0x10380] =	vst v63  }
0x166: {  	v3 =	vld [tilespmem:$0x340];
	_ =	sdelay $0x4  }
0x167: {  	v60 =	vshll.u32 v3, $0x2  }
0x168: {  	v3 =	vand.u32 $0x7, v3;
	v4 =	vand.u32 $0xFFFFFFE0, v60  }
0x169: {  	v3 =	vor.u32 v3, v4  }
0x16a: {  	v4 =	vperm.xlane v3, v0;
	_ =	sdelay $0x1  }
0x16b: {  	v4 =	vadd.s32 v1, v4;
	_ =	sdelay $0x1  }
0x16c: {  	v3 =	vperm.xlane v3, v2;
	_ =	sdelay $0x1  }
0x16d: {  	v3 =	vadd.s32 v1, v3  }
0x16e: {  	[hbm4b:s4+s2] =	stream.indirect_vreg.scatter [tilespmem:s1], [sflag:$0x1], $0x80, v4, vm0, $0xb8;
	[tilespmem:$0x10380] =	vst v63  }
0x16f: {  	s17 =	simm.s32 $0x8B80  }
0x170: {  	[hbm4b:s5+s2] =	stream.indirect_vreg.scatter [tilespmem:s17], [sflag:$0x1], $0x80, v4, vm0, $0xb8;
	[tilespmem:$0x10380] =	vst v63  }
0x171: {  	_ = 	snop  }
0x172: {  	[hbm4b:s4+s2] =	stream.indirect_vreg.scatter [tilespmem:s9], [sflag:$0x1], $0x80, v3, vm0, $0xb8;
	[tilespmem:$0x10380] =	vst v63  }
0x173: {  	_ = 	snop  }
0x174: {  	[hbm4b:s5+s2] =	stream.indirect_vreg.scatter [tilespmem:s10], [sflag:$0x1], $0x80, v3, vm0, $0xb8;
	[tilespmem:$0x10380] =	vst v63  }
0x175: {  	v3 =	vld [tilespmem:$0x350];
	_ =	sdelay $0x4  }
0x176: {  	v61 =	vshll.u32 v3, $0x2  }
0x177: {  	v3 =	vand.u32 $0x7, v3;
	v4 =	vand.u32 $0xFFFFFFE0, v61  }
0x178: {  	v3 =	vor.u32 v3, v4  }
0x179: {  	v4 =	vperm.xlane v3, v0;
	_ =	sdelay $0x1  }
0x17a: {  	v4 =	vadd.s32 v1, v4;
	_ =	sdelay $0x1  }
0x17b: {  	v3 =	vperm.xlane v3, v2;
	_ =	sdelay $0x1  }
0x17c: {  	v3 =	vadd.s32 v1, v3  }
0x17d: {  	[hbm4b:s4+s2] =	stream.indirect_vreg.scatter [tilespmem:s11], [sflag:$0x1], $0x80, v4, vm0, $0xb8;
	[tilespmem:$0x10380] =	vst v63  }
0x17e: {  	_ = 	snop  }
0x17f: {  	[hbm4b:s5+s2] =	stream.indirect_vreg.scatter [tilespmem:s12], [sflag:$0x1], $0x80, v4, vm0, $0xb8;
	[tilespmem:$0x10380] =	vst v63  }
0x180: {  	_ = 	snop  }
0x181: {  	[hbm4b:s4+s2] =	stream.indirect_vreg.scatter [tilespmem:s13], [sflag:$0x1], $0x80, v3, vm0, $0xb8;
	[tilespmem:$0x10380] =	vst v63  }
0x182: {  	_ = 	snop  }
0x183: {  	[hbm4b:s5+s2] =	stream.indirect_vreg.scatter [tilespmem:s14], [sflag:$0x1], $0x80, v3, vm0, $0xb8;
	[tilespmem:$0x10380] =	vst v63  }
0x184: {  	v3 =	vld [tilespmem:$0x360];
	_ =	sdelay $0x4  }
0x185: {  	v62 =	vshll.u32 v3, $0x2  }
0x186: {  	v3 =	vand.u32 $0x7, v3;
	v4 =	vand.u32 $0xFFFFFFE0, v62  }
0x187: {  	v3 =	vor.u32 v3, v4  }
0x188: {  	v4 =	vperm.xlane v3, v0;
	_ =	sdelay $0x1  }
0x189: {  	v4 =	vadd.s32 v1, v4;
	_ =	sdelay $0x1  }
0x18a: {  	v3 =	vperm.xlane v3, v2;
	_ =	sdelay $0x1  }
0x18b: {  	v3 =	vadd.s32 v1, v3  }
0x18c: {  	[hbm4b:s4+s2] =	stream.indirect_vreg.scatter [tilespmem:s15], [sflag:$0x1], $0x80, v4, vm0, $0xb8;
	[tilespmem:$0x10380] =	vst v63  }
0x18d: {  	_ = 	snop  }
0x18e: {  	[hbm4b:s5+s2] =	stream.indirect_vreg.scatter [tilespmem:s8], [sflag:$0x1], $0x80, v4, vm0, $0xb8;
	[tilespmem:$0x10380] =	vst v63  }
0x18f: {  	_ = 	snop  }
0x190: {  	[hbm4b:s4+s2] =	stream.indirect_vreg.scatter [tilespmem:s3], [sflag:$0x1], $0x80, v3, vm0, $0xb8;
	[tilespmem:$0x10380] =	vst v63  }
0x191: {  	s16 =	simm.s32 $0xDB80  }
0x192: {  	[hbm4b:s5+s2] =	stream.indirect_vreg.scatter [tilespmem:s16], [sflag:$0x1], $0x80, v3, vm0, $0xb8;
	[tilespmem:$0x10380] =	vst v63  }
0x193: {  	v3 =	vld [tilespmem:$0x370];
	_ =	sdelay $0x4  }
0x194: {  	v63 =	vshll.u32 v3, $0x2  }
0x195: {  	v3 =	vand.u32 $0x7, v3;
	v4 =	vand.u32 $0xFFFFFFE0, v63  }
0x196: {  	v3 =	vor.u32 v3, v4  }
0x197: {  	v4 =	vperm.xlane v3, v0;
	_ =	sdelay $0x1  }
0x198: {  	v4 =	vadd.s32 v1, v4;
	_ =	sdelay $0x1  }
0x199: {  	v3 =	vperm.xlane v3, v2;
	_ =	sdelay $0x1  }
0x19a: {  	s17 =	simm.s32 $0xE380;
	v3 =	vadd.s32 v1, v3  }
0x19b: {  	[hbm4b:s4+s2] =	stream.indirect_vreg.scatter [tilespmem:s17], [sflag:$0x1], $0x80, v4, vm0, $0xb8;
	[tilespmem:$0x10380] =	vst v63  }
0x19c: {  	s16 =	simm.s32 $0xEB80  }
0x19d: {  	[hbm4b:s5+s2] =	stream.indirect_vreg.scatter [tilespmem:s16], [sflag:$0x1], $0x80, v4, vm0, $0xb8;
	[tilespmem:$0x10380] =	vst v63  }
0x19e: {  	s17 =	simm.s32 $0xF380  }
0x19f: {  	[hbm4b:s4+s2] =	stream.indirect_vreg.scatter [tilespmem:s17], [sflag:$0x1], $0x80, v3, vm0, $0xb8;
	[tilespmem:$0x10380] =	vst v63  }
0x1a0: {  	s16 =	simm.s32 $0xFB80;
	s17 =	simm.s32 $0x1  }
0x1a1: {  	[hbm4b:s5+s2] =	stream.indirect_vreg.scatter [tilespmem:s16], [sflag:$0x1], $0x80, v3, vm0, $0xb8;
	[tilespmem:$0x10380] =	vst v63  }
0x1a2: {  	p0 =	sne.s32 s6, $0x1;
	_ =	swait.ge [sflag:s17], $0x10000  }
.Ltmp0:
0x1a3: {  	[sflag:s17] =	ssyncset.done $0x0;
	(pc) =	sbr.rel @p0 .LBB2_1-.Ltmp0, $4  }
0x1a4: {  	[sflag:s17] =	ssyncadd.s32 $0xFFFF0000  }
0x1a5: {  	_ =	swait.ge [sflag:s17], $0x10000  }
0x1a6: {  	[sflag:s17] =	ssyncset.done $0x0  }
0x1a7: {  	s6 =	sadd.s32 $0xFFFFFFFF, s6;
	[sflag:s17] =	ssyncadd.s32 $0xFFFF0000  }
0x1a8: {  	_ =	sfence.sel $0x180000  }
0x1a9: {  	[bflag:$0x0] =	sbarrier.arrive $0xFFFF  }
0x1aa: {  	_ =	strace $0x90000047  }
0x1ab: {  	s0 =	stileid.u32;
	[bflag:$0x2] =	sbarrier.arrive $0xFFFF  }
0x1ac: {  	p0 =	sne.s32 s0, $0x0;
	s0 =	rddreg [dreg:$0x1]  }
0x1ad: {  	s0 =	sadd.s32 @!p0 $0x100000, s0  }
0x1ae: {  	[sflag:s0] =	ssyncadd.tile.s32 @!p0 $0x1;
	_ =	shalt  }
.Lfunc_end2:
_tile_overlayer_lowered:
.L_overlay_start_2:
0x1af: {  	(tag) =	ssettag $0x2  }
0x1b0: {  	s0 =	rddreg [dreg:$0x0];
	s2 =	stileid.u32  }
0x1b1: {  	s1 =	rddreg [dreg:$0x1];
	p0 =	sne.s32 s2, $0x0  }
0x1b2: {  	s3 =	rddreg [dreg:$0x2];
	[bflag:$0x3] =	sbarrier.arrive $0xFFFF;
	s2 =	simm.s32 @!p0 $0x1C02  }
0x1b3: {  	[timem:s3], [sflag:s2] =	dma.local @!p0 [hbm:s0], s1  }
0x1b4: {  	s0 =	simm.s32 @!p0 $0x2  }
0x1b5: {  	_ =	swait.ge @!p0 [sflag:s0], s1  }
0x1b6: {  	s1 =	ssub.s32 @!p0 $0x0, s1;
	[sflag:s0] =	ssyncset.done @!p0 $0x0  }
0x1b7: {  	[sflag:s0] =	ssyncadd.s32 @!p0 s1  }
0x1b8: {  	[bflag:$0x3] =	sbarrier.arrive $0xFFFF  }
0x1b9: {  	_ =	shalt  }

</sc_bundles>
